<compile_context>
chip_gen: v7x
topology: tpu7x:2x2x1
jax: 0.10.2.dev20260603
libtpu: 0.0.44.dev20260713+nightly
codegen_flags: <defaults>
</compile_context>

<pallas_src>
import jax
import jax.numpy as jnp
import numpy as np
from jax import lax
from jax.experimental import pallas as pl
from jax.experimental.pallas import tpu as pltpu
from jax.experimental.pallas import tpu_sc as plsc

N_ATOMS = 10000
N_PAIRS = 320000
D = 128
N_RBF = 16
LOG2 = 0.6931471805599453

NC = 2
NS = 16
NW = NC * NS
PPW = N_PAIRS // NW
CHUNK = 80
NCHUNK = PPW // CHUNK
SUP = 25
NSUP = NCHUNK // SUP
ZROWS = 80
NZCH = N_ATOMS // ZROWS


def _sp(x):
    return jnp.maximum(x, 0.0) + jnp.log1p(jnp.exp(-jnp.abs(x)))



def _lin_body(e_ref, wT_ref, b_ref, out_ref):
    x = _sp(e_ref[...]) - LOG2
    out_ref[...] = _sp(
        jnp.dot(x, wT_ref[...], preferred_element_type=jnp.float32) + b_ref[...])


def _embed_linear(e, wT, b2):
    blk = 1000
    grid = N_ATOMS // blk
    return pl.pallas_call(
        _lin_body,
        grid=(grid,),
        in_specs=[
            pl.BlockSpec((blk, D), lambda i: (i, 0)),
            pl.BlockSpec((D, D), lambda i: (0, 0)),
            pl.BlockSpec((1, D), lambda i: (0, 0)),
        ],
        out_specs=pl.BlockSpec((blk, D), lambda i: (i, 0)),
        out_shape=jax.ShapeDtypeStruct((N_ATOMS, D), jnp.float32),
    )(e, wT, b2)



def _fp_body(fT_ref, gT_ref, fp_ref):
    fp_ref[...] = lax.dot_general(fT_ref[...], gT_ref[...],
                                  dimension_numbers=(((0,), (0,)), ((), ())),
                                  preferred_element_type=jnp.float32)


def _fprime(fT, gT):
    blk = 16000
    grid = N_PAIRS // blk
    return pl.pallas_call(
        _fp_body,
        grid=(grid,),
        in_specs=[
            pl.BlockSpec((N_RBF, blk), lambda i: (0, i)),
            pl.BlockSpec((N_RBF, D), lambda i: (0, 0)),
        ],
        out_specs=pl.BlockSpec((blk, D), lambda i: (i, 0)),
        out_shape=jax.ShapeDtypeStruct((N_PAIRS, D), jnp.float32),
    )(fT, gT)



def _sc_body(y_hbm, fp_hbm, idxc_hbm, out_hbm,
             idxbj, idxbi, rows0, rows1, fpb0, fpb1, acc_sh,
             semg0, semg1, semf0, semf1, sems0, sems1):
    c = lax.axis_index("c")
    s = lax.axis_index("s")
    wid = s * NC + c
    bufs = ((rows0, fpb0, semg0, semf0, sems0),
            (rows1, fpb1, semg1, semf1, sems1))

    zero = jnp.zeros((16,), jnp.float32)

    def _zb(i, carry):
        for v in range(D // 16):
            rows0[i, pl.ds(v * 16, 16)] = zero
        return carry

    lax.fori_loop(0, ZROWS, _zb, 0)

    def _zero(r, carry):
        m = r * NS + s

        @pl.when(m < NZCH)
        def _():
            pltpu.sync_copy(rows0, acc_sh.at[pl.ds(m * ZROWS, ZROWS), :])

        return carry

    lax.fori_loop(0, (NZCH + NS - 1) // NS, _zero, 0)

    plsc.subcore_barrier()

    def _issue(k, lk, _unused, rows, fpb, semg, semf, sems, drain=True):
        if drain:
            pltpu.make_async_copy(rows, acc_sh.at[idxbi.at[lk]], sems).wait()
        pltpu.async_copy(y_hbm.at[idxbj.at[lk]], rows, semg)
        pltpu.async_copy(fp_hbm.at[pl.ds(wid * PPW + k * CHUNK, CHUNK), :],
                         fpb, semf)

    def _process(k, lk, _unused, rows, fpb, semg, semf, sems):
        pltpu.make_async_copy(y_hbm.at[idxbj.at[lk]], rows, semg).wait()
        pltpu.make_async_copy(fp_hbm.at[pl.ds(wid * PPW + k * CHUNK, CHUNK), :],
                              fpb, semf).wait()

        @plsc.parallel_loop(0, CHUNK, unroll=8)
        def _mul(p):
            for v in range(D // 16):
                sl = pl.ds(v * 16, 16)
                rows[p, sl] = rows[p, sl] * fpb[p, sl]

        pltpu.async_copy(rows, acc_sh.at[idxbi.at[lk]], sems, add=True)

    def _super(su, first):
        kb = su * SUP
        pltpu.sync_copy(idxc_hbm.at[1, wid, su], idxbj)
        pltpu.sync_copy(idxc_hbm.at[0, wid, su], idxbi)
        _issue(kb, 0, None, *bufs[0], drain=not first)
        if first:
            _issue(kb + 1, 1, None, *bufs[1], drain=False)
            _process(kb, 0, None, *bufs[0])
            _issue(kb + 2, 2, None, *bufs[0])
            _process(kb + 1, 1, None, *bufs[1])

        def _pair(g, inner):
            k0 = kb + 2 * g
            l0 = 2 * g
            _issue(k0 + 1, l0 + 1, None, *bufs[1])
            _process(k0, l0, None, *bufs[0])
            _issue(k0 + 2, l0 + 2, None, *bufs[0])
            _process(k0 + 1, l0 + 1, None, *bufs[1])
            return inner

        lax.fori_loop(1 if first else 0, SUP // 2, _pair, 0)
        _process(kb + SUP - 1, SUP - 1, None, *bufs[0])

    _super(0, True)

    def _super_rest(su, carry):
        _super(su, False)
        return carry

    lax.fori_loop(1, NSUP, _super_rest, 0)

    pltpu.make_async_copy(rows0, acc_sh.at[idxbi.at[SUP - 1]], sems0).wait()
    pltpu.make_async_copy(rows1, acc_sh.at[idxbi.at[SUP - 2]], sems1).wait()

    plsc.subcore_barrier()

    def _wb(r, carry):
        m = r * NS + s

        @pl.when(m < NZCH)
        def _():
            pltpu.sync_copy(acc_sh.at[pl.ds(m * ZROWS, ZROWS), :],
                            out_hbm.at[c, pl.ds(m * ZROWS, ZROWS), :])

        return carry

    lax.fori_loop(0, (NZCH + NS - 1) // NS, _wb, 0)


def _scatter_sum(y, fp, idxc):
    mesh = plsc.VectorSubcoreMesh(core_axis_name="c", subcore_axis_name="s",
                                  num_cores=NC, num_subcores=NS)
    fn = pl.kernel(
        _sc_body,
        out_type=jax.ShapeDtypeStruct((NC, N_ATOMS, D), jnp.float32),
        mesh=mesh,
        scratch_types=[
            pltpu.VMEM((SUP, CHUNK), jnp.int32),
            pltpu.VMEM((SUP, CHUNK), jnp.int32),
            pltpu.VMEM((CHUNK, D), jnp.float32),
            pltpu.VMEM((CHUNK, D), jnp.float32),
            pltpu.VMEM((CHUNK, D), jnp.float32),
            pltpu.VMEM((CHUNK, D), jnp.float32),
            pltpu.VMEM_SHARED((N_ATOMS, D), jnp.float32),
            pltpu.SemaphoreType.DMA,
            pltpu.SemaphoreType.DMA,
            pltpu.SemaphoreType.DMA,
            pltpu.SemaphoreType.DMA,
            pltpu.SemaphoreType.DMA,
            pltpu.SemaphoreType.DMA,
        ],
    )
    return fn(y, fp, idxc)



def _post_body(xi_ref, s0_ref, s1_ref,
               w10_ref, b10_ref, w20_ref, b20_ref,
               w11_ref, b11_ref, w21_ref, b21_ref,
               w12_ref, b12_ref, w22_ref, b22_ref,
               wvT_ref, bv_ref, out_ref):
    v = xi_ref[...] + s0_ref[...] + s1_ref[...]
    for w1, b1, w2, b2 in (
        (w10_ref, b10_ref, w20_ref, b20_ref),
        (w11_ref, b11_ref, w21_ref, b21_ref),
        (w12_ref, b12_ref, w22_ref, b22_ref),
    ):
        h = _sp(jnp.dot(v, w1[...], preferred_element_type=jnp.float32) + b1[...])
        v = v + jnp.dot(h, w2[...], preferred_element_type=jnp.float32) + b2[...]
    out_ref[...] = jnp.dot(_sp(v), wvT_ref[...],
                           preferred_element_type=jnp.float32) + bv_ref[...]


def _post(xi, s0, s1, mats, vecs, wvT, bv2):
    blk = 1000
    grid = N_ATOMS // blk
    full = pl.BlockSpec((D, D), lambda i: (0, 0))
    row = pl.BlockSpec((1, D), lambda i: (0, 0))
    big = pl.BlockSpec((blk, D), lambda i: (i, 0))
    in_specs = [big, big, big]
    args = [xi, s0, s1]
    for m, v in zip(mats, vecs):
        in_specs += [full, row]
        args += [m, v]
    in_specs += [full, row]
    args += [wvT, bv2]
    return pl.pallas_call(
        _post_body,
        grid=(grid,),
        in_specs=in_specs,
        out_specs=big,
        out_shape=jax.ShapeDtypeStruct((N_ATOMS, D), jnp.float32),
    )(*args)


def kernel(pair_indices, f_ij, d_ij, atomic_embedding, G, Wi, bi, Wj, bj, Wv, bv,
           res0_W1, res0_b1, res0_W2, res0_b2,
           res1_W1, res1_b1, res1_W2, res1_b2,
           res2_W1, res2_b1, res2_W2, res2_b2):
    idxc = pair_indices.astype(jnp.int32).reshape(2, NW, NSUP, SUP, CHUNK)

    y = _embed_linear(atomic_embedding, Wj.T, bj.reshape(1, D))
    fp = _fprime(f_ij.T, G.T)
    acc = _scatter_sum(y, fp, idxc)
    xi = _embed_linear(atomic_embedding, Wi.T, bi.reshape(1, D))
    mats = (res0_W1.T, res0_W2.T, res1_W1.T, res1_W2.T, res2_W1.T, res2_W2.T)
    vecs = (res0_b1.reshape(1, D), res0_b2.reshape(1, D),
            res1_b1.reshape(1, D), res1_b2.reshape(1, D),
            res2_b1.reshape(1, D), res2_b2.reshape(1, D))
    return _post(xi, acc[0], acc[1], mats, vecs, Wv.T, bv.reshape(1, D))

# --- scband reference (transcript-rebuilt; emitter-appended) ---
"""Pipeline reference for scband-phys-net-interaction-module-60120952209948 (READ-ONLY COPY).

The authoritative reference and input builder live on the scoring server;
editing this copy changes nothing except your own understanding.
"""

import jax, jax.numpy as jnp
import numpy as np

N_ATOMS = 10000
N_PAIRS = 320000
D = 128
N_RBF = 16


def setup_inputs(seed: int = 0) -> dict:
    key = jax.random.key(seed)
    ks = jax.random.split(key, 32)
    inp = {}
    inp["pair_indices"] = jax.random.randint(ks[0], (2, N_PAIRS), 0, N_ATOMS, dtype=jnp.int64 if jax.config.read("jax_enable_x64") else jnp.int32)
    inp["f_ij"] = jax.random.uniform(ks[1], (N_PAIRS, N_RBF), dtype=jnp.float32)
    inp["d_ij"] = jax.random.uniform(ks[2], (N_PAIRS, 1), dtype=jnp.float32)
    inp["atomic_embedding"] = jax.random.normal(ks[3], (N_ATOMS, D), dtype=jnp.float32)
    s = 1.0 / np.sqrt(D)
    sr = 1.0 / np.sqrt(N_RBF)
    # AttentionMask parameter G: (D, N_RBF), initialized ~ randn in torch
    inp["G"] = jax.random.normal(ks[4], (D, N_RBF), dtype=jnp.float32) * sr
    # interaction_i / interaction_j linear layers (out, in) like torch
    inp["Wi"] = jax.random.uniform(ks[5], (D, D), minval=-s, maxval=s, dtype=jnp.float32)
    inp["bi"] = jax.random.uniform(ks[6], (D,), minval=-s, maxval=s, dtype=jnp.float32)
    inp["Wj"] = jax.random.uniform(ks[7], (D, D), minval=-s, maxval=s, dtype=jnp.float32)
    inp["bj"] = jax.random.uniform(ks[8], (D,), minval=-s, maxval=s, dtype=jnp.float32)
    # process_v linear
    inp["Wv"] = jax.random.uniform(ks[9], (D, D), minval=-s, maxval=s, dtype=jnp.float32)
    inp["bv"] = jax.random.uniform(ks[10], (D,), minval=-s, maxval=s, dtype=jnp.float32)
    # 3 residual blocks, each with linear1 and linear2
    kk = 11
    for r in range(3):
        inp[f"res{r}_W1"] = jax.random.uniform(ks[kk + 0], (D, D), minval=-s, maxval=s, dtype=jnp.float32)
        inp[f"res{r}_b1"] = jax.random.uniform(ks[kk + 1], (D,), minval=-s, maxval=s, dtype=jnp.float32)
        inp[f"res{r}_W2"] = jax.random.uniform(ks[kk + 2], (D, D), minval=-s, maxval=s, dtype=jnp.float32)
        inp[f"res{r}_b2"] = jax.random.uniform(ks[kk + 3], (D,), minval=-s, maxval=s, dtype=jnp.float32)
        kk += 4
    return inp


def reference(pair_indices, f_ij, d_ij, atomic_embedding, G, Wi, bi, Wj, bj, Wv, bv,
              res0_W1, res0_b1, res0_W2, res0_b2,
              res1_W1, res1_b1, res1_W2, res1_b2,
              res2_W1, res2_b1, res2_W2, res2_b2):
    sp = jax.nn.softplus
    idx_i = pair_indices[0]
    idx_j = pair_indices[1]
    # f_ij.squeeze(1) is a no-op for shape (n_pairs, n_rbf)
    # ShiftedSoftplus
    x = sp(atomic_embedding) - jnp.log(2.0)
    x_j_embedding = x[idx_j]
    # interaction_i: Linear + Softplus
    x_i_prime = sp(x @ Wi.T + bi)
    # interaction_j: Linear + Softplus (on gathered edge features)
    x_j_prime = sp(x_j_embedding @ Wj.T + bj)
    # AttentionMask: f_ij @ G.T
    f_ij_prime = f_ij @ G.T
    x_j_modulated = x_j_prime * f_ij_prime
    # scatter_add over destination atoms
    summed = jnp.zeros_like(x).at[idx_i].add(x_j_modulated)
    v_tilde = x_i_prime + summed
    # residual blocks: x + linear2(softplus(linear1(x)))
    for (W1, b1, W2, b2) in ((res0_W1, res0_b1, res0_W2, res0_b2),
                             (res1_W1, res1_b1, res1_W2, res1_b2),
                             (res2_W1, res2_b1, res2_W2, res2_b2)):
        v_tilde = v_tilde + (sp(v_tilde @ W1.T + b1) @ W2.T + b2)
    # process_v: Softplus then Linear
    v = sp(v_tilde) @ Wv.T + bv
    return v

if __name__ == "__main__":
    import jax
    _d = setup_inputs()
    print(jax.jit(kernel)(*tuple(_d.values())))

</pallas_src>

<mosaic_0001>
#map = affine_map<(d0, d1) -> (0, 0)>
#map1 = affine_map<(d0, d1) -> (0, 0, 0, 0, 0)>
#map2 = affine_map<(d0, d1) -> (0, 0, 0)>
module attributes {stable_mosaic.version = 14 : i64} {
  func.func @_sc_body(%arg0: i32, %arg1: i32, %arg2: memref<10000x128xf32, #tpu.memory_space<hbm>>, %arg3: memref<320000x128xf32, #tpu.memory_space<hbm>>, %arg4: memref<2x32x5x25x80xi32, #tpu.memory_space<hbm>>, %arg5: memref<2x10000x128xf32, #tpu.memory_space<hbm>>, %arg6: memref<25x80xi32, #tpu.memory_space<vmem>>, %arg7: memref<25x80xi32, #tpu.memory_space<vmem>>, %arg8: memref<80x128xf32, #tpu.memory_space<vmem>>, %arg9: memref<80x128xf32, #tpu.memory_space<vmem>>, %arg10: memref<80x128xf32, #tpu.memory_space<vmem>>, %arg11: memref<80x128xf32, #tpu.memory_space<vmem>>, %arg12: memref<10000x128xf32, #tpu.memory_space<vmem_shared>>, %arg13: memref<!tpu.dma_semaphore, #tpu.memory_space<semaphore_mem>>, %arg14: memref<!tpu.dma_semaphore, #tpu.memory_space<semaphore_mem>>, %arg15: memref<!tpu.dma_semaphore, #tpu.memory_space<semaphore_mem>>, %arg16: memref<!tpu.dma_semaphore, #tpu.memory_space<semaphore_mem>>, %arg17: memref<!tpu.dma_semaphore, #tpu.memory_space<semaphore_mem>>, %arg18: memref<!tpu.dma_semaphore, #tpu.memory_space<semaphore_mem>>) attributes {dimension_semantics = [#tpu.dimension_semantics<core_parallel>, #tpu.dimension_semantics<subcore_parallel>], iteration_bounds = array<i64: 2, 16>, scalar_prefetch = 0 : i64, scratch_operands = 13 : i64, tpu.core_type = #tpu.core_type<sc_vector_subcore>, window_params = [{transform_indices = #map}, {transform_indices = #map}, {transform_indices = #map1}, {transform_indices = #map2}]} {
    %mul3A = arith.constant 2 : i32
    %mul3A_0 = arith.muli %arg1, %mul3A : i32
    %add3A = arith.addi %mul3A_0, %arg0 : i32
    %broadcast_in_dim3A = arith.constant 0.000000e+00 : f32
    %broadcast_in_dim3A_1 = vector.broadcast %broadcast_in_dim3A : f32 to vector<16xf32>
    %scan3A = arith.constant 0 : i32
    %scan3A_2 = arith.constant 0 : i32
    %scan3A_3 = arith.constant 80 : i32
    %scan3A_4 = arith.addi %scan3A_2, %scan3A_3 : i32
    %scan3A_5 = arith.constant 1 : i32
    scf.for %scan3A_173 = %scan3A_2 to %scan3A_4 step %scan3A_5  : i32 {
      %swap3A = arith.index_cast %scan3A_173 : i32 to index
      %swap3A_174 = arith.constant 0 : index
      %swap3A_175 = tpu.vector_load %arg8[%swap3A, %swap3A_174] {strides = array<i32>} : memref<80x128xf32, #tpu.memory_space<vmem>>, vector<1x16xf32>,
      %swap3A_176 = vector.shape_cast %swap3A_175 : vector<1x16xf32> to vector<16xf32>
      %swap3A_177 = vector.shape_cast %broadcast_in_dim3A_1 : vector<16xf32> to vector<1x16xf32>
      tpu.vector_store %arg8[%swap3A, %swap3A_174], %swap3A_177 {strides = array<i32>} : memref<80x128xf32, #tpu.memory_space<vmem>>, vector<1x16xf32>,
      %swap3A_178 = arith.index_cast %scan3A_173 : i32 to index
      %swap3A_179 = arith.constant 16 : index
      %swap3A_180 = tpu.vector_load %arg8[%swap3A_178, %swap3A_179] {strides = array<i32>} : memref<80x128xf32, #tpu.memory_space<vmem>>, vector<1x16xf32>,
      %swap3A_181 = vector.shape_cast %swap3A_180 : vector<1x16xf32> to vector<16xf32>
      %swap3A_182 = vector.shape_cast %broadcast_in_dim3A_1 : vector<16xf32> to vector<1x16xf32>
      tpu.vector_store %arg8[%swap3A_178, %swap3A_179], %swap3A_182 {strides = array<i32>} : memref<80x128xf32, #tpu.memory_space<vmem>>, vector<1x16xf32>,
      %swap3A_183 = arith.index_cast %scan3A_173 : i32 to index
      %swap3A_184 = arith.constant 32 : index
      %swap3A_185 = tpu.vector_load %arg8[%swap3A_183, %swap3A_184] {strides = array<i32>} : memref<80x128xf32, #tpu.memory_space<vmem>>, vector<1x16xf32>,
      %swap3A_186 = vector.shape_cast %swap3A_185 : vector<1x16xf32> to vector<16xf32>
      %swap3A_187 = vector.shape_cast %broadcast_in_dim3A_1 : vector<16xf32> to vector<1x16xf32>
      tpu.vector_store %arg8[%swap3A_183, %swap3A_184], %swap3A_187 {strides = array<i32>} : memref<80x128xf32, #tpu.memory_space<vmem>>, vector<1x16xf32>,
      %swap3A_188 = arith.index_cast %scan3A_173 : i32 to index
      %swap3A_189 = arith.constant 48 : index
      %swap3A_190 = tpu.vector_load %arg8[%swap3A_188, %swap3A_189] {strides = array<i32>} : memref<80x128xf32, #tpu.memory_space<vmem>>, vector<1x16xf32>,
      %swap3A_191 = vector.shape_cast %swap3A_190 : vector<1x16xf32> to vector<16xf32>
      %swap3A_192 = vector.shape_cast %broadcast_in_dim3A_1 : vector<16xf32> to vector<1x16xf32>
      tpu.vector_store %arg8[%swap3A_188, %swap3A_189], %swap3A_192 {strides = array<i32>} : memref<80x128xf32, #tpu.memory_space<vmem>>, vector<1x16xf32>,
      %swap3A_193 = arith.index_cast %scan3A_173 : i32 to index
      %swap3A_194 = arith.constant 64 : index
      %swap3A_195 = tpu.vector_load %arg8[%swap3A_193, %swap3A_194] {strides = array<i32>} : memref<80x128xf32, #tpu.memory_space<vmem>>, vector<1x16xf32>,
      %swap3A_196 = vector.shape_cast %swap3A_195 : vector<1x16xf32> to vector<16xf32>
      %swap3A_197 = vector.shape_cast %broadcast_in_dim3A_1 : vector<16xf32> to vector<1x16xf32>
      tpu.vector_store %arg8[%swap3A_193, %swap3A_194], %swap3A_197 {strides = array<i32>} : memref<80x128xf32, #tpu.memory_space<vmem>>, vector<1x16xf32>,
      %swap3A_198 = arith.index_cast %scan3A_173 : i32 to index
      %swap3A_199 = arith.constant 80 : index
      %swap3A_200 = tpu.vector_load %arg8[%swap3A_198, %swap3A_199] {strides = array<i32>} : memref<80x128xf32, #tpu.memory_space<vmem>>, vector<1x16xf32>,
      %swap3A_201 = vector.shape_cast %swap3A_200 : vector<1x16xf32> to vector<16xf32>
      %swap3A_202 = vector.shape_cast %broadcast_in_dim3A_1 : vector<16xf32> to vector<1x16xf32>
      tpu.vector_store %arg8[%swap3A_198, %swap3A_199], %swap3A_202 {strides = array<i32>} : memref<80x128xf32, #tpu.memory_space<vmem>>, vector<1x16xf32>,
      %swap3A_203 = arith.index_cast %scan3A_173 : i32 to index
      %swap3A_204 = arith.constant 96 : index
      %swap3A_205 = tpu.vector_load %arg8[%swap3A_203, %swap3A_204] {strides = array<i32>} : memref<80x128xf32, #tpu.memory_space<vmem>>, vector<1x16xf32>,
      %swap3A_206 = vector.shape_cast %swap3A_205 : vector<1x16xf32> to vector<16xf32>
      %swap3A_207 = vector.shape_cast %broadcast_in_dim3A_1 : vector<16xf32> to vector<1x16xf32>
      tpu.vector_store %arg8[%swap3A_203, %swap3A_204], %swap3A_207 {strides = array<i32>} : memref<80x128xf32, #tpu.memory_space<vmem>>, vector<1x16xf32>,
      %swap3A_208 = arith.index_cast %scan3A_173 : i32 to index
      %swap3A_209 = arith.constant 112 : index
      %swap3A_210 = tpu.vector_load %arg8[%swap3A_208, %swap3A_209] {strides = array<i32>} : memref<80x128xf32, #tpu.memory_space<vmem>>, vector<1x16xf32>,
      %swap3A_211 = vector.shape_cast %swap3A_210 : vector<1x16xf32> to vector<16xf32>
      %swap3A_212 = vector.shape_cast %broadcast_in_dim3A_1 : vector<16xf32> to vector<1x16xf32>
      tpu.vector_store %arg8[%swap3A_208, %swap3A_209], %swap3A_212 {strides = array<i32>} : memref<80x128xf32, #tpu.memory_space<vmem>>, vector<1x16xf32>,
    }
    %scan3A_6 = arith.constant 80 : i32
    %scan3A_7 = arith.constant 0 : i32
    %scan3A_8 = arith.constant 0 : i32
    %scan3A_9 = arith.constant 8 : i32
    %scan3A_10 = arith.addi %scan3A_8, %scan3A_9 : i32
    %scan3A_11 = arith.constant 1 : i32
    scf.for %scan3A_173 = %scan3A_8 to %scan3A_10 step %scan3A_11  : i32 {
      %mul3A_174 = arith.constant 16 : i32
      %mul3A_175 = arith.muli %scan3A_173, %mul3A_174 : i32
      %add3A_176 = arith.addi %mul3A_175, %arg1 : i32
      %lt3A = arith.constant 125 : i32
      %lt3A_177 = arith.cmpi slt, %add3A_176, %lt3A : i32
      %convert_element_type3A = arith.extui %lt3A_177 : i1 to i32
      %cond3A = arith.constant 0 : i32
      %cond3A_178 = arith.cmpi ne, %convert_element_type3A, %cond3A : i32
      scf.if %cond3A_178 {
        %mul3A_179 = arith.constant 80 : i32
        %mul3A_180 = arith.muli %add3A_176, %mul3A_179 : i32
        "tpu.region"() ({
          %run_scoped3A_181 = tpu.sem_alloc : memref<!tpu.dma_semaphore, #tpu.memory_space<semaphore_mem>>
          %dma_start3A_182 = arith.constant 0 : i32
          %dma_start3A_183 = tpu.memref_slice %arg12[%mul3A_180, %dma_start3A_182] : memref<10000x128xf32, #tpu.memory_space<vmem_shared>> -> memref<80x128xf32, #tpu.memory_space<vmem_shared>>
          %dma_start3A_184 = arith.constant 0 : i32
          %dma_start3A_185 = tpu.memref_slice %arg12[%mul3A_180, %dma_start3A_184] : memref<10000x128xf32, #tpu.memory_space<vmem_shared>> -> memref<80x128xf32, #tpu.memory_space<vmem_shared>>
          tpu.enqueue_dma source(%arg8 : memref<80x128xf32, #tpu.memory_space<vmem>>) target(%dma_start3A_185 : memref<80x128xf32, #tpu.memory_space<vmem_shared>>) target_semaphore(%run_scoped3A_181 : memref<!tpu.dma_semaphore, #tpu.memory_space<semaphore_mem>>)
          %dma_wait3A_186 = arith.constant 0 : i32
          %dma_wait3A_187 = tpu.memref_slice %arg12[%mul3A_180, %dma_wait3A_186] : memref<10000x128xf32, #tpu.memory_space<vmem_shared>> -> memref<80x128xf32, #tpu.memory_space<vmem_shared>>
          %dma_wait3A_188 = arith.constant 0 : i32
          %dma_wait3A_189 = tpu.memref_slice %arg12[%mul3A_180, %dma_wait3A_188] : memref<10000x128xf32, #tpu.memory_space<vmem_shared>> -> memref<80x128xf32, #tpu.memory_space<vmem_shared>>
          tpu.wait_dma2 semaphore(%run_scoped3A_181 : memref<!tpu.dma_semaphore, #tpu.memory_space<semaphore_mem>>) src(%arg8 : memref<80x128xf32, #tpu.memory_space<vmem>>) dst(%dma_wait3A_189 : memref<80x128xf32, #tpu.memory_space<vmem_shared>>)
          tpu.yield
        }) : () -> ()
      } else {
      }
    }
    %scan3A_12 = arith.constant 8 : i32
    %barrier3A = arith.constant 0 : index
    tpu.barrier barrier_id(%barrier3A)
    %run_scoped3A = arith.constant 1 : i32
    %run_scoped3A_13 = arith.constant 0 : i32
    "tpu.region"() ({
      %run_scoped3A_173 = tpu.sem_alloc : memref<!tpu.dma_semaphore, #tpu.memory_space<semaphore_mem>>
      %dma_start3A_174 = arith.constant 0 : i32
      %dma_start3A_175 = arith.constant 0 : i32
      %dma_start3A_176 = tpu.memref_slice %arg4[%run_scoped3A, %add3A, %run_scoped3A_13, %dma_start3A_174, %dma_start3A_175] : memref<2x32x5x25x80xi32, #tpu.memory_space<hbm>> -> memref<1x1x1x25x80xi32, #tpu.memory_space<hbm>>
      %dma_start3A_177 = tpu.memref_squeeze %dma_start3A_176 : memref<1x1x1x25x80xi32, #tpu.memory_space<hbm>> -> memref<25x80xi32, #tpu.memory_space<hbm>>
      %dma_start3A_178 = arith.constant 0 : i32
      %dma_start3A_179 = arith.constant 0 : i32
      %dma_start3A_180 = tpu.memref_slice %arg4[%run_scoped3A, %add3A, %run_scoped3A_13, %dma_start3A_178, %dma_start3A_179] : memref<2x32x5x25x80xi32, #tpu.memory_space<hbm>> -> memref<1x1x1x25x80xi32, #tpu.memory_space<hbm>>
      %dma_start3A_181 = tpu.memref_squeeze %dma_start3A_180 : memref<1x1x1x25x80xi32, #tpu.memory_space<hbm>> -> memref<25x80xi32, #tpu.memory_space<hbm>>
      tpu.enqueue_dma source(%dma_start3A_181 : memref<25x80xi32, #tpu.memory_space<hbm>>) target(%arg6 : memref<25x80xi32, #tpu.memory_space<vmem>>) target_semaphore(%run_scoped3A_173 : memref<!tpu.dma_semaphore, #tpu.memory_space<semaphore_mem>>)
      %dma_wait3A_182 = arith.constant 0 : i32
      %dma_wait3A_183 = arith.constant 0 : i32
      %dma_wait3A_184 = tpu.memref_slice %arg4[%run_scoped3A, %add3A, %run_scoped3A_13, %dma_wait3A_182, %dma_wait3A_183] : memref<2x32x5x25x80xi32, #tpu.memory_space<hbm>> -> memref<1x1x1x25x80xi32, #tpu.memory_space<hbm>>
      %dma_wait3A_185 = tpu.memref_squeeze %dma_wait3A_184 : memref<1x1x1x25x80xi32, #tpu.memory_space<hbm>> -> memref<25x80xi32, #tpu.memory_space<hbm>>
      %dma_wait3A_186 = arith.constant 0 : i32
      %dma_wait3A_187 = arith.constant 0 : i32
      %dma_wait3A_188 = tpu.memref_slice %arg4[%run_scoped3A, %add3A, %run_scoped3A_13, %dma_wait3A_186, %dma_wait3A_187] : memref<2x32x5x25x80xi32, #tpu.memory_space<hbm>> -> memref<1x1x1x25x80xi32, #tpu.memory_space<hbm>>
      %dma_wait3A_189 = tpu.memref_squeeze %dma_wait3A_188 : memref<1x1x1x25x80xi32, #tpu.memory_space<hbm>> -> memref<25x80xi32, #tpu.memory_space<hbm>>
      tpu.wait_dma2 semaphore(%run_scoped3A_173 : memref<!tpu.dma_semaphore, #tpu.memory_space<semaphore_mem>>) src(%dma_wait3A_189 : memref<25x80xi32, #tpu.memory_space<hbm>>) dst(%arg6 : memref<25x80xi32, #tpu.memory_space<vmem>>)
      tpu.yield
    }) : () -> ()
    %run_scoped3A_14 = arith.constant 0 : i32
    %run_scoped3A_15 = arith.constant 0 : i32
    "tpu.region"() ({
      %run_scoped3A_173 = tpu.sem_alloc : memref<!tpu.dma_semaphore, #tpu.memory_space<semaphore_mem>>
      %dma_start3A_174 = arith.constant 0 : i32
      %dma_start3A_175 = arith.constant 0 : i32
      %dma_start3A_176 = tpu.memref_slice %arg4[%run_scoped3A_14, %add3A, %run_scoped3A_15, %dma_start3A_174, %dma_start3A_175] : memref<2x32x5x25x80xi32, #tpu.memory_space<hbm>> -> memref<1x1x1x25x80xi32, #tpu.memory_space<hbm>>
      %dma_start3A_177 = tpu.memref_squeeze %dma_start3A_176 : memref<1x1x1x25x80xi32, #tpu.memory_space<hbm>> -> memref<25x80xi32, #tpu.memory_space<hbm>>
      %dma_start3A_178 = arith.constant 0 : i32
      %dma_start3A_179 = arith.constant 0 : i32
      %dma_start3A_180 = tpu.memref_slice %arg4[%run_scoped3A_14, %add3A, %run_scoped3A_15, %dma_start3A_178, %dma_start3A_179] : memref<2x32x5x25x80xi32, #tpu.memory_space<hbm>> -> memref<1x1x1x25x80xi32, #tpu.memory_space<hbm>>
      %dma_start3A_181 = tpu.memref_squeeze %dma_start3A_180 : memref<1x1x1x25x80xi32, #tpu.memory_space<hbm>> -> memref<25x80xi32, #tpu.memory_space<hbm>>
      tpu.enqueue_dma source(%dma_start3A_181 : memref<25x80xi32, #tpu.memory_space<hbm>>) target(%arg7 : memref<25x80xi32, #tpu.memory_space<vmem>>) target_semaphore(%run_scoped3A_173 : memref<!tpu.dma_semaphore, #tpu.memory_space<semaphore_mem>>)
      %dma_wait3A_182 = arith.constant 0 : i32
      %dma_wait3A_183 = arith.constant 0 : i32
      %dma_wait3A_184 = tpu.memref_slice %arg4[%run_scoped3A_14, %add3A, %run_scoped3A_15, %dma_wait3A_182, %dma_wait3A_183] : memref<2x32x5x25x80xi32, #tpu.memory_space<hbm>> -> memref<1x1x1x25x80xi32, #tpu.memory_space<hbm>>
      %dma_wait3A_185 = tpu.memref_squeeze %dma_wait3A_184 : memref<1x1x1x25x80xi32, #tpu.memory_space<hbm>> -> memref<25x80xi32, #tpu.memory_space<hbm>>
      %dma_wait3A_186 = arith.constant 0 : i32
      %dma_wait3A_187 = arith.constant 0 : i32
      %dma_wait3A_188 = tpu.memref_slice %arg4[%run_scoped3A_14, %add3A, %run_scoped3A_15, %dma_wait3A_186, %dma_wait3A_187] : memref<2x32x5x25x80xi32, #tpu.memory_space<hbm>> -> memref<1x1x1x25x80xi32, #tpu.memory_space<hbm>>
      %dma_wait3A_189 = tpu.memref_squeeze %dma_wait3A_188 : memref<1x1x1x25x80xi32, #tpu.memory_space<hbm>> -> memref<25x80xi32, #tpu.memory_space<hbm>>
      tpu.wait_dma2 semaphore(%run_scoped3A_173 : memref<!tpu.dma_semaphore, #tpu.memory_space<semaphore_mem>>) src(%dma_wait3A_189 : memref<25x80xi32, #tpu.memory_space<hbm>>) dst(%arg7 : memref<25x80xi32, #tpu.memory_space<vmem>>)
      tpu.yield
    }) : () -> ()
    %dma_start3A = arith.constant 0 : i32
    %dma_start3A_16 = arith.constant 0 : i32
    %dma_start3A_17 = tpu.memref_slice %arg6[%dma_start3A, %dma_start3A_16] : memref<25x80xi32, #tpu.memory_space<vmem>> -> memref<1x80xi32, #tpu.memory_space<vmem>>
    %dma_start3A_18 = tpu.memref_squeeze %dma_start3A_17 : memref<1x80xi32, #tpu.memory_space<vmem>> -> memref<80xi32, #tpu.memory_space<vmem>>
    %dma_start3A_19 = arith.constant 0 : i32
    %dma_start3A_20 = arith.constant 0 : i32
    %dma_start3A_21 = tpu.memref_slice %arg2[%dma_start3A_19, %dma_start3A_20] : memref<10000x128xf32, #tpu.memory_space<hbm>> -> memref<10000x128xf32, #tpu.memory_space<hbm>>
    tpu.enqueue_indirect_dma source(%dma_start3A_21 : memref<10000x128xf32, #tpu.memory_space<hbm>>) target(%arg8 : memref<80x128xf32, #tpu.memory_space<vmem>>) offsets(%dma_start3A_18 : memref<80xi32, #tpu.memory_space<vmem>>) semaphore(%arg13 : memref<!tpu.dma_semaphore, #tpu.memory_space<semaphore_mem>>)
    %mul3A_22 = arith.constant 10000 : i32
    %mul3A_23 = arith.muli %add3A, %mul3A_22 : i32
    %add3A_24 = arith.constant 0 : i32
    %add3A_25 = arith.addi %mul3A_23, %add3A_24 : i32
    %dma_start3A_26 = arith.constant 0 : i32
    %dma_start3A_27 = tpu.memref_slice %arg3[%add3A_25, %dma_start3A_26] : memref<320000x128xf32, #tpu.memory_space<hbm>> -> memref<80x128xf32, #tpu.memory_space<hbm>>
    %dma_start3A_28 = arith.constant 0 : i32
    %dma_start3A_29 = tpu.memref_slice %arg3[%add3A_25, %dma_start3A_28] : memref<320000x128xf32, #tpu.memory_space<hbm>> -> memref<80x128xf32, #tpu.memory_space<hbm>>
    tpu.enqueue_dma source(%dma_start3A_29 : memref<80x128xf32, #tpu.memory_space<hbm>>) target(%arg10 : memref<80x128xf32, #tpu.memory_space<vmem>>) target_semaphore(%arg15 : memref<!tpu.dma_semaphore, #tpu.memory_space<semaphore_mem>>)
    %dma_start3A_30 = arith.constant 1 : i32
    %dma_start3A_31 = arith.constant 0 : i32
    %dma_start3A_32 = tpu.memref_slice %arg6[%dma_start3A_30, %dma_start3A_31] : memref<25x80xi32, #tpu.memory_space<vmem>> -> memref<1x80xi32, #tpu.memory_space<vmem>>
    %dma_start3A_33 = tpu.memref_squeeze %dma_start3A_32 : memref<1x80xi32, #tpu.memory_space<vmem>> -> memref<80xi32, #tpu.memory_space<vmem>>
    %dma_start3A_34 = arith.constant 0 : i32
    %dma_start3A_35 = arith.constant 0 : i32
    %dma_start3A_36 = tpu.memref_slice %arg2[%dma_start3A_34, %dma_start3A_35] : memref<10000x128xf32, #tpu.memory_space<hbm>> -> memref<10000x128xf32, #tpu.memory_space<hbm>>
    tpu.enqueue_indirect_dma source(%dma_start3A_36 : memref<10000x128xf32, #tpu.memory_space<hbm>>) target(%arg9 : memref<80x128xf32, #tpu.memory_space<vmem>>) offsets(%dma_start3A_33 : memref<80xi32, #tpu.memory_space<vmem>>) semaphore(%arg14 : memref<!tpu.dma_semaphore, #tpu.memory_space<semaphore_mem>>)
    %mul3A_37 = arith.constant 10000 : i32
    %mul3A_38 = arith.muli %add3A, %mul3A_37 : i32
    %add3A_39 = arith.constant 80 : i32
    %add3A_40 = arith.addi %mul3A_38, %add3A_39 : i32
    %dma_start3A_41 = arith.constant 0 : i32
    %dma_start3A_42 = tpu.memref_slice %arg3[%add3A_40, %dma_start3A_41] : memref<320000x128xf32, #tpu.memory_space<hbm>> -> memref<80x128xf32, #tpu.memory_space<hbm>>
    %dma_start3A_43 = arith.constant 0 : i32
    %dma_start3A_44 = tpu.memref_slice %arg3[%add3A_40, %dma_start3A_43] : memref<320000x128xf32, #tpu.memory_space<hbm>> -> memref<80x128xf32, #tpu.memory_space<hbm>>
    tpu.enqueue_dma source(%dma_start3A_44 : memref<80x128xf32, #tpu.memory_space<hbm>>) target(%arg11 : memref<80x128xf32, #tpu.memory_space<vmem>>) target_semaphore(%arg16 : memref<!tpu.dma_semaphore, #tpu.memory_space<semaphore_mem>>)
    %dma_wait3A = arith.constant 0 : i32
    %dma_wait3A_45 = arith.constant 0 : i32
    %dma_wait3A_46 = tpu.memref_slice %arg6[%dma_wait3A, %dma_wait3A_45] : memref<25x80xi32, #tpu.memory_space<vmem>> -> memref<1x80xi32, #tpu.memory_space<vmem>>
    %dma_wait3A_47 = tpu.memref_squeeze %dma_wait3A_46 : memref<1x80xi32, #tpu.memory_space<vmem>> -> memref<80xi32, #tpu.memory_space<vmem>>
    %dma_wait3A_48 = arith.constant 0 : i32
    %dma_wait3A_49 = arith.constant 0 : i32
    %dma_wait3A_50 = tpu.memref_slice %arg2[%dma_wait3A_48, %dma_wait3A_49] : memref<10000x128xf32, #tpu.memory_space<hbm>> -> memref<10000x128xf32, #tpu.memory_space<hbm>>
    tpu.wait_indirect_dma semaphore(%arg13 : memref<!tpu.dma_semaphore, #tpu.memory_space<semaphore_mem>>) src(%dma_wait3A_50 : memref<10000x128xf32, #tpu.memory_space<hbm>>) dst(%arg8 : memref<80x128xf32, #tpu.memory_space<vmem>>)
    %mul3A_51 = arith.constant 10000 : i32
    %mul3A_52 = arith.muli %add3A, %mul3A_51 : i32
    %add3A_53 = arith.constant 0 : i32
    %add3A_54 = arith.addi %mul3A_52, %add3A_53 : i32
    %dma_wait3A_55 = arith.constant 0 : i32
    %dma_wait3A_56 = tpu.memref_slice %arg3[%add3A_54, %dma_wait3A_55] : memref<320000x128xf32, #tpu.memory_space<hbm>> -> memref<80x128xf32, #tpu.memory_space<hbm>>
    %dma_wait3A_57 = arith.constant 0 : i32
    %dma_wait3A_58 = tpu.memref_slice %arg3[%add3A_54, %dma_wait3A_57] : memref<320000x128xf32, #tpu.memory_space<hbm>> -> memref<80x128xf32, #tpu.memory_space<hbm>>
    tpu.wait_dma2 semaphore(%arg15 : memref<!tpu.dma_semaphore, #tpu.memory_space<semaphore_mem>>) src(%dma_wait3A_58 : memref<80x128xf32, #tpu.memory_space<hbm>>) dst(%arg10 : memref<80x128xf32, #tpu.memory_space<vmem>>)
    %parallel_loop3A = arith.constant 0 : i32
    %parallel_loop3A_59 = arith.constant 80 : i32
    %parallel_loop3A_60 = arith.constant 1 : i32
    scf.for %parallel_loop3A_173 = %parallel_loop3A to %parallel_loop3A_59 step %parallel_loop3A_60  : i32 {
      %parallel_loop3A_174 = arith.index_cast %parallel_loop3A_173 : i32 to index
      %parallel_loop3A_175 = arith.constant 0 : index
      %parallel_loop3A_176 = tpu.vector_load %arg8[%parallel_loop3A_174, %parallel_loop3A_175] {strides = array<i32>} : memref<80x128xf32, #tpu.memory_space<vmem>>, vector<1x16xf32>,
      %parallel_loop3A_177 = vector.shape_cast %parallel_loop3A_176 : vector<1x16xf32> to vector<16xf32>
      %parallel_loop3A_178 = arith.index_cast %parallel_loop3A_173 : i32 to index
      %parallel_loop3A_179 = arith.constant 0 : index
      %parallel_loop3A_180 = tpu.vector_load %arg10[%parallel_loop3A_178, %parallel_loop3A_179] {strides = array<i32>} : memref<80x128xf32, #tpu.memory_space<vmem>>, vector<1x16xf32>,
      %parallel_loop3A_181 = vector.shape_cast %parallel_loop3A_180 : vector<1x16xf32> to vector<16xf32>
      %parallel_loop3A_182 = arith.mulf %parallel_loop3A_177, %parallel_loop3A_181 : vector<16xf32>
      %parallel_loop3A_183 = arith.index_cast %parallel_loop3A_173 : i32 to index
      %parallel_loop3A_184 = arith.constant 0 : index
      %parallel_loop3A_185 = tpu.vector_load %arg8[%parallel_loop3A_183, %parallel_loop3A_184] {strides = array<i32>} : memref<80x128xf32, #tpu.memory_space<vmem>>, vector<1x16xf32>,
      %parallel_loop3A_186 = vector.shape_cast %parallel_loop3A_185 : vector<1x16xf32> to vector<16xf32>
      %parallel_loop3A_187 = vector.shape_cast %parallel_loop3A_182 : vector<16xf32> to vector<1x16xf32>
      tpu.vector_store %arg8[%parallel_loop3A_183, %parallel_loop3A_184], %parallel_loop3A_187 {strides = array<i32>} : memref<80x128xf32, #tpu.memory_space<vmem>>, vector<1x16xf32>,
      %parallel_loop3A_188 = arith.index_cast %parallel_loop3A_173 : i32 to index
      %parallel_loop3A_189 = arith.constant 16 : index
      %parallel_loop3A_190 = tpu.vector_load %arg8[%parallel_loop3A_188, %parallel_loop3A_189] {strides = array<i32>} : memref<80x128xf32, #tpu.memory_space<vmem>>, vector<1x16xf32>,
      %parallel_loop3A_191 = vector.shape_cast %parallel_loop3A_190 : vector<1x16xf32> to vector<16xf32>
      %parallel_loop3A_192 = arith.index_cast %parallel_loop3A_173 : i32 to index
      %parallel_loop3A_193 = arith.constant 16 : index
      %parallel_loop3A_194 = tpu.vector_load %arg10[%parallel_loop3A_192, %parallel_loop3A_193] {strides = array<i32>} : memref<80x128xf32, #tpu.memory_space<vmem>>, vector<1x16xf32>,
      %parallel_loop3A_195 = vector.shape_cast %parallel_loop3A_194 : vector<1x16xf32> to vector<16xf32>
      %parallel_loop3A_196 = arith.mulf %parallel_loop3A_191, %parallel_loop3A_195 : vector<16xf32>
      %parallel_loop3A_197 = arith.index_cast %parallel_loop3A_173 : i32 to index
      %parallel_loop3A_198 = arith.constant 16 : index
      %parallel_loop3A_199 = tpu.vector_load %arg8[%parallel_loop3A_197, %parallel_loop3A_198] {strides = array<i32>} : memref<80x128xf32, #tpu.memory_space<vmem>>, vector<1x16xf32>,
      %parallel_loop3A_200 = vector.shape_cast %parallel_loop3A_199 : vector<1x16xf32> to vector<16xf32>
      %parallel_loop3A_201 = vector.shape_cast %parallel_loop3A_196 : vector<16xf32> to vector<1x16xf32>
      tpu.vector_store %arg8[%parallel_loop3A_197, %parallel_loop3A_198], %parallel_loop3A_201 {strides = array<i32>} : memref<80x128xf32, #tpu.memory_space<vmem>>, vector<1x16xf32>,
      %parallel_loop3A_202 = arith.index_cast %parallel_loop3A_173 : i32 to index
      %parallel_loop3A_203 = arith.constant 32 : index
      %parallel_loop3A_204 = tpu.vector_load %arg8[%parallel_loop3A_202, %parallel_loop3A_203] {strides = array<i32>} : memref<80x128xf32, #tpu.memory_space<vmem>>, vector<1x16xf32>,
      %parallel_loop3A_205 = vector.shape_cast %parallel_loop3A_204 : vector<1x16xf32> to vector<16xf32>
      %parallel_loop3A_206 = arith.index_cast %parallel_loop3A_173 : i32 to index
      %parallel_loop3A_207 = arith.constant 32 : index
      %parallel_loop3A_208 = tpu.vector_load %arg10[%parallel_loop3A_206, %parallel_loop3A_207] {strides = array<i32>} : memref<80x128xf32, #tpu.memory_space<vmem>>, vector<1x16xf32>,
      %parallel_loop3A_209 = vector.shape_cast %parallel_loop3A_208 : vector<1x16xf32> to vector<16xf32>
      %parallel_loop3A_210 = arith.mulf %parallel_loop3A_205, %parallel_loop3A_209 : vector<16xf32>
      %parallel_loop3A_211 = arith.index_cast %parallel_loop3A_173 : i32 to index
      %parallel_loop3A_212 = arith.constant 32 : index
      %parallel_loop3A_213 = tpu.vector_load %arg8[%parallel_loop3A_211, %parallel_loop3A_212] {strides = array<i32>} : memref<80x128xf32, #tpu.memory_space<vmem>>, vector<1x16xf32>,
      %parallel_loop3A_214 = vector.shape_cast %parallel_loop3A_213 : vector<1x16xf32> to vector<16xf32>
      %parallel_loop3A_215 = vector.shape_cast %parallel_loop3A_210 : vector<16xf32> to vector<1x16xf32>
      tpu.vector_store %arg8[%parallel_loop3A_211, %parallel_loop3A_212], %parallel_loop3A_215 {strides = array<i32>} : memref<80x128xf32, #tpu.memory_space<vmem>>, vector<1x16xf32>,
      %parallel_loop3A_216 = arith.index_cast %parallel_loop3A_173 : i32 to index
      %parallel_loop3A_217 = arith.constant 48 : index
      %parallel_loop3A_218 = tpu.vector_load %arg8[%parallel_loop3A_216, %parallel_loop3A_217] {strides = array<i32>} : memref<80x128xf32, #tpu.memory_space<vmem>>, vector<1x16xf32>,
      %parallel_loop3A_219 = vector.shape_cast %parallel_loop3A_218 : vector<1x16xf32> to vector<16xf32>
      %parallel_loop3A_220 = arith.index_cast %parallel_loop3A_173 : i32 to index
      %parallel_loop3A_221 = arith.constant 48 : index
      %parallel_loop3A_222 = tpu.vector_load %arg10[%parallel_loop3A_220, %parallel_loop3A_221] {strides = array<i32>} : memref<80x128xf32, #tpu.memory_space<vmem>>, vector<1x16xf32>,
      %parallel_loop3A_223 = vector.shape_cast %parallel_loop3A_222 : vector<1x16xf32> to vector<16xf32>
      %parallel_loop3A_224 = arith.mulf %parallel_loop3A_219, %parallel_loop3A_223 : vector<16xf32>
      %parallel_loop3A_225 = arith.index_cast %parallel_loop3A_173 : i32 to index
      %parallel_loop3A_226 = arith.constant 48 : index
      %parallel_loop3A_227 = tpu.vector_load %arg8[%parallel_loop3A_225, %parallel_loop3A_226] {strides = array<i32>} : memref<80x128xf32, #tpu.memory_space<vmem>>, vector<1x16xf32>,
      %parallel_loop3A_228 = vector.shape_cast %parallel_loop3A_227 : vector<1x16xf32> to vector<16xf32>
      %parallel_loop3A_229 = vector.shape_cast %parallel_loop3A_224 : vector<16xf32> to vector<1x16xf32>
      tpu.vector_store %arg8[%parallel_loop3A_225, %parallel_loop3A_226], %parallel_loop3A_229 {strides = array<i32>} : memref<80x128xf32, #tpu.memory_space<vmem>>, vector<1x16xf32>,
      %parallel_loop3A_230 = arith.index_cast %parallel_loop3A_173 : i32 to index
      %parallel_loop3A_231 = arith.constant 64 : index
      %parallel_loop3A_232 = tpu.vector_load %arg8[%parallel_loop3A_230, %parallel_loop3A_231] {strides = array<i32>} : memref<80x128xf32, #tpu.memory_space<vmem>>, vector<1x16xf32>,
      %parallel_loop3A_233 = vector.shape_cast %parallel_loop3A_232 : vector<1x16xf32> to vector<16xf32>
      %parallel_loop3A_234 = arith.index_cast %parallel_loop3A_173 : i32 to index
      %parallel_loop3A_235 = arith.constant 64 : index
      %parallel_loop3A_236 = tpu.vector_load %arg10[%parallel_loop3A_234, %parallel_loop3A_235] {strides = array<i32>} : memref<80x128xf32, #tpu.memory_space<vmem>>, vector<1x16xf32>,
      %parallel_loop3A_237 = vector.shape_cast %parallel_loop3A_236 : vector<1x16xf32> to vector<16xf32>
      %parallel_loop3A_238 = arith.mulf %parallel_loop3A_233, %parallel_loop3A_237 : vector<16xf32>
      %parallel_loop3A_239 = arith.index_cast %parallel_loop3A_173 : i32 to index
      %parallel_loop3A_240 = arith.constant 64 : index
      %parallel_loop3A_241 = tpu.vector_load %arg8[%parallel_loop3A_239, %parallel_loop3A_240] {strides = array<i32>} : memref<80x128xf32, #tpu.memory_space<vmem>>, vector<1x16xf32>,
      %parallel_loop3A_242 = vector.shape_cast %parallel_loop3A_241 : vector<1x16xf32> to vector<16xf32>
      %parallel_loop3A_243 = vector.shape_cast %parallel_loop3A_238 : vector<16xf32> to vector<1x16xf32>
      tpu.vector_store %arg8[%parallel_loop3A_239, %parallel_loop3A_240], %parallel_loop3A_243 {strides = array<i32>} : memref<80x128xf32, #tpu.memory_space<vmem>>, vector<1x16xf32>,
      %parallel_loop3A_244 = arith.index_cast %parallel_loop3A_173 : i32 to index
      %parallel_loop3A_245 = arith.constant 80 : index
      %parallel_loop3A_246 = tpu.vector_load %arg8[%parallel_loop3A_244, %parallel_loop3A_245] {strides = array<i32>} : memref<80x128xf32, #tpu.memory_space<vmem>>, vector<1x16xf32>,
      %parallel_loop3A_247 = vector.shape_cast %parallel_loop3A_246 : vector<1x16xf32> to vector<16xf32>
      %parallel_loop3A_248 = arith.index_cast %parallel_loop3A_173 : i32 to index
      %parallel_loop3A_249 = arith.constant 80 : index
      %parallel_loop3A_250 = tpu.vector_load %arg10[%parallel_loop3A_248, %parallel_loop3A_249] {strides = array<i32>} : memref<80x128xf32, #tpu.memory_space<vmem>>, vector<1x16xf32>,
      %parallel_loop3A_251 = vector.shape_cast %parallel_loop3A_250 : vector<1x16xf32> to vector<16xf32>
      %parallel_loop3A_252 = arith.mulf %parallel_loop3A_247, %parallel_loop3A_251 : vector<16xf32>
      %parallel_loop3A_253 = arith.index_cast %parallel_loop3A_173 : i32 to index
      %parallel_loop3A_254 = arith.constant 80 : index
      %parallel_loop3A_255 = tpu.vector_load %arg8[%parallel_loop3A_253, %parallel_loop3A_254] {strides = array<i32>} : memref<80x128xf32, #tpu.memory_space<vmem>>, vector<1x16xf32>,
      %parallel_loop3A_256 = vector.shape_cast %parallel_loop3A_255 : vector<1x16xf32> to vector<16xf32>
      %parallel_loop3A_257 = vector.shape_cast %parallel_loop3A_252 : vector<16xf32> to vector<1x16xf32>
      tpu.vector_store %arg8[%parallel_loop3A_253, %parallel_loop3A_254], %parallel_loop3A_257 {strides = array<i32>} : memref<80x128xf32, #tpu.memory_space<vmem>>, vector<1x16xf32>,
      %parallel_loop3A_258 = arith.index_cast %parallel_loop3A_173 : i32 to index
      %parallel_loop3A_259 = arith.constant 96 : index
      %parallel_loop3A_260 = tpu.vector_load %arg8[%parallel_loop3A_258, %parallel_loop3A_259] {strides = array<i32>} : memref<80x128xf32, #tpu.memory_space<vmem>>, vector<1x16xf32>,
      %parallel_loop3A_261 = vector.shape_cast %parallel_loop3A_260 : vector<1x16xf32> to vector<16xf32>
      %parallel_loop3A_262 = arith.index_cast %parallel_loop3A_173 : i32 to index
      %parallel_loop3A_263 = arith.constant 96 : index
      %parallel_loop3A_264 = tpu.vector_load %arg10[%parallel_loop3A_262, %parallel_loop3A_263] {strides = array<i32>} : memref<80x128xf32, #tpu.memory_space<vmem>>, vector<1x16xf32>,
      %parallel_loop3A_265 = vector.shape_cast %parallel_loop3A_264 : vector<1x16xf32> to vector<16xf32>
      %parallel_loop3A_266 = arith.mulf %parallel_loop3A_261, %parallel_loop3A_265 : vector<16xf32>
      %parallel_loop3A_267 = arith.index_cast %parallel_loop3A_173 : i32 to index
      %parallel_loop3A_268 = arith.constant 96 : index
      %parallel_loop3A_269 = tpu.vector_load %arg8[%parallel_loop3A_267, %parallel_loop3A_268] {strides = array<i32>} : memref<80x128xf32, #tpu.memory_space<vmem>>, vector<1x16xf32>,
      %parallel_loop3A_270 = vector.shape_cast %parallel_loop3A_269 : vector<1x16xf32> to vector<16xf32>
      %parallel_loop3A_271 = vector.shape_cast %parallel_loop3A_266 : vector<16xf32> to vector<1x16xf32>
      tpu.vector_store %arg8[%parallel_loop3A_267, %parallel_loop3A_268], %parallel_loop3A_271 {strides = array<i32>} : memref<80x128xf32, #tpu.memory_space<vmem>>, vector<1x16xf32>,
      %parallel_loop3A_272 = arith.index_cast %parallel_loop3A_173 : i32 to index
      %parallel_loop3A_273 = arith.constant 112 : index
      %parallel_loop3A_274 = tpu.vector_load %arg8[%parallel_loop3A_272, %parallel_loop3A_273] {strides = array<i32>} : memref<80x128xf32, #tpu.memory_space<vmem>>, vector<1x16xf32>,
      %parallel_loop3A_275 = vector.shape_cast %parallel_loop3A_274 : vector<1x16xf32> to vector<16xf32>
      %parallel_loop3A_276 = arith.index_cast %parallel_loop3A_173 : i32 to index
      %parallel_loop3A_277 = arith.constant 112 : index
      %parallel_loop3A_278 = tpu.vector_load %arg10[%parallel_loop3A_276, %parallel_loop3A_277] {strides = array<i32>} : memref<80x128xf32, #tpu.memory_space<vmem>>, vector<1x16xf32>,
      %parallel_loop3A_279 = vector.shape_cast %parallel_loop3A_278 : vector<1x16xf32> to vector<16xf32>
      %parallel_loop3A_280 = arith.mulf %parallel_loop3A_275, %parallel_loop3A_279 : vector<16xf32>
      %parallel_loop3A_281 = arith.index_cast %parallel_loop3A_173 : i32 to index
      %parallel_loop3A_282 = arith.constant 112 : index
      %parallel_loop3A_283 = tpu.vector_load %arg8[%parallel_loop3A_281, %parallel_loop3A_282] {strides = array<i32>} : memref<80x128xf32, #tpu.memory_space<vmem>>, vector<1x16xf32>,
      %parallel_loop3A_284 = vector.shape_cast %parallel_loop3A_283 : vector<1x16xf32> to vector<16xf32>
      %parallel_loop3A_285 = vector.shape_cast %parallel_loop3A_280 : vector<16xf32> to vector<1x16xf32>
      tpu.vector_store %arg8[%parallel_loop3A_281, %parallel_loop3A_282], %parallel_loop3A_285 {strides = array<i32>} : memref<80x128xf32, #tpu.memory_space<vmem>>, vector<1x16xf32>,
    } {sc.loop_unroll_factor = 8 : i64, sc.parallel_access}
    %dma_start3A_61 = arith.constant 0 : i32
    %dma_start3A_62 = arith.constant 0 : i32
    %dma_start3A_63 = tpu.memref_slice %arg7[%dma_start3A_61, %dma_start3A_62] : memref<25x80xi32, #tpu.memory_space<vmem>> -> memref<1x80xi32, #tpu.memory_space<vmem>>
    %dma_start3A_64 = tpu.memref_squeeze %dma_start3A_63 : memref<1x80xi32, #tpu.memory_space<vmem>> -> memref<80xi32, #tpu.memory_space<vmem>>
    %dma_start3A_65 = arith.constant 0 : i32
    %dma_start3A_66 = arith.constant 0 : i32
    %dma_start3A_67 = tpu.memref_slice %arg12[%dma_start3A_65, %dma_start3A_66] : memref<10000x128xf32, #tpu.memory_space<vmem_shared>> -> memref<10000x128xf32, #tpu.memory_space<vmem_shared>>
    tpu.enqueue_indirect_dma source(%arg8 : memref<80x128xf32, #tpu.memory_space<vmem>>) target(%dma_start3A_67 : memref<10000x128xf32, #tpu.memory_space<vmem_shared>>) offsets(%dma_start3A_64 : memref<80xi32, #tpu.memory_space<vmem>>) semaphore(%arg17 : memref<!tpu.dma_semaphore, #tpu.memory_space<semaphore_mem>>) {add = true}
    %dma_wait3A_68 = arith.constant 2 : i32
    %dma_wait3A_69 = arith.constant 0 : i32
    %dma_wait3A_70 = tpu.memref_slice %arg7[%dma_wait3A_68, %dma_wait3A_69] : memref<25x80xi32, #tpu.memory_space<vmem>> -> memref<1x80xi32, #tpu.memory_space<vmem>>
    %dma_wait3A_71 = tpu.memref_squeeze %dma_wait3A_70 : memref<1x80xi32, #tpu.memory_space<vmem>> -> memref<80xi32, #tpu.memory_space<vmem>>
    %dma_wait3A_72 = arith.constant 0 : i32
    %dma_wait3A_73 = arith.constant 0 : i32
    %dma_wait3A_74 = tpu.memref_slice %arg12[%dma_wait3A_72, %dma_wait3A_73] : memref<10000x128xf32, #tpu.memory_space<vmem_shared>> -> memref<10000x128xf32, #tpu.memory_space<vmem_shared>>
    tpu.wait_indirect_dma semaphore(%arg17 : memref<!tpu.dma_semaphore, #tpu.memory_space<semaphore_mem>>) src(%arg8 : memref<80x128xf32, #tpu.memory_space<vmem>>) dst(%dma_wait3A_74 : memref<10000x128xf32, #tpu.memory_space<vmem_shared>>)
    %dma_start3A_75 = arith.constant 2 : i32
    %dma_start3A_76 = arith.constant 0 : i32
    %dma_start3A_77 = tpu.memref_slice %arg6[%dma_start3A_75, %dma_start3A_76] : memref<25x80xi32, #tpu.memory_space<vmem>> -> memref<1x80xi32, #tpu.memory_space<vmem>>
    %dma_start3A_78 = tpu.memref_squeeze %dma_start3A_77 : memref<1x80xi32, #tpu.memory_space<vmem>> -> memref<80xi32, #tpu.memory_space<vmem>>
    %dma_start3A_79 = arith.constant 0 : i32
    %dma_start3A_80 = arith.constant 0 : i32
    %dma_start3A_81 = tpu.memref_slice %arg2[%dma_start3A_79, %dma_start3A_80] : memref<10000x128xf32, #tpu.memory_space<hbm>> -> memref<10000x128xf32, #tpu.memory_space<hbm>>
    tpu.enqueue_indirect_dma source(%dma_start3A_81 : memref<10000x128xf32, #tpu.memory_space<hbm>>) target(%arg8 : memref<80x128xf32, #tpu.memory_space<vmem>>) offsets(%dma_start3A_78 : memref<80xi32, #tpu.memory_space<vmem>>) semaphore(%arg13 : memref<!tpu.dma_semaphore, #tpu.memory_space<semaphore_mem>>)
    %mul3A_82 = arith.constant 10000 : i32
    %mul3A_83 = arith.muli %add3A, %mul3A_82 : i32
    %add3A_84 = arith.constant 160 : i32
    %add3A_85 = arith.addi %mul3A_83, %add3A_84 : i32
    %dma_start3A_86 = arith.constant 0 : i32
    %dma_start3A_87 = tpu.memref_slice %arg3[%add3A_85, %dma_start3A_86] : memref<320000x128xf32, #tpu.memory_space<hbm>> -> memref<80x128xf32, #tpu.memory_space<hbm>>
    %dma_start3A_88 = arith.constant 0 : i32
    %dma_start3A_89 = tpu.memref_slice %arg3[%add3A_85, %dma_start3A_88] : memref<320000x128xf32, #tpu.memory_space<hbm>> -> memref<80x128xf32, #tpu.memory_space<hbm>>
    tpu.enqueue_dma source(%dma_start3A_89 : memref<80x128xf32, #tpu.memory_space<hbm>>) target(%arg10 : memref<80x128xf32, #tpu.memory_space<vmem>>) target_semaphore(%arg15 : memref<!tpu.dma_semaphore, #tpu.memory_space<semaphore_mem>>)
    %dma_wait3A_90 = arith.constant 1 : i32
    %dma_wait3A_91 = arith.constant 0 : i32
    %dma_wait3A_92 = tpu.memref_slice %arg6[%dma_wait3A_90, %dma_wait3A_91] : memref<25x80xi32, #tpu.memory_space<vmem>> -> memref<1x80xi32, #tpu.memory_space<vmem>>
    %dma_wait3A_93 = tpu.memref_squeeze %dma_wait3A_92 : memref<1x80xi32, #tpu.memory_space<vmem>> -> memref<80xi32, #tpu.memory_space<vmem>>
    %dma_wait3A_94 = arith.constant 0 : i32
    %dma_wait3A_95 = arith.constant 0 : i32
    %dma_wait3A_96 = tpu.memref_slice %arg2[%dma_wait3A_94, %dma_wait3A_95] : memref<10000x128xf32, #tpu.memory_space<hbm>> -> memref<10000x128xf32, #tpu.memory_space<hbm>>
    tpu.wait_indirect_dma semaphore(%arg14 : memref<!tpu.dma_semaphore, #tpu.memory_space<semaphore_mem>>) src(%dma_wait3A_96 : memref<10000x128xf32, #tpu.memory_space<hbm>>) dst(%arg9 : memref<80x128xf32, #tpu.memory_space<vmem>>)
    %mul3A_97 = arith.constant 10000 : i32
    %mul3A_98 = arith.muli %add3A, %mul3A_97 : i32
    %add3A_99 = arith.constant 80 : i32
    %add3A_100 = arith.addi %mul3A_98, %add3A_99 : i32
    %dma_wait3A_101 = arith.constant 0 : i32
    %dma_wait3A_102 = tpu.memref_slice %arg3[%add3A_100, %dma_wait3A_101] : memref<320000x128xf32, #tpu.memory_space<hbm>> -> memref<80x128xf32, #tpu.memory_space<hbm>>
    %dma_wait3A_103 = arith.constant 0 : i32
    %dma_wait3A_104 = tpu.memref_slice %arg3[%add3A_100, %dma_wait3A_103] : memref<320000x128xf32, #tpu.memory_space<hbm>> -> memref<80x128xf32, #tpu.memory_space<hbm>>
    tpu.wait_dma2 semaphore(%arg16 : memref<!tpu.dma_semaphore, #tpu.memory_space<semaphore_mem>>) src(%dma_wait3A_104 : memref<80x128xf32, #tpu.memory_space<hbm>>) dst(%arg11 : memref<80x128xf32, #tpu.memory_space<vmem>>)
    %parallel_loop3A_105 = arith.constant 0 : i32
    %parallel_loop3A_106 = arith.constant 80 : i32
    %parallel_loop3A_107 = arith.constant 1 : i32
    scf.for %parallel_loop3A_173 = %parallel_loop3A_105 to %parallel_loop3A_106 step %parallel_loop3A_107  : i32 {
      %parallel_loop3A_174 = arith.index_cast %parallel_loop3A_173 : i32 to index
      %parallel_loop3A_175 = arith.constant 0 : index
      %parallel_loop3A_176 = tpu.vector_load %arg9[%parallel_loop3A_174, %parallel_loop3A_175] {strides = array<i32>} : memref<80x128xf32, #tpu.memory_space<vmem>>, vector<1x16xf32>,
      %parallel_loop3A_177 = vector.shape_cast %parallel_loop3A_176 : vector<1x16xf32> to vector<16xf32>
      %parallel_loop3A_178 = arith.index_cast %parallel_loop3A_173 : i32 to index
      %parallel_loop3A_179 = arith.constant 0 : index
      %parallel_loop3A_180 = tpu.vector_load %arg11[%parallel_loop3A_178, %parallel_loop3A_179] {strides = array<i32>} : memref<80x128xf32, #tpu.memory_space<vmem>>, vector<1x16xf32>,
      %parallel_loop3A_181 = vector.shape_cast %parallel_loop3A_180 : vector<1x16xf32> to vector<16xf32>
      %parallel_loop3A_182 = arith.mulf %parallel_loop3A_177, %parallel_loop3A_181 : vector<16xf32>
      %parallel_loop3A_183 = arith.index_cast %parallel_loop3A_173 : i32 to index
      %parallel_loop3A_184 = arith.constant 0 : index
      %parallel_loop3A_185 = tpu.vector_load %arg9[%parallel_loop3A_183, %parallel_loop3A_184] {strides = array<i32>} : memref<80x128xf32, #tpu.memory_space<vmem>>, vector<1x16xf32>,
      %parallel_loop3A_186 = vector.shape_cast %parallel_loop3A_185 : vector<1x16xf32> to vector<16xf32>
      %parallel_loop3A_187 = vector.shape_cast %parallel_loop3A_182 : vector<16xf32> to vector<1x16xf32>
      tpu.vector_store %arg9[%parallel_loop3A_183, %parallel_loop3A_184], %parallel_loop3A_187 {strides = array<i32>} : memref<80x128xf32, #tpu.memory_space<vmem>>, vector<1x16xf32>,
      %parallel_loop3A_188 = arith.index_cast %parallel_loop3A_173 : i32 to index
      %parallel_loop3A_189 = arith.constant 16 : index
      %parallel_loop3A_190 = tpu.vector_load %arg9[%parallel_loop3A_188, %parallel_loop3A_189] {strides = array<i32>} : memref<80x128xf32, #tpu.memory_space<vmem>>, vector<1x16xf32>,
      %parallel_loop3A_191 = vector.shape_cast %parallel_loop3A_190 : vector<1x16xf32> to vector<16xf32>
      %parallel_loop3A_192 = arith.index_cast %parallel_loop3A_173 : i32 to index
      %parallel_loop3A_193 = arith.constant 16 : index
      %parallel_loop3A_194 = tpu.vector_load %arg11[%parallel_loop3A_192, %parallel_loop3A_193] {strides = array<i32>} : memref<80x128xf32, #tpu.memory_space<vmem>>, vector<1x16xf32>,
      %parallel_loop3A_195 = vector.shape_cast %parallel_loop3A_194 : vector<1x16xf32> to vector<16xf32>
      %parallel_loop3A_196 = arith.mulf %parallel_loop3A_191, %parallel_loop3A_195 : vector<16xf32>
      %parallel_loop3A_197 = arith.index_cast %parallel_loop3A_173 : i32 to index
      %parallel_loop3A_198 = arith.constant 16 : index
      %parallel_loop3A_199 = tpu.vector_load %arg9[%parallel_loop3A_197, %parallel_loop3A_198] {strides = array<i32>} : memref<80x128xf32, #tpu.memory_space<vmem>>, vector<1x16xf32>,
      %parallel_loop3A_200 = vector.shape_cast %parallel_loop3A_199 : vector<1x16xf32> to vector<16xf32>
      %parallel_loop3A_201 = vector.shape_cast %parallel_loop3A_196 : vector<16xf32> to vector<1x16xf32>
      tpu.vector_store %arg9[%parallel_loop3A_197, %parallel_loop3A_198], %parallel_loop3A_201 {strides = array<i32>} : memref<80x128xf32, #tpu.memory_space<vmem>>, vector<1x16xf32>,
      %parallel_loop3A_202 = arith.index_cast %parallel_loop3A_173 : i32 to index
      %parallel_loop3A_203 = arith.constant 32 : index
      %parallel_loop3A_204 = tpu.vector_load %arg9[%parallel_loop3A_202, %parallel_loop3A_203] {strides = array<i32>} : memref<80x128xf32, #tpu.memory_space<vmem>>, vector<1x16xf32>,
      %parallel_loop3A_205 = vector.shape_cast %parallel_loop3A_204 : vector<1x16xf32> to vector<16xf32>
      %parallel_loop3A_206 = arith.index_cast %parallel_loop3A_173 : i32 to index
      %parallel_loop3A_207 = arith.constant 32 : index
      %parallel_loop3A_208 = tpu.vector_load %arg11[%parallel_loop3A_206, %parallel_loop3A_207] {strides = array<i32>} : memref<80x128xf32, #tpu.memory_space<vmem>>, vector<1x16xf32>,
      %parallel_loop3A_209 = vector.shape_cast %parallel_loop3A_208 : vector<1x16xf32> to vector<16xf32>
      %parallel_loop3A_210 = arith.mulf %parallel_loop3A_205, %parallel_loop3A_209 : vector<16xf32>
      %parallel_loop3A_211 = arith.index_cast %parallel_loop3A_173 : i32 to index
      %parallel_loop3A_212 = arith.constant 32 : index
      %parallel_loop3A_213 = tpu.vector_load %arg9[%parallel_loop3A_211, %parallel_loop3A_212] {strides = array<i32>} : memref<80x128xf32, #tpu.memory_space<vmem>>, vector<1x16xf32>,
      %parallel_loop3A_214 = vector.shape_cast %parallel_loop3A_213 : vector<1x16xf32> to vector<16xf32>
      %parallel_loop3A_215 = vector.shape_cast %parallel_loop3A_210 : vector<16xf32> to vector<1x16xf32>
      tpu.vector_store %arg9[%parallel_loop3A_211, %parallel_loop3A_212], %parallel_loop3A_215 {strides = array<i32>} : memref<80x128xf32, #tpu.memory_space<vmem>>, vector<1x16xf32>,
      %parallel_loop3A_216 = arith.index_cast %parallel_loop3A_173 : i32 to index
      %parallel_loop3A_217 = arith.constant 48 : index
      %parallel_loop3A_218 = tpu.vector_load %arg9[%parallel_loop3A_216, %parallel_loop3A_217] {strides = array<i32>} : memref<80x128xf32, #tpu.memory_space<vmem>>, vector<1x16xf32>,
      %parallel_loop3A_219 = vector.shape_cast %parallel_loop3A_218 : vector<1x16xf32> to vector<16xf32>
      %parallel_loop3A_220 = arith.index_cast %parallel_loop3A_173 : i32 to index
      %parallel_loop3A_221 = arith.constant 48 : index
      %parallel_loop3A_222 = tpu.vector_load %arg11[%parallel_loop3A_220, %parallel_loop3A_221] {strides = array<i32>} : memref<80x128xf32, #tpu.memory_space<vmem>>, vector<1x16xf32>,
      %parallel_loop3A_223 = vector.shape_cast %parallel_loop3A_222 : vector<1x16xf32> to vector<16xf32>
      %parallel_loop3A_224 = arith.mulf %parallel_loop3A_219, %parallel_loop3A_223 : vector<16xf32>
      %parallel_loop3A_225 = arith.index_cast %parallel_loop3A_173 : i32 to index
      %parallel_loop3A_226 = arith.constant 48 : index
      %parallel_loop3A_227 = tpu.vector_load %arg9[%parallel_loop3A_225, %parallel_loop3A_226] {strides = array<i32>} : memref<80x128xf32, #tpu.memory_space<vmem>>, vector<1x16xf32>,
      %parallel_loop3A_228 = vector.shape_cast %parallel_loop3A_227 : vector<1x16xf32> to vector<16xf32>
      %parallel_loop3A_229 = vector.shape_cast %parallel_loop3A_224 : vector<16xf32> to vector<1x16xf32>
      tpu.vector_store %arg9[%parallel_loop3A_225, %parallel_loop3A_226], %parallel_loop3A_229 {strides = array<i32>} : memref<80x128xf32, #tpu.memory_space<vmem>>, vector<1x16xf32>,
      %parallel_loop3A_230 = arith.index_cast %parallel_loop3A_173 : i32 to index
      %parallel_loop3A_231 = arith.constant 64 : index
      %parallel_loop3A_232 = tpu.vector_load %arg9[%parallel_loop3A_230, %parallel_loop3A_231] {strides = array<i32>} : memref<80x128xf32, #tpu.memory_space<vmem>>, vector<1x16xf32>,
      %parallel_loop3A_233 = vector.shape_cast %parallel_loop3A_232 : vector<1x16xf32> to vector<16xf32>
      %parallel_loop3A_234 = arith.index_cast %parallel_loop3A_173 : i32 to index
      %parallel_loop3A_235 = arith.constant 64 : index
      %parallel_loop3A_236 = tpu.vector_load %arg11[%parallel_loop3A_234, %parallel_loop3A_235] {strides = array<i32>} : memref<80x128xf32, #tpu.memory_space<vmem>>, vector<1x16xf32>,
      %parallel_loop3A_237 = vector.shape_cast %parallel_loop3A_236 : vector<1x16xf32> to vector<16xf32>
      %parallel_loop3A_238 = arith.mulf %parallel_loop3A_233, %parallel_loop3A_237 : vector<16xf32>
      %parallel_loop3A_239 = arith.index_cast %parallel_loop3A_173 : i32 to index
      %parallel_loop3A_240 = arith.constant 64 : index
      %parallel_loop3A_241 = tpu.vector_load %arg9[%parallel_loop3A_239, %parallel_loop3A_240] {strides = array<i32>} : memref<80x128xf32, #tpu.memory_space<vmem>>, vector<1x16xf32>,
      %parallel_loop3A_242 = vector.shape_cast %parallel_loop3A_241 : vector<1x16xf32> to vector<16xf32>
      %parallel_loop3A_243 = vector.shape_cast %parallel_loop3A_238 : vector<16xf32> to vector<1x16xf32>
      tpu.vector_store %arg9[%parallel_loop3A_239, %parallel_loop3A_240], %parallel_loop3A_243 {strides = array<i32>} : memref<80x128xf32, #tpu.memory_space<vmem>>, vector<1x16xf32>,
      %parallel_loop3A_244 = arith.index_cast %parallel_loop3A_173 : i32 to index
      %parallel_loop3A_245 = arith.constant 80 : index
      %parallel_loop3A_246 = tpu.vector_load %arg9[%parallel_loop3A_244, %parallel_loop3A_245] {strides = array<i32>} : memref<80x128xf32, #tpu.memory_space<vmem>>, vector<1x16xf32>,
      %parallel_loop3A_247 = vector.shape_cast %parallel_loop3A_246 : vector<1x16xf32> to vector<16xf32>
      %parallel_loop3A_248 = arith.index_cast %parallel_loop3A_173 : i32 to index
      %parallel_loop3A_249 = arith.constant 80 : index
      %parallel_loop3A_250 = tpu.vector_load %arg11[%parallel_loop3A_248, %parallel_loop3A_249] {strides = array<i32>} : memref<80x128xf32, #tpu.memory_space<vmem>>, vector<1x16xf32>,
      %parallel_loop3A_251 = vector.shape_cast %parallel_loop3A_250 : vector<1x16xf32> to vector<16xf32>
      %parallel_loop3A_252 = arith.mulf %parallel_loop3A_247, %parallel_loop3A_251 : vector<16xf32>
      %parallel_loop3A_253 = arith.index_cast %parallel_loop3A_173 : i32 to index
      %parallel_loop3A_254 = arith.constant 80 : index
      %parallel_loop3A_255 = tpu.vector_load %arg9[%parallel_loop3A_253, %parallel_loop3A_254] {strides = array<i32>} : memref<80x128xf32, #tpu.memory_space<vmem>>, vector<1x16xf32>,
      %parallel_loop3A_256 = vector.shape_cast %parallel_loop3A_255 : vector<1x16xf32> to vector<16xf32>
      %parallel_loop3A_257 = vector.shape_cast %parallel_loop3A_252 : vector<16xf32> to vector<1x16xf32>
      tpu.vector_store %arg9[%parallel_loop3A_253, %parallel_loop3A_254], %parallel_loop3A_257 {strides = array<i32>} : memref<80x128xf32, #tpu.memory_space<vmem>>, vector<1x16xf32>,
      %parallel_loop3A_258 = arith.index_cast %parallel_loop3A_173 : i32 to index
      %parallel_loop3A_259 = arith.constant 96 : index
      %parallel_loop3A_260 = tpu.vector_load %arg9[%parallel_loop3A_258, %parallel_loop3A_259] {strides = array<i32>} : memref<80x128xf32, #tpu.memory_space<vmem>>, vector<1x16xf32>,
      %parallel_loop3A_261 = vector.shape_cast %parallel_loop3A_260 : vector<1x16xf32> to vector<16xf32>
      %parallel_loop3A_262 = arith.index_cast %parallel_loop3A_173 : i32 to index
      %parallel_loop3A_263 = arith.constant 96 : index
      %parallel_loop3A_264 = tpu.vector_load %arg11[%parallel_loop3A_262, %parallel_loop3A_263] {strides = array<i32>} : memref<80x128xf32, #tpu.memory_space<vmem>>, vector<1x16xf32>,
      %parallel_loop3A_265 = vector.shape_cast %parallel_loop3A_264 : vector<1x16xf32> to vector<16xf32>
      %parallel_loop3A_266 = arith.mulf %parallel_loop3A_261, %parallel_loop3A_265 : vector<16xf32>
      %parallel_loop3A_267 = arith.index_cast %parallel_loop3A_173 : i32 to index
      %parallel_loop3A_268 = arith.constant 96 : index
      %parallel_loop3A_269 = tpu.vector_load %arg9[%parallel_loop3A_267, %parallel_loop3A_268] {strides = array<i32>} : memref<80x128xf32, #tpu.memory_space<vmem>>, vector<1x16xf32>,
      %parallel_loop3A_270 = vector.shape_cast %parallel_loop3A_269 : vector<1x16xf32> to vector<16xf32>
      %parallel_loop3A_271 = vector.shape_cast %parallel_loop3A_266 : vector<16xf32> to vector<1x16xf32>
      tpu.vector_store %arg9[%parallel_loop3A_267, %parallel_loop3A_268], %parallel_loop3A_271 {strides = array<i32>} : memref<80x128xf32, #tpu.memory_space<vmem>>, vector<1x16xf32>,
      %parallel_loop3A_272 = arith.index_cast %parallel_loop3A_173 : i32 to index
      %parallel_loop3A_273 = arith.constant 112 : index
      %parallel_loop3A_274 = tpu.vector_load %arg9[%parallel_loop3A_272, %parallel_loop3A_273] {strides = array<i32>} : memref<80x128xf32, #tpu.memory_space<vmem>>, vector<1x16xf32>,
      %parallel_loop3A_275 = vector.shape_cast %parallel_loop3A_274 : vector<1x16xf32> to vector<16xf32>
      %parallel_loop3A_276 = arith.index_cast %parallel_loop3A_173 : i32 to index
      %parallel_loop3A_277 = arith.constant 112 : index
      %parallel_loop3A_278 = tpu.vector_load %arg11[%parallel_loop3A_276, %parallel_loop3A_277] {strides = array<i32>} : memref<80x128xf32, #tpu.memory_space<vmem>>, vector<1x16xf32>,
      %parallel_loop3A_279 = vector.shape_cast %parallel_loop3A_278 : vector<1x16xf32> to vector<16xf32>
      %parallel_loop3A_280 = arith.mulf %parallel_loop3A_275, %parallel_loop3A_279 : vector<16xf32>
      %parallel_loop3A_281 = arith.index_cast %parallel_loop3A_173 : i32 to index
      %parallel_loop3A_282 = arith.constant 112 : index
      %parallel_loop3A_283 = tpu.vector_load %arg9[%parallel_loop3A_281, %parallel_loop3A_282] {strides = array<i32>} : memref<80x128xf32, #tpu.memory_space<vmem>>, vector<1x16xf32>,
      %parallel_loop3A_284 = vector.shape_cast %parallel_loop3A_283 : vector<1x16xf32> to vector<16xf32>
      %parallel_loop3A_285 = vector.shape_cast %parallel_loop3A_280 : vector<16xf32> to vector<1x16xf32>
      tpu.vector_store %arg9[%parallel_loop3A_281, %parallel_loop3A_282], %parallel_loop3A_285 {strides = array<i32>} : memref<80x128xf32, #tpu.memory_space<vmem>>, vector<1x16xf32>,
    } {sc.loop_unroll_factor = 8 : i64, sc.parallel_access}
    %dma_start3A_108 = arith.constant 1 : i32
    %dma_start3A_109 = arith.constant 0 : i32
    %dma_start3A_110 = tpu.memref_slice %arg7[%dma_start3A_108, %dma_start3A_109] : memref<25x80xi32, #tpu.memory_space<vmem>> -> memref<1x80xi32, #tpu.memory_space<vmem>>
    %dma_start3A_111 = tpu.memref_squeeze %dma_start3A_110 : memref<1x80xi32, #tpu.memory_space<vmem>> -> memref<80xi32, #tpu.memory_space<vmem>>
    %dma_start3A_112 = arith.constant 0 : i32
    %dma_start3A_113 = arith.constant 0 : i32
    %dma_start3A_114 = tpu.memref_slice %arg12[%dma_start3A_112, %dma_start3A_113] : memref<10000x128xf32, #tpu.memory_space<vmem_shared>> -> memref<10000x128xf32, #tpu.memory_space<vmem_shared>>
    tpu.enqueue_indirect_dma source(%arg9 : memref<80x128xf32, #tpu.memory_space<vmem>>) target(%dma_start3A_114 : memref<10000x128xf32, #tpu.memory_space<vmem_shared>>) offsets(%dma_start3A_111 : memref<80xi32, #tpu.memory_space<vmem>>) semaphore(%arg18 : memref<!tpu.dma_semaphore, #tpu.memory_space<semaphore_mem>>) {add = true}
    %scan3A_115 = arith.constant 0 : i32
    %scan3A_116 = arith.constant 1 : i32
    %scan3A_117 = arith.constant 11 : i32
    %scan3A_118 = arith.addi %scan3A_116, %scan3A_117 : i32
    %scan3A_119 = arith.constant 1 : i32
    scf.for %scan3A_173 = %scan3A_116 to %scan3A_118 step %scan3A_119  : i32 {
      %mul3A_174 = arith.constant 2 : i32
      %mul3A_175 = arith.muli %mul3A_174, %scan3A_173 : i32
      %add3A_176 = arith.constant 0 : i32
      %add3A_177 = arith.addi %add3A_176, %mul3A_175 : i32
      %mul3A_178 = arith.constant 2 : i32
      %mul3A_179 = arith.muli %mul3A_178, %scan3A_173 : i32
      %add3A_180 = arith.constant 1 : i32
      %add3A_181 = arith.addi %add3A_177, %add3A_180 : i32
      %add3A_182 = arith.constant 1 : i32
      %add3A_183 = arith.addi %mul3A_179, %add3A_182 : i32
      %dma_wait3A_184 = arith.constant 0 : i32
      %dma_wait3A_185 = tpu.memref_slice %arg7[%add3A_183, %dma_wait3A_184] : memref<25x80xi32, #tpu.memory_space<vmem>> -> memref<1x80xi32, #tpu.memory_space<vmem>>
      %dma_wait3A_186 = tpu.memref_squeeze %dma_wait3A_185 : memref<1x80xi32, #tpu.memory_space<vmem>> -> memref<80xi32, #tpu.memory_space<vmem>>
      %dma_wait3A_187 = arith.constant 0 : i32
      %dma_wait3A_188 = arith.constant 0 : i32
      %dma_wait3A_189 = tpu.memref_slice %arg12[%dma_wait3A_187, %dma_wait3A_188] : memref<10000x128xf32, #tpu.memory_space<vmem_shared>> -> memref<10000x128xf32, #tpu.memory_space<vmem_shared>>
      tpu.wait_indirect_dma semaphore(%arg18 : memref<!tpu.dma_semaphore, #tpu.memory_space<semaphore_mem>>) src(%arg9 : memref<80x128xf32, #tpu.memory_space<vmem>>) dst(%dma_wait3A_189 : memref<10000x128xf32, #tpu.memory_space<vmem_shared>>)
      %dma_start3A_190 = arith.constant 0 : i32
      %dma_start3A_191 = tpu.memref_slice %arg6[%add3A_183, %dma_start3A_190] : memref<25x80xi32, #tpu.memory_space<vmem>> -> memref<1x80xi32, #tpu.memory_space<vmem>>
      %dma_start3A_192 = tpu.memref_squeeze %dma_start3A_191 : memref<1x80xi32, #tpu.memory_space<vmem>> -> memref<80xi32, #tpu.memory_space<vmem>>
      %dma_start3A_193 = arith.constant 0 : i32
      %dma_start3A_194 = arith.constant 0 : i32
      %dma_start3A_195 = tpu.memref_slice %arg2[%dma_start3A_193, %dma_start3A_194] : memref<10000x128xf32, #tpu.memory_space<hbm>> -> memref<10000x128xf32, #tpu.memory_space<hbm>>
      tpu.enqueue_indirect_dma source(%dma_start3A_195 : memref<10000x128xf32, #tpu.memory_space<hbm>>) target(%arg9 : memref<80x128xf32, #tpu.memory_space<vmem>>) offsets(%dma_start3A_192 : memref<80xi32, #tpu.memory_space<vmem>>) semaphore(%arg14 : memref<!tpu.dma_semaphore, #tpu.memory_space<semaphore_mem>>)
      %mul3A_196 = arith.constant 10000 : i32
      %mul3A_197 = arith.muli %add3A, %mul3A_196 : i32
      %mul3A_198 = arith.constant 80 : i32
      %mul3A_199 = arith.muli %add3A_181, %mul3A_198 : i32
      %add3A_200 = arith.addi %mul3A_197, %mul3A_199 : i32
      %dma_start3A_201 = arith.constant 0 : i32
      %dma_start3A_202 = tpu.memref_slice %arg3[%add3A_200, %dma_start3A_201] : memref<320000x128xf32, #tpu.memory_space<hbm>> -> memref<80x128xf32, #tpu.memory_space<hbm>>
      %dma_start3A_203 = arith.constant 0 : i32
      %dma_start3A_204 = tpu.memref_slice %arg3[%add3A_200, %dma_start3A_203] : memref<320000x128xf32, #tpu.memory_space<hbm>> -> memref<80x128xf32, #tpu.memory_space<hbm>>
      tpu.enqueue_dma source(%dma_start3A_204 : memref<80x128xf32, #tpu.memory_space<hbm>>) target(%arg11 : memref<80x128xf32, #tpu.memory_space<vmem>>) target_semaphore(%arg16 : memref<!tpu.dma_semaphore, #tpu.memory_space<semaphore_mem>>)
      %dma_wait3A_205 = arith.constant 0 : i32
      %dma_wait3A_206 = tpu.memref_slice %arg6[%mul3A_179, %dma_wait3A_205] : memref<25x80xi32, #tpu.memory_space<vmem>> -> memref<1x80xi32, #tpu.memory_space<vmem>>
      %dma_wait3A_207 = tpu.memref_squeeze %dma_wait3A_206 : memref<1x80xi32, #tpu.memory_space<vmem>> -> memref<80xi32, #tpu.memory_space<vmem>>
      %dma_wait3A_208 = arith.constant 0 : i32
      %dma_wait3A_209 = arith.constant 0 : i32
      %dma_wait3A_210 = tpu.memref_slice %arg2[%dma_wait3A_208, %dma_wait3A_209] : memref<10000x128xf32, #tpu.memory_space<hbm>> -> memref<10000x128xf32, #tpu.memory_space<hbm>>
      tpu.wait_indirect_dma semaphore(%arg13 : memref<!tpu.dma_semaphore, #tpu.memory_space<semaphore_mem>>) src(%dma_wait3A_210 : memref<10000x128xf32, #tpu.memory_space<hbm>>) dst(%arg8 : memref<80x128xf32, #tpu.memory_space<vmem>>)
      %mul3A_211 = arith.constant 10000 : i32
      %mul3A_212 = arith.muli %add3A, %mul3A_211 : i32
      %mul3A_213 = arith.constant 80 : i32
      %mul3A_214 = arith.muli %add3A_177, %mul3A_213 : i32
      %add3A_215 = arith.addi %mul3A_212, %mul3A_214 : i32
      %dma_wait3A_216 = arith.constant 0 : i32
      %dma_wait3A_217 = tpu.memref_slice %arg3[%add3A_215, %dma_wait3A_216] : memref<320000x128xf32, #tpu.memory_space<hbm>> -> memref<80x128xf32, #tpu.memory_space<hbm>>
      %dma_wait3A_218 = arith.constant 0 : i32
      %dma_wait3A_219 = tpu.memref_slice %arg3[%add3A_215, %dma_wait3A_218] : memref<320000x128xf32, #tpu.memory_space<hbm>> -> memref<80x128xf32, #tpu.memory_space<hbm>>
      tpu.wait_dma2 semaphore(%arg15 : memref<!tpu.dma_semaphore, #tpu.memory_space<semaphore_mem>>) src(%dma_wait3A_219 : memref<80x128xf32, #tpu.memory_space<hbm>>) dst(%arg10 : memref<80x128xf32, #tpu.memory_space<vmem>>)
      %parallel_loop3A_220 = arith.constant 0 : i32
      %parallel_loop3A_221 = arith.constant 80 : i32
      %parallel_loop3A_222 = arith.constant 1 : i32
      scf.for %parallel_loop3A_282 = %parallel_loop3A_220 to %parallel_loop3A_221 step %parallel_loop3A_222  : i32 {
        %parallel_loop3A_283 = arith.index_cast %parallel_loop3A_282 : i32 to index
        %parallel_loop3A_284 = arith.constant 0 : index
        %parallel_loop3A_285 = tpu.vector_load %arg8[%parallel_loop3A_283, %parallel_loop3A_284] {strides = array<i32>} : memref<80x128xf32, #tpu.memory_space<vmem>>, vector<1x16xf32>,
        %parallel_loop3A_286 = vector.shape_cast %parallel_loop3A_285 : vector<1x16xf32> to vector<16xf32>
        %parallel_loop3A_287 = arith.index_cast %parallel_loop3A_282 : i32 to index
        %parallel_loop3A_288 = arith.constant 0 : index
        %parallel_loop3A_289 = tpu.vector_load %arg10[%parallel_loop3A_287, %parallel_loop3A_288] {strides = array<i32>} : memref<80x128xf32, #tpu.memory_space<vmem>>, vector<1x16xf32>,
        %parallel_loop3A_290 = vector.shape_cast %parallel_loop3A_289 : vector<1x16xf32> to vector<16xf32>
        %parallel_loop3A_291 = arith.mulf %parallel_loop3A_286, %parallel_loop3A_290 : vector<16xf32>
        %parallel_loop3A_292 = arith.index_cast %parallel_loop3A_282 : i32 to index
        %parallel_loop3A_293 = arith.constant 0 : index
        %parallel_loop3A_294 = tpu.vector_load %arg8[%parallel_loop3A_292, %parallel_loop3A_293] {strides = array<i32>} : memref<80x128xf32, #tpu.memory_space<vmem>>, vector<1x16xf32>,
        %parallel_loop3A_295 = vector.shape_cast %parallel_loop3A_294 : vector<1x16xf32> to vector<16xf32>
        %parallel_loop3A_296 = vector.shape_cast %parallel_loop3A_291 : vector<16xf32> to vector<1x16xf32>
        tpu.vector_store %arg8[%parallel_loop3A_292, %parallel_loop3A_293], %parallel_loop3A_296 {strides = array<i32>} : memref<80x128xf32, #tpu.memory_space<vmem>>, vector<1x16xf32>,
        %parallel_loop3A_297 = arith.index_cast %parallel_loop3A_282 : i32 to index
        %parallel_loop3A_298 = arith.constant 16 : index
        %parallel_loop3A_299 = tpu.vector_load %arg8[%parallel_loop3A_297, %parallel_loop3A_298] {strides = array<i32>} : memref<80x128xf32, #tpu.memory_space<vmem>>, vector<1x16xf32>,
        %parallel_loop3A_300 = vector.shape_cast %parallel_loop3A_299 : vector<1x16xf32> to vector<16xf32>
        %parallel_loop3A_301 = arith.index_cast %parallel_loop3A_282 : i32 to index
        %parallel_loop3A_302 = arith.constant 16 : index
        %parallel_loop3A_303 = tpu.vector_load %arg10[%parallel_loop3A_301, %parallel_loop3A_302] {strides = array<i32>} : memref<80x128xf32, #tpu.memory_space<vmem>>, vector<1x16xf32>,
        %parallel_loop3A_304 = vector.shape_cast %parallel_loop3A_303 : vector<1x16xf32> to vector<16xf32>
        %parallel_loop3A_305 = arith.mulf %parallel_loop3A_300, %parallel_loop3A_304 : vector<16xf32>
        %parallel_loop3A_306 = arith.index_cast %parallel_loop3A_282 : i32 to index
        %parallel_loop3A_307 = arith.constant 16 : index
        %parallel_loop3A_308 = tpu.vector_load %arg8[%parallel_loop3A_306, %parallel_loop3A_307] {strides = array<i32>} : memref<80x128xf32, #tpu.memory_space<vmem>>, vector<1x16xf32>,
        %parallel_loop3A_309 = vector.shape_cast %parallel_loop3A_308 : vector<1x16xf32> to vector<16xf32>
        %parallel_loop3A_310 = vector.shape_cast %parallel_loop3A_305 : vector<16xf32> to vector<1x16xf32>
        tpu.vector_store %arg8[%parallel_loop3A_306, %parallel_loop3A_307], %parallel_loop3A_310 {strides = array<i32>} : memref<80x128xf32, #tpu.memory_space<vmem>>, vector<1x16xf32>,
        %parallel_loop3A_311 = arith.index_cast %parallel_loop3A_282 : i32 to index
        %parallel_loop3A_312 = arith.constant 32 : index
        %parallel_loop3A_313 = tpu.vector_load %arg8[%parallel_loop3A_311, %parallel_loop3A_312] {strides = array<i32>} : memref<80x128xf32, #tpu.memory_space<vmem>>, vector<1x16xf32>,
        %parallel_loop3A_314 = vector.shape_cast %parallel_loop3A_313 : vector<1x16xf32> to vector<16xf32>
        %parallel_loop3A_315 = arith.index_cast %parallel_loop3A_282 : i32 to index
        %parallel_loop3A_316 = arith.constant 32 : index
        %parallel_loop3A_317 = tpu.vector_load %arg10[%parallel_loop3A_315, %parallel_loop3A_316] {strides = array<i32>} : memref<80x128xf32, #tpu.memory_space<vmem>>, vector<1x16xf32>,
        %parallel_loop3A_318 = vector.shape_cast %parallel_loop3A_317 : vector<1x16xf32> to vector<16xf32>
        %parallel_loop3A_319 = arith.mulf %parallel_loop3A_314, %parallel_loop3A_318 : vector<16xf32>
        %parallel_loop3A_320 = arith.index_cast %parallel_loop3A_282 : i32 to index
        %parallel_loop3A_321 = arith.constant 32 : index
        %parallel_loop3A_322 = tpu.vector_load %arg8[%parallel_loop3A_320, %parallel_loop3A_321] {strides = array<i32>} : memref<80x128xf32, #tpu.memory_space<vmem>>, vector<1x16xf32>,
        %parallel_loop3A_323 = vector.shape_cast %parallel_loop3A_322 : vector<1x16xf32> to vector<16xf32>
        %parallel_loop3A_324 = vector.shape_cast %parallel_loop3A_319 : vector<16xf32> to vector<1x16xf32>
        tpu.vector_store %arg8[%parallel_loop3A_320, %parallel_loop3A_321], %parallel_loop3A_324 {strides = array<i32>} : memref<80x128xf32, #tpu.memory_space<vmem>>, vector<1x16xf32>,
        %parallel_loop3A_325 = arith.index_cast %parallel_loop3A_282 : i32 to index
        %parallel_loop3A_326 = arith.constant 48 : index
        %parallel_loop3A_327 = tpu.vector_load %arg8[%parallel_loop3A_325, %parallel_loop3A_326] {strides = array<i32>} : memref<80x128xf32, #tpu.memory_space<vmem>>, vector<1x16xf32>,
        %parallel_loop3A_328 = vector.shape_cast %parallel_loop3A_327 : vector<1x16xf32> to vector<16xf32>
        %parallel_loop3A_329 = arith.index_cast %parallel_loop3A_282 : i32 to index
        %parallel_loop3A_330 = arith.constant 48 : index
        %parallel_loop3A_331 = tpu.vector_load %arg10[%parallel_loop3A_329, %parallel_loop3A_330] {strides = array<i32>} : memref<80x128xf32, #tpu.memory_space<vmem>>, vector<1x16xf32>,
        %parallel_loop3A_332 = vector.shape_cast %parallel_loop3A_331 : vector<1x16xf32> to vector<16xf32>
        %parallel_loop3A_333 = arith.mulf %parallel_loop3A_328, %parallel_loop3A_332 : vector<16xf32>
        %parallel_loop3A_334 = arith.index_cast %parallel_loop3A_282 : i32 to index
        %parallel_loop3A_335 = arith.constant 48 : index
        %parallel_loop3A_336 = tpu.vector_load %arg8[%parallel_loop3A_334, %parallel_loop3A_335] {strides = array<i32>} : memref<80x128xf32, #tpu.memory_space<vmem>>, vector<1x16xf32>,
        %parallel_loop3A_337 = vector.shape_cast %parallel_loop3A_336 : vector<1x16xf32> to vector<16xf32>
        %parallel_loop3A_338 = vector.shape_cast %parallel_loop3A_333 : vector<16xf32> to vector<1x16xf32>
        tpu.vector_store %arg8[%parallel_loop3A_334, %parallel_loop3A_335], %parallel_loop3A_338 {strides = array<i32>} : memref<80x128xf32, #tpu.memory_space<vmem>>, vector<1x16xf32>,
        %parallel_loop3A_339 = arith.index_cast %parallel_loop3A_282 : i32 to index
        %parallel_loop3A_340 = arith.constant 64 : index
        %parallel_loop3A_341 = tpu.vector_load %arg8[%parallel_loop3A_339, %parallel_loop3A_340] {strides = array<i32>} : memref<80x128xf32, #tpu.memory_space<vmem>>, vector<1x16xf32>,
        %parallel_loop3A_342 = vector.shape_cast %parallel_loop3A_341 : vector<1x16xf32> to vector<16xf32>
        %parallel_loop3A_343 = arith.index_cast %parallel_loop3A_282 : i32 to index
        %parallel_loop3A_344 = arith.constant 64 : index
        %parallel_loop3A_345 = tpu.vector_load %arg10[%parallel_loop3A_343, %parallel_loop3A_344] {strides = array<i32>} : memref<80x128xf32, #tpu.memory_space<vmem>>, vector<1x16xf32>,
        %parallel_loop3A_346 = vector.shape_cast %parallel_loop3A_345 : vector<1x16xf32> to vector<16xf32>
        %parallel_loop3A_347 = arith.mulf %parallel_loop3A_342, %parallel_loop3A_346 : vector<16xf32>
        %parallel_loop3A_348 = arith.index_cast %parallel_loop3A_282 : i32 to index
        %parallel_loop3A_349 = arith.constant 64 : index
        %parallel_loop3A_350 = tpu.vector_load %arg8[%parallel_loop3A_348, %parallel_loop3A_349] {strides = array<i32>} : memref<80x128xf32, #tpu.memory_space<vmem>>, vector<1x16xf32>,
        %parallel_loop3A_351 = vector.shape_cast %parallel_loop3A_350 : vector<1x16xf32> to vector<16xf32>
        %parallel_loop3A_352 = vector.shape_cast %parallel_loop3A_347 : vector<16xf32> to vector<1x16xf32>
        tpu.vector_store %arg8[%parallel_loop3A_348, %parallel_loop3A_349], %parallel_loop3A_352 {strides = array<i32>} : memref<80x128xf32, #tpu.memory_space<vmem>>, vector<1x16xf32>,
        %parallel_loop3A_353 = arith.index_cast %parallel_loop3A_282 : i32 to index
        %parallel_loop3A_354 = arith.constant 80 : index
        %parallel_loop3A_355 = tpu.vector_load %arg8[%parallel_loop3A_353, %parallel_loop3A_354] {strides = array<i32>} : memref<80x128xf32, #tpu.memory_space<vmem>>, vector<1x16xf32>,
        %parallel_loop3A_356 = vector.shape_cast %parallel_loop3A_355 : vector<1x16xf32> to vector<16xf32>
        %parallel_loop3A_357 = arith.index_cast %parallel_loop3A_282 : i32 to index
        %parallel_loop3A_358 = arith.constant 80 : index
        %parallel_loop3A_359 = tpu.vector_load %arg10[%parallel_loop3A_357, %parallel_loop3A_358] {strides = array<i32>} : memref<80x128xf32, #tpu.memory_space<vmem>>, vector<1x16xf32>,
        %parallel_loop3A_360 = vector.shape_cast %parallel_loop3A_359 : vector<1x16xf32> to vector<16xf32>
        %parallel_loop3A_361 = arith.mulf %parallel_loop3A_356, %parallel_loop3A_360 : vector<16xf32>
        %parallel_loop3A_362 = arith.index_cast %parallel_loop3A_282 : i32 to index
        %parallel_loop3A_363 = arith.constant 80 : index
        %parallel_loop3A_364 = tpu.vector_load %arg8[%parallel_loop3A_362, %parallel_loop3A_363] {strides = array<i32>} : memref<80x128xf32, #tpu.memory_space<vmem>>, vector<1x16xf32>,
        %parallel_loop3A_365 = vector.shape_cast %parallel_loop3A_364 : vector<1x16xf32> to vector<16xf32>
        %parallel_loop3A_366 = vector.shape_cast %parallel_loop3A_361 : vector<16xf32> to vector<1x16xf32>
        tpu.vector_store %arg8[%parallel_loop3A_362, %parallel_loop3A_363], %parallel_loop3A_366 {strides = array<i32>} : memref<80x128xf32, #tpu.memory_space<vmem>>, vector<1x16xf32>,
        %parallel_loop3A_367 = arith.index_cast %parallel_loop3A_282 : i32 to index
        %parallel_loop3A_368 = arith.constant 96 : index
        %parallel_loop3A_369 = tpu.vector_load %arg8[%parallel_loop3A_367, %parallel_loop3A_368] {strides = array<i32>} : memref<80x128xf32, #tpu.memory_space<vmem>>, vector<1x16xf32>,
        %parallel_loop3A_370 = vector.shape_cast %parallel_loop3A_369 : vector<1x16xf32> to vector<16xf32>
        %parallel_loop3A_371 = arith.index_cast %parallel_loop3A_282 : i32 to index
        %parallel_loop3A_372 = arith.constant 96 : index
        %parallel_loop3A_373 = tpu.vector_load %arg10[%parallel_loop3A_371, %parallel_loop3A_372] {strides = array<i32>} : memref<80x128xf32, #tpu.memory_space<vmem>>, vector<1x16xf32>,
        %parallel_loop3A_374 = vector.shape_cast %parallel_loop3A_373 : vector<1x16xf32> to vector<16xf32>
        %parallel_loop3A_375 = arith.mulf %parallel_loop3A_370, %parallel_loop3A_374 : vector<16xf32>
        %parallel_loop3A_376 = arith.index_cast %parallel_loop3A_282 : i32 to index
        %parallel_loop3A_377 = arith.constant 96 : index
        %parallel_loop3A_378 = tpu.vector_load %arg8[%parallel_loop3A_376, %parallel_loop3A_377] {strides = array<i32>} : memref<80x128xf32, #tpu.memory_space<vmem>>, vector<1x16xf32>,
        %parallel_loop3A_379 = vector.shape_cast %parallel_loop3A_378 : vector<1x16xf32> to vector<16xf32>
        %parallel_loop3A_380 = vector.shape_cast %parallel_loop3A_375 : vector<16xf32> to vector<1x16xf32>
        tpu.vector_store %arg8[%parallel_loop3A_376, %parallel_loop3A_377], %parallel_loop3A_380 {strides = array<i32>} : memref<80x128xf32, #tpu.memory_space<vmem>>, vector<1x16xf32>,
        %parallel_loop3A_381 = arith.index_cast %parallel_loop3A_282 : i32 to index
        %parallel_loop3A_382 = arith.constant 112 : index
        %parallel_loop3A_383 = tpu.vector_load %arg8[%parallel_loop3A_381, %parallel_loop3A_382] {strides = array<i32>} : memref<80x128xf32, #tpu.memory_space<vmem>>, vector<1x16xf32>,
        %parallel_loop3A_384 = vector.shape_cast %parallel_loop3A_383 : vector<1x16xf32> to vector<16xf32>
        %parallel_loop3A_385 = arith.index_cast %parallel_loop3A_282 : i32 to index
        %parallel_loop3A_386 = arith.constant 112 : index
        %parallel_loop3A_387 = tpu.vector_load %arg10[%parallel_loop3A_385, %parallel_loop3A_386] {strides = array<i32>} : memref<80x128xf32, #tpu.memory_space<vmem>>, vector<1x16xf32>,
        %parallel_loop3A_388 = vector.shape_cast %parallel_loop3A_387 : vector<1x16xf32> to vector<16xf32>
        %parallel_loop3A_389 = arith.mulf %parallel_loop3A_384, %parallel_loop3A_388 : vector<16xf32>
        %parallel_loop3A_390 = arith.index_cast %parallel_loop3A_282 : i32 to index
        %parallel_loop3A_391 = arith.constant 112 : index
        %parallel_loop3A_392 = tpu.vector_load %arg8[%parallel_loop3A_390, %parallel_loop3A_391] {strides = array<i32>} : memref<80x128xf32, #tpu.memory_space<vmem>>, vector<1x16xf32>,
        %parallel_loop3A_393 = vector.shape_cast %parallel_loop3A_392 : vector<1x16xf32> to vector<16xf32>
        %parallel_loop3A_394 = vector.shape_cast %parallel_loop3A_389 : vector<16xf32> to vector<1x16xf32>
        tpu.vector_store %arg8[%parallel_loop3A_390, %parallel_loop3A_391], %parallel_loop3A_394 {strides = array<i32>} : memref<80x128xf32, #tpu.memory_space<vmem>>, vector<1x16xf32>,
      } {sc.loop_unroll_factor = 8 : i64, sc.parallel_access}
      %dma_start3A_223 = arith.constant 0 : i32
      %dma_start3A_224 = tpu.memref_slice %arg7[%mul3A_179, %dma_start3A_223] : memref<25x80xi32, #tpu.memory_space<vmem>> -> memref<1x80xi32, #tpu.memory_space<vmem>>
      %dma_start3A_225 = tpu.memref_squeeze %dma_start3A_224 : memref<1x80xi32, #tpu.memory_space<vmem>> -> memref<80xi32, #tpu.memory_space<vmem>>
      %dma_start3A_226 = arith.constant 0 : i32
      %dma_start3A_227 = arith.constant 0 : i32
      %dma_start3A_228 = tpu.memref_slice %arg12[%dma_start3A_226, %dma_start3A_227] : memref<10000x128xf32, #tpu.memory_space<vmem_shared>> -> memref<10000x128xf32, #tpu.memory_space<vmem_shared>>
      tpu.enqueue_indirect_dma source(%arg8 : memref<80x128xf32, #tpu.memory_space<vmem>>) target(%dma_start3A_228 : memref<10000x128xf32, #tpu.memory_space<vmem_shared>>) offsets(%dma_start3A_225 : memref<80xi32, #tpu.memory_space<vmem>>) semaphore(%arg17 : memref<!tpu.dma_semaphore, #tpu.memory_space<semaphore_mem>>) {add = true}
      %add3A_229 = arith.constant 2 : i32
      %add3A_230 = arith.addi %add3A_177, %add3A_229 : i32
      %add3A_231 = arith.constant 2 : i32
      %add3A_232 = arith.addi %mul3A_179, %add3A_231 : i32
      %dma_wait3A_233 = arith.constant 0 : i32
      %dma_wait3A_234 = tpu.memref_slice %arg7[%add3A_232, %dma_wait3A_233] : memref<25x80xi32, #tpu.memory_space<vmem>> -> memref<1x80xi32, #tpu.memory_space<vmem>>
      %dma_wait3A_235 = tpu.memref_squeeze %dma_wait3A_234 : memref<1x80xi32, #tpu.memory_space<vmem>> -> memref<80xi32, #tpu.memory_space<vmem>>
      %dma_wait3A_236 = arith.constant 0 : i32
      %dma_wait3A_237 = arith.constant 0 : i32
      %dma_wait3A_238 = tpu.memref_slice %arg12[%dma_wait3A_236, %dma_wait3A_237] : memref<10000x128xf32, #tpu.memory_space<vmem_shared>> -> memref<10000x128xf32, #tpu.memory_space<vmem_shared>>
      tpu.wait_indirect_dma semaphore(%arg17 : memref<!tpu.dma_semaphore, #tpu.memory_space<semaphore_mem>>) src(%arg8 : memref<80x128xf32, #tpu.memory_space<vmem>>) dst(%dma_wait3A_238 : memref<10000x128xf32, #tpu.memory_space<vmem_shared>>)
      %dma_start3A_239 = arith.constant 0 : i32
      %dma_start3A_240 = tpu.memref_slice %arg6[%add3A_232, %dma_start3A_239] : memref<25x80xi32, #tpu.memory_space<vmem>> -> memref<1x80xi32, #tpu.memory_space<vmem>>
      %dma_start3A_241 = tpu.memref_squeeze %dma_start3A_240 : memref<1x80xi32, #tpu.memory_space<vmem>> -> memref<80xi32, #tpu.memory_space<vmem>>
      %dma_start3A_242 = arith.constant 0 : i32
      %dma_start3A_243 = arith.constant 0 : i32
      %dma_start3A_244 = tpu.memref_slice %arg2[%dma_start3A_242, %dma_start3A_243] : memref<10000x128xf32, #tpu.memory_space<hbm>> -> memref<10000x128xf32, #tpu.memory_space<hbm>>
      tpu.enqueue_indirect_dma source(%dma_start3A_244 : memref<10000x128xf32, #tpu.memory_space<hbm>>) target(%arg8 : memref<80x128xf32, #tpu.memory_space<vmem>>) offsets(%dma_start3A_241 : memref<80xi32, #tpu.memory_space<vmem>>) semaphore(%arg13 : memref<!tpu.dma_semaphore, #tpu.memory_space<semaphore_mem>>)
      %mul3A_245 = arith.constant 10000 : i32
      %mul3A_246 = arith.muli %add3A, %mul3A_245 : i32
      %mul3A_247 = arith.constant 80 : i32
      %mul3A_248 = arith.muli %add3A_230, %mul3A_247 : i32
      %add3A_249 = arith.addi %mul3A_246, %mul3A_248 : i32
      %dma_start3A_250 = arith.constant 0 : i32
      %dma_start3A_251 = tpu.memref_slice %arg3[%add3A_249, %dma_start3A_250] : memref<320000x128xf32, #tpu.memory_space<hbm>> -> memref<80x128xf32, #tpu.memory_space<hbm>>
      %dma_start3A_252 = arith.constant 0 : i32
      %dma_start3A_253 = tpu.memref_slice %arg3[%add3A_249, %dma_start3A_252] : memref<320000x128xf32, #tpu.memory_space<hbm>> -> memref<80x128xf32, #tpu.memory_space<hbm>>
      tpu.enqueue_dma source(%dma_start3A_253 : memref<80x128xf32, #tpu.memory_space<hbm>>) target(%arg10 : memref<80x128xf32, #tpu.memory_space<vmem>>) target_semaphore(%arg15 : memref<!tpu.dma_semaphore, #tpu.memory_space<semaphore_mem>>)
      %add3A_254 = arith.constant 1 : i32
      %add3A_255 = arith.addi %add3A_177, %add3A_254 : i32
      %add3A_256 = arith.constant 1 : i32
      %add3A_257 = arith.addi %mul3A_179, %add3A_256 : i32
      %dma_wait3A_258 = arith.constant 0 : i32
      %dma_wait3A_259 = tpu.memref_slice %arg6[%add3A_257, %dma_wait3A_258] : memref<25x80xi32, #tpu.memory_space<vmem>> -> memref<1x80xi32, #tpu.memory_space<vmem>>
      %dma_wait3A_260 = tpu.memref_squeeze %dma_wait3A_259 : memref<1x80xi32, #tpu.memory_space<vmem>> -> memref<80xi32, #tpu.memory_space<vmem>>
      %dma_wait3A_261 = arith.constant 0 : i32
      %dma_wait3A_262 = arith.constant 0 : i32
      %dma_wait3A_263 = tpu.memref_slice %arg2[%dma_wait3A_261, %dma_wait3A_262] : memref<10000x128xf32, #tpu.memory_space<hbm>> -> memref<10000x128xf32, #tpu.memory_space<hbm>>
      tpu.wait_indirect_dma semaphore(%arg14 : memref<!tpu.dma_semaphore, #tpu.memory_space<semaphore_mem>>) src(%dma_wait3A_263 : memref<10000x128xf32, #tpu.memory_space<hbm>>) dst(%arg9 : memref<80x128xf32, #tpu.memory_space<vmem>>)
      %mul3A_264 = arith.constant 10000 : i32
      %mul3A_265 = arith.muli %add3A, %mul3A_264 : i32
      %mul3A_266 = arith.constant 80 : i32
      %mul3A_267 = arith.muli %add3A_255, %mul3A_266 : i32
      %add3A_268 = arith.addi %mul3A_265, %mul3A_267 : i32
      %dma_wait3A_269 = arith.constant 0 : i32
      %dma_wait3A_270 = tpu.memref_slice %arg3[%add3A_268, %dma_wait3A_269] : memref<320000x128xf32, #tpu.memory_space<hbm>> -> memref<80x128xf32, #tpu.memory_space<hbm>>
      %dma_wait3A_271 = arith.constant 0 : i32
      %dma_wait3A_272 = tpu.memref_slice %arg3[%add3A_268, %dma_wait3A_271] : memref<320000x128xf32, #tpu.memory_space<hbm>> -> memref<80x128xf32, #tpu.memory_space<hbm>>
      tpu.wait_dma2 semaphore(%arg16 : memref<!tpu.dma_semaphore, #tpu.memory_space<semaphore_mem>>) src(%dma_wait3A_272 : memref<80x128xf32, #tpu.memory_space<hbm>>) dst(%arg11 : memref<80x128xf32, #tpu.memory_space<vmem>>)
      %parallel_loop3A_273 = arith.constant 0 : i32
      %parallel_loop3A_274 = arith.constant 80 : i32
      %parallel_loop3A_275 = arith.constant 1 : i32
      scf.for %parallel_loop3A_282 = %parallel_loop3A_273 to %parallel_loop3A_274 step %parallel_loop3A_275  : i32 {
        %parallel_loop3A_283 = arith.index_cast %parallel_loop3A_282 : i32 to index
        %parallel_loop3A_284 = arith.constant 0 : index
        %parallel_loop3A_285 = tpu.vector_load %arg9[%parallel_loop3A_283, %parallel_loop3A_284] {strides = array<i32>} : memref<80x128xf32, #tpu.memory_space<vmem>>, vector<1x16xf32>,
        %parallel_loop3A_286 = vector.shape_cast %parallel_loop3A_285 : vector<1x16xf32> to vector<16xf32>
        %parallel_loop3A_287 = arith.index_cast %parallel_loop3A_282 : i32 to index
        %parallel_loop3A_288 = arith.constant 0 : index
        %parallel_loop3A_289 = tpu.vector_load %arg11[%parallel_loop3A_287, %parallel_loop3A_288] {strides = array<i32>} : memref<80x128xf32, #tpu.memory_space<vmem>>, vector<1x16xf32>,
        %parallel_loop3A_290 = vector.shape_cast %parallel_loop3A_289 : vector<1x16xf32> to vector<16xf32>
        %parallel_loop3A_291 = arith.mulf %parallel_loop3A_286, %parallel_loop3A_290 : vector<16xf32>
        %parallel_loop3A_292 = arith.index_cast %parallel_loop3A_282 : i32 to index
        %parallel_loop3A_293 = arith.constant 0 : index
        %parallel_loop3A_294 = tpu.vector_load %arg9[%parallel_loop3A_292, %parallel_loop3A_293] {strides = array<i32>} : memref<80x128xf32, #tpu.memory_space<vmem>>, vector<1x16xf32>,
        %parallel_loop3A_295 = vector.shape_cast %parallel_loop3A_294 : vector<1x16xf32> to vector<16xf32>
        %parallel_loop3A_296 = vector.shape_cast %parallel_loop3A_291 : vector<16xf32> to vector<1x16xf32>
        tpu.vector_store %arg9[%parallel_loop3A_292, %parallel_loop3A_293], %parallel_loop3A_296 {strides = array<i32>} : memref<80x128xf32, #tpu.memory_space<vmem>>, vector<1x16xf32>,
        %parallel_loop3A_297 = arith.index_cast %parallel_loop3A_282 : i32 to index
        %parallel_loop3A_298 = arith.constant 16 : index
        %parallel_loop3A_299 = tpu.vector_load %arg9[%parallel_loop3A_297, %parallel_loop3A_298] {strides = array<i32>} : memref<80x128xf32, #tpu.memory_space<vmem>>, vector<1x16xf32>,
        %parallel_loop3A_300 = vector.shape_cast %parallel_loop3A_299 : vector<1x16xf32> to vector<16xf32>
        %parallel_loop3A_301 = arith.index_cast %parallel_loop3A_282 : i32 to index
        %parallel_loop3A_302 = arith.constant 16 : index
        %parallel_loop3A_303 = tpu.vector_load %arg11[%parallel_loop3A_301, %parallel_loop3A_302] {strides = array<i32>} : memref<80x128xf32, #tpu.memory_space<vmem>>, vector<1x16xf32>,
        %parallel_loop3A_304 = vector.shape_cast %parallel_loop3A_303 : vector<1x16xf32> to vector<16xf32>
        %parallel_loop3A_305 = arith.mulf %parallel_loop3A_300, %parallel_loop3A_304 : vector<16xf32>
        %parallel_loop3A_306 = arith.index_cast %parallel_loop3A_282 : i32 to index
        %parallel_loop3A_307 = arith.constant 16 : index
        %parallel_loop3A_308 = tpu.vector_load %arg9[%parallel_loop3A_306, %parallel_loop3A_307] {strides = array<i32>} : memref<80x128xf32, #tpu.memory_space<vmem>>, vector<1x16xf32>,
        %parallel_loop3A_309 = vector.shape_cast %parallel_loop3A_308 : vector<1x16xf32> to vector<16xf32>
        %parallel_loop3A_310 = vector.shape_cast %parallel_loop3A_305 : vector<16xf32> to vector<1x16xf32>
        tpu.vector_store %arg9[%parallel_loop3A_306, %parallel_loop3A_307], %parallel_loop3A_310 {strides = array<i32>} : memref<80x128xf32, #tpu.memory_space<vmem>>, vector<1x16xf32>,
        %parallel_loop3A_311 = arith.index_cast %parallel_loop3A_282 : i32 to index
        %parallel_loop3A_312 = arith.constant 32 : index
        %parallel_loop3A_313 = tpu.vector_load %arg9[%parallel_loop3A_311, %parallel_loop3A_312] {strides = array<i32>} : memref<80x128xf32, #tpu.memory_space<vmem>>, vector<1x16xf32>,
        %parallel_loop3A_314 = vector.shape_cast %parallel_loop3A_313 : vector<1x16xf32> to vector<16xf32>
        %parallel_loop3A_315 = arith.index_cast %parallel_loop3A_282 : i32 to index
        %parallel_loop3A_316 = arith.constant 32 : index
        %parallel_loop3A_317 = tpu.vector_load %arg11[%parallel_loop3A_315, %parallel_loop3A_316] {strides = array<i32>} : memref<80x128xf32, #tpu.memory_space<vmem>>, vector<1x16xf32>,
        %parallel_loop3A_318 = vector.shape_cast %parallel_loop3A_317 : vector<1x16xf32> to vector<16xf32>
        %parallel_loop3A_319 = arith.mulf %parallel_loop3A_314, %parallel_loop3A_318 : vector<16xf32>
        %parallel_loop3A_320 = arith.index_cast %parallel_loop3A_282 : i32 to index
        %parallel_loop3A_321 = arith.constant 32 : index
        %parallel_loop3A_322 = tpu.vector_load %arg9[%parallel_loop3A_320, %parallel_loop3A_321] {strides = array<i32>} : memref<80x128xf32, #tpu.memory_space<vmem>>, vector<1x16xf32>,
        %parallel_loop3A_323 = vector.shape_cast %parallel_loop3A_322 : vector<1x16xf32> to vector<16xf32>
        %parallel_loop3A_324 = vector.shape_cast %parallel_loop3A_319 : vector<16xf32> to vector<1x16xf32>
        tpu.vector_store %arg9[%parallel_loop3A_320, %parallel_loop3A_321], %parallel_loop3A_324 {strides = array<i32>} : memref<80x128xf32, #tpu.memory_space<vmem>>, vector<1x16xf32>,
        %parallel_loop3A_325 = arith.index_cast %parallel_loop3A_282 : i32 to index
        %parallel_loop3A_326 = arith.constant 48 : index
        %parallel_loop3A_327 = tpu.vector_load %arg9[%parallel_loop3A_325, %parallel_loop3A_326] {strides = array<i32>} : memref<80x128xf32, #tpu.memory_space<vmem>>, vector<1x16xf32>,
        %parallel_loop3A_328 = vector.shape_cast %parallel_loop3A_327 : vector<1x16xf32> to vector<16xf32>
        %parallel_loop3A_329 = arith.index_cast %parallel_loop3A_282 : i32 to index
        %parallel_loop3A_330 = arith.constant 48 : index
        %parallel_loop3A_331 = tpu.vector_load %arg11[%parallel_loop3A_329, %parallel_loop3A_330] {strides = array<i32>} : memref<80x128xf32, #tpu.memory_space<vmem>>, vector<1x16xf32>,
        %parallel_loop3A_332 = vector.shape_cast %parallel_loop3A_331 : vector<1x16xf32> to vector<16xf32>
        %parallel_loop3A_333 = arith.mulf %parallel_loop3A_328, %parallel_loop3A_332 : vector<16xf32>
        %parallel_loop3A_334 = arith.index_cast %parallel_loop3A_282 : i32 to index
        %parallel_loop3A_335 = arith.constant 48 : index
        %parallel_loop3A_336 = tpu.vector_load %arg9[%parallel_loop3A_334, %parallel_loop3A_335] {strides = array<i32>} : memref<80x128xf32, #tpu.memory_space<vmem>>, vector<1x16xf32>,
        %parallel_loop3A_337 = vector.shape_cast %parallel_loop3A_336 : vector<1x16xf32> to vector<16xf32>
        %parallel_loop3A_338 = vector.shape_cast %parallel_loop3A_333 : vector<16xf32> to vector<1x16xf32>
        tpu.vector_store %arg9[%parallel_loop3A_334, %parallel_loop3A_335], %parallel_loop3A_338 {strides = array<i32>} : memref<80x128xf32, #tpu.memory_space<vmem>>, vector<1x16xf32>,
        %parallel_loop3A_339 = arith.index_cast %parallel_loop3A_282 : i32 to index
        %parallel_loop3A_340 = arith.constant 64 : index
        %parallel_loop3A_341 = tpu.vector_load %arg9[%parallel_loop3A_339, %parallel_loop3A_340] {strides = array<i32>} : memref<80x128xf32, #tpu.memory_space<vmem>>, vector<1x16xf32>,
        %parallel_loop3A_342 = vector.shape_cast %parallel_loop3A_341 : vector<1x16xf32> to vector<16xf32>
        %parallel_loop3A_343 = arith.index_cast %parallel_loop3A_282 : i32 to index
        %parallel_loop3A_344 = arith.constant 64 : index
        %parallel_loop3A_345 = tpu.vector_load %arg11[%parallel_loop3A_343, %parallel_loop3A_344] {strides = array<i32>} : memref<80x128xf32, #tpu.memory_space<vmem>>, vector<1x16xf32>,
        %parallel_loop3A_346 = vector.shape_cast %parallel_loop3A_345 : vector<1x16xf32> to vector<16xf32>
        %parallel_loop3A_347 = arith.mulf %parallel_loop3A_342, %parallel_loop3A_346 : vector<16xf32>
        %parallel_loop3A_348 = arith.index_cast %parallel_loop3A_282 : i32 to index
        %parallel_loop3A_349 = arith.constant 64 : index
        %parallel_loop3A_350 = tpu.vector_load %arg9[%parallel_loop3A_348, %parallel_loop3A_349] {strides = array<i32>} : memref<80x128xf32, #tpu.memory_space<vmem>>, vector<1x16xf32>,
        %parallel_loop3A_351 = vector.shape_cast %parallel_loop3A_350 : vector<1x16xf32> to vector<16xf32>
        %parallel_loop3A_352 = vector.shape_cast %parallel_loop3A_347 : vector<16xf32> to vector<1x16xf32>
        tpu.vector_store %arg9[%parallel_loop3A_348, %parallel_loop3A_349], %parallel_loop3A_352 {strides = array<i32>} : memref<80x128xf32, #tpu.memory_space<vmem>>, vector<1x16xf32>,
        %parallel_loop3A_353 = arith.index_cast %parallel_loop3A_282 : i32 to index
        %parallel_loop3A_354 = arith.constant 80 : index
        %parallel_loop3A_355 = tpu.vector_load %arg9[%parallel_loop3A_353, %parallel_loop3A_354] {strides = array<i32>} : memref<80x128xf32, #tpu.memory_space<vmem>>, vector<1x16xf32>,
        %parallel_loop3A_356 = vector.shape_cast %parallel_loop3A_355 : vector<1x16xf32> to vector<16xf32>
        %parallel_loop3A_357 = arith.index_cast %parallel_loop3A_282 : i32 to index
        %parallel_loop3A_358 = arith.constant 80 : index
        %parallel_loop3A_359 = tpu.vector_load %arg11[%parallel_loop3A_357, %parallel_loop3A_358] {strides = array<i32>} : memref<80x128xf32, #tpu.memory_space<vmem>>, vector<1x16xf32>,
        %parallel_loop3A_360 = vector.shape_cast %parallel_loop3A_359 : vector<1x16xf32> to vector<16xf32>
        %parallel_loop3A_361 = arith.mulf %parallel_loop3A_356, %parallel_loop3A_360 : vector<16xf32>
        %parallel_loop3A_362 = arith.index_cast %parallel_loop3A_282 : i32 to index
        %parallel_loop3A_363 = arith.constant 80 : index
        %parallel_loop3A_364 = tpu.vector_load %arg9[%parallel_loop3A_362, %parallel_loop3A_363] {strides = array<i32>} : memref<80x128xf32, #tpu.memory_space<vmem>>, vector<1x16xf32>,
        %parallel_loop3A_365 = vector.shape_cast %parallel_loop3A_364 : vector<1x16xf32> to vector<16xf32>
        %parallel_loop3A_366 = vector.shape_cast %parallel_loop3A_361 : vector<16xf32> to vector<1x16xf32>
        tpu.vector_store %arg9[%parallel_loop3A_362, %parallel_loop3A_363], %parallel_loop3A_366 {strides = array<i32>} : memref<80x128xf32, #tpu.memory_space<vmem>>, vector<1x16xf32>,
        %parallel_loop3A_367 = arith.index_cast %parallel_loop3A_282 : i32 to index
        %parallel_loop3A_368 = arith.constant 96 : index
        %parallel_loop3A_369 = tpu.vector_load %arg9[%parallel_loop3A_367, %parallel_loop3A_368] {strides = array<i32>} : memref<80x128xf32, #tpu.memory_space<vmem>>, vector<1x16xf32>,
        %parallel_loop3A_370 = vector.shape_cast %parallel_loop3A_369 : vector<1x16xf32> to vector<16xf32>
        %parallel_loop3A_371 = arith.index_cast %parallel_loop3A_282 : i32 to index
        %parallel_loop3A_372 = arith.constant 96 : index
        %parallel_loop3A_373 = tpu.vector_load %arg11[%parallel_loop3A_371, %parallel_loop3A_372] {strides = array<i32>} : memref<80x128xf32, #tpu.memory_space<vmem>>, vector<1x16xf32>,
        %parallel_loop3A_374 = vector.shape_cast %parallel_loop3A_373 : vector<1x16xf32> to vector<16xf32>
        %parallel_loop3A_375 = arith.mulf %parallel_loop3A_370, %parallel_loop3A_374 : vector<16xf32>
        %parallel_loop3A_376 = arith.index_cast %parallel_loop3A_282 : i32 to index
        %parallel_loop3A_377 = arith.constant 96 : index
        %parallel_loop3A_378 = tpu.vector_load %arg9[%parallel_loop3A_376, %parallel_loop3A_377] {strides = array<i32>} : memref<80x128xf32, #tpu.memory_space<vmem>>, vector<1x16xf32>,
        %parallel_loop3A_379 = vector.shape_cast %parallel_loop3A_378 : vector<1x16xf32> to vector<16xf32>
        %parallel_loop3A_380 = vector.shape_cast %parallel_loop3A_375 : vector<16xf32> to vector<1x16xf32>
        tpu.vector_store %arg9[%parallel_loop3A_376, %parallel_loop3A_377], %parallel_loop3A_380 {strides = array<i32>} : memref<80x128xf32, #tpu.memory_space<vmem>>, vector<1x16xf32>,
        %parallel_loop3A_381 = arith.index_cast %parallel_loop3A_282 : i32 to index
        %parallel_loop3A_382 = arith.constant 112 : index
        %parallel_loop3A_383 = tpu.vector_load %arg9[%parallel_loop3A_381, %parallel_loop3A_382] {strides = array<i32>} : memref<80x128xf32, #tpu.memory_space<vmem>>, vector<1x16xf32>,
        %parallel_loop3A_384 = vector.shape_cast %parallel_loop3A_383 : vector<1x16xf32> to vector<16xf32>
        %parallel_loop3A_385 = arith.index_cast %parallel_loop3A_282 : i32 to index
        %parallel_loop3A_386 = arith.constant 112 : index
        %parallel_loop3A_387 = tpu.vector_load %arg11[%parallel_loop3A_385, %parallel_loop3A_386] {strides = array<i32>} : memref<80x128xf32, #tpu.memory_space<vmem>>, vector<1x16xf32>,
        %parallel_loop3A_388 = vector.shape_cast %parallel_loop3A_387 : vector<1x16xf32> to vector<16xf32>
        %parallel_loop3A_389 = arith.mulf %parallel_loop3A_384, %parallel_loop3A_388 : vector<16xf32>
        %parallel_loop3A_390 = arith.index_cast %parallel_loop3A_282 : i32 to index
        %parallel_loop3A_391 = arith.constant 112 : index
        %parallel_loop3A_392 = tpu.vector_load %arg9[%parallel_loop3A_390, %parallel_loop3A_391] {strides = array<i32>} : memref<80x128xf32, #tpu.memory_space<vmem>>, vector<1x16xf32>,
        %parallel_loop3A_393 = vector.shape_cast %parallel_loop3A_392 : vector<1x16xf32> to vector<16xf32>
        %parallel_loop3A_394 = vector.shape_cast %parallel_loop3A_389 : vector<16xf32> to vector<1x16xf32>
        tpu.vector_store %arg9[%parallel_loop3A_390, %parallel_loop3A_391], %parallel_loop3A_394 {strides = array<i32>} : memref<80x128xf32, #tpu.memory_space<vmem>>, vector<1x16xf32>,
      } {sc.loop_unroll_factor = 8 : i64, sc.parallel_access}
      %dma_start3A_276 = arith.constant 0 : i32
      %dma_start3A_277 = tpu.memref_slice %arg7[%add3A_257, %dma_start3A_276] : memref<25x80xi32, #tpu.memory_space<vmem>> -> memref<1x80xi32, #tpu.memory_space<vmem>>
      %dma_start3A_278 = tpu.memref_squeeze %dma_start3A_277 : memref<1x80xi32, #tpu.memory_space<vmem>> -> memref<80xi32, #tpu.memory_space<vmem>>
      %dma_start3A_279 = arith.constant 0 : i32
      %dma_start3A_280 = arith.constant 0 : i32
      %dma_start3A_281 = tpu.memref_slice %arg12[%dma_start3A_279, %dma_start3A_280] : memref<10000x128xf32, #tpu.memory_space<vmem_shared>> -> memref<10000x128xf32, #tpu.memory_space<vmem_shared>>
      tpu.enqueue_indirect_dma source(%arg9 : memref<80x128xf32, #tpu.memory_space<vmem>>) target(%dma_start3A_281 : memref<10000x128xf32, #tpu.memory_space<vmem_shared>>) offsets(%dma_start3A_278 : memref<80xi32, #tpu.memory_space<vmem>>) semaphore(%arg18 : memref<!tpu.dma_semaphore, #tpu.memory_space<semaphore_mem>>) {add = true}
    }
    %scan3A_120 = arith.constant 11 : i32
    %dma_wait3A_121 = arith.constant 24 : i32
    %dma_wait3A_122 = arith.constant 0 : i32
    %dma_wait3A_123 = tpu.memref_slice %arg6[%dma_wait3A_121, %dma_wait3A_122] : memref<25x80xi32, #tpu.memory_space<vmem>> -> memref<1x80xi32, #tpu.memory_space<vmem>>
    %dma_wait3A_124 = tpu.memref_squeeze %dma_wait3A_123 : memref<1x80xi32, #tpu.memory_space<vmem>> -> memref<80xi32, #tpu.memory_space<vmem>>
    %dma_wait3A_125 = arith.constant 0 : i32
    %dma_wait3A_126 = arith.constant 0 : i32
    %dma_wait3A_127 = tpu.memref_slice %arg2[%dma_wait3A_125, %dma_wait3A_126] : memref<10000x128xf32, #tpu.memory_space<hbm>> -> memref<10000x128xf32, #tpu.memory_space<hbm>>
    tpu.wait_indirect_dma semaphore(%arg13 : memref<!tpu.dma_semaphore, #tpu.memory_space<semaphore_mem>>) src(%dma_wait3A_127 : memref<10000x128xf32, #tpu.memory_space<hbm>>) dst(%arg8 : memref<80x128xf32, #tpu.memory_space<vmem>>)
    %mul3A_128 = arith.constant 10000 : i32
    %mul3A_129 = arith.muli %add3A, %mul3A_128 : i32
    %add3A_130 = arith.constant 1920 : i32
    %add3A_131 = arith.addi %mul3A_129, %add3A_130 : i32
    %dma_wait3A_132 = arith.constant 0 : i32
    %dma_wait3A_133 = tpu.memref_slice %arg3[%add3A_131, %dma_wait3A_132] : memref<320000x128xf32, #tpu.memory_space<hbm>> -> memref<80x128xf32, #tpu.memory_space<hbm>>
    %dma_wait3A_134 = arith.constant 0 : i32
    %dma_wait3A_135 = tpu.memref_slice %arg3[%add3A_131, %dma_wait3A_134] : memref<320000x128xf32, #tpu.memory_space<hbm>> -> memref<80x128xf32, #tpu.memory_space<hbm>>
    tpu.wait_dma2 semaphore(%arg15 : memref<!tpu.dma_semaphore, #tpu.memory_space<semaphore_mem>>) src(%dma_wait3A_135 : memref<80x128xf32, #tpu.memory_space<hbm>>) dst(%arg10 : memref<80x128xf32, #tpu.memory_space<vmem>>)
    %parallel_loop3A_136 = arith.constant 0 : i32
    %parallel_loop3A_137 = arith.constant 80 : i32
    %parallel_loop3A_138 = arith.constant 1 : i32
    scf.for %parallel_loop3A_173 = %parallel_loop3A_136 to %parallel_loop3A_137 step %parallel_loop3A_138  : i32 {
      %parallel_loop3A_174 = arith.index_cast %parallel_loop3A_173 : i32 to index
      %parallel_loop3A_175 = arith.constant 0 : index
      %parallel_loop3A_176 = tpu.vector_load %arg8[%parallel_loop3A_174, %parallel_loop3A_175] {strides = array<i32>} : memref<80x128xf32, #tpu.memory_space<vmem>>, vector<1x16xf32>,
      %parallel_loop3A_177 = vector.shape_cast %parallel_loop3A_176 : vector<1x16xf32> to vector<16xf32>
      %parallel_loop3A_178 = arith.index_cast %parallel_loop3A_173 : i32 to index
      %parallel_loop3A_179 = arith.constant 0 : index
      %parallel_loop3A_180 = tpu.vector_load %arg10[%parallel_loop3A_178, %parallel_loop3A_179] {strides = array<i32>} : memref<80x128xf32, #tpu.memory_space<vmem>>, vector<1x16xf32>,
      %parallel_loop3A_181 = vector.shape_cast %parallel_loop3A_180 : vector<1x16xf32> to vector<16xf32>
      %parallel_loop3A_182 = arith.mulf %parallel_loop3A_177, %parallel_loop3A_181 : vector<16xf32>
      %parallel_loop3A_183 = arith.index_cast %parallel_loop3A_173 : i32 to index
      %parallel_loop3A_184 = arith.constant 0 : index
      %parallel_loop3A_185 = tpu.vector_load %arg8[%parallel_loop3A_183, %parallel_loop3A_184] {strides = array<i32>} : memref<80x128xf32, #tpu.memory_space<vmem>>, vector<1x16xf32>,
      %parallel_loop3A_186 = vector.shape_cast %parallel_loop3A_185 : vector<1x16xf32> to vector<16xf32>
      %parallel_loop3A_187 = vector.shape_cast %parallel_loop3A_182 : vector<16xf32> to vector<1x16xf32>
      tpu.vector_store %arg8[%parallel_loop3A_183, %parallel_loop3A_184], %parallel_loop3A_187 {strides = array<i32>} : memref<80x128xf32, #tpu.memory_space<vmem>>, vector<1x16xf32>,
      %parallel_loop3A_188 = arith.index_cast %parallel_loop3A_173 : i32 to index
      %parallel_loop3A_189 = arith.constant 16 : index
      %parallel_loop3A_190 = tpu.vector_load %arg8[%parallel_loop3A_188, %parallel_loop3A_189] {strides = array<i32>} : memref<80x128xf32, #tpu.memory_space<vmem>>, vector<1x16xf32>,
      %parallel_loop3A_191 = vector.shape_cast %parallel_loop3A_190 : vector<1x16xf32> to vector<16xf32>
      %parallel_loop3A_192 = arith.index_cast %parallel_loop3A_173 : i32 to index
      %parallel_loop3A_193 = arith.constant 16 : index
      %parallel_loop3A_194 = tpu.vector_load %arg10[%parallel_loop3A_192, %parallel_loop3A_193] {strides = array<i32>} : memref<80x128xf32, #tpu.memory_space<vmem>>, vector<1x16xf32>,
      %parallel_loop3A_195 = vector.shape_cast %parallel_loop3A_194 : vector<1x16xf32> to vector<16xf32>
      %parallel_loop3A_196 = arith.mulf %parallel_loop3A_191, %parallel_loop3A_195 : vector<16xf32>
      %parallel_loop3A_197 = arith.index_cast %parallel_loop3A_173 : i32 to index
      %parallel_loop3A_198 = arith.constant 16 : index
      %parallel_loop3A_199 = tpu.vector_load %arg8[%parallel_loop3A_197, %parallel_loop3A_198] {strides = array<i32>} : memref<80x128xf32, #tpu.memory_space<vmem>>, vector<1x16xf32>,
      %parallel_loop3A_200 = vector.shape_cast %parallel_loop3A_199 : vector<1x16xf32> to vector<16xf32>
      %parallel_loop3A_201 = vector.shape_cast %parallel_loop3A_196 : vector<16xf32> to vector<1x16xf32>
      tpu.vector_store %arg8[%parallel_loop3A_197, %parallel_loop3A_198], %parallel_loop3A_201 {strides = array<i32>} : memref<80x128xf32, #tpu.memory_space<vmem>>, vector<1x16xf32>,
      %parallel_loop3A_202 = arith.index_cast %parallel_loop3A_173 : i32 to index
      %parallel_loop3A_203 = arith.constant 32 : index
      %parallel_loop3A_204 = tpu.vector_load %arg8[%parallel_loop3A_202, %parallel_loop3A_203] {strides = array<i32>} : memref<80x128xf32, #tpu.memory_space<vmem>>, vector<1x16xf32>,
      %parallel_loop3A_205 = vector.shape_cast %parallel_loop3A_204 : vector<1x16xf32> to vector<16xf32>
      %parallel_loop3A_206 = arith.index_cast %parallel_loop3A_173 : i32 to index
      %parallel_loop3A_207 = arith.constant 32 : index
      %parallel_loop3A_208 = tpu.vector_load %arg10[%parallel_loop3A_206, %parallel_loop3A_207] {strides = array<i32>} : memref<80x128xf32, #tpu.memory_space<vmem>>, vector<1x16xf32>,
      %parallel_loop3A_209 = vector.shape_cast %parallel_loop3A_208 : vector<1x16xf32> to vector<16xf32>
      %parallel_loop3A_210 = arith.mulf %parallel_loop3A_205, %parallel_loop3A_209 : vector<16xf32>
      %parallel_loop3A_211 = arith.index_cast %parallel_loop3A_173 : i32 to index
      %parallel_loop3A_212 = arith.constant 32 : index
      %parallel_loop3A_213 = tpu.vector_load %arg8[%parallel_loop3A_211, %parallel_loop3A_212] {strides = array<i32>} : memref<80x128xf32, #tpu.memory_space<vmem>>, vector<1x16xf32>,
      %parallel_loop3A_214 = vector.shape_cast %parallel_loop3A_213 : vector<1x16xf32> to vector<16xf32>
      %parallel_loop3A_215 = vector.shape_cast %parallel_loop3A_210 : vector<16xf32> to vector<1x16xf32>
      tpu.vector_store %arg8[%parallel_loop3A_211, %parallel_loop3A_212], %parallel_loop3A_215 {strides = array<i32>} : memref<80x128xf32, #tpu.memory_space<vmem>>, vector<1x16xf32>,
      %parallel_loop3A_216 = arith.index_cast %parallel_loop3A_173 : i32 to index
      %parallel_loop3A_217 = arith.constant 48 : index
      %parallel_loop3A_218 = tpu.vector_load %arg8[%parallel_loop3A_216, %parallel_loop3A_217] {strides = array<i32>} : memref<80x128xf32, #tpu.memory_space<vmem>>, vector<1x16xf32>,
      %parallel_loop3A_219 = vector.shape_cast %parallel_loop3A_218 : vector<1x16xf32> to vector<16xf32>
      %parallel_loop3A_220 = arith.index_cast %parallel_loop3A_173 : i32 to index
      %parallel_loop3A_221 = arith.constant 48 : index
      %parallel_loop3A_222 = tpu.vector_load %arg10[%parallel_loop3A_220, %parallel_loop3A_221] {strides = array<i32>} : memref<80x128xf32, #tpu.memory_space<vmem>>, vector<1x16xf32>,
      %parallel_loop3A_223 = vector.shape_cast %parallel_loop3A_222 : vector<1x16xf32> to vector<16xf32>
      %parallel_loop3A_224 = arith.mulf %parallel_loop3A_219, %parallel_loop3A_223 : vector<16xf32>
      %parallel_loop3A_225 = arith.index_cast %parallel_loop3A_173 : i32 to index
      %parallel_loop3A_226 = arith.constant 48 : index
      %parallel_loop3A_227 = tpu.vector_load %arg8[%parallel_loop3A_225, %parallel_loop3A_226] {strides = array<i32>} : memref<80x128xf32, #tpu.memory_space<vmem>>, vector<1x16xf32>,
      %parallel_loop3A_228 = vector.shape_cast %parallel_loop3A_227 : vector<1x16xf32> to vector<16xf32>
      %parallel_loop3A_229 = vector.shape_cast %parallel_loop3A_224 : vector<16xf32> to vector<1x16xf32>
      tpu.vector_store %arg8[%parallel_loop3A_225, %parallel_loop3A_226], %parallel_loop3A_229 {strides = array<i32>} : memref<80x128xf32, #tpu.memory_space<vmem>>, vector<1x16xf32>,
      %parallel_loop3A_230 = arith.index_cast %parallel_loop3A_173 : i32 to index
      %parallel_loop3A_231 = arith.constant 64 : index
      %parallel_loop3A_232 = tpu.vector_load %arg8[%parallel_loop3A_230, %parallel_loop3A_231] {strides = array<i32>} : memref<80x128xf32, #tpu.memory_space<vmem>>, vector<1x16xf32>,
      %parallel_loop3A_233 = vector.shape_cast %parallel_loop3A_232 : vector<1x16xf32> to vector<16xf32>
      %parallel_loop3A_234 = arith.index_cast %parallel_loop3A_173 : i32 to index
      %parallel_loop3A_235 = arith.constant 64 : index
      %parallel_loop3A_236 = tpu.vector_load %arg10[%parallel_loop3A_234, %parallel_loop3A_235] {strides = array<i32>} : memref<80x128xf32, #tpu.memory_space<vmem>>, vector<1x16xf32>,
      %parallel_loop3A_237 = vector.shape_cast %parallel_loop3A_236 : vector<1x16xf32> to vector<16xf32>
      %parallel_loop3A_238 = arith.mulf %parallel_loop3A_233, %parallel_loop3A_237 : vector<16xf32>
      %parallel_loop3A_239 = arith.index_cast %parallel_loop3A_173 : i32 to index
      %parallel_loop3A_240 = arith.constant 64 : index
      %parallel_loop3A_241 = tpu.vector_load %arg8[%parallel_loop3A_239, %parallel_loop3A_240] {strides = array<i32>} : memref<80x128xf32, #tpu.memory_space<vmem>>, vector<1x16xf32>,
      %parallel_loop3A_242 = vector.shape_cast %parallel_loop3A_241 : vector<1x16xf32> to vector<16xf32>
      %parallel_loop3A_243 = vector.shape_cast %parallel_loop3A_238 : vector<16xf32> to vector<1x16xf32>
      tpu.vector_store %arg8[%parallel_loop3A_239, %parallel_loop3A_240], %parallel_loop3A_243 {strides = array<i32>} : memref<80x128xf32, #tpu.memory_space<vmem>>, vector<1x16xf32>,
      %parallel_loop3A_244 = arith.index_cast %parallel_loop3A_173 : i32 to index
      %parallel_loop3A_245 = arith.constant 80 : index
      %parallel_loop3A_246 = tpu.vector_load %arg8[%parallel_loop3A_244, %parallel_loop3A_245] {strides = array<i32>} : memref<80x128xf32, #tpu.memory_space<vmem>>, vector<1x16xf32>,
      %parallel_loop3A_247 = vector.shape_cast %parallel_loop3A_246 : vector<1x16xf32> to vector<16xf32>
      %parallel_loop3A_248 = arith.index_cast %parallel_loop3A_173 : i32 to index
      %parallel_loop3A_249 = arith.constant 80 : index
      %parallel_loop3A_250 = tpu.vector_load %arg10[%parallel_loop3A_248, %parallel_loop3A_249] {strides = array<i32>} : memref<80x128xf32, #tpu.memory_space<vmem>>, vector<1x16xf32>,
      %parallel_loop3A_251 = vector.shape_cast %parallel_loop3A_250 : vector<1x16xf32> to vector<16xf32>
      %parallel_loop3A_252 = arith.mulf %parallel_loop3A_247, %parallel_loop3A_251 : vector<16xf32>
      %parallel_loop3A_253 = arith.index_cast %parallel_loop3A_173 : i32 to index
      %parallel_loop3A_254 = arith.constant 80 : index
      %parallel_loop3A_255 = tpu.vector_load %arg8[%parallel_loop3A_253, %parallel_loop3A_254] {strides = array<i32>} : memref<80x128xf32, #tpu.memory_space<vmem>>, vector<1x16xf32>,
      %parallel_loop3A_256 = vector.shape_cast %parallel_loop3A_255 : vector<1x16xf32> to vector<16xf32>
      %parallel_loop3A_257 = vector.shape_cast %parallel_loop3A_252 : vector<16xf32> to vector<1x16xf32>
      tpu.vector_store %arg8[%parallel_loop3A_253, %parallel_loop3A_254], %parallel_loop3A_257 {strides = array<i32>} : memref<80x128xf32, #tpu.memory_space<vmem>>, vector<1x16xf32>,
      %parallel_loop3A_258 = arith.index_cast %parallel_loop3A_173 : i32 to index
      %parallel_loop3A_259 = arith.constant 96 : index
      %parallel_loop3A_260 = tpu.vector_load %arg8[%parallel_loop3A_258, %parallel_loop3A_259] {strides = array<i32>} : memref<80x128xf32, #tpu.memory_space<vmem>>, vector<1x16xf32>,
      %parallel_loop3A_261 = vector.shape_cast %parallel_loop3A_260 : vector<1x16xf32> to vector<16xf32>
      %parallel_loop3A_262 = arith.index_cast %parallel_loop3A_173 : i32 to index
      %parallel_loop3A_263 = arith.constant 96 : index
      %parallel_loop3A_264 = tpu.vector_load %arg10[%parallel_loop3A_262, %parallel_loop3A_263] {strides = array<i32>} : memref<80x128xf32, #tpu.memory_space<vmem>>, vector<1x16xf32>,
      %parallel_loop3A_265 = vector.shape_cast %parallel_loop3A_264 : vector<1x16xf32> to vector<16xf32>
      %parallel_loop3A_266 = arith.mulf %parallel_loop3A_261, %parallel_loop3A_265 : vector<16xf32>
      %parallel_loop3A_267 = arith.index_cast %parallel_loop3A_173 : i32 to index
      %parallel_loop3A_268 = arith.constant 96 : index
      %parallel_loop3A_269 = tpu.vector_load %arg8[%parallel_loop3A_267, %parallel_loop3A_268] {strides = array<i32>} : memref<80x128xf32, #tpu.memory_space<vmem>>, vector<1x16xf32>,
      %parallel_loop3A_270 = vector.shape_cast %parallel_loop3A_269 : vector<1x16xf32> to vector<16xf32>
      %parallel_loop3A_271 = vector.shape_cast %parallel_loop3A_266 : vector<16xf32> to vector<1x16xf32>
      tpu.vector_store %arg8[%parallel_loop3A_267, %parallel_loop3A_268], %parallel_loop3A_271 {strides = array<i32>} : memref<80x128xf32, #tpu.memory_space<vmem>>, vector<1x16xf32>,
      %parallel_loop3A_272 = arith.index_cast %parallel_loop3A_173 : i32 to index
      %parallel_loop3A_273 = arith.constant 112 : index
      %parallel_loop3A_274 = tpu.vector_load %arg8[%parallel_loop3A_272, %parallel_loop3A_273] {strides = array<i32>} : memref<80x128xf32, #tpu.memory_space<vmem>>, vector<1x16xf32>,
      %parallel_loop3A_275 = vector.shape_cast %parallel_loop3A_274 : vector<1x16xf32> to vector<16xf32>
      %parallel_loop3A_276 = arith.index_cast %parallel_loop3A_173 : i32 to index
      %parallel_loop3A_277 = arith.constant 112 : index
      %parallel_loop3A_278 = tpu.vector_load %arg10[%parallel_loop3A_276, %parallel_loop3A_277] {strides = array<i32>} : memref<80x128xf32, #tpu.memory_space<vmem>>, vector<1x16xf32>,
      %parallel_loop3A_279 = vector.shape_cast %parallel_loop3A_278 : vector<1x16xf32> to vector<16xf32>
      %parallel_loop3A_280 = arith.mulf %parallel_loop3A_275, %parallel_loop3A_279 : vector<16xf32>
      %parallel_loop3A_281 = arith.index_cast %parallel_loop3A_173 : i32 to index
      %parallel_loop3A_282 = arith.constant 112 : index
      %parallel_loop3A_283 = tpu.vector_load %arg8[%parallel_loop3A_281, %parallel_loop3A_282] {strides = array<i32>} : memref<80x128xf32, #tpu.memory_space<vmem>>, vector<1x16xf32>,
      %parallel_loop3A_284 = vector.shape_cast %parallel_loop3A_283 : vector<1x16xf32> to vector<16xf32>
      %parallel_loop3A_285 = vector.shape_cast %parallel_loop3A_280 : vector<16xf32> to vector<1x16xf32>
      tpu.vector_store %arg8[%parallel_loop3A_281, %parallel_loop3A_282], %parallel_loop3A_285 {strides = array<i32>} : memref<80x128xf32, #tpu.memory_space<vmem>>, vector<1x16xf32>,
    } {sc.loop_unroll_factor = 8 : i64, sc.parallel_access}
    %dma_start3A_139 = arith.constant 24 : i32
    %dma_start3A_140 = arith.constant 0 : i32
    %dma_start3A_141 = tpu.memref_slice %arg7[%dma_start3A_139, %dma_start3A_140] : memref<25x80xi32, #tpu.memory_space<vmem>> -> memref<1x80xi32, #tpu.memory_space<vmem>>
    %dma_start3A_142 = tpu.memref_squeeze %dma_start3A_141 : memref<1x80xi32, #tpu.memory_space<vmem>> -> memref<80xi32, #tpu.memory_space<vmem>>
    %dma_start3A_143 = arith.constant 0 : i32
    %dma_start3A_144 = arith.constant 0 : i32
    %dma_start3A_145 = tpu.memref_slice %arg12[%dma_start3A_143, %dma_start3A_144] : memref<10000x128xf32, #tpu.memory_space<vmem_shared>> -> memref<10000x128xf32, #tpu.memory_space<vmem_shared>>
    tpu.enqueue_indirect_dma source(%arg8 : memref<80x128xf32, #tpu.memory_space<vmem>>) target(%dma_start3A_145 : memref<10000x128xf32, #tpu.memory_space<vmem_shared>>) offsets(%dma_start3A_142 : memref<80xi32, #tpu.memory_space<vmem>>) semaphore(%arg17 : memref<!tpu.dma_semaphore, #tpu.memory_space<semaphore_mem>>) {add = true}
    %scan3A_146 = arith.constant 0 : i32
    %scan3A_147 = arith.constant 1 : i32
    %scan3A_148 = arith.constant 4 : i32
    %scan3A_149 = arith.addi %scan3A_147, %scan3A_148 : i32
    %scan3A_150 = arith.constant 1 : i32
    scf.for %scan3A_173 = %scan3A_147 to %scan3A_149 step %scan3A_150  : i32 {
      %mul3A_174 = arith.constant 25 : i32
      %mul3A_175 = arith.muli %scan3A_173, %mul3A_174 : i32
      %run_scoped3A_176 = arith.constant 1 : i32
      "tpu.region"() ({
        %run_scoped3A_236 = tpu.sem_alloc : memref<!tpu.dma_semaphore, #tpu.memory_space<semaphore_mem>>
        %dma_start3A_237 = arith.constant 0 : i32
        %dma_start3A_238 = arith.constant 0 : i32
        %dma_start3A_239 = tpu.memref_slice %arg4[%run_scoped3A_176, %add3A, %scan3A_173, %dma_start3A_237, %dma_start3A_238] : memref<2x32x5x25x80xi32, #tpu.memory_space<hbm>> -> memref<1x1x1x25x80xi32, #tpu.memory_space<hbm>>
        %dma_start3A_240 = tpu.memref_squeeze %dma_start3A_239 : memref<1x1x1x25x80xi32, #tpu.memory_space<hbm>> -> memref<25x80xi32, #tpu.memory_space<hbm>>
        %dma_start3A_241 = arith.constant 0 : i32
        %dma_start3A_242 = arith.constant 0 : i32
        %dma_start3A_243 = tpu.memref_slice %arg4[%run_scoped3A_176, %add3A, %scan3A_173, %dma_start3A_241, %dma_start3A_242] : memref<2x32x5x25x80xi32, #tpu.memory_space<hbm>> -> memref<1x1x1x25x80xi32, #tpu.memory_space<hbm>>
        %dma_start3A_244 = tpu.memref_squeeze %dma_start3A_243 : memref<1x1x1x25x80xi32, #tpu.memory_space<hbm>> -> memref<25x80xi32, #tpu.memory_space<hbm>>
        tpu.enqueue_dma source(%dma_start3A_244 : memref<25x80xi32, #tpu.memory_space<hbm>>) target(%arg6 : memref<25x80xi32, #tpu.memory_space<vmem>>) target_semaphore(%run_scoped3A_236 : memref<!tpu.dma_semaphore, #tpu.memory_space<semaphore_mem>>)
        %dma_wait3A_245 = arith.constant 0 : i32
        %dma_wait3A_246 = arith.constant 0 : i32
        %dma_wait3A_247 = tpu.memref_slice %arg4[%run_scoped3A_176, %add3A, %scan3A_173, %dma_wait3A_245, %dma_wait3A_246] : memref<2x32x5x25x80xi32, #tpu.memory_space<hbm>> -> memref<1x1x1x25x80xi32, #tpu.memory_space<hbm>>
        %dma_wait3A_248 = tpu.memref_squeeze %dma_wait3A_247 : memref<1x1x1x25x80xi32, #tpu.memory_space<hbm>> -> memref<25x80xi32, #tpu.memory_space<hbm>>
        %dma_wait3A_249 = arith.constant 0 : i32
        %dma_wait3A_250 = arith.constant 0 : i32
        %dma_wait3A_251 = tpu.memref_slice %arg4[%run_scoped3A_176, %add3A, %scan3A_173, %dma_wait3A_249, %dma_wait3A_250] : memref<2x32x5x25x80xi32, #tpu.memory_space<hbm>> -> memref<1x1x1x25x80xi32, #tpu.memory_space<hbm>>
        %dma_wait3A_252 = tpu.memref_squeeze %dma_wait3A_251 : memref<1x1x1x25x80xi32, #tpu.memory_space<hbm>> -> memref<25x80xi32, #tpu.memory_space<hbm>>
        tpu.wait_dma2 semaphore(%run_scoped3A_236 : memref<!tpu.dma_semaphore, #tpu.memory_space<semaphore_mem>>) src(%dma_wait3A_252 : memref<25x80xi32, #tpu.memory_space<hbm>>) dst(%arg6 : memref<25x80xi32, #tpu.memory_space<vmem>>)
        tpu.yield
      }) : () -> ()
      %run_scoped3A_177 = arith.constant 0 : i32
      "tpu.region"() ({
        %run_scoped3A_236 = tpu.sem_alloc : memref<!tpu.dma_semaphore, #tpu.memory_space<semaphore_mem>>
        %dma_start3A_237 = arith.constant 0 : i32
        %dma_start3A_238 = arith.constant 0 : i32
        %dma_start3A_239 = tpu.memref_slice %arg4[%run_scoped3A_177, %add3A, %scan3A_173, %dma_start3A_237, %dma_start3A_238] : memref<2x32x5x25x80xi32, #tpu.memory_space<hbm>> -> memref<1x1x1x25x80xi32, #tpu.memory_space<hbm>>
        %dma_start3A_240 = tpu.memref_squeeze %dma_start3A_239 : memref<1x1x1x25x80xi32, #tpu.memory_space<hbm>> -> memref<25x80xi32, #tpu.memory_space<hbm>>
        %dma_start3A_241 = arith.constant 0 : i32
        %dma_start3A_242 = arith.constant 0 : i32
        %dma_start3A_243 = tpu.memref_slice %arg4[%run_scoped3A_177, %add3A, %scan3A_173, %dma_start3A_241, %dma_start3A_242] : memref<2x32x5x25x80xi32, #tpu.memory_space<hbm>> -> memref<1x1x1x25x80xi32, #tpu.memory_space<hbm>>
        %dma_start3A_244 = tpu.memref_squeeze %dma_start3A_243 : memref<1x1x1x25x80xi32, #tpu.memory_space<hbm>> -> memref<25x80xi32, #tpu.memory_space<hbm>>
        tpu.enqueue_dma source(%dma_start3A_244 : memref<25x80xi32, #tpu.memory_space<hbm>>) target(%arg7 : memref<25x80xi32, #tpu.memory_space<vmem>>) target_semaphore(%run_scoped3A_236 : memref<!tpu.dma_semaphore, #tpu.memory_space<semaphore_mem>>)
        %dma_wait3A_245 = arith.constant 0 : i32
        %dma_wait3A_246 = arith.constant 0 : i32
        %dma_wait3A_247 = tpu.memref_slice %arg4[%run_scoped3A_177, %add3A, %scan3A_173, %dma_wait3A_245, %dma_wait3A_246] : memref<2x32x5x25x80xi32, #tpu.memory_space<hbm>> -> memref<1x1x1x25x80xi32, #tpu.memory_space<hbm>>
        %dma_wait3A_248 = tpu.memref_squeeze %dma_wait3A_247 : memref<1x1x1x25x80xi32, #tpu.memory_space<hbm>> -> memref<25x80xi32, #tpu.memory_space<hbm>>
        %dma_wait3A_249 = arith.constant 0 : i32
        %dma_wait3A_250 = arith.constant 0 : i32
        %dma_wait3A_251 = tpu.memref_slice %arg4[%run_scoped3A_177, %add3A, %scan3A_173, %dma_wait3A_249, %dma_wait3A_250] : memref<2x32x5x25x80xi32, #tpu.memory_space<hbm>> -> memref<1x1x1x25x80xi32, #tpu.memory_space<hbm>>
        %dma_wait3A_252 = tpu.memref_squeeze %dma_wait3A_251 : memref<1x1x1x25x80xi32, #tpu.memory_space<hbm>> -> memref<25x80xi32, #tpu.memory_space<hbm>>
        tpu.wait_dma2 semaphore(%run_scoped3A_236 : memref<!tpu.dma_semaphore, #tpu.memory_space<semaphore_mem>>) src(%dma_wait3A_252 : memref<25x80xi32, #tpu.memory_space<hbm>>) dst(%arg7 : memref<25x80xi32, #tpu.memory_space<vmem>>)
        tpu.yield
      }) : () -> ()
      %dma_wait3A_178 = arith.constant 0 : i32
      %dma_wait3A_179 = arith.constant 0 : i32
      %dma_wait3A_180 = tpu.memref_slice %arg7[%dma_wait3A_178, %dma_wait3A_179] : memref<25x80xi32, #tpu.memory_space<vmem>> -> memref<1x80xi32, #tpu.memory_space<vmem>>
      %dma_wait3A_181 = tpu.memref_squeeze %dma_wait3A_180 : memref<1x80xi32, #tpu.memory_space<vmem>> -> memref<80xi32, #tpu.memory_space<vmem>>
      %dma_wait3A_182 = arith.constant 0 : i32
      %dma_wait3A_183 = arith.constant 0 : i32
      %dma_wait3A_184 = tpu.memref_slice %arg12[%dma_wait3A_182, %dma_wait3A_183] : memref<10000x128xf32, #tpu.memory_space<vmem_shared>> -> memref<10000x128xf32, #tpu.memory_space<vmem_shared>>
      tpu.wait_indirect_dma semaphore(%arg17 : memref<!tpu.dma_semaphore, #tpu.memory_space<semaphore_mem>>) src(%arg8 : memref<80x128xf32, #tpu.memory_space<vmem>>) dst(%dma_wait3A_184 : memref<10000x128xf32, #tpu.memory_space<vmem_shared>>)
      %dma_start3A_185 = arith.constant 0 : i32
      %dma_start3A_186 = arith.constant 0 : i32
      %dma_start3A_187 = tpu.memref_slice %arg6[%dma_start3A_185, %dma_start3A_186] : memref<25x80xi32, #tpu.memory_space<vmem>> -> memref<1x80xi32, #tpu.memory_space<vmem>>
      %dma_start3A_188 = tpu.memref_squeeze %dma_start3A_187 : memref<1x80xi32, #tpu.memory_space<vmem>> -> memref<80xi32, #tpu.memory_space<vmem>>
      %dma_start3A_189 = arith.constant 0 : i32
      %dma_start3A_190 = arith.constant 0 : i32
      %dma_start3A_191 = tpu.memref_slice %arg2[%dma_start3A_189, %dma_start3A_190] : memref<10000x128xf32, #tpu.memory_space<hbm>> -> memref<10000x128xf32, #tpu.memory_space<hbm>>
      tpu.enqueue_indirect_dma source(%dma_start3A_191 : memref<10000x128xf32, #tpu.memory_space<hbm>>) target(%arg8 : memref<80x128xf32, #tpu.memory_space<vmem>>) offsets(%dma_start3A_188 : memref<80xi32, #tpu.memory_space<vmem>>) semaphore(%arg13 : memref<!tpu.dma_semaphore, #tpu.memory_space<semaphore_mem>>)
      %mul3A_192 = arith.constant 10000 : i32
      %mul3A_193 = arith.muli %add3A, %mul3A_192 : i32
      %mul3A_194 = arith.constant 80 : i32
      %mul3A_195 = arith.muli %mul3A_175, %mul3A_194 : i32
      %add3A_196 = arith.addi %mul3A_193, %mul3A_195 : i32
      %dma_start3A_197 = arith.constant 0 : i32
      %dma_start3A_198 = tpu.memref_slice %arg3[%add3A_196, %dma_start3A_197] : memref<320000x128xf32, #tpu.memory_space<hbm>> -> memref<80x128xf32, #tpu.memory_space<hbm>>
      %dma_start3A_199 = arith.constant 0 : i32
      %dma_start3A_200 = tpu.memref_slice %arg3[%add3A_196, %dma_start3A_199] : memref<320000x128xf32, #tpu.memory_space<hbm>> -> memref<80x128xf32, #tpu.memory_space<hbm>>
      tpu.enqueue_dma source(%dma_start3A_200 : memref<80x128xf32, #tpu.memory_space<hbm>>) target(%arg10 : memref<80x128xf32, #tpu.memory_space<vmem>>) target_semaphore(%arg15 : memref<!tpu.dma_semaphore, #tpu.memory_space<semaphore_mem>>)
      %scan3A_201 = arith.constant 0 : i32
      %scan3A_202 = arith.constant 0 : i32
      %scan3A_203 = arith.constant 12 : i32
      %scan3A_204 = arith.addi %scan3A_202, %scan3A_203 : i32
      %scan3A_205 = arith.constant 1 : i32
      scf.for %scan3A_236 = %scan3A_202 to %scan3A_204 step %scan3A_205  : i32 {
        %mul3A_237 = arith.constant 2 : i32
        %mul3A_238 = arith.muli %mul3A_237, %scan3A_236 : i32
        %add3A_239 = arith.addi %mul3A_175, %mul3A_238 : i32
        %mul3A_240 = arith.constant 2 : i32
        %mul3A_241 = arith.muli %mul3A_240, %scan3A_236 : i32
        %add3A_242 = arith.constant 1 : i32
        %add3A_243 = arith.addi %add3A_239, %add3A_242 : i32
        %add3A_244 = arith.constant 1 : i32
        %add3A_245 = arith.addi %mul3A_241, %add3A_244 : i32
        %dma_wait3A_246 = arith.constant 0 : i32
        %dma_wait3A_247 = tpu.memref_slice %arg7[%add3A_245, %dma_wait3A_246] : memref<25x80xi32, #tpu.memory_space<vmem>> -> memref<1x80xi32, #tpu.memory_space<vmem>>
        %dma_wait3A_248 = tpu.memref_squeeze %dma_wait3A_247 : memref<1x80xi32, #tpu.memory_space<vmem>> -> memref<80xi32, #tpu.memory_space<vmem>>
        %dma_wait3A_249 = arith.constant 0 : i32
        %dma_wait3A_250 = arith.constant 0 : i32
        %dma_wait3A_251 = tpu.memref_slice %arg12[%dma_wait3A_249, %dma_wait3A_250] : memref<10000x128xf32, #tpu.memory_space<vmem_shared>> -> memref<10000x128xf32, #tpu.memory_space<vmem_shared>>
        tpu.wait_indirect_dma semaphore(%arg18 : memref<!tpu.dma_semaphore, #tpu.memory_space<semaphore_mem>>) src(%arg9 : memref<80x128xf32, #tpu.memory_space<vmem>>) dst(%dma_wait3A_251 : memref<10000x128xf32, #tpu.memory_space<vmem_shared>>)
        %dma_start3A_252 = arith.constant 0 : i32
        %dma_start3A_253 = tpu.memref_slice %arg6[%add3A_245, %dma_start3A_252] : memref<25x80xi32, #tpu.memory_space<vmem>> -> memref<1x80xi32, #tpu.memory_space<vmem>>
        %dma_start3A_254 = tpu.memref_squeeze %dma_start3A_253 : memref<1x80xi32, #tpu.memory_space<vmem>> -> memref<80xi32, #tpu.memory_space<vmem>>
        %dma_start3A_255 = arith.constant 0 : i32
        %dma_start3A_256 = arith.constant 0 : i32
        %dma_start3A_257 = tpu.memref_slice %arg2[%dma_start3A_255, %dma_start3A_256] : memref<10000x128xf32, #tpu.memory_space<hbm>> -> memref<10000x128xf32, #tpu.memory_space<hbm>>
        tpu.enqueue_indirect_dma source(%dma_start3A_257 : memref<10000x128xf32, #tpu.memory_space<hbm>>) target(%arg9 : memref<80x128xf32, #tpu.memory_space<vmem>>) offsets(%dma_start3A_254 : memref<80xi32, #tpu.memory_space<vmem>>) semaphore(%arg14 : memref<!tpu.dma_semaphore, #tpu.memory_space<semaphore_mem>>)
        %mul3A_258 = arith.constant 10000 : i32
        %mul3A_259 = arith.muli %add3A, %mul3A_258 : i32
        %mul3A_260 = arith.constant 80 : i32
        %mul3A_261 = arith.muli %add3A_243, %mul3A_260 : i32
        %add3A_262 = arith.addi %mul3A_259, %mul3A_261 : i32
        %dma_start3A_263 = arith.constant 0 : i32
        %dma_start3A_264 = tpu.memref_slice %arg3[%add3A_262, %dma_start3A_263] : memref<320000x128xf32, #tpu.memory_space<hbm>> -> memref<80x128xf32, #tpu.memory_space<hbm>>
        %dma_start3A_265 = arith.constant 0 : i32
        %dma_start3A_266 = tpu.memref_slice %arg3[%add3A_262, %dma_start3A_265] : memref<320000x128xf32, #tpu.memory_space<hbm>> -> memref<80x128xf32, #tpu.memory_space<hbm>>
        tpu.enqueue_dma source(%dma_start3A_266 : memref<80x128xf32, #tpu.memory_space<hbm>>) target(%arg11 : memref<80x128xf32, #tpu.memory_space<vmem>>) target_semaphore(%arg16 : memref<!tpu.dma_semaphore, #tpu.memory_space<semaphore_mem>>)
        %dma_wait3A_267 = arith.constant 0 : i32
        %dma_wait3A_268 = tpu.memref_slice %arg6[%mul3A_241, %dma_wait3A_267] : memref<25x80xi32, #tpu.memory_space<vmem>> -> memref<1x80xi32, #tpu.memory_space<vmem>>
        %dma_wait3A_269 = tpu.memref_squeeze %dma_wait3A_268 : memref<1x80xi32, #tpu.memory_space<vmem>> -> memref<80xi32, #tpu.memory_space<vmem>>
        %dma_wait3A_270 = arith.constant 0 : i32
        %dma_wait3A_271 = arith.constant 0 : i32
        %dma_wait3A_272 = tpu.memref_slice %arg2[%dma_wait3A_270, %dma_wait3A_271] : memref<10000x128xf32, #tpu.memory_space<hbm>> -> memref<10000x128xf32, #tpu.memory_space<hbm>>
        tpu.wait_indirect_dma semaphore(%arg13 : memref<!tpu.dma_semaphore, #tpu.memory_space<semaphore_mem>>) src(%dma_wait3A_272 : memref<10000x128xf32, #tpu.memory_space<hbm>>) dst(%arg8 : memref<80x128xf32, #tpu.memory_space<vmem>>)
        %mul3A_273 = arith.constant 10000 : i32
        %mul3A_274 = arith.muli %add3A, %mul3A_273 : i32
        %mul3A_275 = arith.constant 80 : i32
        %mul3A_276 = arith.muli %add3A_239, %mul3A_275 : i32
        %add3A_277 = arith.addi %mul3A_274, %mul3A_276 : i32
        %dma_wait3A_278 = arith.constant 0 : i32
        %dma_wait3A_279 = tpu.memref_slice %arg3[%add3A_277, %dma_wait3A_278] : memref<320000x128xf32, #tpu.memory_space<hbm>> -> memref<80x128xf32, #tpu.memory_space<hbm>>
        %dma_wait3A_280 = arith.constant 0 : i32
        %dma_wait3A_281 = tpu.memref_slice %arg3[%add3A_277, %dma_wait3A_280] : memref<320000x128xf32, #tpu.memory_space<hbm>> -> memref<80x128xf32, #tpu.memory_space<hbm>>
        tpu.wait_dma2 semaphore(%arg15 : memref<!tpu.dma_semaphore, #tpu.memory_space<semaphore_mem>>) src(%dma_wait3A_281 : memref<80x128xf32, #tpu.memory_space<hbm>>) dst(%arg10 : memref<80x128xf32, #tpu.memory_space<vmem>>)
        %parallel_loop3A_282 = arith.constant 0 : i32
        %parallel_loop3A_283 = arith.constant 80 : i32
        %parallel_loop3A_284 = arith.constant 1 : i32
        scf.for %parallel_loop3A_344 = %parallel_loop3A_282 to %parallel_loop3A_283 step %parallel_loop3A_284  : i32 {
          %parallel_loop3A_345 = arith.index_cast %parallel_loop3A_344 : i32 to index
          %parallel_loop3A_346 = arith.constant 0 : index
          %parallel_loop3A_347 = tpu.vector_load %arg8[%parallel_loop3A_345, %parallel_loop3A_346] {strides = array<i32>} : memref<80x128xf32, #tpu.memory_space<vmem>>, vector<1x16xf32>,
          %parallel_loop3A_348 = vector.shape_cast %parallel_loop3A_347 : vector<1x16xf32> to vector<16xf32>
          %parallel_loop3A_349 = arith.index_cast %parallel_loop3A_344 : i32 to index
          %parallel_loop3A_350 = arith.constant 0 : index
          %parallel_loop3A_351 = tpu.vector_load %arg10[%parallel_loop3A_349, %parallel_loop3A_350] {strides = array<i32>} : memref<80x128xf32, #tpu.memory_space<vmem>>, vector<1x16xf32>,
          %parallel_loop3A_352 = vector.shape_cast %parallel_loop3A_351 : vector<1x16xf32> to vector<16xf32>
          %parallel_loop3A_353 = arith.mulf %parallel_loop3A_348, %parallel_loop3A_352 : vector<16xf32>
          %parallel_loop3A_354 = arith.index_cast %parallel_loop3A_344 : i32 to index
          %parallel_loop3A_355 = arith.constant 0 : index
          %parallel_loop3A_356 = tpu.vector_load %arg8[%parallel_loop3A_354, %parallel_loop3A_355] {strides = array<i32>} : memref<80x128xf32, #tpu.memory_space<vmem>>, vector<1x16xf32>,
          %parallel_loop3A_357 = vector.shape_cast %parallel_loop3A_356 : vector<1x16xf32> to vector<16xf32>
          %parallel_loop3A_358 = vector.shape_cast %parallel_loop3A_353 : vector<16xf32> to vector<1x16xf32>
          tpu.vector_store %arg8[%parallel_loop3A_354, %parallel_loop3A_355], %parallel_loop3A_358 {strides = array<i32>} : memref<80x128xf32, #tpu.memory_space<vmem>>, vector<1x16xf32>,
          %parallel_loop3A_359 = arith.index_cast %parallel_loop3A_344 : i32 to index
          %parallel_loop3A_360 = arith.constant 16 : index
          %parallel_loop3A_361 = tpu.vector_load %arg8[%parallel_loop3A_359, %parallel_loop3A_360] {strides = array<i32>} : memref<80x128xf32, #tpu.memory_space<vmem>>, vector<1x16xf32>,
          %parallel_loop3A_362 = vector.shape_cast %parallel_loop3A_361 : vector<1x16xf32> to vector<16xf32>
          %parallel_loop3A_363 = arith.index_cast %parallel_loop3A_344 : i32 to index
          %parallel_loop3A_364 = arith.constant 16 : index
          %parallel_loop3A_365 = tpu.vector_load %arg10[%parallel_loop3A_363, %parallel_loop3A_364] {strides = array<i32>} : memref<80x128xf32, #tpu.memory_space<vmem>>, vector<1x16xf32>,
          %parallel_loop3A_366 = vector.shape_cast %parallel_loop3A_365 : vector<1x16xf32> to vector<16xf32>
          %parallel_loop3A_367 = arith.mulf %parallel_loop3A_362, %parallel_loop3A_366 : vector<16xf32>
          %parallel_loop3A_368 = arith.index_cast %parallel_loop3A_344 : i32 to index
          %parallel_loop3A_369 = arith.constant 16 : index
          %parallel_loop3A_370 = tpu.vector_load %arg8[%parallel_loop3A_368, %parallel_loop3A_369] {strides = array<i32>} : memref<80x128xf32, #tpu.memory_space<vmem>>, vector<1x16xf32>,
          %parallel_loop3A_371 = vector.shape_cast %parallel_loop3A_370 : vector<1x16xf32> to vector<16xf32>
          %parallel_loop3A_372 = vector.shape_cast %parallel_loop3A_367 : vector<16xf32> to vector<1x16xf32>
          tpu.vector_store %arg8[%parallel_loop3A_368, %parallel_loop3A_369], %parallel_loop3A_372 {strides = array<i32>} : memref<80x128xf32, #tpu.memory_space<vmem>>, vector<1x16xf32>,
          %parallel_loop3A_373 = arith.index_cast %parallel_loop3A_344 : i32 to index
          %parallel_loop3A_374 = arith.constant 32 : index
          %parallel_loop3A_375 = tpu.vector_load %arg8[%parallel_loop3A_373, %parallel_loop3A_374] {strides = array<i32>} : memref<80x128xf32, #tpu.memory_space<vmem>>, vector<1x16xf32>,
          %parallel_loop3A_376 = vector.shape_cast %parallel_loop3A_375 : vector<1x16xf32> to vector<16xf32>
          %parallel_loop3A_377 = arith.index_cast %parallel_loop3A_344 : i32 to index
          %parallel_loop3A_378 = arith.constant 32 : index
          %parallel_loop3A_379 = tpu.vector_load %arg10[%parallel_loop3A_377, %parallel_loop3A_378] {strides = array<i32>} : memref<80x128xf32, #tpu.memory_space<vmem>>, vector<1x16xf32>,
          %parallel_loop3A_380 = vector.shape_cast %parallel_loop3A_379 : vector<1x16xf32> to vector<16xf32>
          %parallel_loop3A_381 = arith.mulf %parallel_loop3A_376, %parallel_loop3A_380 : vector<16xf32>
          %parallel_loop3A_382 = arith.index_cast %parallel_loop3A_344 : i32 to index
          %parallel_loop3A_383 = arith.constant 32 : index
          %parallel_loop3A_384 = tpu.vector_load %arg8[%parallel_loop3A_382, %parallel_loop3A_383] {strides = array<i32>} : memref<80x128xf32, #tpu.memory_space<vmem>>, vector<1x16xf32>,
          %parallel_loop3A_385 = vector.shape_cast %parallel_loop3A_384 : vector<1x16xf32> to vector<16xf32>
          %parallel_loop3A_386 = vector.shape_cast %parallel_loop3A_381 : vector<16xf32> to vector<1x16xf32>
          tpu.vector_store %arg8[%parallel_loop3A_382, %parallel_loop3A_383], %parallel_loop3A_386 {strides = array<i32>} : memref<80x128xf32, #tpu.memory_space<vmem>>, vector<1x16xf32>,
          %parallel_loop3A_387 = arith.index_cast %parallel_loop3A_344 : i32 to index
          %parallel_loop3A_388 = arith.constant 48 : index
          %parallel_loop3A_389 = tpu.vector_load %arg8[%parallel_loop3A_387, %parallel_loop3A_388] {strides = array<i32>} : memref<80x128xf32, #tpu.memory_space<vmem>>, vector<1x16xf32>,
          %parallel_loop3A_390 = vector.shape_cast %parallel_loop3A_389 : vector<1x16xf32> to vector<16xf32>
          %parallel_loop3A_391 = arith.index_cast %parallel_loop3A_344 : i32 to index
          %parallel_loop3A_392 = arith.constant 48 : index
          %parallel_loop3A_393 = tpu.vector_load %arg10[%parallel_loop3A_391, %parallel_loop3A_392] {strides = array<i32>} : memref<80x128xf32, #tpu.memory_space<vmem>>, vector<1x16xf32>,
          %parallel_loop3A_394 = vector.shape_cast %parallel_loop3A_393 : vector<1x16xf32> to vector<16xf32>
          %parallel_loop3A_395 = arith.mulf %parallel_loop3A_390, %parallel_loop3A_394 : vector<16xf32>
          %parallel_loop3A_396 = arith.index_cast %parallel_loop3A_344 : i32 to index
          %parallel_loop3A_397 = arith.constant 48 : index
          %parallel_loop3A_398 = tpu.vector_load %arg8[%parallel_loop3A_396, %parallel_loop3A_397] {strides = array<i32>} : memref<80x128xf32, #tpu.memory_space<vmem>>, vector<1x16xf32>,
          %parallel_loop3A_399 = vector.shape_cast %parallel_loop3A_398 : vector<1x16xf32> to vector<16xf32>
          %parallel_loop3A_400 = vector.shape_cast %parallel_loop3A_395 : vector<16xf32> to vector<1x16xf32>
          tpu.vector_store %arg8[%parallel_loop3A_396, %parallel_loop3A_397], %parallel_loop3A_400 {strides = array<i32>} : memref<80x128xf32, #tpu.memory_space<vmem>>, vector<1x16xf32>,
          %parallel_loop3A_401 = arith.index_cast %parallel_loop3A_344 : i32 to index
          %parallel_loop3A_402 = arith.constant 64 : index
          %parallel_loop3A_403 = tpu.vector_load %arg8[%parallel_loop3A_401, %parallel_loop3A_402] {strides = array<i32>} : memref<80x128xf32, #tpu.memory_space<vmem>>, vector<1x16xf32>,
          %parallel_loop3A_404 = vector.shape_cast %parallel_loop3A_403 : vector<1x16xf32> to vector<16xf32>
          %parallel_loop3A_405 = arith.index_cast %parallel_loop3A_344 : i32 to index
          %parallel_loop3A_406 = arith.constant 64 : index
          %parallel_loop3A_407 = tpu.vector_load %arg10[%parallel_loop3A_405, %parallel_loop3A_406] {strides = array<i32>} : memref<80x128xf32, #tpu.memory_space<vmem>>, vector<1x16xf32>,
          %parallel_loop3A_408 = vector.shape_cast %parallel_loop3A_407 : vector<1x16xf32> to vector<16xf32>
          %parallel_loop3A_409 = arith.mulf %parallel_loop3A_404, %parallel_loop3A_408 : vector<16xf32>
          %parallel_loop3A_410 = arith.index_cast %parallel_loop3A_344 : i32 to index
          %parallel_loop3A_411 = arith.constant 64 : index
          %parallel_loop3A_412 = tpu.vector_load %arg8[%parallel_loop3A_410, %parallel_loop3A_411] {strides = array<i32>} : memref<80x128xf32, #tpu.memory_space<vmem>>, vector<1x16xf32>,
          %parallel_loop3A_413 = vector.shape_cast %parallel_loop3A_412 : vector<1x16xf32> to vector<16xf32>
          %parallel_loop3A_414 = vector.shape_cast %parallel_loop3A_409 : vector<16xf32> to vector<1x16xf32>
          tpu.vector_store %arg8[%parallel_loop3A_410, %parallel_loop3A_411], %parallel_loop3A_414 {strides = array<i32>} : memref<80x128xf32, #tpu.memory_space<vmem>>, vector<1x16xf32>,
          %parallel_loop3A_415 = arith.index_cast %parallel_loop3A_344 : i32 to index
          %parallel_loop3A_416 = arith.constant 80 : index
          %parallel_loop3A_417 = tpu.vector_load %arg8[%parallel_loop3A_415, %parallel_loop3A_416] {strides = array<i32>} : memref<80x128xf32, #tpu.memory_space<vmem>>, vector<1x16xf32>,
          %parallel_loop3A_418 = vector.shape_cast %parallel_loop3A_417 : vector<1x16xf32> to vector<16xf32>
          %parallel_loop3A_419 = arith.index_cast %parallel_loop3A_344 : i32 to index
          %parallel_loop3A_420 = arith.constant 80 : index
          %parallel_loop3A_421 = tpu.vector_load %arg10[%parallel_loop3A_419, %parallel_loop3A_420] {strides = array<i32>} : memref<80x128xf32, #tpu.memory_space<vmem>>, vector<1x16xf32>,
          %parallel_loop3A_422 = vector.shape_cast %parallel_loop3A_421 : vector<1x16xf32> to vector<16xf32>
          %parallel_loop3A_423 = arith.mulf %parallel_loop3A_418, %parallel_loop3A_422 : vector<16xf32>
          %parallel_loop3A_424 = arith.index_cast %parallel_loop3A_344 : i32 to index
          %parallel_loop3A_425 = arith.constant 80 : index
          %parallel_loop3A_426 = tpu.vector_load %arg8[%parallel_loop3A_424, %parallel_loop3A_425] {strides = array<i32>} : memref<80x128xf32, #tpu.memory_space<vmem>>, vector<1x16xf32>,
          %parallel_loop3A_427 = vector.shape_cast %parallel_loop3A_426 : vector<1x16xf32> to vector<16xf32>
          %parallel_loop3A_428 = vector.shape_cast %parallel_loop3A_423 : vector<16xf32> to vector<1x16xf32>
          tpu.vector_store %arg8[%parallel_loop3A_424, %parallel_loop3A_425], %parallel_loop3A_428 {strides = array<i32>} : memref<80x128xf32, #tpu.memory_space<vmem>>, vector<1x16xf32>,
          %parallel_loop3A_429 = arith.index_cast %parallel_loop3A_344 : i32 to index
          %parallel_loop3A_430 = arith.constant 96 : index
          %parallel_loop3A_431 = tpu.vector_load %arg8[%parallel_loop3A_429, %parallel_loop3A_430] {strides = array<i32>} : memref<80x128xf32, #tpu.memory_space<vmem>>, vector<1x16xf32>,
          %parallel_loop3A_432 = vector.shape_cast %parallel_loop3A_431 : vector<1x16xf32> to vector<16xf32>
          %parallel_loop3A_433 = arith.index_cast %parallel_loop3A_344 : i32 to index
          %parallel_loop3A_434 = arith.constant 96 : index
          %parallel_loop3A_435 = tpu.vector_load %arg10[%parallel_loop3A_433, %parallel_loop3A_434] {strides = array<i32>} : memref<80x128xf32, #tpu.memory_space<vmem>>, vector<1x16xf32>,
          %parallel_loop3A_436 = vector.shape_cast %parallel_loop3A_435 : vector<1x16xf32> to vector<16xf32>
          %parallel_loop3A_437 = arith.mulf %parallel_loop3A_432, %parallel_loop3A_436 : vector<16xf32>
          %parallel_loop3A_438 = arith.index_cast %parallel_loop3A_344 : i32 to index
          %parallel_loop3A_439 = arith.constant 96 : index
          %parallel_loop3A_440 = tpu.vector_load %arg8[%parallel_loop3A_438, %parallel_loop3A_439] {strides = array<i32>} : memref<80x128xf32, #tpu.memory_space<vmem>>, vector<1x16xf32>,
          %parallel_loop3A_441 = vector.shape_cast %parallel_loop3A_440 : vector<1x16xf32> to vector<16xf32>
          %parallel_loop3A_442 = vector.shape_cast %parallel_loop3A_437 : vector<16xf32> to vector<1x16xf32>
          tpu.vector_store %arg8[%parallel_loop3A_438, %parallel_loop3A_439], %parallel_loop3A_442 {strides = array<i32>} : memref<80x128xf32, #tpu.memory_space<vmem>>, vector<1x16xf32>,
          %parallel_loop3A_443 = arith.index_cast %parallel_loop3A_344 : i32 to index
          %parallel_loop3A_444 = arith.constant 112 : index
          %parallel_loop3A_445 = tpu.vector_load %arg8[%parallel_loop3A_443, %parallel_loop3A_444] {strides = array<i32>} : memref<80x128xf32, #tpu.memory_space<vmem>>, vector<1x16xf32>,
          %parallel_loop3A_446 = vector.shape_cast %parallel_loop3A_445 : vector<1x16xf32> to vector<16xf32>
          %parallel_loop3A_447 = arith.index_cast %parallel_loop3A_344 : i32 to index
          %parallel_loop3A_448 = arith.constant 112 : index
          %parallel_loop3A_449 = tpu.vector_load %arg10[%parallel_loop3A_447, %parallel_loop3A_448] {strides = array<i32>} : memref<80x128xf32, #tpu.memory_space<vmem>>, vector<1x16xf32>,
          %parallel_loop3A_450 = vector.shape_cast %parallel_loop3A_449 : vector<1x16xf32> to vector<16xf32>
          %parallel_loop3A_451 = arith.mulf %parallel_loop3A_446, %parallel_loop3A_450 : vector<16xf32>
          %parallel_loop3A_452 = arith.index_cast %parallel_loop3A_344 : i32 to index
          %parallel_loop3A_453 = arith.constant 112 : index
          %parallel_loop3A_454 = tpu.vector_load %arg8[%parallel_loop3A_452, %parallel_loop3A_453] {strides = array<i32>} : memref<80x128xf32, #tpu.memory_space<vmem>>, vector<1x16xf32>,
          %parallel_loop3A_455 = vector.shape_cast %parallel_loop3A_454 : vector<1x16xf32> to vector<16xf32>
          %parallel_loop3A_456 = vector.shape_cast %parallel_loop3A_451 : vector<16xf32> to vector<1x16xf32>
          tpu.vector_store %arg8[%parallel_loop3A_452, %parallel_loop3A_453], %parallel_loop3A_456 {strides = array<i32>} : memref<80x128xf32, #tpu.memory_space<vmem>>, vector<1x16xf32>,
        } {sc.loop_unroll_factor = 8 : i64, sc.parallel_access}
        %dma_start3A_285 = arith.constant 0 : i32
        %dma_start3A_286 = tpu.memref_slice %arg7[%mul3A_241, %dma_start3A_285] : memref<25x80xi32, #tpu.memory_space<vmem>> -> memref<1x80xi32, #tpu.memory_space<vmem>>
        %dma_start3A_287 = tpu.memref_squeeze %dma_start3A_286 : memref<1x80xi32, #tpu.memory_space<vmem>> -> memref<80xi32, #tpu.memory_space<vmem>>
        %dma_start3A_288 = arith.constant 0 : i32
        %dma_start3A_289 = arith.constant 0 : i32
        %dma_start3A_290 = tpu.memref_slice %arg12[%dma_start3A_288, %dma_start3A_289] : memref<10000x128xf32, #tpu.memory_space<vmem_shared>> -> memref<10000x128xf32, #tpu.memory_space<vmem_shared>>
        tpu.enqueue_indirect_dma source(%arg8 : memref<80x128xf32, #tpu.memory_space<vmem>>) target(%dma_start3A_290 : memref<10000x128xf32, #tpu.memory_space<vmem_shared>>) offsets(%dma_start3A_287 : memref<80xi32, #tpu.memory_space<vmem>>) semaphore(%arg17 : memref<!tpu.dma_semaphore, #tpu.memory_space<semaphore_mem>>) {add = true}
        %add3A_291 = arith.constant 2 : i32
        %add3A_292 = arith.addi %add3A_239, %add3A_291 : i32
        %add3A_293 = arith.constant 2 : i32
        %add3A_294 = arith.addi %mul3A_241, %add3A_293 : i32
        %dma_wait3A_295 = arith.constant 0 : i32
        %dma_wait3A_296 = tpu.memref_slice %arg7[%add3A_294, %dma_wait3A_295] : memref<25x80xi32, #tpu.memory_space<vmem>> -> memref<1x80xi32, #tpu.memory_space<vmem>>
        %dma_wait3A_297 = tpu.memref_squeeze %dma_wait3A_296 : memref<1x80xi32, #tpu.memory_space<vmem>> -> memref<80xi32, #tpu.memory_space<vmem>>
        %dma_wait3A_298 = arith.constant 0 : i32
        %dma_wait3A_299 = arith.constant 0 : i32
        %dma_wait3A_300 = tpu.memref_slice %arg12[%dma_wait3A_298, %dma_wait3A_299] : memref<10000x128xf32, #tpu.memory_space<vmem_shared>> -> memref<10000x128xf32, #tpu.memory_space<vmem_shared>>
        tpu.wait_indirect_dma semaphore(%arg17 : memref<!tpu.dma_semaphore, #tpu.memory_space<semaphore_mem>>) src(%arg8 : memref<80x128xf32, #tpu.memory_space<vmem>>) dst(%dma_wait3A_300 : memref<10000x128xf32, #tpu.memory_space<vmem_shared>>)
        %dma_start3A_301 = arith.constant 0 : i32
        %dma_start3A_302 = tpu.memref_slice %arg6[%add3A_294, %dma_start3A_301] : memref<25x80xi32, #tpu.memory_space<vmem>> -> memref<1x80xi32, #tpu.memory_space<vmem>>
        %dma_start3A_303 = tpu.memref_squeeze %dma_start3A_302 : memref<1x80xi32, #tpu.memory_space<vmem>> -> memref<80xi32, #tpu.memory_space<vmem>>
        %dma_start3A_304 = arith.constant 0 : i32
        %dma_start3A_305 = arith.constant 0 : i32
        %dma_start3A_306 = tpu.memref_slice %arg2[%dma_start3A_304, %dma_start3A_305] : memref<10000x128xf32, #tpu.memory_space<hbm>> -> memref<10000x128xf32, #tpu.memory_space<hbm>>
        tpu.enqueue_indirect_dma source(%dma_start3A_306 : memref<10000x128xf32, #tpu.memory_space<hbm>>) target(%arg8 : memref<80x128xf32, #tpu.memory_space<vmem>>) offsets(%dma_start3A_303 : memref<80xi32, #tpu.memory_space<vmem>>) semaphore(%arg13 : memref<!tpu.dma_semaphore, #tpu.memory_space<semaphore_mem>>)
        %mul3A_307 = arith.constant 10000 : i32
        %mul3A_308 = arith.muli %add3A, %mul3A_307 : i32
        %mul3A_309 = arith.constant 80 : i32
        %mul3A_310 = arith.muli %add3A_292, %mul3A_309 : i32
        %add3A_311 = arith.addi %mul3A_308, %mul3A_310 : i32
        %dma_start3A_312 = arith.constant 0 : i32
        %dma_start3A_313 = tpu.memref_slice %arg3[%add3A_311, %dma_start3A_312] : memref<320000x128xf32, #tpu.memory_space<hbm>> -> memref<80x128xf32, #tpu.memory_space<hbm>>
        %dma_start3A_314 = arith.constant 0 : i32
        %dma_start3A_315 = tpu.memref_slice %arg3[%add3A_311, %dma_start3A_314] : memref<320000x128xf32, #tpu.memory_space<hbm>> -> memref<80x128xf32, #tpu.memory_space<hbm>>
        tpu.enqueue_dma source(%dma_start3A_315 : memref<80x128xf32, #tpu.memory_space<hbm>>) target(%arg10 : memref<80x128xf32, #tpu.memory_space<vmem>>) target_semaphore(%arg15 : memref<!tpu.dma_semaphore, #tpu.memory_space<semaphore_mem>>)
        %add3A_316 = arith.constant 1 : i32
        %add3A_317 = arith.addi %add3A_239, %add3A_316 : i32
        %add3A_318 = arith.constant 1 : i32
        %add3A_319 = arith.addi %mul3A_241, %add3A_318 : i32
        %dma_wait3A_320 = arith.constant 0 : i32
        %dma_wait3A_321 = tpu.memref_slice %arg6[%add3A_319, %dma_wait3A_320] : memref<25x80xi32, #tpu.memory_space<vmem>> -> memref<1x80xi32, #tpu.memory_space<vmem>>
        %dma_wait3A_322 = tpu.memref_squeeze %dma_wait3A_321 : memref<1x80xi32, #tpu.memory_space<vmem>> -> memref<80xi32, #tpu.memory_space<vmem>>
        %dma_wait3A_323 = arith.constant 0 : i32
        %dma_wait3A_324 = arith.constant 0 : i32
        %dma_wait3A_325 = tpu.memref_slice %arg2[%dma_wait3A_323, %dma_wait3A_324] : memref<10000x128xf32, #tpu.memory_space<hbm>> -> memref<10000x128xf32, #tpu.memory_space<hbm>>
        tpu.wait_indirect_dma semaphore(%arg14 : memref<!tpu.dma_semaphore, #tpu.memory_space<semaphore_mem>>) src(%dma_wait3A_325 : memref<10000x128xf32, #tpu.memory_space<hbm>>) dst(%arg9 : memref<80x128xf32, #tpu.memory_space<vmem>>)
        %mul3A_326 = arith.constant 10000 : i32
        %mul3A_327 = arith.muli %add3A, %mul3A_326 : i32
        %mul3A_328 = arith.constant 80 : i32
        %mul3A_329 = arith.muli %add3A_317, %mul3A_328 : i32
        %add3A_330 = arith.addi %mul3A_327, %mul3A_329 : i32
        %dma_wait3A_331 = arith.constant 0 : i32
        %dma_wait3A_332 = tpu.memref_slice %arg3[%add3A_330, %dma_wait3A_331] : memref<320000x128xf32, #tpu.memory_space<hbm>> -> memref<80x128xf32, #tpu.memory_space<hbm>>
        %dma_wait3A_333 = arith.constant 0 : i32
        %dma_wait3A_334 = tpu.memref_slice %arg3[%add3A_330, %dma_wait3A_333] : memref<320000x128xf32, #tpu.memory_space<hbm>> -> memref<80x128xf32, #tpu.memory_space<hbm>>
        tpu.wait_dma2 semaphore(%arg16 : memref<!tpu.dma_semaphore, #tpu.memory_space<semaphore_mem>>) src(%dma_wait3A_334 : memref<80x128xf32, #tpu.memory_space<hbm>>) dst(%arg11 : memref<80x128xf32, #tpu.memory_space<vmem>>)
        %parallel_loop3A_335 = arith.constant 0 : i32
        %parallel_loop3A_336 = arith.constant 80 : i32
        %parallel_loop3A_337 = arith.constant 1 : i32
        scf.for %parallel_loop3A_344 = %parallel_loop3A_335 to %parallel_loop3A_336 step %parallel_loop3A_337  : i32 {
          %parallel_loop3A_345 = arith.index_cast %parallel_loop3A_344 : i32 to index
          %parallel_loop3A_346 = arith.constant 0 : index
          %parallel_loop3A_347 = tpu.vector_load %arg9[%parallel_loop3A_345, %parallel_loop3A_346] {strides = array<i32>} : memref<80x128xf32, #tpu.memory_space<vmem>>, vector<1x16xf32>,
          %parallel_loop3A_348 = vector.shape_cast %parallel_loop3A_347 : vector<1x16xf32> to vector<16xf32>
          %parallel_loop3A_349 = arith.index_cast %parallel_loop3A_344 : i32 to index
          %parallel_loop3A_350 = arith.constant 0 : index
          %parallel_loop3A_351 = tpu.vector_load %arg11[%parallel_loop3A_349, %parallel_loop3A_350] {strides = array<i32>} : memref<80x128xf32, #tpu.memory_space<vmem>>, vector<1x16xf32>,
          %parallel_loop3A_352 = vector.shape_cast %parallel_loop3A_351 : vector<1x16xf32> to vector<16xf32>
          %parallel_loop3A_353 = arith.mulf %parallel_loop3A_348, %parallel_loop3A_352 : vector<16xf32>
          %parallel_loop3A_354 = arith.index_cast %parallel_loop3A_344 : i32 to index
          %parallel_loop3A_355 = arith.constant 0 : index
          %parallel_loop3A_356 = tpu.vector_load %arg9[%parallel_loop3A_354, %parallel_loop3A_355] {strides = array<i32>} : memref<80x128xf32, #tpu.memory_space<vmem>>, vector<1x16xf32>,
          %parallel_loop3A_357 = vector.shape_cast %parallel_loop3A_356 : vector<1x16xf32> to vector<16xf32>
          %parallel_loop3A_358 = vector.shape_cast %parallel_loop3A_353 : vector<16xf32> to vector<1x16xf32>
          tpu.vector_store %arg9[%parallel_loop3A_354, %parallel_loop3A_355], %parallel_loop3A_358 {strides = array<i32>} : memref<80x128xf32, #tpu.memory_space<vmem>>, vector<1x16xf32>,
          %parallel_loop3A_359 = arith.index_cast %parallel_loop3A_344 : i32 to index
          %parallel_loop3A_360 = arith.constant 16 : index
          %parallel_loop3A_361 = tpu.vector_load %arg9[%parallel_loop3A_359, %parallel_loop3A_360] {strides = array<i32>} : memref<80x128xf32, #tpu.memory_space<vmem>>, vector<1x16xf32>,
          %parallel_loop3A_362 = vector.shape_cast %parallel_loop3A_361 : vector<1x16xf32> to vector<16xf32>
          %parallel_loop3A_363 = arith.index_cast %parallel_loop3A_344 : i32 to index
          %parallel_loop3A_364 = arith.constant 16 : index
          %parallel_loop3A_365 = tpu.vector_load %arg11[%parallel_loop3A_363, %parallel_loop3A_364] {strides = array<i32>} : memref<80x128xf32, #tpu.memory_space<vmem>>, vector<1x16xf32>,
          %parallel_loop3A_366 = vector.shape_cast %parallel_loop3A_365 : vector<1x16xf32> to vector<16xf32>
          %parallel_loop3A_367 = arith.mulf %parallel_loop3A_362, %parallel_loop3A_366 : vector<16xf32>
          %parallel_loop3A_368 = arith.index_cast %parallel_loop3A_344 : i32 to index
          %parallel_loop3A_369 = arith.constant 16 : index
          %parallel_loop3A_370 = tpu.vector_load %arg9[%parallel_loop3A_368, %parallel_loop3A_369] {strides = array<i32>} : memref<80x128xf32, #tpu.memory_space<vmem>>, vector<1x16xf32>,
          %parallel_loop3A_371 = vector.shape_cast %parallel_loop3A_370 : vector<1x16xf32> to vector<16xf32>
          %parallel_loop3A_372 = vector.shape_cast %parallel_loop3A_367 : vector<16xf32> to vector<1x16xf32>
          tpu.vector_store %arg9[%parallel_loop3A_368, %parallel_loop3A_369], %parallel_loop3A_372 {strides = array<i32>} : memref<80x128xf32, #tpu.memory_space<vmem>>, vector<1x16xf32>,
          %parallel_loop3A_373 = arith.index_cast %parallel_loop3A_344 : i32 to index
          %parallel_loop3A_374 = arith.constant 32 : index
          %parallel_loop3A_375 = tpu.vector_load %arg9[%parallel_loop3A_373, %parallel_loop3A_374] {strides = array<i32>} : memref<80x128xf32, #tpu.memory_space<vmem>>, vector<1x16xf32>,
          %parallel_loop3A_376 = vector.shape_cast %parallel_loop3A_375 : vector<1x16xf32> to vector<16xf32>
          %parallel_loop3A_377 = arith.index_cast %parallel_loop3A_344 : i32 to index
          %parallel_loop3A_378 = arith.constant 32 : index
          %parallel_loop3A_379 = tpu.vector_load %arg11[%parallel_loop3A_377, %parallel_loop3A_378] {strides = array<i32>} : memref<80x128xf32, #tpu.memory_space<vmem>>, vector<1x16xf32>,
          %parallel_loop3A_380 = vector.shape_cast %parallel_loop3A_379 : vector<1x16xf32> to vector<16xf32>
          %parallel_loop3A_381 = arith.mulf %parallel_loop3A_376, %parallel_loop3A_380 : vector<16xf32>
          %parallel_loop3A_382 = arith.index_cast %parallel_loop3A_344 : i32 to index
          %parallel_loop3A_383 = arith.constant 32 : index
          %parallel_loop3A_384 = tpu.vector_load %arg9[%parallel_loop3A_382, %parallel_loop3A_383] {strides = array<i32>} : memref<80x128xf32, #tpu.memory_space<vmem>>, vector<1x16xf32>,
          %parallel_loop3A_385 = vector.shape_cast %parallel_loop3A_384 : vector<1x16xf32> to vector<16xf32>
          %parallel_loop3A_386 = vector.shape_cast %parallel_loop3A_381 : vector<16xf32> to vector<1x16xf32>
          tpu.vector_store %arg9[%parallel_loop3A_382, %parallel_loop3A_383], %parallel_loop3A_386 {strides = array<i32>} : memref<80x128xf32, #tpu.memory_space<vmem>>, vector<1x16xf32>,
          %parallel_loop3A_387 = arith.index_cast %parallel_loop3A_344 : i32 to index
          %parallel_loop3A_388 = arith.constant 48 : index
          %parallel_loop3A_389 = tpu.vector_load %arg9[%parallel_loop3A_387, %parallel_loop3A_388] {strides = array<i32>} : memref<80x128xf32, #tpu.memory_space<vmem>>, vector<1x16xf32>,
          %parallel_loop3A_390 = vector.shape_cast %parallel_loop3A_389 : vector<1x16xf32> to vector<16xf32>
          %parallel_loop3A_391 = arith.index_cast %parallel_loop3A_344 : i32 to index
          %parallel_loop3A_392 = arith.constant 48 : index
          %parallel_loop3A_393 = tpu.vector_load %arg11[%parallel_loop3A_391, %parallel_loop3A_392] {strides = array<i32>} : memref<80x128xf32, #tpu.memory_space<vmem>>, vector<1x16xf32>,
          %parallel_loop3A_394 = vector.shape_cast %parallel_loop3A_393 : vector<1x16xf32> to vector<16xf32>
          %parallel_loop3A_395 = arith.mulf %parallel_loop3A_390, %parallel_loop3A_394 : vector<16xf32>
          %parallel_loop3A_396 = arith.index_cast %parallel_loop3A_344 : i32 to index
          %parallel_loop3A_397 = arith.constant 48 : index
          %parallel_loop3A_398 = tpu.vector_load %arg9[%parallel_loop3A_396, %parallel_loop3A_397] {strides = array<i32>} : memref<80x128xf32, #tpu.memory_space<vmem>>, vector<1x16xf32>,
          %parallel_loop3A_399 = vector.shape_cast %parallel_loop3A_398 : vector<1x16xf32> to vector<16xf32>
          %parallel_loop3A_400 = vector.shape_cast %parallel_loop3A_395 : vector<16xf32> to vector<1x16xf32>
          tpu.vector_store %arg9[%parallel_loop3A_396, %parallel_loop3A_397], %parallel_loop3A_400 {strides = array<i32>} : memref<80x128xf32, #tpu.memory_space<vmem>>, vector<1x16xf32>,
          %parallel_loop3A_401 = arith.index_cast %parallel_loop3A_344 : i32 to index
          %parallel_loop3A_402 = arith.constant 64 : index
          %parallel_loop3A_403 = tpu.vector_load %arg9[%parallel_loop3A_401, %parallel_loop3A_402] {strides = array<i32>} : memref<80x128xf32, #tpu.memory_space<vmem>>, vector<1x16xf32>,
          %parallel_loop3A_404 = vector.shape_cast %parallel_loop3A_403 : vector<1x16xf32> to vector<16xf32>
          %parallel_loop3A_405 = arith.index_cast %parallel_loop3A_344 : i32 to index
          %parallel_loop3A_406 = arith.constant 64 : index
          %parallel_loop3A_407 = tpu.vector_load %arg11[%parallel_loop3A_405, %parallel_loop3A_406] {strides = array<i32>} : memref<80x128xf32, #tpu.memory_space<vmem>>, vector<1x16xf32>,
          %parallel_loop3A_408 = vector.shape_cast %parallel_loop3A_407 : vector<1x16xf32> to vector<16xf32>
          %parallel_loop3A_409 = arith.mulf %parallel_loop3A_404, %parallel_loop3A_408 : vector<16xf32>
          %parallel_loop3A_410 = arith.index_cast %parallel_loop3A_344 : i32 to index
          %parallel_loop3A_411 = arith.constant 64 : index
          %parallel_loop3A_412 = tpu.vector_load %arg9[%parallel_loop3A_410, %parallel_loop3A_411] {strides = array<i32>} : memref<80x128xf32, #tpu.memory_space<vmem>>, vector<1x16xf32>,
          %parallel_loop3A_413 = vector.shape_cast %parallel_loop3A_412 : vector<1x16xf32> to vector<16xf32>
          %parallel_loop3A_414 = vector.shape_cast %parallel_loop3A_409 : vector<16xf32> to vector<1x16xf32>
          tpu.vector_store %arg9[%parallel_loop3A_410, %parallel_loop3A_411], %parallel_loop3A_414 {strides = array<i32>} : memref<80x128xf32, #tpu.memory_space<vmem>>, vector<1x16xf32>,
          %parallel_loop3A_415 = arith.index_cast %parallel_loop3A_344 : i32 to index
          %parallel_loop3A_416 = arith.constant 80 : index
          %parallel_loop3A_417 = tpu.vector_load %arg9[%parallel_loop3A_415, %parallel_loop3A_416] {strides = array<i32>} : memref<80x128xf32, #tpu.memory_space<vmem>>, vector<1x16xf32>,
          %parallel_loop3A_418 = vector.shape_cast %parallel_loop3A_417 : vector<1x16xf32> to vector<16xf32>
          %parallel_loop3A_419 = arith.index_cast %parallel_loop3A_344 : i32 to index
          %parallel_loop3A_420 = arith.constant 80 : index
          %parallel_loop3A_421 = tpu.vector_load %arg11[%parallel_loop3A_419, %parallel_loop3A_420] {strides = array<i32>} : memref<80x128xf32, #tpu.memory_space<vmem>>, vector<1x16xf32>,
          %parallel_loop3A_422 = vector.shape_cast %parallel_loop3A_421 : vector<1x16xf32> to vector<16xf32>
          %parallel_loop3A_423 = arith.mulf %parallel_loop3A_418, %parallel_loop3A_422 : vector<16xf32>
          %parallel_loop3A_424 = arith.index_cast %parallel_loop3A_344 : i32 to index
          %parallel_loop3A_425 = arith.constant 80 : index
          %parallel_loop3A_426 = tpu.vector_load %arg9[%parallel_loop3A_424, %parallel_loop3A_425] {strides = array<i32>} : memref<80x128xf32, #tpu.memory_space<vmem>>, vector<1x16xf32>,
          %parallel_loop3A_427 = vector.shape_cast %parallel_loop3A_426 : vector<1x16xf32> to vector<16xf32>
          %parallel_loop3A_428 = vector.shape_cast %parallel_loop3A_423 : vector<16xf32> to vector<1x16xf32>
          tpu.vector_store %arg9[%parallel_loop3A_424, %parallel_loop3A_425], %parallel_loop3A_428 {strides = array<i32>} : memref<80x128xf32, #tpu.memory_space<vmem>>, vector<1x16xf32>,
          %parallel_loop3A_429 = arith.index_cast %parallel_loop3A_344 : i32 to index
          %parallel_loop3A_430 = arith.constant 96 : index
          %parallel_loop3A_431 = tpu.vector_load %arg9[%parallel_loop3A_429, %parallel_loop3A_430] {strides = array<i32>} : memref<80x128xf32, #tpu.memory_space<vmem>>, vector<1x16xf32>,
          %parallel_loop3A_432 = vector.shape_cast %parallel_loop3A_431 : vector<1x16xf32> to vector<16xf32>
          %parallel_loop3A_433 = arith.index_cast %parallel_loop3A_344 : i32 to index
          %parallel_loop3A_434 = arith.constant 96 : index
          %parallel_loop3A_435 = tpu.vector_load %arg11[%parallel_loop3A_433, %parallel_loop3A_434] {strides = array<i32>} : memref<80x128xf32, #tpu.memory_space<vmem>>, vector<1x16xf32>,
          %parallel_loop3A_436 = vector.shape_cast %parallel_loop3A_435 : vector<1x16xf32> to vector<16xf32>
          %parallel_loop3A_437 = arith.mulf %parallel_loop3A_432, %parallel_loop3A_436 : vector<16xf32>
          %parallel_loop3A_438 = arith.index_cast %parallel_loop3A_344 : i32 to index
          %parallel_loop3A_439 = arith.constant 96 : index
          %parallel_loop3A_440 = tpu.vector_load %arg9[%parallel_loop3A_438, %parallel_loop3A_439] {strides = array<i32>} : memref<80x128xf32, #tpu.memory_space<vmem>>, vector<1x16xf32>,
          %parallel_loop3A_441 = vector.shape_cast %parallel_loop3A_440 : vector<1x16xf32> to vector<16xf32>
          %parallel_loop3A_442 = vector.shape_cast %parallel_loop3A_437 : vector<16xf32> to vector<1x16xf32>
          tpu.vector_store %arg9[%parallel_loop3A_438, %parallel_loop3A_439], %parallel_loop3A_442 {strides = array<i32>} : memref<80x128xf32, #tpu.memory_space<vmem>>, vector<1x16xf32>,
          %parallel_loop3A_443 = arith.index_cast %parallel_loop3A_344 : i32 to index
          %parallel_loop3A_444 = arith.constant 112 : index
          %parallel_loop3A_445 = tpu.vector_load %arg9[%parallel_loop3A_443, %parallel_loop3A_444] {strides = array<i32>} : memref<80x128xf32, #tpu.memory_space<vmem>>, vector<1x16xf32>,
          %parallel_loop3A_446 = vector.shape_cast %parallel_loop3A_445 : vector<1x16xf32> to vector<16xf32>
          %parallel_loop3A_447 = arith.index_cast %parallel_loop3A_344 : i32 to index
          %parallel_loop3A_448 = arith.constant 112 : index
          %parallel_loop3A_449 = tpu.vector_load %arg11[%parallel_loop3A_447, %parallel_loop3A_448] {strides = array<i32>} : memref<80x128xf32, #tpu.memory_space<vmem>>, vector<1x16xf32>,
          %parallel_loop3A_450 = vector.shape_cast %parallel_loop3A_449 : vector<1x16xf32> to vector<16xf32>
          %parallel_loop3A_451 = arith.mulf %parallel_loop3A_446, %parallel_loop3A_450 : vector<16xf32>
          %parallel_loop3A_452 = arith.index_cast %parallel_loop3A_344 : i32 to index
          %parallel_loop3A_453 = arith.constant 112 : index
          %parallel_loop3A_454 = tpu.vector_load %arg9[%parallel_loop3A_452, %parallel_loop3A_453] {strides = array<i32>} : memref<80x128xf32, #tpu.memory_space<vmem>>, vector<1x16xf32>,
          %parallel_loop3A_455 = vector.shape_cast %parallel_loop3A_454 : vector<1x16xf32> to vector<16xf32>
          %parallel_loop3A_456 = vector.shape_cast %parallel_loop3A_451 : vector<16xf32> to vector<1x16xf32>
          tpu.vector_store %arg9[%parallel_loop3A_452, %parallel_loop3A_453], %parallel_loop3A_456 {strides = array<i32>} : memref<80x128xf32, #tpu.memory_space<vmem>>, vector<1x16xf32>,
        } {sc.loop_unroll_factor = 8 : i64, sc.parallel_access}
        %dma_start3A_338 = arith.constant 0 : i32
        %dma_start3A_339 = tpu.memref_slice %arg7[%add3A_319, %dma_start3A_338] : memref<25x80xi32, #tpu.memory_space<vmem>> -> memref<1x80xi32, #tpu.memory_space<vmem>>
        %dma_start3A_340 = tpu.memref_squeeze %dma_start3A_339 : memref<1x80xi32, #tpu.memory_space<vmem>> -> memref<80xi32, #tpu.memory_space<vmem>>
        %dma_start3A_341 = arith.constant 0 : i32
        %dma_start3A_342 = arith.constant 0 : i32
        %dma_start3A_343 = tpu.memref_slice %arg12[%dma_start3A_341, %dma_start3A_342] : memref<10000x128xf32, #tpu.memory_space<vmem_shared>> -> memref<10000x128xf32, #tpu.memory_space<vmem_shared>>
        tpu.enqueue_indirect_dma source(%arg9 : memref<80x128xf32, #tpu.memory_space<vmem>>) target(%dma_start3A_343 : memref<10000x128xf32, #tpu.memory_space<vmem_shared>>) offsets(%dma_start3A_340 : memref<80xi32, #tpu.memory_space<vmem>>) semaphore(%arg18 : memref<!tpu.dma_semaphore, #tpu.memory_space<semaphore_mem>>) {add = true}
      }
      %scan3A_206 = arith.constant 12 : i32
      %add3A_207 = arith.constant 25 : i32
      %add3A_208 = arith.addi %mul3A_175, %add3A_207 : i32
      %sub3A = arith.constant 1 : i32
      %sub3A_209 = arith.subi %add3A_208, %sub3A : i32
      %dma_wait3A_210 = arith.constant 24 : i32
      %dma_wait3A_211 = arith.constant 0 : i32
      %dma_wait3A_212 = tpu.memref_slice %arg6[%dma_wait3A_210, %dma_wait3A_211] : memref<25x80xi32, #tpu.memory_space<vmem>> -> memref<1x80xi32, #tpu.memory_space<vmem>>
      %dma_wait3A_213 = tpu.memref_squeeze %dma_wait3A_212 : memref<1x80xi32, #tpu.memory_space<vmem>> -> memref<80xi32, #tpu.memory_space<vmem>>
      %dma_wait3A_214 = arith.constant 0 : i32
      %dma_wait3A_215 = arith.constant 0 : i32
      %dma_wait3A_216 = tpu.memref_slice %arg2[%dma_wait3A_214, %dma_wait3A_215] : memref<10000x128xf32, #tpu.memory_space<hbm>> -> memref<10000x128xf32, #tpu.memory_space<hbm>>
      tpu.wait_indirect_dma semaphore(%arg13 : memref<!tpu.dma_semaphore, #tpu.memory_space<semaphore_mem>>) src(%dma_wait3A_216 : memref<10000x128xf32, #tpu.memory_space<hbm>>) dst(%arg8 : memref<80x128xf32, #tpu.memory_space<vmem>>)
      %mul3A_217 = arith.constant 10000 : i32
      %mul3A_218 = arith.muli %add3A, %mul3A_217 : i32
      %mul3A_219 = arith.constant 80 : i32
      %mul3A_220 = arith.muli %sub3A_209, %mul3A_219 : i32
      %add3A_221 = arith.addi %mul3A_218, %mul3A_220 : i32
      %dma_wait3A_222 = arith.constant 0 : i32
      %dma_wait3A_223 = tpu.memref_slice %arg3[%add3A_221, %dma_wait3A_222] : memref<320000x128xf32, #tpu.memory_space<hbm>> -> memref<80x128xf32, #tpu.memory_space<hbm>>
      %dma_wait3A_224 = arith.constant 0 : i32
      %dma_wait3A_225 = tpu.memref_slice %arg3[%add3A_221, %dma_wait3A_224] : memref<320000x128xf32, #tpu.memory_space<hbm>> -> memref<80x128xf32, #tpu.memory_space<hbm>>
      tpu.wait_dma2 semaphore(%arg15 : memref<!tpu.dma_semaphore, #tpu.memory_space<semaphore_mem>>) src(%dma_wait3A_225 : memref<80x128xf32, #tpu.memory_space<hbm>>) dst(%arg10 : memref<80x128xf32, #tpu.memory_space<vmem>>)
      %parallel_loop3A_226 = arith.constant 0 : i32
      %parallel_loop3A_227 = arith.constant 80 : i32
      %parallel_loop3A_228 = arith.constant 1 : i32
      scf.for %parallel_loop3A_236 = %parallel_loop3A_226 to %parallel_loop3A_227 step %parallel_loop3A_228  : i32 {
        %parallel_loop3A_237 = arith.index_cast %parallel_loop3A_236 : i32 to index
        %parallel_loop3A_238 = arith.constant 0 : index
        %parallel_loop3A_239 = tpu.vector_load %arg8[%parallel_loop3A_237, %parallel_loop3A_238] {strides = array<i32>} : memref<80x128xf32, #tpu.memory_space<vmem>>, vector<1x16xf32>,
        %parallel_loop3A_240 = vector.shape_cast %parallel_loop3A_239 : vector<1x16xf32> to vector<16xf32>
        %parallel_loop3A_241 = arith.index_cast %parallel_loop3A_236 : i32 to index
        %parallel_loop3A_242 = arith.constant 0 : index
        %parallel_loop3A_243 = tpu.vector_load %arg10[%parallel_loop3A_241, %parallel_loop3A_242] {strides = array<i32>} : memref<80x128xf32, #tpu.memory_space<vmem>>, vector<1x16xf32>,
        %parallel_loop3A_244 = vector.shape_cast %parallel_loop3A_243 : vector<1x16xf32> to vector<16xf32>
        %parallel_loop3A_245 = arith.mulf %parallel_loop3A_240, %parallel_loop3A_244 : vector<16xf32>
        %parallel_loop3A_246 = arith.index_cast %parallel_loop3A_236 : i32 to index
        %parallel_loop3A_247 = arith.constant 0 : index
        %parallel_loop3A_248 = tpu.vector_load %arg8[%parallel_loop3A_246, %parallel_loop3A_247] {strides = array<i32>} : memref<80x128xf32, #tpu.memory_space<vmem>>, vector<1x16xf32>,
        %parallel_loop3A_249 = vector.shape_cast %parallel_loop3A_248 : vector<1x16xf32> to vector<16xf32>
        %parallel_loop3A_250 = vector.shape_cast %parallel_loop3A_245 : vector<16xf32> to vector<1x16xf32>
        tpu.vector_store %arg8[%parallel_loop3A_246, %parallel_loop3A_247], %parallel_loop3A_250 {strides = array<i32>} : memref<80x128xf32, #tpu.memory_space<vmem>>, vector<1x16xf32>,
        %parallel_loop3A_251 = arith.index_cast %parallel_loop3A_236 : i32 to index
        %parallel_loop3A_252 = arith.constant 16 : index
        %parallel_loop3A_253 = tpu.vector_load %arg8[%parallel_loop3A_251, %parallel_loop3A_252] {strides = array<i32>} : memref<80x128xf32, #tpu.memory_space<vmem>>, vector<1x16xf32>,
        %parallel_loop3A_254 = vector.shape_cast %parallel_loop3A_253 : vector<1x16xf32> to vector<16xf32>
        %parallel_loop3A_255 = arith.index_cast %parallel_loop3A_236 : i32 to index
        %parallel_loop3A_256 = arith.constant 16 : index
        %parallel_loop3A_257 = tpu.vector_load %arg10[%parallel_loop3A_255, %parallel_loop3A_256] {strides = array<i32>} : memref<80x128xf32, #tpu.memory_space<vmem>>, vector<1x16xf32>,
        %parallel_loop3A_258 = vector.shape_cast %parallel_loop3A_257 : vector<1x16xf32> to vector<16xf32>
        %parallel_loop3A_259 = arith.mulf %parallel_loop3A_254, %parallel_loop3A_258 : vector<16xf32>
        %parallel_loop3A_260 = arith.index_cast %parallel_loop3A_236 : i32 to index
        %parallel_loop3A_261 = arith.constant 16 : index
        %parallel_loop3A_262 = tpu.vector_load %arg8[%parallel_loop3A_260, %parallel_loop3A_261] {strides = array<i32>} : memref<80x128xf32, #tpu.memory_space<vmem>>, vector<1x16xf32>,
        %parallel_loop3A_263 = vector.shape_cast %parallel_loop3A_262 : vector<1x16xf32> to vector<16xf32>
        %parallel_loop3A_264 = vector.shape_cast %parallel_loop3A_259 : vector<16xf32> to vector<1x16xf32>
        tpu.vector_store %arg8[%parallel_loop3A_260, %parallel_loop3A_261], %parallel_loop3A_264 {strides = array<i32>} : memref<80x128xf32, #tpu.memory_space<vmem>>, vector<1x16xf32>,
        %parallel_loop3A_265 = arith.index_cast %parallel_loop3A_236 : i32 to index
        %parallel_loop3A_266 = arith.constant 32 : index
        %parallel_loop3A_267 = tpu.vector_load %arg8[%parallel_loop3A_265, %parallel_loop3A_266] {strides = array<i32>} : memref<80x128xf32, #tpu.memory_space<vmem>>, vector<1x16xf32>,
        %parallel_loop3A_268 = vector.shape_cast %parallel_loop3A_267 : vector<1x16xf32> to vector<16xf32>
        %parallel_loop3A_269 = arith.index_cast %parallel_loop3A_236 : i32 to index
        %parallel_loop3A_270 = arith.constant 32 : index
        %parallel_loop3A_271 = tpu.vector_load %arg10[%parallel_loop3A_269, %parallel_loop3A_270] {strides = array<i32>} : memref<80x128xf32, #tpu.memory_space<vmem>>, vector<1x16xf32>,
        %parallel_loop3A_272 = vector.shape_cast %parallel_loop3A_271 : vector<1x16xf32> to vector<16xf32>
        %parallel_loop3A_273 = arith.mulf %parallel_loop3A_268, %parallel_loop3A_272 : vector<16xf32>
        %parallel_loop3A_274 = arith.index_cast %parallel_loop3A_236 : i32 to index
        %parallel_loop3A_275 = arith.constant 32 : index
        %parallel_loop3A_276 = tpu.vector_load %arg8[%parallel_loop3A_274, %parallel_loop3A_275] {strides = array<i32>} : memref<80x128xf32, #tpu.memory_space<vmem>>, vector<1x16xf32>,
        %parallel_loop3A_277 = vector.shape_cast %parallel_loop3A_276 : vector<1x16xf32> to vector<16xf32>
        %parallel_loop3A_278 = vector.shape_cast %parallel_loop3A_273 : vector<16xf32> to vector<1x16xf32>
        tpu.vector_store %arg8[%parallel_loop3A_274, %parallel_loop3A_275], %parallel_loop3A_278 {strides = array<i32>} : memref<80x128xf32, #tpu.memory_space<vmem>>, vector<1x16xf32>,
        %parallel_loop3A_279 = arith.index_cast %parallel_loop3A_236 : i32 to index
        %parallel_loop3A_280 = arith.constant 48 : index
        %parallel_loop3A_281 = tpu.vector_load %arg8[%parallel_loop3A_279, %parallel_loop3A_280] {strides = array<i32>} : memref<80x128xf32, #tpu.memory_space<vmem>>, vector<1x16xf32>,
        %parallel_loop3A_282 = vector.shape_cast %parallel_loop3A_281 : vector<1x16xf32> to vector<16xf32>
        %parallel_loop3A_283 = arith.index_cast %parallel_loop3A_236 : i32 to index
        %parallel_loop3A_284 = arith.constant 48 : index
        %parallel_loop3A_285 = tpu.vector_load %arg10[%parallel_loop3A_283, %parallel_loop3A_284] {strides = array<i32>} : memref<80x128xf32, #tpu.memory_space<vmem>>, vector<1x16xf32>,
        %parallel_loop3A_286 = vector.shape_cast %parallel_loop3A_285 : vector<1x16xf32> to vector<16xf32>
        %parallel_loop3A_287 = arith.mulf %parallel_loop3A_282, %parallel_loop3A_286 : vector<16xf32>
        %parallel_loop3A_288 = arith.index_cast %parallel_loop3A_236 : i32 to index
        %parallel_loop3A_289 = arith.constant 48 : index
        %parallel_loop3A_290 = tpu.vector_load %arg8[%parallel_loop3A_288, %parallel_loop3A_289] {strides = array<i32>} : memref<80x128xf32, #tpu.memory_space<vmem>>, vector<1x16xf32>,
        %parallel_loop3A_291 = vector.shape_cast %parallel_loop3A_290 : vector<1x16xf32> to vector<16xf32>
        %parallel_loop3A_292 = vector.shape_cast %parallel_loop3A_287 : vector<16xf32> to vector<1x16xf32>
        tpu.vector_store %arg8[%parallel_loop3A_288, %parallel_loop3A_289], %parallel_loop3A_292 {strides = array<i32>} : memref<80x128xf32, #tpu.memory_space<vmem>>, vector<1x16xf32>,
        %parallel_loop3A_293 = arith.index_cast %parallel_loop3A_236 : i32 to index
        %parallel_loop3A_294 = arith.constant 64 : index
        %parallel_loop3A_295 = tpu.vector_load %arg8[%parallel_loop3A_293, %parallel_loop3A_294] {strides = array<i32>} : memref<80x128xf32, #tpu.memory_space<vmem>>, vector<1x16xf32>,
        %parallel_loop3A_296 = vector.shape_cast %parallel_loop3A_295 : vector<1x16xf32> to vector<16xf32>
        %parallel_loop3A_297 = arith.index_cast %parallel_loop3A_236 : i32 to index
        %parallel_loop3A_298 = arith.constant 64 : index
        %parallel_loop3A_299 = tpu.vector_load %arg10[%parallel_loop3A_297, %parallel_loop3A_298] {strides = array<i32>} : memref<80x128xf32, #tpu.memory_space<vmem>>, vector<1x16xf32>,
        %parallel_loop3A_300 = vector.shape_cast %parallel_loop3A_299 : vector<1x16xf32> to vector<16xf32>
        %parallel_loop3A_301 = arith.mulf %parallel_loop3A_296, %parallel_loop3A_300 : vector<16xf32>
        %parallel_loop3A_302 = arith.index_cast %parallel_loop3A_236 : i32 to index
        %parallel_loop3A_303 = arith.constant 64 : index
        %parallel_loop3A_304 = tpu.vector_load %arg8[%parallel_loop3A_302, %parallel_loop3A_303] {strides = array<i32>} : memref<80x128xf32, #tpu.memory_space<vmem>>, vector<1x16xf32>,
        %parallel_loop3A_305 = vector.shape_cast %parallel_loop3A_304 : vector<1x16xf32> to vector<16xf32>
        %parallel_loop3A_306 = vector.shape_cast %parallel_loop3A_301 : vector<16xf32> to vector<1x16xf32>
        tpu.vector_store %arg8[%parallel_loop3A_302, %parallel_loop3A_303], %parallel_loop3A_306 {strides = array<i32>} : memref<80x128xf32, #tpu.memory_space<vmem>>, vector<1x16xf32>,
        %parallel_loop3A_307 = arith.index_cast %parallel_loop3A_236 : i32 to index
        %parallel_loop3A_308 = arith.constant 80 : index
        %parallel_loop3A_309 = tpu.vector_load %arg8[%parallel_loop3A_307, %parallel_loop3A_308] {strides = array<i32>} : memref<80x128xf32, #tpu.memory_space<vmem>>, vector<1x16xf32>,
        %parallel_loop3A_310 = vector.shape_cast %parallel_loop3A_309 : vector<1x16xf32> to vector<16xf32>
        %parallel_loop3A_311 = arith.index_cast %parallel_loop3A_236 : i32 to index
        %parallel_loop3A_312 = arith.constant 80 : index
        %parallel_loop3A_313 = tpu.vector_load %arg10[%parallel_loop3A_311, %parallel_loop3A_312] {strides = array<i32>} : memref<80x128xf32, #tpu.memory_space<vmem>>, vector<1x16xf32>,
        %parallel_loop3A_314 = vector.shape_cast %parallel_loop3A_313 : vector<1x16xf32> to vector<16xf32>
        %parallel_loop3A_315 = arith.mulf %parallel_loop3A_310, %parallel_loop3A_314 : vector<16xf32>
        %parallel_loop3A_316 = arith.index_cast %parallel_loop3A_236 : i32 to index
        %parallel_loop3A_317 = arith.constant 80 : index
        %parallel_loop3A_318 = tpu.vector_load %arg8[%parallel_loop3A_316, %parallel_loop3A_317] {strides = array<i32>} : memref<80x128xf32, #tpu.memory_space<vmem>>, vector<1x16xf32>,
        %parallel_loop3A_319 = vector.shape_cast %parallel_loop3A_318 : vector<1x16xf32> to vector<16xf32>
        %parallel_loop3A_320 = vector.shape_cast %parallel_loop3A_315 : vector<16xf32> to vector<1x16xf32>
        tpu.vector_store %arg8[%parallel_loop3A_316, %parallel_loop3A_317], %parallel_loop3A_320 {strides = array<i32>} : memref<80x128xf32, #tpu.memory_space<vmem>>, vector<1x16xf32>,
        %parallel_loop3A_321 = arith.index_cast %parallel_loop3A_236 : i32 to index
        %parallel_loop3A_322 = arith.constant 96 : index
        %parallel_loop3A_323 = tpu.vector_load %arg8[%parallel_loop3A_321, %parallel_loop3A_322] {strides = array<i32>} : memref<80x128xf32, #tpu.memory_space<vmem>>, vector<1x16xf32>,
        %parallel_loop3A_324 = vector.shape_cast %parallel_loop3A_323 : vector<1x16xf32> to vector<16xf32>
        %parallel_loop3A_325 = arith.index_cast %parallel_loop3A_236 : i32 to index
        %parallel_loop3A_326 = arith.constant 96 : index
        %parallel_loop3A_327 = tpu.vector_load %arg10[%parallel_loop3A_325, %parallel_loop3A_326] {strides = array<i32>} : memref<80x128xf32, #tpu.memory_space<vmem>>, vector<1x16xf32>,
        %parallel_loop3A_328 = vector.shape_cast %parallel_loop3A_327 : vector<1x16xf32> to vector<16xf32>
        %parallel_loop3A_329 = arith.mulf %parallel_loop3A_324, %parallel_loop3A_328 : vector<16xf32>
        %parallel_loop3A_330 = arith.index_cast %parallel_loop3A_236 : i32 to index
        %parallel_loop3A_331 = arith.constant 96 : index
        %parallel_loop3A_332 = tpu.vector_load %arg8[%parallel_loop3A_330, %parallel_loop3A_331] {strides = array<i32>} : memref<80x128xf32, #tpu.memory_space<vmem>>, vector<1x16xf32>,
        %parallel_loop3A_333 = vector.shape_cast %parallel_loop3A_332 : vector<1x16xf32> to vector<16xf32>
        %parallel_loop3A_334 = vector.shape_cast %parallel_loop3A_329 : vector<16xf32> to vector<1x16xf32>
        tpu.vector_store %arg8[%parallel_loop3A_330, %parallel_loop3A_331], %parallel_loop3A_334 {strides = array<i32>} : memref<80x128xf32, #tpu.memory_space<vmem>>, vector<1x16xf32>,
        %parallel_loop3A_335 = arith.index_cast %parallel_loop3A_236 : i32 to index
        %parallel_loop3A_336 = arith.constant 112 : index
        %parallel_loop3A_337 = tpu.vector_load %arg8[%parallel_loop3A_335, %parallel_loop3A_336] {strides = array<i32>} : memref<80x128xf32, #tpu.memory_space<vmem>>, vector<1x16xf32>,
        %parallel_loop3A_338 = vector.shape_cast %parallel_loop3A_337 : vector<1x16xf32> to vector<16xf32>
        %parallel_loop3A_339 = arith.index_cast %parallel_loop3A_236 : i32 to index
        %parallel_loop3A_340 = arith.constant 112 : index
        %parallel_loop3A_341 = tpu.vector_load %arg10[%parallel_loop3A_339, %parallel_loop3A_340] {strides = array<i32>} : memref<80x128xf32, #tpu.memory_space<vmem>>, vector<1x16xf32>,
        %parallel_loop3A_342 = vector.shape_cast %parallel_loop3A_341 : vector<1x16xf32> to vector<16xf32>
        %parallel_loop3A_343 = arith.mulf %parallel_loop3A_338, %parallel_loop3A_342 : vector<16xf32>
        %parallel_loop3A_344 = arith.index_cast %parallel_loop3A_236 : i32 to index
        %parallel_loop3A_345 = arith.constant 112 : index
        %parallel_loop3A_346 = tpu.vector_load %arg8[%parallel_loop3A_344, %parallel_loop3A_345] {strides = array<i32>} : memref<80x128xf32, #tpu.memory_space<vmem>>, vector<1x16xf32>,
        %parallel_loop3A_347 = vector.shape_cast %parallel_loop3A_346 : vector<1x16xf32> to vector<16xf32>
        %parallel_loop3A_348 = vector.shape_cast %parallel_loop3A_343 : vector<16xf32> to vector<1x16xf32>
        tpu.vector_store %arg8[%parallel_loop3A_344, %parallel_loop3A_345], %parallel_loop3A_348 {strides = array<i32>} : memref<80x128xf32, #tpu.memory_space<vmem>>, vector<1x16xf32>,
      } {sc.loop_unroll_factor = 8 : i64, sc.parallel_access}
      %dma_start3A_229 = arith.constant 24 : i32
      %dma_start3A_230 = arith.constant 0 : i32
      %dma_start3A_231 = tpu.memref_slice %arg7[%dma_start3A_229, %dma_start3A_230] : memref<25x80xi32, #tpu.memory_space<vmem>> -> memref<1x80xi32, #tpu.memory_space<vmem>>
      %dma_start3A_232 = tpu.memref_squeeze %dma_start3A_231 : memref<1x80xi32, #tpu.memory_space<vmem>> -> memref<80xi32, #tpu.memory_space<vmem>>
      %dma_start3A_233 = arith.constant 0 : i32
      %dma_start3A_234 = arith.constant 0 : i32
      %dma_start3A_235 = tpu.memref_slice %arg12[%dma_start3A_233, %dma_start3A_234] : memref<10000x128xf32, #tpu.memory_space<vmem_shared>> -> memref<10000x128xf32, #tpu.memory_space<vmem_shared>>
      tpu.enqueue_indirect_dma source(%arg8 : memref<80x128xf32, #tpu.memory_space<vmem>>) target(%dma_start3A_235 : memref<10000x128xf32, #tpu.memory_space<vmem_shared>>) offsets(%dma_start3A_232 : memref<80xi32, #tpu.memory_space<vmem>>) semaphore(%arg17 : memref<!tpu.dma_semaphore, #tpu.memory_space<semaphore_mem>>) {add = true}
    }
    %scan3A_151 = arith.constant 4 : i32
    %dma_wait3A_152 = arith.constant 24 : i32
    %dma_wait3A_153 = arith.constant 0 : i32
    %dma_wait3A_154 = tpu.memref_slice %arg7[%dma_wait3A_152, %dma_wait3A_153] : memref<25x80xi32, #tpu.memory_space<vmem>> -> memref<1x80xi32, #tpu.memory_space<vmem>>
    %dma_wait3A_155 = tpu.memref_squeeze %dma_wait3A_154 : memref<1x80xi32, #tpu.memory_space<vmem>> -> memref<80xi32, #tpu.memory_space<vmem>>
    %dma_wait3A_156 = arith.constant 0 : i32
    %dma_wait3A_157 = arith.constant 0 : i32
    %dma_wait3A_158 = tpu.memref_slice %arg12[%dma_wait3A_156, %dma_wait3A_157] : memref<10000x128xf32, #tpu.memory_space<vmem_shared>> -> memref<10000x128xf32, #tpu.memory_space<vmem_shared>>
    tpu.wait_indirect_dma semaphore(%arg17 : memref<!tpu.dma_semaphore, #tpu.memory_space<semaphore_mem>>) src(%arg8 : memref<80x128xf32, #tpu.memory_space<vmem>>) dst(%dma_wait3A_158 : memref<10000x128xf32, #tpu.memory_space<vmem_shared>>)
    %dma_wait3A_159 = arith.constant 23 : i32
    %dma_wait3A_160 = arith.constant 0 : i32
    %dma_wait3A_161 = tpu.memref_slice %arg7[%dma_wait3A_159, %dma_wait3A_160] : memref<25x80xi32, #tpu.memory_space<vmem>> -> memref<1x80xi32, #tpu.memory_space<vmem>>
    %dma_wait3A_162 = tpu.memref_squeeze %dma_wait3A_161 : memref<1x80xi32, #tpu.memory_space<vmem>> -> memref<80xi32, #tpu.memory_space<vmem>>
    %dma_wait3A_163 = arith.constant 0 : i32
    %dma_wait3A_164 = arith.constant 0 : i32
    %dma_wait3A_165 = tpu.memref_slice %arg12[%dma_wait3A_163, %dma_wait3A_164] : memref<10000x128xf32, #tpu.memory_space<vmem_shared>> -> memref<10000x128xf32, #tpu.memory_space<vmem_shared>>
    tpu.wait_indirect_dma semaphore(%arg18 : memref<!tpu.dma_semaphore, #tpu.memory_space<semaphore_mem>>) src(%arg9 : memref<80x128xf32, #tpu.memory_space<vmem>>) dst(%dma_wait3A_165 : memref<10000x128xf32, #tpu.memory_space<vmem_shared>>)
    %barrier3A_166 = arith.constant 0 : index
    tpu.barrier barrier_id(%barrier3A_166)
    %scan3A_167 = arith.constant 0 : i32
    %scan3A_168 = arith.constant 0 : i32
    %scan3A_169 = arith.constant 8 : i32
    %scan3A_170 = arith.addi %scan3A_168, %scan3A_169 : i32
    %scan3A_171 = arith.constant 1 : i32
    scf.for %scan3A_173 = %scan3A_168 to %scan3A_170 step %scan3A_171  : i32 {
      %mul3A_174 = arith.constant 16 : i32
      %mul3A_175 = arith.muli %scan3A_173, %mul3A_174 : i32
      %add3A_176 = arith.addi %mul3A_175, %arg1 : i32
      %lt3A = arith.constant 125 : i32
      %lt3A_177 = arith.cmpi slt, %add3A_176, %lt3A : i32
      %convert_element_type3A = arith.extui %lt3A_177 : i1 to i32
      %cond3A = arith.constant 0 : i32
      %cond3A_178 = arith.cmpi ne, %convert_element_type3A, %cond3A : i32
      scf.if %cond3A_178 {
        %mul3A_179 = arith.constant 80 : i32
        %mul3A_180 = arith.muli %add3A_176, %mul3A_179 : i32
        %mul3A_181 = arith.constant 80 : i32
        %mul3A_182 = arith.muli %add3A_176, %mul3A_181 : i32
        "tpu.region"() ({
          %run_scoped3A_183 = tpu.sem_alloc : memref<!tpu.dma_semaphore, #tpu.memory_space<semaphore_mem>>
          %dma_start3A_184 = arith.constant 0 : i32
          %dma_start3A_185 = tpu.memref_slice %arg5[%arg0, %mul3A_182, %dma_start3A_184] : memref<2x10000x128xf32, #tpu.memory_space<hbm>> -> memref<1x80x128xf32, #tpu.memory_space<hbm>>
          %dma_start3A_186 = tpu.memref_squeeze %dma_start3A_185 : memref<1x80x128xf32, #tpu.memory_space<hbm>> -> memref<80x128xf32, #tpu.memory_space<hbm>>
          %dma_start3A_187 = arith.constant 0 : i32
          %dma_start3A_188 = tpu.memref_slice %arg12[%mul3A_180, %dma_start3A_187] : memref<10000x128xf32, #tpu.memory_space<vmem_shared>> -> memref<80x128xf32, #tpu.memory_space<vmem_shared>>
          tpu.enqueue_dma source(%dma_start3A_188 : memref<80x128xf32, #tpu.memory_space<vmem_shared>>) target(%dma_start3A_186 : memref<80x128xf32, #tpu.memory_space<hbm>>) target_semaphore(%run_scoped3A_183 : memref<!tpu.dma_semaphore, #tpu.memory_space<semaphore_mem>>)
          %dma_wait3A_189 = arith.constant 0 : i32
          %dma_wait3A_190 = tpu.memref_slice %arg5[%arg0, %mul3A_182, %dma_wait3A_189] : memref<2x10000x128xf32, #tpu.memory_space<hbm>> -> memref<1x80x128xf32, #tpu.memory_space<hbm>>
          %dma_wait3A_191 = tpu.memref_squeeze %dma_wait3A_190 : memref<1x80x128xf32, #tpu.memory_space<hbm>> -> memref<80x128xf32, #tpu.memory_space<hbm>>
          %dma_wait3A_192 = arith.constant 0 : i32
          %dma_wait3A_193 = tpu.memref_slice %arg12[%mul3A_180, %dma_wait3A_192] : memref<10000x128xf32, #tpu.memory_space<vmem_shared>> -> memref<80x128xf32, #tpu.memory_space<vmem_shared>>
          tpu.wait_dma2 semaphore(%run_scoped3A_183 : memref<!tpu.dma_semaphore, #tpu.memory_space<semaphore_mem>>) src(%dma_wait3A_193 : memref<80x128xf32, #tpu.memory_space<vmem_shared>>) dst(%dma_wait3A_191 : memref<80x128xf32, #tpu.memory_space<hbm>>)
          tpu.yield
        }) : () -> ()
      } else {
      }
    }
    %scan3A_172 = arith.constant 8 : i32
    return
  }
}

module attributes {stable_mosaic.version = 14 : i64} {
  func.func @_lin_body(%arg0: i32, %arg1: memref<1000x128xf32, #tpu.memory_space<vmem>>, %arg2: memref<128x128xf32, #tpu.memory_space<vmem>>, %arg3: memref<1x128xf32, #tpu.memory_space<vmem>>, %arg4: memref<1000x128xf32, #tpu.memory_space<vmem>>) attributes {dimension_semantics = [#tpu.dimension_semantics<arbitrary>], iteration_bounds = array<i64: 10>, scalar_prefetch = 0 : i64, scratch_operands = 0 : i64, tpu.core_type = #tpu.core_type<tc>, window_params = [{transform_indices = @transform_0, window_bounds = array<i64: 1000, 128>}, {pipeline_mode = #tpu.pipeline_mode<synchronous>, transform_indices = @transform_1, window_bounds = array<i64: 128, 128>}, {pipeline_mode = #tpu.pipeline_mode<synchronous>, transform_indices = @transform_2, window_bounds = array<i64: 1, 128>}, {transform_indices = @transform_3, window_bounds = array<i64: 1000, 128>}]} {
    %get3A = arith.constant 0 : index
    %get3A_0 = arith.constant 0 : index
    %get3A_1 = vector.load %arg1[%get3A, %get3A_0] : memref<1000x128xf32, #tpu.memory_space<vmem>>, vector<1000x128xf32>
    %max3A = arith.constant 0.000000e+00 : f32
    %max3A_2 = vector.broadcast %max3A : f32 to vector<1000x128xf32>
    %max3A_3 = arith.maximumf %get3A_1, %max3A_2 : vector<1000x128xf32>
    %abs3A = math.absf %get3A_1 : vector<1000x128xf32>
    %neg3A = arith.constant 0.000000e+00 : f32
    %neg3A_4 = vector.broadcast %neg3A : f32 to vector<1000x128xf32>
    %neg3A_5 = arith.subf %neg3A_4, %abs3A : vector<1000x128xf32>
    %exp3A = math.exp %neg3A_5 : vector<1000x128xf32>
    %log1p3A = math.log1p %exp3A : vector<1000x128xf32>
    %add3A = arith.addf %max3A_3, %log1p3A : vector<1000x128xf32>
    %sub3A = arith.constant 0.693147182 : f32
    %sub3A_6 = vector.broadcast %sub3A : f32 to vector<1000x128xf32>
    %sub3A_7 = arith.subf %add3A, %sub3A_6 : vector<1000x128xf32>
    %get3A_8 = arith.constant 0 : index
    %get3A_9 = arith.constant 0 : index
    %get3A_10 = vector.load %arg2[%get3A_8, %get3A_9] : memref<128x128xf32, #tpu.memory_space<vmem>>, vector<128x128xf32>
    %dot_general3A = arith.constant dense<0.000000e+00> : vector<1000x128xf32>
    %dot_general3A_11 = tpu.matmul %sub3A_7, %get3A_10, %dot_general3A {dimension_numbers = #tpu.dot_dimension_numbers<[1], [0], [0], [1], [0, 0, 1, 1], [], []>, transpose_lhs_hint = false} : vector<1000x128xf32>, vector<128x128xf32>, vector<1000x128xf32> -> vector<1000x128xf32>
    %get3A_12 = arith.constant 0 : index
    %get3A_13 = arith.constant 0 : index
    %get3A_14 = vector.load %arg3[%get3A_12, %get3A_13] : memref<1x128xf32, #tpu.memory_space<vmem>>, vector<1x128xf32>
    %add3A_15 = vector.broadcast %get3A_14 : vector<1x128xf32> to vector<1000x128xf32>
    %add3A_16 = arith.addf %dot_general3A_11, %add3A_15 : vector<1000x128xf32>
    %max3A_17 = arith.constant 0.000000e+00 : f32
    %max3A_18 = vector.broadcast %max3A_17 : f32 to vector<1000x128xf32>
    %max3A_19 = arith.maximumf %add3A_16, %max3A_18 : vector<1000x128xf32>
    %abs3A_20 = math.absf %add3A_16 : vector<1000x128xf32>
    %neg3A_21 = arith.constant 0.000000e+00 : f32
    %neg3A_22 = vector.broadcast %neg3A_21 : f32 to vector<1000x128xf32>
    %neg3A_23 = arith.subf %neg3A_22, %abs3A_20 : vector<1000x128xf32>
    %exp3A_24 = math.exp %neg3A_23 : vector<1000x128xf32>
    %log1p3A_25 = math.log1p %exp3A_24 : vector<1000x128xf32>
    %add3A_26 = arith.addf %max3A_19, %log1p3A_25 : vector<1000x128xf32>
    %swap3A = arith.constant 0 : index
    %swap3A_27 = arith.constant 0 : index
    %swap3A_28 = vector.load %arg4[%swap3A, %swap3A_27] : memref<1000x128xf32, #tpu.memory_space<vmem>>, vector<1000x128xf32>
    tpu.vector_store %arg4[%swap3A, %swap3A_27], %add3A_26 {strides = array<i32>} : memref<1000x128xf32, #tpu.memory_space<vmem>>, vector<1000x128xf32>,
    return
  }
  func.func @transform_0(%arg0: i32) -> (i32, i32) {
    %c0_i32 = arith.constant 0 : i32
    %c0_i32_0 = arith.constant 0 : i32
    return %arg0, %c0_i32 : i32, i32
  }
  func.func @transform_1(%arg0: i32) -> (i32, i32) {
    %c0_i32 = arith.constant 0 : i32
    %c0_i32_0 = arith.constant 0 : i32
    %c0_i32_1 = arith.constant 0 : i32
    return %c0_i32, %c0_i32_0 : i32, i32
  }
  func.func @transform_2(%arg0: i32) -> (i32, i32) {
    %c0_i32 = arith.constant 0 : i32
    %c0_i32_0 = arith.constant 0 : i32
    %c0_i32_1 = arith.constant 0 : i32
    return %c0_i32, %c0_i32_0 : i32, i32
  }
  func.func @transform_3(%arg0: i32) -> (i32, i32) {
    %c0_i32 = arith.constant 0 : i32
    %c0_i32_0 = arith.constant 0 : i32
    return %arg0, %c0_i32 : i32, i32
  }
}

module attributes {stable_mosaic.version = 14 : i64} {
  func.func @_fp_body(%arg0: i32, %arg1: memref<16x16000xf32, #tpu.memory_space<vmem>>, %arg2: memref<16x128xf32, #tpu.memory_space<vmem>>, %arg3: memref<16000x128xf32, #tpu.memory_space<vmem>>) attributes {dimension_semantics = [#tpu.dimension_semantics<arbitrary>], iteration_bounds = array<i64: 20>, scalar_prefetch = 0 : i64, scratch_operands = 0 : i64, tpu.core_type = #tpu.core_type<tc>, window_params = [{transform_indices = @transform_0, window_bounds = array<i64: 16, 16000>}, {pipeline_mode = #tpu.pipeline_mode<synchronous>, transform_indices = @transform_1, window_bounds = array<i64: 16, 128>}, {transform_indices = @transform_2, window_bounds = array<i64: 16000, 128>}]} {
    %get3A = arith.constant 0 : index
    %get3A_0 = arith.constant 0 : index
    %get3A_1 = vector.load %arg1[%get3A, %get3A_0] : memref<16x16000xf32, #tpu.memory_space<vmem>>, vector<16x16000xf32>
    %get3A_2 = arith.constant 0 : index
    %get3A_3 = arith.constant 0 : index
    %get3A_4 = vector.load %arg2[%get3A_2, %get3A_3] : memref<16x128xf32, #tpu.memory_space<vmem>>, vector<16x128xf32>
    %dot_general3A = arith.constant dense<0.000000e+00> : vector<16000x128xf32>
    %dot_general3A_5 = tpu.matmul %get3A_1, %get3A_4, %dot_general3A {dimension_numbers = #tpu.dot_dimension_numbers<[0], [0], [1], [1], [0, 1, 1, 1], [], []>, transpose_lhs_hint = false} : vector<16x16000xf32>, vector<16x128xf32>, vector<16000x128xf32> -> vector<16000x128xf32>
    %swap3A = arith.constant 0 : index
    %swap3A_6 = arith.constant 0 : index
    %swap3A_7 = vector.load %arg3[%swap3A, %swap3A_6] : memref<16000x128xf32, #tpu.memory_space<vmem>>, vector<16000x128xf32>
    tpu.vector_store %arg3[%swap3A, %swap3A_6], %dot_general3A_5 {strides = array<i32>} : memref<16000x128xf32, #tpu.memory_space<vmem>>, vector<16000x128xf32>,
    return
  }
  func.func @transform_0(%arg0: i32) -> (i32, i32) {
    %c0_i32 = arith.constant 0 : i32
    %c0_i32_0 = arith.constant 0 : i32
    return %c0_i32, %arg0 : i32, i32
  }
  func.func @transform_1(%arg0: i32) -> (i32, i32) {
    %c0_i32 = arith.constant 0 : i32
    %c0_i32_0 = arith.constant 0 : i32
    %c0_i32_1 = arith.constant 0 : i32
    return %c0_i32, %c0_i32_0 : i32, i32
  }
  func.func @transform_2(%arg0: i32) -> (i32, i32) {
    %c0_i32 = arith.constant 0 : i32
    %c0_i32_0 = arith.constant 0 : i32
    return %arg0, %c0_i32 : i32, i32
  }
}

module attributes {stable_mosaic.version = 14 : i64} {
  func.func @_post_body(%arg0: i32, %arg1: memref<1000x128xf32, #tpu.memory_space<vmem>>, %arg2: memref<1000x128xf32, #tpu.memory_space<vmem>>, %arg3: memref<1000x128xf32, #tpu.memory_space<vmem>>, %arg4: memref<128x128xf32, #tpu.memory_space<vmem>>, %arg5: memref<1x128xf32, #tpu.memory_space<vmem>>, %arg6: memref<128x128xf32, #tpu.memory_space<vmem>>, %arg7: memref<1x128xf32, #tpu.memory_space<vmem>>, %arg8: memref<128x128xf32, #tpu.memory_space<vmem>>, %arg9: memref<1x128xf32, #tpu.memory_space<vmem>>, %arg10: memref<128x128xf32, #tpu.memory_space<vmem>>, %arg11: memref<1x128xf32, #tpu.memory_space<vmem>>, %arg12: memref<128x128xf32, #tpu.memory_space<vmem>>, %arg13: memref<1x128xf32, #tpu.memory_space<vmem>>, %arg14: memref<128x128xf32, #tpu.memory_space<vmem>>, %arg15: memref<1x128xf32, #tpu.memory_space<vmem>>, %arg16: memref<128x128xf32, #tpu.memory_space<vmem>>, %arg17: memref<1x128xf32, #tpu.memory_space<vmem>>, %arg18: memref<1000x128xf32, #tpu.memory_space<vmem>>) attributes {dimension_semantics = [#tpu.dimension_semantics<arbitrary>], iteration_bounds = array<i64: 10>, scalar_prefetch = 0 : i64, scratch_operands = 0 : i64, tpu.core_type = #tpu.core_type<tc>, window_params = [{transform_indices = @transform_0, window_bounds = array<i64: 1000, 128>}, {transform_indices = @transform_1, window_bounds = array<i64: 1000, 128>}, {transform_indices = @transform_2, window_bounds = array<i64: 1000, 128>}, {pipeline_mode = #tpu.pipeline_mode<synchronous>, transform_indices = @transform_3, window_bounds = array<i64: 128, 128>}, {pipeline_mode = #tpu.pipeline_mode<synchronous>, transform_indices = @transform_4, window_bounds = array<i64: 1, 128>}, {pipeline_mode = #tpu.pipeline_mode<synchronous>, transform_indices = @transform_5, window_bounds = array<i64: 128, 128>}, {pipeline_mode = #tpu.pipeline_mode<synchronous>, transform_indices = @transform_6, window_bounds = array<i64: 1, 128>}, {pipeline_mode = #tpu.pipeline_mode<synchronous>, transform_indices = @transform_7, window_bounds = array<i64: 128, 128>}, {pipeline_mode = #tpu.pipeline_mode<synchronous>, transform_indices = @transform_8, window_bounds = array<i64: 1, 128>}, {pipeline_mode = #tpu.pipeline_mode<synchronous>, transform_indices = @transform_9, window_bounds = array<i64: 128, 128>}, {pipeline_mode = #tpu.pipeline_mode<synchronous>, transform_indices = @transform_10, window_bounds = array<i64: 1, 128>}, {pipeline_mode = #tpu.pipeline_mode<synchronous>, transform_indices = @transform_11, window_bounds = array<i64: 128, 128>}, {pipeline_mode = #tpu.pipeline_mode<synchronous>, transform_indices = @transform_12, window_bounds = array<i64: 1, 128>}, {pipeline_mode = #tpu.pipeline_mode<synchronous>, transform_indices = @transform_13, window_bounds = array<i64: 128, 128>}, {pipeline_mode = #tpu.pipeline_mode<synchronous>, transform_indices = @transform_14, window_bounds = array<i64: 1, 128>}, {pipeline_mode = #tpu.pipeline_mode<synchronous>, transform_indices = @transform_15, window_bounds = array<i64: 128, 128>}, {pipeline_mode = #tpu.pipeline_mode<synchronous>, transform_indices = @transform_16, window_bounds = array<i64: 1, 128>}, {transform_indices = @transform_17, window_bounds = array<i64: 1000, 128>}]} {
    %get3A = arith.constant 0 : index
    %get3A_0 = arith.constant 0 : index
    %get3A_1 = vector.load %arg1[%get3A, %get3A_0] : memref<1000x128xf32, #tpu.memory_space<vmem>>, vector<1000x128xf32>
    %get3A_2 = arith.constant 0 : index
    %get3A_3 = arith.constant 0 : index
    %get3A_4 = vector.load %arg2[%get3A_2, %get3A_3] : memref<1000x128xf32, #tpu.memory_space<vmem>>, vector<1000x128xf32>
    %add3A = arith.addf %get3A_1, %get3A_4 : vector<1000x128xf32>
    %get3A_5 = arith.constant 0 : index
    %get3A_6 = arith.constant 0 : index
    %get3A_7 = vector.load %arg3[%get3A_5, %get3A_6] : memref<1000x128xf32, #tpu.memory_space<vmem>>, vector<1000x128xf32>
    %add3A_8 = arith.addf %add3A, %get3A_7 : vector<1000x128xf32>
    %get3A_9 = arith.constant 0 : index
    %get3A_10 = arith.constant 0 : index
    %get3A_11 = vector.load %arg4[%get3A_9, %get3A_10] : memref<128x128xf32, #tpu.memory_space<vmem>>, vector<128x128xf32>
    %dot_general3A = arith.constant dense<0.000000e+00> : vector<1000x128xf32>
    %dot_general3A_12 = tpu.matmul %add3A_8, %get3A_11, %dot_general3A {dimension_numbers = #tpu.dot_dimension_numbers<[1], [0], [0], [1], [0, 0, 1, 1], [], []>, transpose_lhs_hint = false} : vector<1000x128xf32>, vector<128x128xf32>, vector<1000x128xf32> -> vector<1000x128xf32>
    %get3A_13 = arith.constant 0 : index
    %get3A_14 = arith.constant 0 : index
    %get3A_15 = vector.load %arg5[%get3A_13, %get3A_14] : memref<1x128xf32, #tpu.memory_space<vmem>>, vector<1x128xf32>
    %add3A_16 = vector.broadcast %get3A_15 : vector<1x128xf32> to vector<1000x128xf32>
    %add3A_17 = arith.addf %dot_general3A_12, %add3A_16 : vector<1000x128xf32>
    %max3A = arith.constant 0.000000e+00 : f32
    %max3A_18 = vector.broadcast %max3A : f32 to vector<1000x128xf32>
    %max3A_19 = arith.maximumf %add3A_17, %max3A_18 : vector<1000x128xf32>
    %abs3A = math.absf %add3A_17 : vector<1000x128xf32>
    %neg3A = arith.constant 0.000000e+00 : f32
    %neg3A_20 = vector.broadcast %neg3A : f32 to vector<1000x128xf32>
    %neg3A_21 = arith.subf %neg3A_20, %abs3A : vector<1000x128xf32>
    %exp3A = math.exp %neg3A_21 : vector<1000x128xf32>
    %log1p3A = math.log1p %exp3A : vector<1000x128xf32>
    %add3A_22 = arith.addf %max3A_19, %log1p3A : vector<1000x128xf32>
    %get3A_23 = arith.constant 0 : index
    %get3A_24 = arith.constant 0 : index
    %get3A_25 = vector.load %arg6[%get3A_23, %get3A_24] : memref<128x128xf32, #tpu.memory_space<vmem>>, vector<128x128xf32>
    %dot_general3A_26 = arith.constant dense<0.000000e+00> : vector<1000x128xf32>
    %dot_general3A_27 = tpu.matmul %add3A_22, %get3A_25, %dot_general3A_26 {dimension_numbers = #tpu.dot_dimension_numbers<[1], [0], [0], [1], [0, 0, 1, 1], [], []>, transpose_lhs_hint = false} : vector<1000x128xf32>, vector<128x128xf32>, vector<1000x128xf32> -> vector<1000x128xf32>
    %add3A_28 = arith.addf %add3A_8, %dot_general3A_27 : vector<1000x128xf32>
    %get3A_29 = arith.constant 0 : index
    %get3A_30 = arith.constant 0 : index
    %get3A_31 = vector.load %arg7[%get3A_29, %get3A_30] : memref<1x128xf32, #tpu.memory_space<vmem>>, vector<1x128xf32>
    %add3A_32 = vector.broadcast %get3A_31 : vector<1x128xf32> to vector<1000x128xf32>
    %add3A_33 = arith.addf %add3A_28, %add3A_32 : vector<1000x128xf32>
    %get3A_34 = arith.constant 0 : index
    %get3A_35 = arith.constant 0 : index
    %get3A_36 = vector.load %arg8[%get3A_34, %get3A_35] : memref<128x128xf32, #tpu.memory_space<vmem>>, vector<128x128xf32>
    %dot_general3A_37 = arith.constant dense<0.000000e+00> : vector<1000x128xf32>
    %dot_general3A_38 = tpu.matmul %add3A_33, %get3A_36, %dot_general3A_37 {dimension_numbers = #tpu.dot_dimension_numbers<[1], [0], [0], [1], [0, 0, 1, 1], [], []>, transpose_lhs_hint = false} : vector<1000x128xf32>, vector<128x128xf32>, vector<1000x128xf32> -> vector<1000x128xf32>
    %get3A_39 = arith.constant 0 : index
    %get3A_40 = arith.constant 0 : index
    %get3A_41 = vector.load %arg9[%get3A_39, %get3A_40] : memref<1x128xf32, #tpu.memory_space<vmem>>, vector<1x128xf32>
    %add3A_42 = vector.broadcast %get3A_41 : vector<1x128xf32> to vector<1000x128xf32>
    %add3A_43 = arith.addf %dot_general3A_38, %add3A_42 : vector<1000x128xf32>
    %max3A_44 = arith.constant 0.000000e+00 : f32
    %max3A_45 = vector.broadcast %max3A_44 : f32 to vector<1000x128xf32>
    %max3A_46 = arith.maximumf %add3A_43, %max3A_45 : vector<1000x128xf32>
    %abs3A_47 = math.absf %add3A_43 : vector<1000x128xf32>
    %neg3A_48 = arith.constant 0.000000e+00 : f32
    %neg3A_49 = vector.broadcast %neg3A_48 : f32 to vector<1000x128xf32>
    %neg3A_50 = arith.subf %neg3A_49, %abs3A_47 : vector<1000x128xf32>
    %exp3A_51 = math.exp %neg3A_50 : vector<1000x128xf32>
    %log1p3A_52 = math.log1p %exp3A_51 : vector<1000x128xf32>
    %add3A_53 = arith.addf %max3A_46, %log1p3A_52 : vector<1000x128xf32>
    %get3A_54 = arith.constant 0 : index
    %get3A_55 = arith.constant 0 : index
    %get3A_56 = vector.load %arg10[%get3A_54, %get3A_55] : memref<128x128xf32, #tpu.memory_space<vmem>>, vector<128x128xf32>
    %dot_general3A_57 = arith.constant dense<0.000000e+00> : vector<1000x128xf32>
    %dot_general3A_58 = tpu.matmul %add3A_53, %get3A_56, %dot_general3A_57 {dimension_numbers = #tpu.dot_dimension_numbers<[1], [0], [0], [1], [0, 0, 1, 1], [], []>, transpose_lhs_hint = false} : vector<1000x128xf32>, vector<128x128xf32>, vector<1000x128xf32> -> vector<1000x128xf32>
    %add3A_59 = arith.addf %add3A_33, %dot_general3A_58 : vector<1000x128xf32>
    %get3A_60 = arith.constant 0 : index
    %get3A_61 = arith.constant 0 : index
    %get3A_62 = vector.load %arg11[%get3A_60, %get3A_61] : memref<1x128xf32, #tpu.memory_space<vmem>>, vector<1x128xf32>
    %add3A_63 = vector.broadcast %get3A_62 : vector<1x128xf32> to vector<1000x128xf32>
    %add3A_64 = arith.addf %add3A_59, %add3A_63 : vector<1000x128xf32>
    %get3A_65 = arith.constant 0 : index
    %get3A_66 = arith.constant 0 : index
    %get3A_67 = vector.load %arg12[%get3A_65, %get3A_66] : memref<128x128xf32, #tpu.memory_space<vmem>>, vector<128x128xf32>
    %dot_general3A_68 = arith.constant dense<0.000000e+00> : vector<1000x128xf32>
    %dot_general3A_69 = tpu.matmul %add3A_64, %get3A_67, %dot_general3A_68 {dimension_numbers = #tpu.dot_dimension_numbers<[1], [0], [0], [1], [0, 0, 1, 1], [], []>, transpose_lhs_hint = false} : vector<1000x128xf32>, vector<128x128xf32>, vector<1000x128xf32> -> vector<1000x128xf32>
    %get3A_70 = arith.constant 0 : index
    %get3A_71 = arith.constant 0 : index
    %get3A_72 = vector.load %arg13[%get3A_70, %get3A_71] : memref<1x128xf32, #tpu.memory_space<vmem>>, vector<1x128xf32>
    %add3A_73 = vector.broadcast %get3A_72 : vector<1x128xf32> to vector<1000x128xf32>
    %add3A_74 = arith.addf %dot_general3A_69, %add3A_73 : vector<1000x128xf32>
    %max3A_75 = arith.constant 0.000000e+00 : f32
    %max3A_76 = vector.broadcast %max3A_75 : f32 to vector<1000x128xf32>
    %max3A_77 = arith.maximumf %add3A_74, %max3A_76 : vector<1000x128xf32>
    %abs3A_78 = math.absf %add3A_74 : vector<1000x128xf32>
    %neg3A_79 = arith.constant 0.000000e+00 : f32
    %neg3A_80 = vector.broadcast %neg3A_79 : f32 to vector<1000x128xf32>
    %neg3A_81 = arith.subf %neg3A_80, %abs3A_78 : vector<1000x128xf32>
    %exp3A_82 = math.exp %neg3A_81 : vector<1000x128xf32>
    %log1p3A_83 = math.log1p %exp3A_82 : vector<1000x128xf32>
    %add3A_84 = arith.addf %max3A_77, %log1p3A_83 : vector<1000x128xf32>
    %get3A_85 = arith.constant 0 : index
    %get3A_86 = arith.constant 0 : index
    %get3A_87 = vector.load %arg14[%get3A_85, %get3A_86] : memref<128x128xf32, #tpu.memory_space<vmem>>, vector<128x128xf32>
    %dot_general3A_88 = arith.constant dense<0.000000e+00> : vector<1000x128xf32>
    %dot_general3A_89 = tpu.matmul %add3A_84, %get3A_87, %dot_general3A_88 {dimension_numbers = #tpu.dot_dimension_numbers<[1], [0], [0], [1], [0, 0, 1, 1], [], []>, transpose_lhs_hint = false} : vector<1000x128xf32>, vector<128x128xf32>, vector<1000x128xf32> -> vector<1000x128xf32>
    %add3A_90 = arith.addf %add3A_64, %dot_general3A_89 : vector<1000x128xf32>
    %get3A_91 = arith.constant 0 : index
    %get3A_92 = arith.constant 0 : index
    %get3A_93 = vector.load %arg15[%get3A_91, %get3A_92] : memref<1x128xf32, #tpu.memory_space<vmem>>, vector<1x128xf32>
    %add3A_94 = vector.broadcast %get3A_93 : vector<1x128xf32> to vector<1000x128xf32>
    %add3A_95 = arith.addf %add3A_90, %add3A_94 : vector<1000x128xf32>
    %max3A_96 = arith.constant 0.000000e+00 : f32
    %max3A_97 = vector.broadcast %max3A_96 : f32 to vector<1000x128xf32>
    %max3A_98 = arith.maximumf %add3A_95, %max3A_97 : vector<1000x128xf32>
    %abs3A_99 = math.absf %add3A_95 : vector<1000x128xf32>
    %neg3A_100 = arith.constant 0.000000e+00 : f32
    %neg3A_101 = vector.broadcast %neg3A_100 : f32 to vector<1000x128xf32>
    %neg3A_102 = arith.subf %neg3A_101, %abs3A_99 : vector<1000x128xf32>
    %exp3A_103 = math.exp %neg3A_102 : vector<1000x128xf32>
    %log1p3A_104 = math.log1p %exp3A_103 : vector<1000x128xf32>
    %add3A_105 = arith.addf %max3A_98, %log1p3A_104 : vector<1000x128xf32>
    %get3A_106 = arith.constant 0 : index
    %get3A_107 = arith.constant 0 : index
    %get3A_108 = vector.load %arg16[%get3A_106, %get3A_107] : memref<128x128xf32, #tpu.memory_space<vmem>>, vector<128x128xf32>
    %dot_general3A_109 = arith.constant dense<0.000000e+00> : vector<1000x128xf32>
    %dot_general3A_110 = tpu.matmul %add3A_105, %get3A_108, %dot_general3A_109 {dimension_numbers = #tpu.dot_dimension_numbers<[1], [0], [0], [1], [0, 0, 1, 1], [], []>, transpose_lhs_hint = false} : vector<1000x128xf32>, vector<128x128xf32>, vector<1000x128xf32> -> vector<1000x128xf32>
    %get3A_111 = arith.constant 0 : index
    %get3A_112 = arith.constant 0 : index
    %get3A_113 = vector.load %arg17[%get3A_111, %get3A_112] : memref<1x128xf32, #tpu.memory_space<vmem>>, vector<1x128xf32>
    %add3A_114 = vector.broadcast %get3A_113 : vector<1x128xf32> to vector<1000x128xf32>
    %add3A_115 = arith.addf %dot_general3A_110, %add3A_114 : vector<1000x128xf32>
    %swap3A = arith.constant 0 : index
    %swap3A_116 = arith.constant 0 : index
    %swap3A_117 = vector.load %arg18[%swap3A, %swap3A_116] : memref<1000x128xf32, #tpu.memory_space<vmem>>, vector<1000x128xf32>
    tpu.vector_store %arg18[%swap3A, %swap3A_116], %add3A_115 {strides = array<i32>} : memref<1000x128xf32, #tpu.memory_space<vmem>>, vector<1000x128xf32>,
    return
  }
  func.func @transform_0(%arg0: i32) -> (i32, i32) {
    %c0_i32 = arith.constant 0 : i32
    %c0_i32_0 = arith.constant 0 : i32
    return %arg0, %c0_i32 : i32, i32
  }
  func.func @transform_1(%arg0: i32) -> (i32, i32) {
    %c0_i32 = arith.constant 0 : i32
    %c0_i32_0 = arith.constant 0 : i32
    return %arg0, %c0_i32 : i32, i32
  }
  func.func @transform_2(%arg0: i32) -> (i32, i32) {
    %c0_i32 = arith.constant 0 : i32
    %c0_i32_0 = arith.constant 0 : i32
    return %arg0, %c0_i32 : i32, i32
  }
  func.func @transform_3(%arg0: i32) -> (i32, i32) {
    %c0_i32 = arith.constant 0 : i32
    %c0_i32_0 = arith.constant 0 : i32
    %c0_i32_1 = arith.constant 0 : i32
    return %c0_i32, %c0_i32_0 : i32, i32
  }
  func.func @transform_4(%arg0: i32) -> (i32, i32) {
    %c0_i32 = arith.constant 0 : i32
    %c0_i32_0 = arith.constant 0 : i32
    %c0_i32_1 = arith.constant 0 : i32
    return %c0_i32, %c0_i32_0 : i32, i32
  }
  func.func @transform_5(%arg0: i32) -> (i32, i32) {
    %c0_i32 = arith.constant 0 : i32
    %c0_i32_0 = arith.constant 0 : i32
    %c0_i32_1 = arith.constant 0 : i32
    return %c0_i32, %c0_i32_0 : i32, i32
  }
  func.func @transform_6(%arg0: i32) -> (i32, i32) {
    %c0_i32 = arith.constant 0 : i32
    %c0_i32_0 = arith.constant 0 : i32
    %c0_i32_1 = arith.constant 0 : i32
    return %c0_i32, %c0_i32_0 : i32, i32
  }
  func.func @transform_7(%arg0: i32) -> (i32, i32) {
    %c0_i32 = arith.constant 0 : i32
    %c0_i32_0 = arith.constant 0 : i32
    %c0_i32_1 = arith.constant 0 : i32
    return %c0_i32, %c0_i32_0 : i32, i32
  }
  func.func @transform_8(%arg0: i32) -> (i32, i32) {
    %c0_i32 = arith.constant 0 : i32
    %c0_i32_0 = arith.constant 0 : i32
    %c0_i32_1 = arith.constant 0 : i32
    return %c0_i32, %c0_i32_0 : i32, i32
  }
  func.func @transform_9(%arg0: i32) -> (i32, i32) {
    %c0_i32 = arith.constant 0 : i32
    %c0_i32_0 = arith.constant 0 : i32
    %c0_i32_1 = arith.constant 0 : i32
    return %c0_i32, %c0_i32_0 : i32, i32
  }
  func.func @transform_10(%arg0: i32) -> (i32, i32) {
    %c0_i32 = arith.constant 0 : i32
    %c0_i32_0 = arith.constant 0 : i32
    %c0_i32_1 = arith.constant 0 : i32
    return %c0_i32, %c0_i32_0 : i32, i32
  }
  func.func @transform_11(%arg0: i32) -> (i32, i32) {
    %c0_i32 = arith.constant 0 : i32
    %c0_i32_0 = arith.constant 0 : i32
    %c0_i32_1 = arith.constant 0 : i32
    return %c0_i32, %c0_i32_0 : i32, i32
  }
  func.func @transform_12(%arg0: i32) -> (i32, i32) {
    %c0_i32 = arith.constant 0 : i32
    %c0_i32_0 = arith.constant 0 : i32
    %c0_i32_1 = arith.constant 0 : i32
    return %c0_i32, %c0_i32_0 : i32, i32
  }
  func.func @transform_13(%arg0: i32) -> (i32, i32) {
    %c0_i32 = arith.constant 0 : i32
    %c0_i32_0 = arith.constant 0 : i32
    %c0_i32_1 = arith.constant 0 : i32
    return %c0_i32, %c0_i32_0 : i32, i32
  }
  func.func @transform_14(%arg0: i32) -> (i32, i32) {
    %c0_i32 = arith.constant 0 : i32
    %c0_i32_0 = arith.constant 0 : i32
    %c0_i32_1 = arith.constant 0 : i32
    return %c0_i32, %c0_i32_0 : i32, i32
  }
  func.func @transform_15(%arg0: i32) -> (i32, i32) {
    %c0_i32 = arith.constant 0 : i32
    %c0_i32_0 = arith.constant 0 : i32
    %c0_i32_1 = arith.constant 0 : i32
    return %c0_i32, %c0_i32_0 : i32, i32
  }
  func.func @transform_16(%arg0: i32) -> (i32, i32) {
    %c0_i32 = arith.constant 0 : i32
    %c0_i32_0 = arith.constant 0 : i32
    %c0_i32_1 = arith.constant 0 : i32
    return %c0_i32, %c0_i32_0 : i32, i32
  }
  func.func @transform_17(%arg0: i32) -> (i32, i32) {
    %c0_i32 = arith.constant 0 : i32
    %c0_i32_0 = arith.constant 0 : i32
    return %arg0, %c0_i32 : i32, i32
  }
}

</mosaic_0001>

<sc_bundles>
// kernel: kernel.7.cloned.1.call-start
scs
__scs_entry_jumppad:
0x0: {  	(pc) =	sbr.rel $0x88, $3  }
0x1: {  	(tag) =	ssettag $0x0;
	lr =	simm.s32 $0x1  }
0x2: {  	[smem:$0x3F8B] =	sst lr;
	_ =	strace $0xD0000000  }
0x3: {  	_ = 	snop  }
0x4: {  	_ = 	snop  }
0x5: {  	_ = 	snop  }
0x6: {  	_ = 	snop  }
0x7: {  	_ = 	snop  }
__scs_overlays_trampoline_lowered:
0x8: {  	[smem:$0x3F9A] =	sst s0  }
0x9: {  	[smem:$0x3F9B] =	sst s1  }
0xa: {  	[smem:$0x3F9C] =	sst s2  }
0xb: {  	[smem:$0x3F9D] =	sst s3  }
0xc: {  	[smem:$0x3F9E] =	sst s4  }
0xd: {  	[smem:$0x3F9F] =	sst s5  }
0xe: {  	[smem:$0x3FA0] =	sst s6  }
0xf: {  	[smem:$0x3FA1] =	sst s7  }
0x10: {  	[smem:$0x3FA2] =	sst s8  }
0x11: {  	[smem:$0x3FA3] =	sst s9;
	s0 =	simm.s32 @!p0 $0x0  }
0x12: {  	s1 =	sld [smem:$0x3F89];
	s0 =	simm.s32 @p0 $0x1  }
0x13: {  	[smem:$0x3FA4] =	sst s0;
	s0 =	simm.s32 @!p1 $0x0  }
0x14: {  	s2 =	sld [smem:$0x3F88];
	s0 =	simm.s32 @p1 $0x1  }
0x15: {  	[smem:$0x3FA5] =	sst s0;
	s0 =	simm.s32 @!p2 $0x0  }
0x16: {  	s3 =	sld [smem:$0x3FDB];
	s0 =	simm.s32 @p2 $0x1  }
0x17: {  	s4 =	simm.s32 $0x1BF5;
	[smem:$0x3FA7] =	sst s0  }
0x18: {  	s0 =	sld [smem:$0x3F8A];
	_ =	swait.ge [sflag:s4], $0x0  }
0x19: {  	s7 =	sld [smem:$0x3F8B]  }
0x1a: {  	s8 =	sadd.s32 $0xFFFFE003, lr  }
0x1b: {  	s9 =	sadd.s32 $0xFFFFFEF7, lr;
	s5 =	simm.s32 $0xFFFFFFFF;
	p2 =	slt.u32 s8, $0xFFFFF086  }
0x1c: {  	p1 =	slt.u32 s9, $0xF7A;
	s5 =	simm.s32 @!p2 $0x0  }
0x1d: {  	s5 =	simm.s32 @p1 $0x1;
	p0 =	seq.s32 s7, s2  }
0x1e: {  	s7 =	smul.u32 @!p0 $0xF7A, s2;
	p2 =	seq.s32 @!p0 s5, $0x0  }
0x1f: {  	s9 =	smul.u32 $0xF7A, s1;
	s8 =	simm.s32 @!p0 $0x1BF5;
	p2 =	por !p2, p0  }
0x20: {  	[sflag:s8] =	ssyncset.s32 @!p0 $0xFFFFF086;
	s6 =	sadd.s32 @!p0 s3, s7;
	s7 =	simm.s32 @!p0 $0x108  }
0x21: {  	s3 =	sadd.s32 s3, s9;
	s6 =	sadd.s32 @!p0 $0x88, s6;
	s7 =	simm.s32 @p2 $0x1082  }
0x22: {  	[simem:s7], [sflag:s8] =	dma.local @!p0 [hbm:s6], $0xF7A  }
0x23: {  	s9 =	sor.u32 $0xD0000000, s2;
	s6 =	simm.s32 $0x108;
	_ =	swait.ge @!p0 [sflag:s8], $0x0  }
0x24: {  	s3 =	sadd.s32 $0x88, s3;
	s6 =	simm.s32 @!p1 $0x1082;
	[sflag:s4] =	ssyncset.s32 $0xFFFFF086  }
0x25: {  	[simem:s6], [sflag:s4] =	dma.local [hbm:s3], $0xF7A  }
0x26: {  	[smem:$0x3F8B] =	sst s1;
	(tag) =	ssettag s2;
	_ =	strace s9  }
0x27: {  	s1 =	sld [smem:$0x3F9B]  }
0x28: {  	s2 =	sld [smem:$0x3F9C]  }
0x29: {  	s4 =	sld [smem:$0x3F9E]  }
0x2a: {  	p0 =	seq.s32 s5, $0x0;
	s5 =	sld [smem:$0x3F9F]  }
0x2b: {  	s6 =	sld [smem:$0x3FA0]  }
0x2c: {  	s7 =	sld [smem:$0x3FA1]  }
0x2d: {  	s3 =	simm.s32 $0x108;
	s8 =	sld [smem:$0x3FA2]  }
0x2e: {  	s3 =	simm.s32 @!p0 $0x1082;
	s9 =	sld [smem:$0x3FA3]  }
0x2f: {  	lr =	sadd.s32 s0, s3;
	s0 =	sld [smem:$0x3F9A]  }
0x30: {  	s3 =	sld [smem:$0x3F9D]  }
0x31: {  	[smem:$0x3FA6] =	sst s10  }
0x32: {  	s10 =	sld [smem:$0x3FA4];
	_ =	sdelay $0x3  }
0x33: {  	p0 =	seq.s32 s10, $0x1;
	s10 =	sld [smem:$0x3FA6];
	_ =	sdelay $0x3  }
0x34: {  	[smem:$0x3FA6] =	sst s10  }
0x35: {  	s10 =	sld [smem:$0x3FA5];
	_ =	sdelay $0x3  }
0x36: {  	p1 =	seq.s32 s10, $0x1;
	s10 =	sld [smem:$0x3FA6];
	_ =	sdelay $0x3  }
0x37: {  	[smem:$0x3FA6] =	sst s10  }
0x38: {  	s10 =	sld [smem:$0x3FA7]  }
0x39: {  	_ = 	snop;
	(pc) =	sbr.ind lr, $3  }
0x3a: {  	_ = 	snop  }
0x3b: {  	_ = 	snop  }
0x3c: {  	p2 =	seq.s32 s10, $0x1;
	s10 =	sld [smem:$0x3FA6]  }
0x3d: {  	_ =	shalt  }
0x3e: {  	_ =	shalt  }
0x3f: {  	_ =	shalt  }
0x40: {  	_ =	shalt  }
0x41: {  	_ =	shalt  }
0x42: {  	_ =	shalt  }
0x43: {  	_ =	shalt  }
0x44: {  	_ =	shalt  }
0x45: {  	_ =	shalt  }
0x46: {  	_ =	shalt  }
0x47: {  	_ =	shalt  }
0x48: {  	_ =	shalt  }
0x49: {  	_ =	shalt  }
0x4a: {  	_ =	shalt  }
0x4b: {  	_ =	shalt  }
0x4c: {  	_ =	shalt  }
0x4d: {  	_ =	shalt  }
0x4e: {  	_ =	shalt  }
0x4f: {  	_ =	shalt  }
0x50: {  	_ =	shalt  }
0x51: {  	_ =	shalt  }
0x52: {  	_ =	shalt  }
0x53: {  	_ =	shalt  }
0x54: {  	_ =	shalt  }
0x55: {  	_ =	shalt  }
0x56: {  	_ =	shalt  }
0x57: {  	_ =	shalt  }
0x58: {  	_ =	shalt  }
0x59: {  	_ =	shalt  }
0x5a: {  	_ =	shalt  }
0x5b: {  	_ =	shalt  }
0x5c: {  	_ =	shalt  }
0x5d: {  	_ =	shalt  }
0x5e: {  	_ =	shalt  }
0x5f: {  	_ =	shalt  }
0x60: {  	_ =	shalt  }
0x61: {  	_ =	shalt  }
0x62: {  	_ =	shalt  }
0x63: {  	_ =	shalt  }
0x64: {  	_ =	shalt  }
0x65: {  	_ =	shalt  }
0x66: {  	_ =	shalt  }
0x67: {  	_ =	shalt  }
0x68: {  	_ =	shalt  }
0x69: {  	_ =	shalt  }
0x6a: {  	_ =	shalt  }
0x6b: {  	_ =	shalt  }
0x6c: {  	_ =	shalt  }
0x6d: {  	_ =	shalt  }
0x6e: {  	_ =	shalt  }
0x6f: {  	_ =	shalt  }
0x70: {  	_ =	shalt  }
0x71: {  	_ =	shalt  }
0x72: {  	_ =	shalt  }
0x73: {  	_ =	shalt  }
0x74: {  	_ =	shalt  }
0x75: {  	_ =	shalt  }
0x76: {  	_ =	shalt  }
0x77: {  	_ =	shalt  }
0x78: {  	_ =	shalt  }
0x79: {  	_ =	shalt  }
0x7a: {  	_ =	shalt  }
0x7b: {  	_ =	shalt  }
0x7c: {  	_ =	shalt  }
0x7d: {  	_ =	shalt  }
0x7e: {  	_ =	shalt  }
0x7f: {  	_ =	shalt  }
0x80: {  	_ =	shalt  }
0x81: {  	_ =	shalt  }
0x82: {  	_ =	shalt  }
0x83: {  	_ =	shalt  }
0x84: {  	_ =	shalt  }
0x85: {  	_ =	shalt  }
0x86: {  	_ =	shalt  }
0x87: {  	_ =	shalt  }
.Lfunc_end0:
.L_simem_size_0:
called_computation_lowered:
.L_overlay_start_0:
0x88: {  	s2 =	sld [smem:$0x3FD9]  }
0x89: {  	s3 =	sld [smem:$0x3FFE];
	_ =	sdelay $0x1  }
0x8a: {  	s1 =	srdreg.scid  }
0x8b: {  	s0 =	sand.u32 $0x1, s1  }
0x8c: {  	s17 =	sshll.u32 s0, $0xA;
	s2 =	sadd.s32 s3, s2  }
0x8d: {  	s2 =	sadd.s32 s2, s17  }
0x8e: {  	[smem:$0x3FB2] =	sst s2  }
0x8f: {  	_ = 	snop  }
0x90: {  	s2 =	sld [smem:$0x3FD0];
	(tm) =	ssettm $0x1  }
0x91: {  	s18 =	sld [smem:$0x3FFB];
	_ =	sdelay $0x3  }
0x92: {  	_ =	strace s18  }
0x93: {  	s3 =	sld [smem:$0x3FFC];
	_ =	sdelay $0x3  }
0x94: {  	_ =	strace s3  }
0x95: {  	s3 =	sld [smem:$0x3FFD];
	_ =	sdelay $0x3  }
0x96: {  	_ =	strace s3  }
0x97: {  	_ =	strace $0x8FFFFFFF  }
0x98: {  	s19 =	sld [smem:$0x3FDB];
	_ =	sdelay $0x1  }
0x99: {  	s4 =	simm.s32 $_scs_section_size  }
0x9a: {  	s5 =	simm.s32 $_size__tile_overlayer_lowered;
	s6 =	simm.s32 $_tile_overlayer_lowered  }
0x9b: {  	s22 =	simm.s32 $0x1BFF;
	s21 =	sshll.u32 s6, $0x1;
	s3 =	sadd.s32 s4, s19  }
0x9c: {  	s7 =	simm.s32 $0x0;
	s20 =	sshll.u32 s5, $0x1;
	s5 =	sadd.s32 s21, s3  }
0x9d: {  	[timem:s7], [sflag:s22] =	dma.local [hbm:s5], s20  }
0x9e: {  	_ =	swait.ge [sflag:s22], s20  }
0x9f: {  	s4 =	ssub.s32 $0x0, s20;
	[sflag:s22] =	ssyncset.done $0x0  }
0xa0: {  	[sflag:s22] =	ssyncadd.s32 s4;
	_ =	sdelay $0x1  }
0xa1: {  	s23 =	simm.s32 $0x1B8B  }
0xa2: {  	_ =	swait.ge [sflag:s23], $0x1  }
0xa3: {  	[sflag:s23] =	ssyncset.done $0x0  }
0xa4: {  	s25 =	simm.s32 $0x1B8E;
	s24 =	sld [smem:$0x3FFE];
	[sflag:s23] =	ssyncadd.s32 $0xFFFFFFFF  }
0xa5: {  	s26 =	simm.s32 $execute0_lowered;
	[smem:$0x3FD2] =	sst s25  }
0xa6: {  	s5 =	sshll.u32 s26, $0x1;
	_ =	strace $0x80000046;
	[dreg:$0x1] =	wrdreg $0xFFFFFFFF  }
0xa7: {  	s28 =	simm.s32 $_size_execute0_lowered;
	s3 =	sadd.s32 s3, s5;
	[dreg:$0x0] =	wrdreg $0x0  }
0xa8: {  	s5 =	sshll.u32 s28, $0x1;
	[dreg:$0x2] =	wrdreg s3  }
0xa9: {  	[dreg:$0x3] =	wrdreg s5  }
0xaa: {  	[dreg:$0x4] =	wrdreg $0xC0  }
0xab: {  	_ =	task [dreg:s7], $0x5FFFF  }
0xac: {  	[dreg:$0x1] =	wrdreg $0xFFFFFFFF  }
0xad: {  	[dreg:$0x0] =	wrdreg $0x60  }
0xae: {  	[dreg:$0x2] =	wrdreg s2  }
0xaf: {  	[dreg:$0x3] =	wrdreg s24  }
0xb0: {  	[dreg:$0x4] =	wrdreg $0xC0000  }
0xb1: {  	[dreg:$0x5] =	wrdreg $0x9  }
0xb2: {  	_ =	task.clear_ibuf [dreg:s7], $0x6FFFF;
	_ =	strace $0x90000046  }
0xb3: {  	s29 =	simm.s32 $0x9;
	_ =	strace $0x80000048  }
0xb4: {  	_ =	swait.ge [sflag:s29], $0x1  }
0xb5: {  	[sflag:s29] =	ssyncadd.s32 $0xFFFFFFFF  }
0xb6: {  	_ =	strace $0x90000048  }
0xb7: {  	_ =	sfence  }
0xb8: {  	s30 =	sld [smem:$0x0];
	_ =	sdelay $0x2  }
0xb9: {  	s31 =	sshll.u32 s1, $0xD;
	s1 =	sshrl.u32 s1, $0x2  }
0xba: {  	s3 =	sand.u32 $0x4000, s31;
	s1 =	sadd.s32 s1, s30  }
0xbb: {  	s0 =	sor.u32 s3, s0;
	s1 =	sshll.u32 s1, $0x11  }
0xbc: {  	s0 =	sor.u32 s1, s0  }
0xbd: {  	s0 =	sadd.s32 $0x8F2B, s0  }
0xbe: {  	[sflag:s0] =	ssyncadd.remote.s32 $0x1  }
0xbf: {  	_ =	sfence.sel $0xFFFF  }
0xc0: {  	[dreg:$0x0] =	wrdreg $0xFFFFFFFF;
	(pc) =	sbr.abs _section_cstart, $3  }
0xc1: {  	[dreg:$0x1] =	wrdreg $0xFFFFFFFF  }
0xc2: {  	_ =	task.clear_ibuf [dreg:s7], $0x2FFFF;
	_ =	strace $0x9FFFFFFF  }
0xc3: {  	(tm) =	ssettm $0x7FFFFFFF  }
tec
execute0_lowered:
.L_overlay_start_1:
0x0: {  	(tag) =	ssettag $0x1  }
0x1: {  	s0 =	srdreg.scid  }
0x2: {  	s24 =	stileid.u32;
	s1 =	rddreg [dreg:$0x0]  }
0x3: {  	s7 =	rddreg [dreg:$0x1];
	s0 =	sand.u32 $0x1, s0;
	s9 =	smul.u32 $0x2800, s24  }
0x4: {  	s3 =	rddreg [dreg:$0x2];
	s8 =	sor.u32 $0x10, s24;
	s6 =	smul.u32 $0x138800, s0  }
0x5: {  	s5 =	simm.s32 $0x0;
	s10 =	sor.u32 $0x20, s24;
	s11 =	smul.u32 $0x2800, s8  }
0x6: {  	s31 =	simm.s32 $0x6;
	s12 =	sor.u32 $0x30, s24;
	s13 =	smul.u32 $0x2800, s10  }
0x7: {  	s2 =	sshll.u32 s24, $0x1;
	s17 =	sor.u32 $0x40, s24;
	s15 =	smul.u32 $0x2800, s12  }
0x8: {  	[smem:$0x7FF] =	sst s5;
	s18 =	sor.u32 $0x50, s24;
	s16 =	smul.u32 $0x2800, s17  }
0x9: {  	s14 =	sadd.s32 $0x50DA00, s7;
	s20 =	sor.u32 $0x60, s24;
	s21 =	smul.u32 $0x2800, s18  }
0xa: {  	s2 =	sor.u32 s0, s2;
	s0 =	ssub.s32 $0x2, s0;
	s22 =	smul.u32 $0x2800, s20  }
0xb: {  	_ =	strace $0x80000047;
	s8 =	smul.u32 $0xA000, s8;
	s19 =	sshrl.u32 s0, $0x1  }
0xc: {  	s4 =	smul.u32 $0x5000, s2;
	s0 =	ssub.s32 s0, s19;
	s19 =	sor.u32 $0x70, s24  }
0xd: {  	s9 =	sadd.s32 s6, s9;
	s11 =	sadd.s32 s6, s11;
	s13 =	sadd.s32 s6, s13  }
0xe: {  	s15 =	sadd.s32 s6, s15;
	s16 =	sadd.s32 s6, s16;
	s21 =	sadd.s32 s6, s21  }
0xf: {  	s22 =	sadd.s32 s6, s22;
	s8 =	sshrl.u32 s8, $0x2;
	s23 =	smul.u32 $0x2800, s19  }
0x10: {  	s9 =	sshrl.u32 s9, $0x3;
	s25 =	sshrl.u32 s22, $0x3;
	s22 =	smul.u32 $0xA000, s10  }
0x11: {  	s11 =	sshrl.u32 s11, $0x3;
	s21 =	sshrl.u32 s21, $0x3;
	s10 =	smul.u32 $0xA000, s17  }
0x12: {  	s0 =	smax.u32 s0, $0x1;
	p0 =	sgt.u32 s19, $0x7C;
	s17 =	smul.u32 $0xA000, s19  }
0x13: {  	s9 =	sadd.s32 s14, s9;
	s26 =	sadd.s32 s14, s11;
	s11 =	sshrl.u32 s13, $0x3  }
0x14: {  	s13 =	sshrl.u32 s15, $0x3;
	s15 =	sshrl.u32 s16, $0x3;
	[dreg:$0x10] =	wrdreg s0  }
0x15: {  	s23 =	sadd.s32 s6, s23;
	s6 =	smul.u32 $0x2710, s2;
	[dreg:$0x4] =	wrdreg s9  }
0x16: {  	[dreg:$0x5] =	wrdreg s26;
	s9 =	sadd.s32 s14, s11;
	s16 =	sadd.s32 s14, s15  }
0x17: {  	s15 =	sadd.s32 $0x2BA00, s7;
	[dreg:$0x6] =	wrdreg s9;
	s9 =	sadd.s32 s14, s13  }
0x18: {  	[dreg:$0x8] =	wrdreg s16;
	s26 =	sshrl.u32 s23, $0x3;
	s13 =	smul.u32 $0x138800, s2  }
0x19: {  	s16 =	sadd.s32 $0x3A00, s7;
	s2 =	smul.u32 $0x27100, s2;
	[dreg:$0x7] =	wrdreg s9  }
0x1a: {  	s9 =	sadd.s32 s14, s21;
	s11 =	sadd.s32 s14, s26;
	s26 =	smul.u32 $0xA000, s12  }
0x1b: {  	s21 =	sshrl.u32 s4, $0x3;
	s12 =	smul.u32 $0xA000, s18;
	[dreg:$0x9] =	wrdreg s9  }
0x1c: {  	s9 =	sadd.s32 s14, s25;
	[dreg:$0xb] =	wrdreg s11;
	s14 =	sshrl.u32 s13, $0x3  }
0x1d: {  	s11 =	sadd.s32 s16, s21;
	s2 =	sadd.s32 s15, s2;
	s25 =	smul.u32 $0xA000, s24  }
0x1e: {  	s24 =	sadd.s32 s8, s3;
	s13 =	sshrl.u32 s22, $0x2;
	s8 =	sshrl.u32 s10, $0x2  }
0x1f: {  	s10 =	simm.s32 $0x50;
	[dreg:$0xa] =	wrdreg s9;
	s7 =	sadd.s32 s15, s14  }
0x20: {  	[dreg:$0xd] =	wrdreg s2;
	s0 =	sshrl.u32 s26, $0x2;
	s14 =	smul.u32 $0xA000, s20  }
0x21: {  	s28 =	sadd.s32 s8, s3;
	s18 =	sshrl.u32 s12, $0x2;
	s20 =	sshrl.u32 s17, $0x2  }
0x22: {  	[dreg:$0xc] =	wrdreg s11;
	s22 =	sadd.s32 $0x14000, s11;
	s8 =	simm.s32 $0x7  }
0x23: {  	s11 =	simm.s32 $0x7000;
	s12 =	simm.s32 $0x4800;
	[dreg:$0x12] =	wrdreg s24  }
0x24: {  	s23 =	sadd.s32 $0x500, s7;
	s7 =	sadd.s32 $0xA00, s7;
	[dreg:$0x19] =	wrdreg s22  }
0x25: {  	s2 =	sshrl.u32 s25, $0x2;
	s25 =	sadd.s32 s13, s3;
	[dreg:$0x15] =	wrdreg s28  }
0x26: {  	s26 =	sadd.s32 s0, s3;
	s29 =	sadd.s32 s18, s3;
	[dreg:$0xe] =	wrdreg s23  }
0x27: {  	s21 =	sadd.s32 s20, s3;
	s0 =	sadd.s32 $0xA0, s6;
	[dreg:$0xf] =	wrdreg s7  }
0x28: {  	s13 =	simm.s32 $0x9800;
	s18 =	simm.s32 $0x3;
	[dreg:$0x18] =	wrdreg s21  }
0x29: {  	s20 =	simm.s32 $0x2;
	s22 =	simm.s32 $0x0;
	[dreg:$0x13] =	wrdreg s25  }
0x2a: {  	s23 =	sadd.s32 s2, s3;
	s19 =	sshrl.u32 s14, $0x2;
	[dreg:$0x14] =	wrdreg s26  }
0x2b: {  	s2 =	sadd.s32 $0x50, s6;
	s7 =	simm.s32 $0x2000;
	[dreg:$0x16] =	wrdreg s29  }
0x2c: {  	s14 =	simm.s32 $0x1;
	s30 =	sadd.s32 s19, s3;
	[dreg:$0x11] =	wrdreg s23  }
0x2d: {  	v0 =	vimm.f32 $0.0e+00;
	s21 =	simm.s32 $0x4;
	s19 =	simm.s32 $0x5;
	[dreg:$0x17] =	wrdreg s30  }
.LBB2_1:
0x2e: {  	[dreg:$0x1a] =	wrdreg s22;
	s9 =	simm.s32 $0x0;
	s17 =	simm.s32 $0x200  }
.LBB2_2:
0x2f: {  	p1 =	sne.s32 s17, $0x9E00;
	[tilespmem:s9+$0x2070] =	vst v0  }
0x30: {  	[tilespmem:s9+$0x2000] =	vst v0  }
0x31: {  	[tilespmem:s9+$0x2010] =	vst v0  }
.Ltmp0:
0x32: {  	[tilespmem:s9+$0x2020] =	vst v0;
	(pc) =	sbr.rel @p1 .LBB2_2-.Ltmp0, $4  }
0x33: {  	[tilespmem:s9+$0x2030] =	vst v0  }
0x34: {  	[tilespmem:s9+$0x2040] =	vst v0  }
0x35: {  	[tilespmem:s9+$0x2050] =	vst v0  }
0x36: {  	[tilespmem:s9+$0x2060] =	vst v0;
	s9 =	sshra.s32 s17, $0x2;
	s17 =	sadd.s32 $0x200, s17  }
0x37: {  	[tilespmem:s9+$0x2070] =	vst v0  }
0x38: {  	[tilespmem:s9+$0x2000] =	vst v0  }
0x39: {  	[tilespmem:s9+$0x2010] =	vst v0  }
0x3a: {  	[tilespmem:s9+$0x2020] =	vst v0  }
0x3b: {  	[tilespmem:s9+$0x2030] =	vst v0  }
0x3c: {  	[tilespmem:s9+$0x2040] =	vst v0  }
0x3d: {  	[tilespmem:s9+$0x2050] =	vst v0  }
0x3e: {  	[tilespmem:s9+$0x2060] =	vst v0  }
0x3f: {  	[spmem:s23] =	stream.linear.scatter [tilespmem:s7], [sflag:$0x7], $0x2800, $0x38;
	[tilespmem:$0x1F880] =	vst v63  }
0x40: {  	_ =	swait.ge [sflag:s8], $0x2800  }
0x41: {  	[sflag:s8] =	ssyncset.done $0x0  }
0x42: {  	[sflag:s8] =	ssyncadd.s32 $0xFFFFD800  }
0x43: {  	[spmem:s24] =	stream.linear.scatter [tilespmem:s7], [sflag:$0x7], $0x2800, $0x38;
	[tilespmem:$0x1F880] =	vst v63  }
0x44: {  	_ =	swait.ge [sflag:s8], $0x2800  }
0x45: {  	[sflag:s8] =	ssyncset.done $0x0  }
0x46: {  	[sflag:s8] =	ssyncadd.s32 $0xFFFFD800  }
0x47: {  	[spmem:s25] =	stream.linear.scatter [tilespmem:s7], [sflag:$0x7], $0x2800, $0x38;
	[tilespmem:$0x1F880] =	vst v63  }
0x48: {  	_ =	swait.ge [sflag:s8], $0x2800  }
0x49: {  	[sflag:s8] =	ssyncset.done $0x0  }
0x4a: {  	[sflag:s8] =	ssyncadd.s32 $0xFFFFD800  }
0x4b: {  	[spmem:s26] =	stream.linear.scatter [tilespmem:s7], [sflag:$0x7], $0x2800, $0x38;
	[tilespmem:$0x1F880] =	vst v63  }
0x4c: {  	_ =	swait.ge [sflag:s8], $0x2800  }
0x4d: {  	[sflag:s8] =	ssyncset.done $0x0  }
0x4e: {  	[sflag:s8] =	ssyncadd.s32 $0xFFFFD800  }
0x4f: {  	[spmem:s28] =	stream.linear.scatter [tilespmem:s7], [sflag:$0x7], $0x2800, $0x38;
	[tilespmem:$0x1F880] =	vst v63  }
0x50: {  	_ =	swait.ge [sflag:s8], $0x2800  }
0x51: {  	[sflag:s8] =	ssyncset.done $0x0  }
0x52: {  	[sflag:s8] =	ssyncadd.s32 $0xFFFFD800  }
0x53: {  	[spmem:s29] =	stream.linear.scatter [tilespmem:s7], [sflag:$0x7], $0x2800, $0x38;
	[tilespmem:$0x1F880] =	vst v63  }
0x54: {  	_ =	swait.ge [sflag:s8], $0x2800  }
0x55: {  	[sflag:s8] =	ssyncset.done $0x0  }
0x56: {  	[sflag:s8] =	ssyncadd.s32 $0xFFFFD800  }
0x57: {  	[spmem:s30] =	stream.linear.scatter [tilespmem:s7], [sflag:$0x7], $0x2800, $0x38;
	[tilespmem:$0x1F880] =	vst v63  }
0x58: {  	_ =	swait.ge [sflag:s8], $0x2800  }
0x59: {  	[sflag:s8] =	ssyncset.done $0x0  }
0x5a: {  	s9 =	simm.s32 @!p0 $0x2000;
	s17 =	rddreg [dreg:$0x18];
	[sflag:s8] =	ssyncadd.s32 $0xFFFFD800  }
0x5b: {  	[spmem:s17] =	stream.linear.scatter @!p0 [tilespmem:s9], [sflag:$0x7], $0x2800, $0x38;
	[tilespmem:$0x1F880] =	vst v63  }
0x5c: {  	s9 =	simm.s32 @!p0 $0x7  }
0x5d: {  	_ =	swait.ge @!p0 [sflag:s9], $0x2800  }
0x5e: {  	[sflag:s9] =	ssyncset.done @!p0 $0x0  }
0x5f: {  	[sflag:s9] =	ssyncadd.s32 @!p0 $0xFFFFD800  }
0x60: {  	[bflag:$0x0] =	sbarrier.arrive $0xFFFF  }
0x61: {  	s24 =	rddreg [dreg:$0x19]  }
0x62: {  	[tilespmem:s5], [sflag:$0x7] =	stream.linear.gather [hbm4b:s24+s5], $0xC80, $0x38;
	[tilespmem:$0x1F880] =	vst v63  }
0x63: {  	_ =	swait.ge [sflag:s8], $0xC80  }
0x64: {  	[sflag:s8] =	ssyncset.done $0x0  }
0x65: {  	s26 =	simm.s32 $0x1000;
	s25 =	rddreg [dreg:$0xc];
	[sflag:s8] =	ssyncadd.s32 $0xFFFFF380  }
0x66: {  	[tilespmem:s26], [sflag:$0x7] =	stream.linear.gather [hbm4b:s25+s5], $0xC80, $0x38;
	[tilespmem:$0x1F880] =	vst v63  }
0x67: {  	_ =	swait.ge [sflag:s8], $0xC80  }
0x68: {  	[sflag:s8] =	ssyncset.done $0x0  }
0x69: {  	[sflag:s8] =	ssyncadd.s32 $0xFFFFF380  }
0x6a: {  	[tilespmem:s7], [sflag:$0x1] =	stream.indirect.gather [hbm4b:s1+s10], $0x80, s5, s10, $0xb8;
	[tilespmem:$0x1F880] =	vst v63  }
0x6b: {  	s28 =	rddreg [dreg:$0xd]  }
0x6c: {  	[tilespmem:s11], [sflag:$0x3] =	stream.linear.gather [hbm4b:s28+s5], $0x2800, $0x38;
	[tilespmem:$0x1F880] =	vst v63  }
0x6d: {  	s29 =	simm.s32 $0x80  }
0x6e: {  	[tilespmem:s12], [sflag:$0x2] =	stream.indirect.gather [hbm4b:s1+s10], $0x80, s29, s10, $0xb8;
	[tilespmem:$0x1F880] =	vst v63  }
0x6f: {  	s30 =	rddreg [dreg:$0xe]  }
0x70: {  	[tilespmem:s13], [sflag:$0x4] =	stream.linear.gather [hbm4b:s30+s5], $0x2800, $0x38;
	[tilespmem:$0x1F880] =	vst v63  }
0x71: {  	_ =	swait.ge [sflag:s14], $0x2800  }
0x72: {  	[sflag:s14] =	ssyncset.done $0x0  }
0x73: {  	[sflag:s14] =	ssyncadd.s32 $0xFFFFD800  }
0x74: {  	_ =	swait.ge [sflag:s18], $0x2800  }
0x75: {  	[sflag:s18] =	ssyncset.done $0x0  }
0x76: {  	s23 =	simm.s32 $0x2200;
	[sflag:s18] =	ssyncadd.s32 $0xFFFFD800  }
0x77: {  	s24 =	simm.s32 $0x7200;
	v1 =	vld [tilespmem:s23+$0x180]  }
0x78: {  	v2 =	vld [tilespmem:s24+$0x180]  }
0x79: {  	v3 =	vld [tilespmem:s24+$0xFFFFFE00]  }
0x7a: {  	v4 =	vld [tilespmem:s23+$0xFFFFFE80]  }
0x7b: {  	v5 =	vld [tilespmem:s24+$0xFFFFFE80]  }
0x7c: {  	v6 =	vld [tilespmem:s23+$0xFFFFFF00]  }
0x7d: {  	v7 =	vld [tilespmem:s24+$0xFFFFFF00]  }
0x7e: {  	v8 =	vld [tilespmem:s24+$0xFFFFFF80]  }
0x7f: {  	v10 =	vld [tilespmem:s23+$0x0]  }
0x80: {  	v11 =	vld [tilespmem:s24+$0x0]  }
0x81: {  	v12 =	vld [tilespmem:s23+$0x80]  }
0x82: {  	v13 =	vld [tilespmem:s24+$0x80]  }
0x83: {  	v14 =	vld [tilespmem:s23+$0x100]  }
0x84: {  	v41 =	vld [tilespmem:s23+$0xFFFFFF10]  }
0x85: {  	v42 =	vld [tilespmem:s23+$0xFFFFFF90]  }
0x86: {  	v43 =	vld [tilespmem:s23+$0x10]  }
0x87: {  	v44 =	vld [tilespmem:s23+$0xFFFFFF20]  }
0x88: {  	v45 =	vld [tilespmem:s23+$0xFFFFFFA0]  }
0x89: {  	v46 =	vld [tilespmem:s23+$0x20]  }
0x8a: {  	v15 =	vld [tilespmem:s23+$0xA0]  }
0x8b: {  	v47 =	vld [tilespmem:s23+$0xFFFFFF30]  }
0x8c: {  	v48 =	vld [tilespmem:s23+$0xFFFFFFB0]  }
0x8d: {  	v49 =	vld [tilespmem:s23+$0x30]  }
0x8e: {  	v51 =	vld [tilespmem:s23+$0xFFFFFFC0]  }
0x8f: {  	v52 =	vld [tilespmem:s23+$0x40];
	v1 =	vmul.f32 v2, v1  }
0x90: {  	v53 =	vld [tilespmem:s23+$0xC0]  }
0x91: {  	[tilespmem:s23+$0x180] =	vst v1;
	v1 =	vld [tilespmem:s23+$0x190]  }
0x92: {  	v2 =	vld [tilespmem:s24+$0x190]  }
0x93: {  	v54 =	vld [tilespmem:s23+$0xFFFFFF50]  }
0x94: {  	v55 =	vld [tilespmem:s23+$0xFFFFFFD0]  }
0x95: {  	v56 =	vld [tilespmem:s23+$0xD0]  }
0x96: {  	v57 =	vld [tilespmem:s23+$0xFFFFFE60]  }
0x97: {  	v58 =	vld [tilespmem:s23+$0xFFFFFFE0];
	v1 =	vmul.f32 v2, v1  }
0x98: {  	v59 =	vld [tilespmem:s23+$0x60]  }
0x99: {  	[tilespmem:s23+$0x190] =	vst v1;
	v1 =	vld [tilespmem:s23+$0x1A0]  }
0x9a: {  	v9 =	vld [tilespmem:s24+$0x1A0]  }
0x9b: {  	v4 =	vmul.f32 v5, v4;
	v5 =	vld [tilespmem:s23+$0xFFFFFE00]  }
0x9c: {  	v60 =	vld [tilespmem:s23+$0xE0]  }
0x9d: {  	v2 =	vld [tilespmem:s23+$0xFFFFFF80]  }
0x9e: {  	v61 =	vld [tilespmem:s23+$0xFFFFFE70]  }
0x9f: {  	v1 =	vmul.f32 v9, v1;
	v9 =	vld [tilespmem:s24+$0x100]  }
0xa0: {  	v63 =	vld [tilespmem:s23+$0xFFFFFEF0];
	[tilespmem:s23+$0xFFFFFE80] =	vst v4;
	v3 =	vmul.f32 v3, v5  }
0xa1: {  	[tilespmem:s23+$0x1A0] =	vst v1;
	v1 =	vmul.f32 v7, v6;
	v6 =	vld [tilespmem:s23+$0x1B0]  }
0xa2: {  	[tilespmem:s23+$0xFFFFFE00] =	vst v3;
	v2 =	vmul.f32 v8, v2;
	v4 =	vld [tilespmem:s24+$0x1B0]  }
0xa3: {  	v7 =	vld [tilespmem:s24+$0xFFFFFE90];
	[tilespmem:s23+$0xFFFFFF00] =	vst v1;
	v1 =	vmul.f32 v11, v10  }
0xa4: {  	[tilespmem:s23+$0xFFFFFF80] =	vst v2;
	v10 =	vld [tilespmem:s23+$0xFFFFFE10];
	v5 =	vmul.f32 v9, v14  }
0xa5: {  	v2 =	vmul.f32 v13, v12;
	[tilespmem:s23+$0x0] =	vst v1;
	v1 =	vld [tilespmem:s24+$0xFFFFFF90]  }
0xa6: {  	[tilespmem:s23+$0x100] =	vst v5;
	v5 =	vld [tilespmem:s24+$0xFFFFFE10]  }
0xa7: {  	[tilespmem:s23+$0x80] =	vst v2;
	v2 =	vld [tilespmem:s24+$0x10];
	v4 =	vmul.f32 v4, v6  }
0xa8: {  	v6 =	vld [tilespmem:s24+$0x110]  }
0xa9: {  	[tilespmem:s23+$0x1B0] =	vst v4;
	v4 =	vld [tilespmem:s23+$0x1C0]  }
0xaa: {  	v9 =	vld [tilespmem:s24+$0x1C0]  }
0xab: {  	v5 =	vmul.f32 v5, v10;
	v10 =	vld [tilespmem:s23+$0x110]  }
0xac: {  	v3 =	vld [tilespmem:s24+$0x90]  }
0xad: {  	v11 =	vld [tilespmem:s23+$0xFFFFFE90];
	v1 =	vmul.f32 v1, v42  }
0xae: {  	v8 =	vld [tilespmem:s24+$0xFFFFFF10];
	v2 =	vmul.f32 v2, v43  }
0xaf: {  	[tilespmem:s23+$0xFFFFFF90] =	vst v1;
	v4 =	vmul.f32 v9, v4;
	v9 =	vld [tilespmem:s23+$0x90]  }
0xb0: {  	[tilespmem:s23+$0x10] =	vst v2;
	v2 =	vmul.f32 v6, v10;
	v6 =	vld [tilespmem:s24+$0xFFFFFFA0]  }
0xb1: {  	v10 =	vld [tilespmem:s23+$0xFFFFFE20]  }
0xb2: {  	[tilespmem:s23+$0x1C0] =	vst v4;
	v4 =	vmul.f32 v7, v11;
	v7 =	vld [tilespmem:s23+$0x1D0]  }
0xb3: {  	v11 =	vld [tilespmem:s23+$0xFFFFFEA0]  }
0xb4: {  	[tilespmem:s23+$0xFFFFFE10] =	vst v5;
	v5 =	vmul.f32 v8, v41;
	v8 =	vld [tilespmem:s24+$0x1D0]  }
0xb5: {  	[tilespmem:s23+$0xFFFFFE90] =	vst v4;
	v4 =	vld [tilespmem:s24+$0xFFFFFE20]  }
0xb6: {  	[tilespmem:s23+$0xFFFFFF10] =	vst v5;
	v5 =	vld [tilespmem:s24+$0xFFFFFEA0];
	v1 =	vmul.f32 v3, v9  }
0xb7: {  	v3 =	vld [tilespmem:s24+$0xFFFFFF20]  }
0xb8: {  	v9 =	vld [tilespmem:s24+$0x20];
	[tilespmem:s23+$0x90] =	vst v1  }
0xb9: {  	[tilespmem:s23+$0x110] =	vst v2;
	v1 =	vmul.f32 v8, v7;
	v7 =	vld [tilespmem:s24+$0xA0]  }
0xba: {  	v8 =	vld [tilespmem:s24+$0x120]  }
0xbb: {  	[tilespmem:s23+$0x1D0] =	vst v1;
	v1 =	vld [tilespmem:s23+$0x1E0];
	v5 =	vmul.f32 v5, v11  }
0xbc: {  	v3 =	vmul.f32 v3, v44;
	v2 =	vld [tilespmem:s24+$0x1E0]  }
0xbd: {  	v11 =	vld [tilespmem:s23+$0xFFFFFEB0];
	[tilespmem:s23+$0xFFFFFEA0] =	vst v5;
	v5 =	vmul.f32 v6, v45  }
0xbe: {  	[tilespmem:s23+$0xFFFFFF20] =	vst v3;
	v3 =	vmul.f32 v9, v46;
	v9 =	vld [tilespmem:s24+$0xFFFFFEB0]  }
0xbf: {  	[tilespmem:s23+$0xFFFFFFA0] =	vst v5;
	v5 =	vmul.f32 v7, v15;
	v7 =	vld [tilespmem:s24+$0xFFFFFF30]  }
0xc0: {  	[tilespmem:s23+$0x20] =	vst v3;
	v3 =	vld [tilespmem:s24+$0xFFFFFFB0]  }
0xc1: {  	v1 =	vmul.f32 v2, v1;
	v2 =	vmul.f32 v4, v10;
	v4 =	vld [tilespmem:s23+$0x120]  }
0xc2: {  	[tilespmem:s23+$0xA0] =	vst v5;
	v5 =	vld [tilespmem:s24+$0x30]  }
0xc3: {  	[tilespmem:s23+$0x1E0] =	vst v1;
	v1 =	vld [tilespmem:s23+$0x1F0]  }
0xc4: {  	v9 =	vmul.f32 v9, v11;
	v11 =	vld [tilespmem:s23+$0x130]  }
0xc5: {  	[tilespmem:s23+$0xFFFFFE20] =	vst v2;
	v2 =	vld [tilespmem:s24+$0x1F0]  }
0xc6: {  	v6 =	vld [tilespmem:s24+$0xFFFFFE30];
	v4 =	vmul.f32 v8, v4  }
0xc7: {  	v8 =	vld [tilespmem:s24+$0xB0]  }
0xc8: {  	v7 =	vmul.f32 v7, v47;
	[tilespmem:s23+$0x120] =	vst v4;
	v4 =	vld [tilespmem:s23+$0xFFFFFE30]  }
0xc9: {  	[tilespmem:s23+$0xFFFFFEB0] =	vst v9;
	v10 =	vld [tilespmem:s24+$0x130]  }
0xca: {  	v9 =	vld [tilespmem:s24+$0xFFFFFEC0];
	[tilespmem:s23+$0xFFFFFF30] =	vst v7;
	v1 =	vmul.f32 v2, v1  }
0xcb: {  	v7 =	vld [tilespmem:s24+$0xFFFFFF40]  }
0xcc: {  	v5 =	vmul.f32 v5, v49;
	[tilespmem:s23+$0x1F0] =	vst v1;
	v1 =	vld [tilespmem:s23+$0xF0]  }
0xcd: {  	v4 =	vmul.f32 v6, v4;
	v6 =	vld [tilespmem:s23+$0xB0]  }
0xce: {  	[tilespmem:s23+$0x30] =	vst v5;
	v5 =	vmul.f32 v10, v11;
	v11 =	vld [tilespmem:s23+$0xFFFFFF40]  }
0xcf: {  	[tilespmem:s23+$0xFFFFFE30] =	vst v4;
	v4 =	vld [tilespmem:s23+$0xFFFFFE40]  }
0xd0: {  	v50 =	vld [tilespmem:s24+$0xFFFFFE40]  }
0xd1: {  	v3 =	vmul.f32 v3, v48;
	v10 =	vld [tilespmem:s23+$0xFFFFFEC0];
	[tilespmem:s23+$0x130] =	vst v5  }
0xd2: {  	v5 =	vld [tilespmem:s24+$0x140]  }
0xd3: {  	[tilespmem:s23+$0xFFFFFFB0] =	vst v3;
	v3 =	vmul.f32 v8, v6;
	v8 =	vld [tilespmem:s24+$0x40]  }
0xd4: {  	v6 =	vld [tilespmem:s24+$0xFFFFFFC0];
	v7 =	vmul.f32 v7, v11  }
0xd5: {  	v11 =	vld [tilespmem:s23+$0xFFFFFE50];
	[tilespmem:s23+$0xB0] =	vst v3;
	v4 =	vmul.f32 v50, v4  }
0xd6: {  	v3 =	vld [tilespmem:s24+$0xC0];
	[tilespmem:s23+$0xFFFFFF40] =	vst v7  }
0xd7: {  	[tilespmem:s23+$0xFFFFFE40] =	vst v4;
	v4 =	vmul.f32 v9, v10;
	v9 =	vld [tilespmem:s23+$0x140]  }
0xd8: {  	v7 =	vmul.f32 v8, v52;
	v8 =	vld [tilespmem:s24+$0xFFFFFF50]  }
0xd9: {  	v10 =	vld [tilespmem:s24+$0xFFFFFE50];
	[tilespmem:s23+$0xFFFFFEC0] =	vst v4;
	v4 =	vmul.f32 v6, v51  }
0xda: {  	[tilespmem:s23+$0x40] =	vst v7;
	v6 =	vld [tilespmem:s24+$0xFFFFFED0]  }
0xdb: {  	v3 =	vmul.f32 v3, v53;
	v7 =	vld [tilespmem:s24+$0x50];
	[tilespmem:s23+$0xFFFFFFC0] =	vst v4  }
0xdc: {  	v4 =	vld [tilespmem:s24+$0xFFFFFFD0]  }
0xdd: {  	v5 =	vmul.f32 v5, v9;
	[tilespmem:s23+$0xC0] =	vst v3;
	v9 =	vld [tilespmem:s23+$0xFFFFFED0]  }
0xde: {  	v8 =	vmul.f32 v8, v54;
	v3 =	vld [tilespmem:s24+$0xD0]  }
0xdf: {  	v10 =	vmul.f32 v10, v11;
	v11 =	vld [tilespmem:s23+$0x50];
	[tilespmem:s23+$0x140] =	vst v5  }
0xe0: {  	[tilespmem:s23+$0xFFFFFF50] =	vst v8;
	v5 =	vld [tilespmem:s24+$0x150]  }
0xe1: {  	[tilespmem:s23+$0xFFFFFE50] =	vst v10;
	v8 =	vld [tilespmem:s24+$0xFFFFFF60]  }
0xe2: {  	v10 =	vld [tilespmem:s24+$0xFFFFFE60];
	v6 =	vmul.f32 v6, v9  }
0xe3: {  	v9 =	vld [tilespmem:s23+$0x150];
	v4 =	vmul.f32 v4, v55  }
0xe4: {  	v7 =	vmul.f32 v7, v11;
	v11 =	vld [tilespmem:s23+$0xFFFFFF60];
	[tilespmem:s23+$0xFFFFFED0] =	vst v6  }
0xe5: {  	[tilespmem:s23+$0xFFFFFFD0] =	vst v4;
	v6 =	vld [tilespmem:s24+$0xFFFFFEE0]  }
0xe6: {  	v3 =	vmul.f32 v3, v56;
	v4 =	vld [tilespmem:s24+$0xFFFFFFE0];
	[tilespmem:s23+$0x50] =	vst v7  }
0xe7: {  	v7 =	vld [tilespmem:s24+$0x60]  }
0xe8: {  	[tilespmem:s23+$0xD0] =	vst v3;
	v10 =	vmul.f32 v10, v57;
	v5 =	vmul.f32 v5, v9;
	v9 =	vld [tilespmem:s23+$0xFFFFFEE0]  }
0xe9: {  	v3 =	vld [tilespmem:s24+$0xE0]  }
0xea: {  	[tilespmem:s23+$0xFFFFFE60] =	vst v10;
	v10 =	vld [tilespmem:s23+$0xFFFFFF70]  }
0xeb: {  	v8 =	vmul.f32 v8, v11;
	[tilespmem:s23+$0x150] =	vst v5;
	v11 =	vld [tilespmem:s24+$0xFFFFFE70];
	v4 =	vmul.f32 v4, v58  }
0xec: {  	v5 =	vld [tilespmem:s24+$0x160]  }
0xed: {  	v6 =	vmul.f32 v6, v9;
	v9 =	vld [tilespmem:s23+$0x160];
	[tilespmem:s23+$0xFFFFFFE0] =	vst v4  }
0xee: {  	[tilespmem:s23+$0xFFFFFF60] =	vst v8;
	v3 =	vmul.f32 v3, v60;
	v4 =	vld [tilespmem:s24+$0xFFFFFFF0]  }
0xef: {  	[tilespmem:s23+$0xFFFFFEE0] =	vst v6;
	v6 =	vmul.f32 v7, v59;
	v7 =	vld [tilespmem:s24+$0xFFFFFF70]  }
0xf0: {  	[tilespmem:s23+$0xE0] =	vst v3;
	v62 =	vld [tilespmem:s24+$0xFFFFFEF0]  }
0xf1: {  	[tilespmem:s23+$0x60] =	vst v6;
	v6 =	vld [tilespmem:s24+$0xF0]  }
0xf2: {  	v8 =	vmul.f32 v5, v9;
	v5 =	vld [tilespmem:s24+$0x70]  }
0xf3: {  	v2 =	vmul.f32 v11, v61;
	v9 =	vld [tilespmem:s23+$0xFFFFFFF0]  }
0xf4: {  	[tilespmem:s23+$0x160] =	vst v8;
	v8 =	vld [tilespmem:s23+$0x70]  }
0xf5: {  	[tilespmem:s23+$0xFFFFFE70] =	vst v2;
	v2 =	vld [tilespmem:s23+$0x170]  }
0xf6: {  	s22 =	simm.s32 $0x0;
	s17 =	simm.s32 $0x2600;
	v3 =	vld [tilespmem:s24+$0x170];
	v11 =	vmul.f32 v62, v63  }
.LBB2_4:
0xf7: {  	v12 =	vld [tilespmem:s17+$0x180];
	v7 =	vmul.f32 v7, v10;
	s24 =	sadd.s32 $0x400, s24  }
0xf8: {  	s22 =	sadd.s32 $0x8, s22;
	v10 =	vld [tilespmem:s24+$0x180];
	[tilespmem:s23+$0xFFFFFEF0] =	vst v11;
	v4 =	vmul.f32 v4, v9  }
0xf9: {  	p1 =	slt.u32 s22, $0x48;
	v9 =	vld [tilespmem:s24+$0xFFFFFE00];
	[tilespmem:s23+$0xFFFFFF70] =	vst v7;
	v5 =	vmul.f32 v5, v8  }
0xfa: {  	v7 =	vld [tilespmem:s17+$0xFFFFFE80];
	[tilespmem:s23+$0xFFFFFFF0] =	vst v4;
	v1 =	vmul.f32 v6, v1  }
0xfb: {  	v4 =	vld [tilespmem:s24+$0xFFFFFE80];
	[tilespmem:s23+$0x70] =	vst v5;
	v2 =	vmul.f32 v3, v2  }
0xfc: {  	v3 =	vld [tilespmem:s17+$0xFFFFFF00];
	[tilespmem:s23+$0xF0] =	vst v1  }
0xfd: {  	v1 =	vld [tilespmem:s24+$0xFFFFFF00];
	v5 =	vmul.f32 v10, v12;
	[tilespmem:s23+$0x170] =	vst v2;
	s23 =	smov.u32 s17  }
0xfe: {  	v2 =	vld [tilespmem:s17+$0xFFFFFF80]  }
0xff: {  	[tilespmem:s17+$0x180] =	vst v5;
	v5 =	vld [tilespmem:s17+$0x190]  }
0x100: {  	v4 =	vmul.f32 v4, v7;
	v6 =	vld [tilespmem:s24+$0x190]  }
0x101: {  	v7 =	vld [tilespmem:s24+$0xFFFFFF80]  }
0x102: {  	[tilespmem:s17+$0xFFFFFE80] =	vst v4;
	v1 =	vmul.f32 v1, v3;
	v3 =	vld [tilespmem:s17+$0x0]  }
0x103: {  	v4 =	vld [tilespmem:s24+$0x0]  }
0x104: {  	[tilespmem:s17+$0xFFFFFF00] =	vst v1;
	v1 =	vld [tilespmem:s17+$0x80]  }
0x105: {  	v8 =	vld [tilespmem:s24+$0x80];
	v5 =	vmul.f32 v6, v5  }
0x106: {  	v2 =	vmul.f32 v7, v2;
	v6 =	vld [tilespmem:s17+$0x100]  }
0x107: {  	[tilespmem:s17+$0x190] =	vst v5;
	v5 =	vld [tilespmem:s17+$0x1A0]  }
0x108: {  	[tilespmem:s17+$0xFFFFFF80] =	vst v2;
	v2 =	vmul.f32 v4, v3;
	v3 =	vld [tilespmem:s24+$0x1A0]  }
0x109: {  	v4 =	vld [tilespmem:s24+$0x100]  }
0x10a: {  	v7 =	vld [tilespmem:s17+$0xFFFFFE00];
	[tilespmem:s17+$0x0] =	vst v2;
	v1 =	vmul.f32 v8, v1  }
0x10b: {  	v2 =	vld [tilespmem:s24+$0xFFFFFE90]  }
0x10c: {  	v8 =	vld [tilespmem:s24+$0xFFFFFF10];
	[tilespmem:s17+$0x80] =	vst v1  }
0x10d: {  	v1 =	vld [tilespmem:s24+$0xFFFFFF90];
	v3 =	vmul.f32 v3, v5  }
0x10e: {  	v5 =	vld [tilespmem:s24+$0x10];
	v4 =	vmul.f32 v4, v6  }
0x10f: {  	v6 =	vmul.f32 v9, v7;
	[tilespmem:s17+$0x1A0] =	vst v3;
	v3 =	vld [tilespmem:s17+$0x1B0]  }
0x110: {  	[tilespmem:s17+$0x100] =	vst v4;
	v4 =	vld [tilespmem:s24+$0x1B0]  }
0x111: {  	[tilespmem:s17+$0xFFFFFE00] =	vst v6;
	v6 =	vld [tilespmem:s24+$0x90]  }
0x112: {  	v7 =	vld [tilespmem:s24+$0xFFFFFE10]  }
0x113: {  	v9 =	vld [tilespmem:s24+$0x110]  }
0x114: {  	v10 =	vld [tilespmem:s17+$0xFFFFFE10]  }
0x115: {  	v11 =	vld [tilespmem:s17+$0xFFFFFE90];
	v3 =	vmul.f32 v4, v3  }
0x116: {  	v4 =	vld [tilespmem:s17+$0xFFFFFF10]  }
0x117: {  	[tilespmem:s17+$0x1B0] =	vst v3;
	v3 =	vld [tilespmem:s17+$0x1C0]  }
0x118: {  	v12 =	vld [tilespmem:s24+$0x1C0]  }
0x119: {  	v7 =	vmul.f32 v7, v10;
	v10 =	vld [tilespmem:s17+$0xFFFFFF90]  }
0x11a: {  	v2 =	vmul.f32 v2, v11;
	v11 =	vld [tilespmem:s17+$0x10]  }
0x11b: {  	[tilespmem:s17+$0xFFFFFE10] =	vst v7;
	v4 =	vmul.f32 v8, v4;
	v7 =	vld [tilespmem:s17+$0x90]  }
0x11c: {  	[tilespmem:s17+$0xFFFFFE90] =	vst v2;
	v2 =	vld [tilespmem:s17+$0x110]  }
0x11d: {  	v8 =	vld [tilespmem:s24+$0xFFFFFE20];
	[tilespmem:s17+$0xFFFFFF10] =	vst v4;
	v3 =	vmul.f32 v12, v3  }
0x11e: {  	v4 =	vld [tilespmem:s24+$0xFFFFFEA0];
	v1 =	vmul.f32 v1, v10  }
0x11f: {  	v5 =	vmul.f32 v5, v11;
	[tilespmem:s17+$0x1C0] =	vst v3;
	v3 =	vld [tilespmem:s17+$0x1D0]  }
0x120: {  	[tilespmem:s17+$0xFFFFFF90] =	vst v1;
	v1 =	vmul.f32 v6, v7;
	v6 =	vld [tilespmem:s24+$0x1D0]  }
0x121: {  	v7 =	vld [tilespmem:s24+$0xFFFFFF20];
	[tilespmem:s17+$0x10] =	vst v5;
	v2 =	vmul.f32 v9, v2  }
0x122: {  	v5 =	vld [tilespmem:s24+$0xFFFFFFA0];
	[tilespmem:s17+$0x90] =	vst v1  }
0x123: {  	v1 =	vld [tilespmem:s24+$0x20];
	[tilespmem:s17+$0x110] =	vst v2  }
0x124: {  	v2 =	vld [tilespmem:s24+$0xA0]  }
0x125: {  	v9 =	vld [tilespmem:s24+$0x120];
	v3 =	vmul.f32 v6, v3  }
0x126: {  	v6 =	vld [tilespmem:s17+$0xFFFFFE20]  }
0x127: {  	[tilespmem:s17+$0x1D0] =	vst v3;
	v3 =	vld [tilespmem:s17+$0x1E0]  }
0x128: {  	v10 =	vld [tilespmem:s24+$0x1E0]  }
0x129: {  	v11 =	vld [tilespmem:s17+$0xFFFFFEA0]  }
0x12a: {  	v12 =	vld [tilespmem:s17+$0xFFFFFF20]  }
0x12b: {  	v6 =	vmul.f32 v8, v6;
	v8 =	vld [tilespmem:s17+$0xFFFFFFA0]  }
0x12c: {  	v13 =	vld [tilespmem:s17+$0x20]  }
0x12d: {  	[tilespmem:s17+$0xFFFFFE20] =	vst v6;
	v6 =	vld [tilespmem:s17+$0xA0];
	v3 =	vmul.f32 v10, v3  }
0x12e: {  	v4 =	vmul.f32 v4, v11;
	v10 =	vld [tilespmem:s17+$0x120]  }
0x12f: {  	v7 =	vmul.f32 v7, v12;
	[tilespmem:s17+$0x1E0] =	vst v3;
	v3 =	vld [tilespmem:s17+$0x1F0]  }
0x130: {  	[tilespmem:s17+$0xFFFFFEA0] =	vst v4;
	v4 =	vmul.f32 v5, v8;
	v5 =	vld [tilespmem:s24+$0x1F0]  }
0x131: {  	v8 =	vld [tilespmem:s24+$0xFFFFFE30];
	[tilespmem:s17+$0xFFFFFF20] =	vst v7;
	v1 =	vmul.f32 v1, v13  }
0x132: {  	v7 =	vld [tilespmem:s24+$0xFFFFFEB0];
	[tilespmem:s17+$0xFFFFFFA0] =	vst v4;
	v2 =	vmul.f32 v2, v6  }
0x133: {  	v4 =	vld [tilespmem:s24+$0xFFFFFF30];
	[tilespmem:s17+$0x20] =	vst v1;
	v1 =	vmul.f32 v9, v10  }
0x134: {  	v6 =	vld [tilespmem:s24+$0xFFFFFFB0];
	[tilespmem:s17+$0xA0] =	vst v2  }
0x135: {  	v2 =	vld [tilespmem:s24+$0x30];
	[tilespmem:s17+$0x120] =	vst v1;
	v1 =	vmul.f32 v5, v3  }
0x136: {  	v3 =	vld [tilespmem:s24+$0xB0]  }
0x137: {  	v5 =	vld [tilespmem:s24+$0x130];
	[tilespmem:s17+$0x1F0] =	vst v1  }
0x138: {  	v1 =	vld [tilespmem:s17+$0xFFFFFE30]  }
0x139: {  	v9 =	vld [tilespmem:s17+$0xFFFFFEB0]  }
0x13a: {  	v10 =	vld [tilespmem:s17+$0xFFFFFF30]  }
0x13b: {  	v11 =	vld [tilespmem:s17+$0xFFFFFFB0]  }
0x13c: {  	v12 =	vld [tilespmem:s17+$0x30]  }
0x13d: {  	v1 =	vmul.f32 v8, v1;
	v8 =	vld [tilespmem:s17+$0xB0]  }
0x13e: {  	v7 =	vmul.f32 v7, v9;
	v9 =	vld [tilespmem:s17+$0x130]  }
0x13f: {  	[tilespmem:s17+$0xFFFFFE30] =	vst v1;
	v1 =	vld [tilespmem:s17+$0xFFFFFE40];
	v4 =	vmul.f32 v4, v10  }
0x140: {  	v10 =	vld [tilespmem:s24+$0xFFFFFE40];
	[tilespmem:s17+$0xFFFFFEB0] =	vst v7;
	v6 =	vmul.f32 v6, v11  }
0x141: {  	v7 =	vld [tilespmem:s24+$0xFFFFFEC0];
	[tilespmem:s17+$0xFFFFFF30] =	vst v4;
	v2 =	vmul.f32 v2, v12  }
0x142: {  	v4 =	vld [tilespmem:s24+$0xFFFFFF40];
	[tilespmem:s17+$0xFFFFFFB0] =	vst v6;
	v3 =	vmul.f32 v3, v8  }
0x143: {  	v6 =	vld [tilespmem:s24+$0xFFFFFFC0];
	[tilespmem:s17+$0x30] =	vst v2;
	v2 =	vmul.f32 v5, v9  }
0x144: {  	v5 =	vld [tilespmem:s24+$0x40];
	[tilespmem:s17+$0xB0] =	vst v3  }
0x145: {  	v1 =	vmul.f32 v10, v1;
	v3 =	vld [tilespmem:s24+$0xC0];
	[tilespmem:s17+$0x130] =	vst v2  }
0x146: {  	v2 =	vld [tilespmem:s24+$0x140]  }
0x147: {  	[tilespmem:s17+$0xFFFFFE40] =	vst v1;
	v1 =	vld [tilespmem:s17+$0xFFFFFEC0]  }
0x148: {  	v8 =	vld [tilespmem:s17+$0xFFFFFF40]  }
0x149: {  	v9 =	vld [tilespmem:s17+$0xFFFFFFC0]  }
0x14a: {  	v10 =	vld [tilespmem:s17+$0x40]  }
0x14b: {  	v11 =	vld [tilespmem:s17+$0xC0]  }
0x14c: {  	v1 =	vmul.f32 v7, v1;
	v7 =	vld [tilespmem:s17+$0x140]  }
0x14d: {  	v12 =	vld [tilespmem:s24+$0xFFFFFE50];
	v4 =	vmul.f32 v4, v8  }
0x14e: {  	v8 =	vld [tilespmem:s17+$0xFFFFFE50];
	[tilespmem:s17+$0xFFFFFEC0] =	vst v1;
	v1 =	vmul.f32 v6, v9  }
0x14f: {  	v6 =	vld [tilespmem:s24+$0xFFFFFED0];
	[tilespmem:s17+$0xFFFFFF40] =	vst v4;
	v4 =	vmul.f32 v5, v10  }
0x150: {  	v5 =	vld [tilespmem:s24+$0xFFFFFF50];
	[tilespmem:s17+$0xFFFFFFC0] =	vst v1;
	v1 =	vmul.f32 v3, v11  }
0x151: {  	v3 =	vld [tilespmem:s24+$0xFFFFFFD0];
	[tilespmem:s17+$0x40] =	vst v4;
	v2 =	vmul.f32 v2, v7  }
0x152: {  	v4 =	vld [tilespmem:s24+$0x50];
	[tilespmem:s17+$0xC0] =	vst v1  }
0x153: {  	v1 =	vmul.f32 v12, v8;
	v7 =	vld [tilespmem:s24+$0xD0];
	[tilespmem:s17+$0x140] =	vst v2  }
0x154: {  	v2 =	vld [tilespmem:s24+$0x150]  }
0x155: {  	[tilespmem:s17+$0xFFFFFE50] =	vst v1;
	v1 =	vld [tilespmem:s17+$0xFFFFFED0]  }
0x156: {  	v8 =	vld [tilespmem:s17+$0xFFFFFF50]  }
0x157: {  	v9 =	vld [tilespmem:s17+$0xFFFFFFD0]  }
0x158: {  	v10 =	vld [tilespmem:s17+$0x50]  }
0x159: {  	v11 =	vld [tilespmem:s17+$0xD0]  }
0x15a: {  	v1 =	vmul.f32 v6, v1;
	v6 =	vld [tilespmem:s17+$0x150]  }
0x15b: {  	v12 =	vld [tilespmem:s24+$0xFFFFFE60];
	v5 =	vmul.f32 v5, v8  }
0x15c: {  	v8 =	vld [tilespmem:s17+$0xFFFFFE60];
	[tilespmem:s17+$0xFFFFFED0] =	vst v1;
	v1 =	vmul.f32 v3, v9  }
0x15d: {  	v3 =	vld [tilespmem:s24+$0xFFFFFEE0];
	[tilespmem:s17+$0xFFFFFF50] =	vst v5;
	v4 =	vmul.f32 v4, v10  }
0x15e: {  	v5 =	vld [tilespmem:s24+$0xFFFFFF60];
	[tilespmem:s17+$0xFFFFFFD0] =	vst v1;
	v1 =	vmul.f32 v7, v11  }
0x15f: {  	v7 =	vld [tilespmem:s24+$0xFFFFFFE0];
	[tilespmem:s17+$0x50] =	vst v4;
	v2 =	vmul.f32 v2, v6  }
0x160: {  	v4 =	vld [tilespmem:s24+$0x60];
	[tilespmem:s17+$0xD0] =	vst v1  }
0x161: {  	v1 =	vmul.f32 v12, v8;
	v6 =	vld [tilespmem:s24+$0xE0];
	[tilespmem:s17+$0x150] =	vst v2  }
0x162: {  	v2 =	vld [tilespmem:s24+$0x160]  }
0x163: {  	[tilespmem:s17+$0xFFFFFE60] =	vst v1;
	v1 =	vld [tilespmem:s17+$0xFFFFFEE0]  }
0x164: {  	v8 =	vld [tilespmem:s17+$0xFFFFFF60]  }
0x165: {  	v9 =	vld [tilespmem:s17+$0xFFFFFFE0]  }
0x166: {  	v10 =	vld [tilespmem:s17+$0x60]  }
0x167: {  	v11 =	vld [tilespmem:s17+$0xE0]  }
0x168: {  	v1 =	vmul.f32 v3, v1;
	v3 =	vld [tilespmem:s17+$0x160]  }
0x169: {  	v12 =	vld [tilespmem:s24+$0xFFFFFE70];
	v5 =	vmul.f32 v5, v8  }
0x16a: {  	v8 =	vld [tilespmem:s17+$0xFFFFFE70];
	[tilespmem:s17+$0xFFFFFEE0] =	vst v1;
	v1 =	vmul.f32 v7, v9  }
0x16b: {  	v13 =	vld [tilespmem:s24+$0xFFFFFEF0];
	[tilespmem:s17+$0xFFFFFF60] =	vst v5;
	v5 =	vmul.f32 v4, v10  }
0x16c: {  	v7 =	vld [tilespmem:s24+$0xFFFFFF70];
	[tilespmem:s17+$0xFFFFFFE0] =	vst v1;
	v1 =	vmul.f32 v6, v11  }
0x16d: {  	v4 =	vld [tilespmem:s24+$0xFFFFFFF0];
	[tilespmem:s17+$0x60] =	vst v5;
	v2 =	vmul.f32 v2, v3  }
0x16e: {  	v5 =	vld [tilespmem:s24+$0x70];
	[tilespmem:s17+$0xE0] =	vst v1  }
0x16f: {  	v1 =	vmul.f32 v12, v8;
	v6 =	vld [tilespmem:s24+$0xF0];
	[tilespmem:s17+$0x160] =	vst v2  }
0x170: {  	v3 =	vld [tilespmem:s24+$0x170]  }
0x171: {  	[tilespmem:s17+$0xFFFFFE70] =	vst v1;
	v2 =	vld [tilespmem:s17+$0xFFFFFEF0]  }
.Ltmp1:
0x172: {  	v10 =	vld [tilespmem:s17+$0xFFFFFF70];
	(pc) =	sbr.rel @p1 .LBB2_4-.Ltmp1, $4  }
0x173: {  	v9 =	vld [tilespmem:s17+$0xFFFFFFF0]  }
0x174: {  	v8 =	vld [tilespmem:s17+$0x70]  }
0x175: {  	v1 =	vld [tilespmem:s17+$0xF0]  }
0x176: {  	s17 =	sadd.s32 $0x400, s17;
	v11 =	vmul.f32 v13, v2;
	v2 =	vld [tilespmem:s23+$0x170]  }
0x177: {  	v7 =	vmul.f32 v7, v10  }
0x178: {  	[tilespmem:s23+$0xFFFFFEF0] =	vst v11;
	v4 =	vmul.f32 v4, v9  }
0x179: {  	[tilespmem:s23+$0xFFFFFF70] =	vst v7;
	v5 =	vmul.f32 v5, v8  }
0x17a: {  	[tilespmem:s23+$0xFFFFFFF0] =	vst v4;
	v1 =	vmul.f32 v6, v1  }
0x17b: {  	[tilespmem:s23+$0x70] =	vst v5;
	v2 =	vmul.f32 v3, v2  }
0x17c: {  	[tilespmem:s23+$0xF0] =	vst v1  }
0x17d: {  	s9 =	simm.s32 $0x1000;
	[tilespmem:s23+$0x170] =	vst v2  }
0x17e: {  	[spmem:s3] =	stream.indirect.scatter.add.f32 [tilespmem:s7], [sflag:$0x5], $0x80, s9, s10, $0xb8;
	[tilespmem:$0x1F880] =	vst v63  }
0x17f: {  	_ =	swait.ge [sflag:s19], $0x2800  }
0x180: {  	[sflag:s19] =	ssyncset.done $0x0  }
0x181: {  	s29 =	simm.s32 $0x100;
	[sflag:s19] =	ssyncadd.s32 $0xFFFFD800  }
0x182: {  	[tilespmem:s7], [sflag:$0x1] =	stream.indirect.gather [hbm4b:s1+s10], $0x80, s29, s10, $0xb8;
	[tilespmem:$0x1F880] =	vst v63  }
0x183: {  	s30 =	rddreg [dreg:$0xf]  }
0x184: {  	[tilespmem:s11], [sflag:$0x3] =	stream.linear.gather [hbm4b:s30+s5], $0x2800, $0x38;
	[tilespmem:$0x1F880] =	vst v63  }
0x185: {  	_ =	swait.ge [sflag:s20], $0x2800  }
0x186: {  	[sflag:s20] =	ssyncset.done $0x0  }
0x187: {  	[sflag:s20] =	ssyncadd.s32 $0xFFFFD800  }
0x188: {  	_ =	swait.ge [sflag:s21], $0x2800  }
0x189: {  	[sflag:s21] =	ssyncset.done $0x0  }
0x18a: {  	s23 =	simm.s32 $0x4A00;
	[sflag:s21] =	ssyncadd.s32 $0xFFFFD800  }
0x18b: {  	s24 =	simm.s32 $0x9A00;
	v1 =	vld [tilespmem:s23+$0x180]  }
0x18c: {  	v2 =	vld [tilespmem:s24+$0x180]  }
0x18d: {  	v3 =	vld [tilespmem:s24+$0xFFFFFE00]  }
0x18e: {  	v4 =	vld [tilespmem:s23+$0xFFFFFE80]  }
0x18f: {  	v5 =	vld [tilespmem:s24+$0xFFFFFE80]  }
0x190: {  	v6 =	vld [tilespmem:s23+$0xFFFFFF00]  }
0x191: {  	v7 =	vld [tilespmem:s24+$0xFFFFFF00]  }
0x192: {  	v8 =	vld [tilespmem:s24+$0xFFFFFF80]  }
0x193: {  	v10 =	vld [tilespmem:s23+$0x0]  }
0x194: {  	v11 =	vld [tilespmem:s24+$0x0]  }
0x195: {  	v12 =	vld [tilespmem:s23+$0x80]  }
0x196: {  	v13 =	vld [tilespmem:s24+$0x80]  }
0x197: {  	v14 =	vld [tilespmem:s23+$0x100]  }
0x198: {  	v41 =	vld [tilespmem:s23+$0xFFFFFF10]  }
0x199: {  	v42 =	vld [tilespmem:s23+$0xFFFFFF90]  }
0x19a: {  	v43 =	vld [tilespmem:s23+$0x10]  }
0x19b: {  	v44 =	vld [tilespmem:s23+$0xFFFFFF20]  }
0x19c: {  	v45 =	vld [tilespmem:s23+$0xFFFFFFA0]  }
0x19d: {  	v46 =	vld [tilespmem:s23+$0x20]  }
0x19e: {  	v15 =	vld [tilespmem:s23+$0xA0]  }
0x19f: {  	v47 =	vld [tilespmem:s23+$0xFFFFFF30]  }
0x1a0: {  	v48 =	vld [tilespmem:s23+$0xFFFFFFB0]  }
0x1a1: {  	v49 =	vld [tilespmem:s23+$0x30]  }
0x1a2: {  	v51 =	vld [tilespmem:s23+$0xFFFFFFC0]  }
0x1a3: {  	v52 =	vld [tilespmem:s23+$0x40];
	v1 =	vmul.f32 v2, v1  }
0x1a4: {  	v53 =	vld [tilespmem:s23+$0xC0]  }
0x1a5: {  	[tilespmem:s23+$0x180] =	vst v1;
	v1 =	vld [tilespmem:s23+$0x190]  }
0x1a6: {  	v2 =	vld [tilespmem:s24+$0x190]  }
0x1a7: {  	v54 =	vld [tilespmem:s23+$0xFFFFFF50]  }
0x1a8: {  	v55 =	vld [tilespmem:s23+$0xFFFFFFD0]  }
0x1a9: {  	v56 =	vld [tilespmem:s23+$0xD0]  }
0x1aa: {  	v57 =	vld [tilespmem:s23+$0xFFFFFE60]  }
0x1ab: {  	v58 =	vld [tilespmem:s23+$0xFFFFFFE0];
	v1 =	vmul.f32 v2, v1  }
0x1ac: {  	v59 =	vld [tilespmem:s23+$0x60]  }
0x1ad: {  	[tilespmem:s23+$0x190] =	vst v1;
	v1 =	vld [tilespmem:s23+$0x1A0]  }
0x1ae: {  	v9 =	vld [tilespmem:s24+$0x1A0]  }
0x1af: {  	v4 =	vmul.f32 v5, v4;
	v5 =	vld [tilespmem:s23+$0xFFFFFE00]  }
0x1b0: {  	v60 =	vld [tilespmem:s23+$0xE0]  }
0x1b1: {  	v2 =	vld [tilespmem:s23+$0xFFFFFF80]  }
0x1b2: {  	v61 =	vld [tilespmem:s23+$0xFFFFFE70]  }
0x1b3: {  	v1 =	vmul.f32 v9, v1;
	v9 =	vld [tilespmem:s24+$0x100]  }
0x1b4: {  	v63 =	vld [tilespmem:s23+$0xFFFFFEF0];
	[tilespmem:s23+$0xFFFFFE80] =	vst v4;
	v3 =	vmul.f32 v3, v5  }
0x1b5: {  	[tilespmem:s23+$0x1A0] =	vst v1;
	v1 =	vmul.f32 v7, v6;
	v6 =	vld [tilespmem:s23+$0x1B0]  }
0x1b6: {  	[tilespmem:s23+$0xFFFFFE00] =	vst v3;
	v2 =	vmul.f32 v8, v2;
	v4 =	vld [tilespmem:s24+$0x1B0]  }
0x1b7: {  	v7 =	vld [tilespmem:s24+$0xFFFFFE90];
	[tilespmem:s23+$0xFFFFFF00] =	vst v1;
	v1 =	vmul.f32 v11, v10  }
0x1b8: {  	[tilespmem:s23+$0xFFFFFF80] =	vst v2;
	v10 =	vld [tilespmem:s23+$0xFFFFFE10];
	v5 =	vmul.f32 v9, v14  }
0x1b9: {  	v2 =	vmul.f32 v13, v12;
	[tilespmem:s23+$0x0] =	vst v1;
	v1 =	vld [tilespmem:s24+$0xFFFFFF90]  }
0x1ba: {  	[tilespmem:s23+$0x100] =	vst v5;
	v5 =	vld [tilespmem:s24+$0xFFFFFE10]  }
0x1bb: {  	[tilespmem:s23+$0x80] =	vst v2;
	v2 =	vld [tilespmem:s24+$0x10];
	v4 =	vmul.f32 v4, v6  }
0x1bc: {  	v6 =	vld [tilespmem:s24+$0x110]  }
0x1bd: {  	[tilespmem:s23+$0x1B0] =	vst v4;
	v4 =	vld [tilespmem:s23+$0x1C0]  }
0x1be: {  	v9 =	vld [tilespmem:s24+$0x1C0]  }
0x1bf: {  	v5 =	vmul.f32 v5, v10;
	v10 =	vld [tilespmem:s23+$0x110]  }
0x1c0: {  	v3 =	vld [tilespmem:s24+$0x90]  }
0x1c1: {  	v11 =	vld [tilespmem:s23+$0xFFFFFE90];
	v1 =	vmul.f32 v1, v42  }
0x1c2: {  	v8 =	vld [tilespmem:s24+$0xFFFFFF10];
	v2 =	vmul.f32 v2, v43  }
0x1c3: {  	[tilespmem:s23+$0xFFFFFF90] =	vst v1;
	v4 =	vmul.f32 v9, v4;
	v9 =	vld [tilespmem:s23+$0x90]  }
0x1c4: {  	[tilespmem:s23+$0x10] =	vst v2;
	v2 =	vmul.f32 v6, v10;
	v6 =	vld [tilespmem:s24+$0xFFFFFFA0]  }
0x1c5: {  	v10 =	vld [tilespmem:s23+$0xFFFFFE20]  }
0x1c6: {  	[tilespmem:s23+$0x1C0] =	vst v4;
	v4 =	vmul.f32 v7, v11;
	v7 =	vld [tilespmem:s23+$0x1D0]  }
0x1c7: {  	v11 =	vld [tilespmem:s23+$0xFFFFFEA0]  }
0x1c8: {  	[tilespmem:s23+$0xFFFFFE10] =	vst v5;
	v5 =	vmul.f32 v8, v41;
	v8 =	vld [tilespmem:s24+$0x1D0]  }
0x1c9: {  	[tilespmem:s23+$0xFFFFFE90] =	vst v4;
	v4 =	vld [tilespmem:s24+$0xFFFFFE20]  }
0x1ca: {  	[tilespmem:s23+$0xFFFFFF10] =	vst v5;
	v5 =	vld [tilespmem:s24+$0xFFFFFEA0];
	v1 =	vmul.f32 v3, v9  }
0x1cb: {  	v3 =	vld [tilespmem:s24+$0xFFFFFF20]  }
0x1cc: {  	v9 =	vld [tilespmem:s24+$0x20];
	[tilespmem:s23+$0x90] =	vst v1  }
0x1cd: {  	[tilespmem:s23+$0x110] =	vst v2;
	v1 =	vmul.f32 v8, v7;
	v7 =	vld [tilespmem:s24+$0xA0]  }
0x1ce: {  	v8 =	vld [tilespmem:s24+$0x120]  }
0x1cf: {  	[tilespmem:s23+$0x1D0] =	vst v1;
	v1 =	vld [tilespmem:s23+$0x1E0];
	v5 =	vmul.f32 v5, v11  }
0x1d0: {  	v3 =	vmul.f32 v3, v44;
	v2 =	vld [tilespmem:s24+$0x1E0]  }
0x1d1: {  	v11 =	vld [tilespmem:s23+$0xFFFFFEB0];
	[tilespmem:s23+$0xFFFFFEA0] =	vst v5;
	v5 =	vmul.f32 v6, v45  }
0x1d2: {  	[tilespmem:s23+$0xFFFFFF20] =	vst v3;
	v3 =	vmul.f32 v9, v46;
	v9 =	vld [tilespmem:s24+$0xFFFFFEB0]  }
0x1d3: {  	[tilespmem:s23+$0xFFFFFFA0] =	vst v5;
	v5 =	vmul.f32 v7, v15;
	v7 =	vld [tilespmem:s24+$0xFFFFFF30]  }
0x1d4: {  	[tilespmem:s23+$0x20] =	vst v3;
	v3 =	vld [tilespmem:s24+$0xFFFFFFB0]  }
0x1d5: {  	v1 =	vmul.f32 v2, v1;
	v2 =	vmul.f32 v4, v10;
	v4 =	vld [tilespmem:s23+$0x120]  }
0x1d6: {  	[tilespmem:s23+$0xA0] =	vst v5;
	v5 =	vld [tilespmem:s24+$0x30]  }
0x1d7: {  	[tilespmem:s23+$0x1E0] =	vst v1;
	v1 =	vld [tilespmem:s23+$0x1F0]  }
0x1d8: {  	v9 =	vmul.f32 v9, v11;
	v11 =	vld [tilespmem:s23+$0x130]  }
0x1d9: {  	[tilespmem:s23+$0xFFFFFE20] =	vst v2;
	v2 =	vld [tilespmem:s24+$0x1F0]  }
0x1da: {  	v6 =	vld [tilespmem:s24+$0xFFFFFE30];
	v4 =	vmul.f32 v8, v4  }
0x1db: {  	v8 =	vld [tilespmem:s24+$0xB0]  }
0x1dc: {  	v7 =	vmul.f32 v7, v47;
	[tilespmem:s23+$0x120] =	vst v4;
	v4 =	vld [tilespmem:s23+$0xFFFFFE30]  }
0x1dd: {  	[tilespmem:s23+$0xFFFFFEB0] =	vst v9;
	v10 =	vld [tilespmem:s24+$0x130]  }
0x1de: {  	v9 =	vld [tilespmem:s24+$0xFFFFFEC0];
	[tilespmem:s23+$0xFFFFFF30] =	vst v7;
	v1 =	vmul.f32 v2, v1  }
0x1df: {  	v7 =	vld [tilespmem:s24+$0xFFFFFF40]  }
0x1e0: {  	v5 =	vmul.f32 v5, v49;
	[tilespmem:s23+$0x1F0] =	vst v1;
	v1 =	vld [tilespmem:s23+$0xF0]  }
0x1e1: {  	v4 =	vmul.f32 v6, v4;
	v6 =	vld [tilespmem:s23+$0xB0]  }
0x1e2: {  	[tilespmem:s23+$0x30] =	vst v5;
	v5 =	vmul.f32 v10, v11;
	v11 =	vld [tilespmem:s23+$0xFFFFFF40]  }
0x1e3: {  	[tilespmem:s23+$0xFFFFFE30] =	vst v4;
	v4 =	vld [tilespmem:s23+$0xFFFFFE40]  }
0x1e4: {  	v50 =	vld [tilespmem:s24+$0xFFFFFE40]  }
0x1e5: {  	v3 =	vmul.f32 v3, v48;
	v10 =	vld [tilespmem:s23+$0xFFFFFEC0];
	[tilespmem:s23+$0x130] =	vst v5  }
0x1e6: {  	v5 =	vld [tilespmem:s24+$0x140]  }
0x1e7: {  	[tilespmem:s23+$0xFFFFFFB0] =	vst v3;
	v3 =	vmul.f32 v8, v6;
	v8 =	vld [tilespmem:s24+$0x40]  }
0x1e8: {  	v6 =	vld [tilespmem:s24+$0xFFFFFFC0];
	v7 =	vmul.f32 v7, v11  }
0x1e9: {  	v11 =	vld [tilespmem:s23+$0xFFFFFE50];
	[tilespmem:s23+$0xB0] =	vst v3;
	v4 =	vmul.f32 v50, v4  }
0x1ea: {  	v3 =	vld [tilespmem:s24+$0xC0];
	[tilespmem:s23+$0xFFFFFF40] =	vst v7  }
0x1eb: {  	[tilespmem:s23+$0xFFFFFE40] =	vst v4;
	v4 =	vmul.f32 v9, v10;
	v9 =	vld [tilespmem:s23+$0x140]  }
0x1ec: {  	v7 =	vmul.f32 v8, v52;
	v8 =	vld [tilespmem:s24+$0xFFFFFF50]  }
0x1ed: {  	v10 =	vld [tilespmem:s24+$0xFFFFFE50];
	[tilespmem:s23+$0xFFFFFEC0] =	vst v4;
	v4 =	vmul.f32 v6, v51  }
0x1ee: {  	[tilespmem:s23+$0x40] =	vst v7;
	v6 =	vld [tilespmem:s24+$0xFFFFFED0]  }
0x1ef: {  	v3 =	vmul.f32 v3, v53;
	v7 =	vld [tilespmem:s24+$0x50];
	[tilespmem:s23+$0xFFFFFFC0] =	vst v4  }
0x1f0: {  	v4 =	vld [tilespmem:s24+$0xFFFFFFD0]  }
0x1f1: {  	v5 =	vmul.f32 v5, v9;
	[tilespmem:s23+$0xC0] =	vst v3;
	v9 =	vld [tilespmem:s23+$0xFFFFFED0]  }
0x1f2: {  	v8 =	vmul.f32 v8, v54;
	v3 =	vld [tilespmem:s24+$0xD0]  }
0x1f3: {  	v10 =	vmul.f32 v10, v11;
	v11 =	vld [tilespmem:s23+$0x50];
	[tilespmem:s23+$0x140] =	vst v5  }
0x1f4: {  	[tilespmem:s23+$0xFFFFFF50] =	vst v8;
	v5 =	vld [tilespmem:s24+$0x150]  }
0x1f5: {  	[tilespmem:s23+$0xFFFFFE50] =	vst v10;
	v8 =	vld [tilespmem:s24+$0xFFFFFF60]  }
0x1f6: {  	v10 =	vld [tilespmem:s24+$0xFFFFFE60];
	v6 =	vmul.f32 v6, v9  }
0x1f7: {  	v9 =	vld [tilespmem:s23+$0x150];
	v4 =	vmul.f32 v4, v55  }
0x1f8: {  	v7 =	vmul.f32 v7, v11;
	v11 =	vld [tilespmem:s23+$0xFFFFFF60];
	[tilespmem:s23+$0xFFFFFED0] =	vst v6  }
0x1f9: {  	[tilespmem:s23+$0xFFFFFFD0] =	vst v4;
	v6 =	vld [tilespmem:s24+$0xFFFFFEE0]  }
0x1fa: {  	v3 =	vmul.f32 v3, v56;
	v4 =	vld [tilespmem:s24+$0xFFFFFFE0];
	[tilespmem:s23+$0x50] =	vst v7  }
0x1fb: {  	v7 =	vld [tilespmem:s24+$0x60]  }
0x1fc: {  	[tilespmem:s23+$0xD0] =	vst v3;
	v10 =	vmul.f32 v10, v57;
	v5 =	vmul.f32 v5, v9;
	v9 =	vld [tilespmem:s23+$0xFFFFFEE0]  }
0x1fd: {  	v3 =	vld [tilespmem:s24+$0xE0]  }
0x1fe: {  	[tilespmem:s23+$0xFFFFFE60] =	vst v10;
	v10 =	vld [tilespmem:s23+$0xFFFFFF70]  }
0x1ff: {  	v8 =	vmul.f32 v8, v11;
	[tilespmem:s23+$0x150] =	vst v5;
	v11 =	vld [tilespmem:s24+$0xFFFFFE70];
	v4 =	vmul.f32 v4, v58  }
0x200: {  	v5 =	vld [tilespmem:s24+$0x160]  }
0x201: {  	v6 =	vmul.f32 v6, v9;
	v9 =	vld [tilespmem:s23+$0x160];
	[tilespmem:s23+$0xFFFFFFE0] =	vst v4  }
0x202: {  	[tilespmem:s23+$0xFFFFFF60] =	vst v8;
	v3 =	vmul.f32 v3, v60;
	v4 =	vld [tilespmem:s24+$0xFFFFFFF0]  }
0x203: {  	[tilespmem:s23+$0xFFFFFEE0] =	vst v6;
	v6 =	vmul.f32 v7, v59;
	v7 =	vld [tilespmem:s24+$0xFFFFFF70]  }
0x204: {  	[tilespmem:s23+$0xE0] =	vst v3;
	v62 =	vld [tilespmem:s24+$0xFFFFFEF0]  }
0x205: {  	[tilespmem:s23+$0x60] =	vst v6;
	v6 =	vld [tilespmem:s24+$0xF0]  }
0x206: {  	v8 =	vmul.f32 v5, v9;
	v5 =	vld [tilespmem:s24+$0x70]  }
0x207: {  	v2 =	vmul.f32 v11, v61;
	v9 =	vld [tilespmem:s23+$0xFFFFFFF0]  }
0x208: {  	[tilespmem:s23+$0x160] =	vst v8;
	v8 =	vld [tilespmem:s23+$0x70]  }
0x209: {  	[tilespmem:s23+$0xFFFFFE70] =	vst v2;
	v2 =	vld [tilespmem:s23+$0x170]  }
0x20a: {  	s22 =	simm.s32 $0x0;
	s17 =	simm.s32 $0x4E00;
	v3 =	vld [tilespmem:s24+$0x170];
	v11 =	vmul.f32 v62, v63  }
.LBB2_6:
0x20b: {  	v12 =	vld [tilespmem:s17+$0x180];
	v7 =	vmul.f32 v7, v10;
	s24 =	sadd.s32 $0x400, s24  }
0x20c: {  	s22 =	sadd.s32 $0x8, s22;
	v10 =	vld [tilespmem:s24+$0x180];
	[tilespmem:s23+$0xFFFFFEF0] =	vst v11;
	v4 =	vmul.f32 v4, v9  }
0x20d: {  	p1 =	slt.u32 s22, $0x48;
	v9 =	vld [tilespmem:s24+$0xFFFFFE00];
	[tilespmem:s23+$0xFFFFFF70] =	vst v7;
	v5 =	vmul.f32 v5, v8  }
0x20e: {  	v7 =	vld [tilespmem:s17+$0xFFFFFE80];
	[tilespmem:s23+$0xFFFFFFF0] =	vst v4;
	v1 =	vmul.f32 v6, v1  }
0x20f: {  	v4 =	vld [tilespmem:s24+$0xFFFFFE80];
	[tilespmem:s23+$0x70] =	vst v5;
	v2 =	vmul.f32 v3, v2  }
0x210: {  	v3 =	vld [tilespmem:s17+$0xFFFFFF00];
	[tilespmem:s23+$0xF0] =	vst v1  }
0x211: {  	v1 =	vld [tilespmem:s24+$0xFFFFFF00];
	v5 =	vmul.f32 v10, v12;
	[tilespmem:s23+$0x170] =	vst v2;
	s23 =	smov.u32 s17  }
0x212: {  	v2 =	vld [tilespmem:s17+$0xFFFFFF80]  }
0x213: {  	[tilespmem:s17+$0x180] =	vst v5;
	v5 =	vld [tilespmem:s17+$0x190]  }
0x214: {  	v4 =	vmul.f32 v4, v7;
	v6 =	vld [tilespmem:s24+$0x190]  }
0x215: {  	v7 =	vld [tilespmem:s24+$0xFFFFFF80]  }
0x216: {  	[tilespmem:s17+$0xFFFFFE80] =	vst v4;
	v1 =	vmul.f32 v1, v3;
	v3 =	vld [tilespmem:s17+$0x0]  }
0x217: {  	v4 =	vld [tilespmem:s24+$0x0]  }
0x218: {  	[tilespmem:s17+$0xFFFFFF00] =	vst v1;
	v1 =	vld [tilespmem:s17+$0x80]  }
0x219: {  	v8 =	vld [tilespmem:s24+$0x80];
	v5 =	vmul.f32 v6, v5  }
0x21a: {  	v2 =	vmul.f32 v7, v2;
	v6 =	vld [tilespmem:s17+$0x100]  }
0x21b: {  	[tilespmem:s17+$0x190] =	vst v5;
	v5 =	vld [tilespmem:s17+$0x1A0]  }
0x21c: {  	[tilespmem:s17+$0xFFFFFF80] =	vst v2;
	v2 =	vmul.f32 v4, v3;
	v3 =	vld [tilespmem:s24+$0x1A0]  }
0x21d: {  	v4 =	vld [tilespmem:s24+$0x100]  }
0x21e: {  	v7 =	vld [tilespmem:s17+$0xFFFFFE00];
	[tilespmem:s17+$0x0] =	vst v2;
	v1 =	vmul.f32 v8, v1  }
0x21f: {  	v2 =	vld [tilespmem:s24+$0xFFFFFE90]  }
0x220: {  	v8 =	vld [tilespmem:s24+$0xFFFFFF10];
	[tilespmem:s17+$0x80] =	vst v1  }
0x221: {  	v1 =	vld [tilespmem:s24+$0xFFFFFF90];
	v3 =	vmul.f32 v3, v5  }
0x222: {  	v5 =	vld [tilespmem:s24+$0x10];
	v4 =	vmul.f32 v4, v6  }
0x223: {  	v6 =	vmul.f32 v9, v7;
	[tilespmem:s17+$0x1A0] =	vst v3;
	v3 =	vld [tilespmem:s17+$0x1B0]  }
0x224: {  	[tilespmem:s17+$0x100] =	vst v4;
	v4 =	vld [tilespmem:s24+$0x1B0]  }
0x225: {  	[tilespmem:s17+$0xFFFFFE00] =	vst v6;
	v6 =	vld [tilespmem:s24+$0x90]  }
0x226: {  	v7 =	vld [tilespmem:s24+$0xFFFFFE10]  }
0x227: {  	v9 =	vld [tilespmem:s24+$0x110]  }
0x228: {  	v10 =	vld [tilespmem:s17+$0xFFFFFE10]  }
0x229: {  	v11 =	vld [tilespmem:s17+$0xFFFFFE90];
	v3 =	vmul.f32 v4, v3  }
0x22a: {  	v4 =	vld [tilespmem:s17+$0xFFFFFF10]  }
0x22b: {  	[tilespmem:s17+$0x1B0] =	vst v3;
	v3 =	vld [tilespmem:s17+$0x1C0]  }
0x22c: {  	v12 =	vld [tilespmem:s24+$0x1C0]  }
0x22d: {  	v7 =	vmul.f32 v7, v10;
	v10 =	vld [tilespmem:s17+$0xFFFFFF90]  }
0x22e: {  	v2 =	vmul.f32 v2, v11;
	v11 =	vld [tilespmem:s17+$0x10]  }
0x22f: {  	[tilespmem:s17+$0xFFFFFE10] =	vst v7;
	v4 =	vmul.f32 v8, v4;
	v7 =	vld [tilespmem:s17+$0x90]  }
0x230: {  	[tilespmem:s17+$0xFFFFFE90] =	vst v2;
	v2 =	vld [tilespmem:s17+$0x110]  }
0x231: {  	v8 =	vld [tilespmem:s24+$0xFFFFFE20];
	[tilespmem:s17+$0xFFFFFF10] =	vst v4;
	v3 =	vmul.f32 v12, v3  }
0x232: {  	v4 =	vld [tilespmem:s24+$0xFFFFFEA0];
	v1 =	vmul.f32 v1, v10  }
0x233: {  	v5 =	vmul.f32 v5, v11;
	[tilespmem:s17+$0x1C0] =	vst v3;
	v3 =	vld [tilespmem:s17+$0x1D0]  }
0x234: {  	[tilespmem:s17+$0xFFFFFF90] =	vst v1;
	v1 =	vmul.f32 v6, v7;
	v6 =	vld [tilespmem:s24+$0x1D0]  }
0x235: {  	v7 =	vld [tilespmem:s24+$0xFFFFFF20];
	[tilespmem:s17+$0x10] =	vst v5;
	v2 =	vmul.f32 v9, v2  }
0x236: {  	v5 =	vld [tilespmem:s24+$0xFFFFFFA0];
	[tilespmem:s17+$0x90] =	vst v1  }
0x237: {  	v1 =	vld [tilespmem:s24+$0x20];
	[tilespmem:s17+$0x110] =	vst v2  }
0x238: {  	v2 =	vld [tilespmem:s24+$0xA0]  }
0x239: {  	v9 =	vld [tilespmem:s24+$0x120];
	v3 =	vmul.f32 v6, v3  }
0x23a: {  	v6 =	vld [tilespmem:s17+$0xFFFFFE20]  }
0x23b: {  	[tilespmem:s17+$0x1D0] =	vst v3;
	v3 =	vld [tilespmem:s17+$0x1E0]  }
0x23c: {  	v10 =	vld [tilespmem:s24+$0x1E0]  }
0x23d: {  	v11 =	vld [tilespmem:s17+$0xFFFFFEA0]  }
0x23e: {  	v12 =	vld [tilespmem:s17+$0xFFFFFF20]  }
0x23f: {  	v6 =	vmul.f32 v8, v6;
	v8 =	vld [tilespmem:s17+$0xFFFFFFA0]  }
0x240: {  	v13 =	vld [tilespmem:s17+$0x20]  }
0x241: {  	[tilespmem:s17+$0xFFFFFE20] =	vst v6;
	v6 =	vld [tilespmem:s17+$0xA0];
	v3 =	vmul.f32 v10, v3  }
0x242: {  	v4 =	vmul.f32 v4, v11;
	v10 =	vld [tilespmem:s17+$0x120]  }
0x243: {  	v7 =	vmul.f32 v7, v12;
	[tilespmem:s17+$0x1E0] =	vst v3;
	v3 =	vld [tilespmem:s17+$0x1F0]  }
0x244: {  	[tilespmem:s17+$0xFFFFFEA0] =	vst v4;
	v4 =	vmul.f32 v5, v8;
	v5 =	vld [tilespmem:s24+$0x1F0]  }
0x245: {  	v8 =	vld [tilespmem:s24+$0xFFFFFE30];
	[tilespmem:s17+$0xFFFFFF20] =	vst v7;
	v1 =	vmul.f32 v1, v13  }
0x246: {  	v7 =	vld [tilespmem:s24+$0xFFFFFEB0];
	[tilespmem:s17+$0xFFFFFFA0] =	vst v4;
	v2 =	vmul.f32 v2, v6  }
0x247: {  	v4 =	vld [tilespmem:s24+$0xFFFFFF30];
	[tilespmem:s17+$0x20] =	vst v1;
	v1 =	vmul.f32 v9, v10  }
0x248: {  	v6 =	vld [tilespmem:s24+$0xFFFFFFB0];
	[tilespmem:s17+$0xA0] =	vst v2  }
0x249: {  	v2 =	vld [tilespmem:s24+$0x30];
	[tilespmem:s17+$0x120] =	vst v1;
	v1 =	vmul.f32 v5, v3  }
0x24a: {  	v3 =	vld [tilespmem:s24+$0xB0]  }
0x24b: {  	v5 =	vld [tilespmem:s24+$0x130];
	[tilespmem:s17+$0x1F0] =	vst v1  }
0x24c: {  	v1 =	vld [tilespmem:s17+$0xFFFFFE30]  }
0x24d: {  	v9 =	vld [tilespmem:s17+$0xFFFFFEB0]  }
0x24e: {  	v10 =	vld [tilespmem:s17+$0xFFFFFF30]  }
0x24f: {  	v11 =	vld [tilespmem:s17+$0xFFFFFFB0]  }
0x250: {  	v12 =	vld [tilespmem:s17+$0x30]  }
0x251: {  	v1 =	vmul.f32 v8, v1;
	v8 =	vld [tilespmem:s17+$0xB0]  }
0x252: {  	v7 =	vmul.f32 v7, v9;
	v9 =	vld [tilespmem:s17+$0x130]  }
0x253: {  	[tilespmem:s17+$0xFFFFFE30] =	vst v1;
	v1 =	vld [tilespmem:s17+$0xFFFFFE40];
	v4 =	vmul.f32 v4, v10  }
0x254: {  	v10 =	vld [tilespmem:s24+$0xFFFFFE40];
	[tilespmem:s17+$0xFFFFFEB0] =	vst v7;
	v6 =	vmul.f32 v6, v11  }
0x255: {  	v7 =	vld [tilespmem:s24+$0xFFFFFEC0];
	[tilespmem:s17+$0xFFFFFF30] =	vst v4;
	v2 =	vmul.f32 v2, v12  }
0x256: {  	v4 =	vld [tilespmem:s24+$0xFFFFFF40];
	[tilespmem:s17+$0xFFFFFFB0] =	vst v6;
	v3 =	vmul.f32 v3, v8  }
0x257: {  	v6 =	vld [tilespmem:s24+$0xFFFFFFC0];
	[tilespmem:s17+$0x30] =	vst v2;
	v2 =	vmul.f32 v5, v9  }
0x258: {  	v5 =	vld [tilespmem:s24+$0x40];
	[tilespmem:s17+$0xB0] =	vst v3  }
0x259: {  	v1 =	vmul.f32 v10, v1;
	v3 =	vld [tilespmem:s24+$0xC0];
	[tilespmem:s17+$0x130] =	vst v2  }
0x25a: {  	v2 =	vld [tilespmem:s24+$0x140]  }
0x25b: {  	[tilespmem:s17+$0xFFFFFE40] =	vst v1;
	v1 =	vld [tilespmem:s17+$0xFFFFFEC0]  }
0x25c: {  	v8 =	vld [tilespmem:s17+$0xFFFFFF40]  }
0x25d: {  	v9 =	vld [tilespmem:s17+$0xFFFFFFC0]  }
0x25e: {  	v10 =	vld [tilespmem:s17+$0x40]  }
0x25f: {  	v11 =	vld [tilespmem:s17+$0xC0]  }
0x260: {  	v1 =	vmul.f32 v7, v1;
	v7 =	vld [tilespmem:s17+$0x140]  }
0x261: {  	v12 =	vld [tilespmem:s24+$0xFFFFFE50];
	v4 =	vmul.f32 v4, v8  }
0x262: {  	v8 =	vld [tilespmem:s17+$0xFFFFFE50];
	[tilespmem:s17+$0xFFFFFEC0] =	vst v1;
	v1 =	vmul.f32 v6, v9  }
0x263: {  	v6 =	vld [tilespmem:s24+$0xFFFFFED0];
	[tilespmem:s17+$0xFFFFFF40] =	vst v4;
	v4 =	vmul.f32 v5, v10  }
0x264: {  	v5 =	vld [tilespmem:s24+$0xFFFFFF50];
	[tilespmem:s17+$0xFFFFFFC0] =	vst v1;
	v1 =	vmul.f32 v3, v11  }
0x265: {  	v3 =	vld [tilespmem:s24+$0xFFFFFFD0];
	[tilespmem:s17+$0x40] =	vst v4;
	v2 =	vmul.f32 v2, v7  }
0x266: {  	v4 =	vld [tilespmem:s24+$0x50];
	[tilespmem:s17+$0xC0] =	vst v1  }
0x267: {  	v1 =	vmul.f32 v12, v8;
	v7 =	vld [tilespmem:s24+$0xD0];
	[tilespmem:s17+$0x140] =	vst v2  }
0x268: {  	v2 =	vld [tilespmem:s24+$0x150]  }
0x269: {  	[tilespmem:s17+$0xFFFFFE50] =	vst v1;
	v1 =	vld [tilespmem:s17+$0xFFFFFED0]  }
0x26a: {  	v8 =	vld [tilespmem:s17+$0xFFFFFF50]  }
0x26b: {  	v9 =	vld [tilespmem:s17+$0xFFFFFFD0]  }
0x26c: {  	v10 =	vld [tilespmem:s17+$0x50]  }
0x26d: {  	v11 =	vld [tilespmem:s17+$0xD0]  }
0x26e: {  	v1 =	vmul.f32 v6, v1;
	v6 =	vld [tilespmem:s17+$0x150]  }
0x26f: {  	v12 =	vld [tilespmem:s24+$0xFFFFFE60];
	v5 =	vmul.f32 v5, v8  }
0x270: {  	v8 =	vld [tilespmem:s17+$0xFFFFFE60];
	[tilespmem:s17+$0xFFFFFED0] =	vst v1;
	v1 =	vmul.f32 v3, v9  }
0x271: {  	v3 =	vld [tilespmem:s24+$0xFFFFFEE0];
	[tilespmem:s17+$0xFFFFFF50] =	vst v5;
	v4 =	vmul.f32 v4, v10  }
0x272: {  	v5 =	vld [tilespmem:s24+$0xFFFFFF60];
	[tilespmem:s17+$0xFFFFFFD0] =	vst v1;
	v1 =	vmul.f32 v7, v11  }
0x273: {  	v7 =	vld [tilespmem:s24+$0xFFFFFFE0];
	[tilespmem:s17+$0x50] =	vst v4;
	v2 =	vmul.f32 v2, v6  }
0x274: {  	v4 =	vld [tilespmem:s24+$0x60];
	[tilespmem:s17+$0xD0] =	vst v1  }
0x275: {  	v1 =	vmul.f32 v12, v8;
	v6 =	vld [tilespmem:s24+$0xE0];
	[tilespmem:s17+$0x150] =	vst v2  }
0x276: {  	v2 =	vld [tilespmem:s24+$0x160]  }
0x277: {  	[tilespmem:s17+$0xFFFFFE60] =	vst v1;
	v1 =	vld [tilespmem:s17+$0xFFFFFEE0]  }
0x278: {  	v8 =	vld [tilespmem:s17+$0xFFFFFF60]  }
0x279: {  	v9 =	vld [tilespmem:s17+$0xFFFFFFE0]  }
0x27a: {  	v10 =	vld [tilespmem:s17+$0x60]  }
0x27b: {  	v11 =	vld [tilespmem:s17+$0xE0]  }
0x27c: {  	v1 =	vmul.f32 v3, v1;
	v3 =	vld [tilespmem:s17+$0x160]  }
0x27d: {  	v12 =	vld [tilespmem:s24+$0xFFFFFE70];
	v5 =	vmul.f32 v5, v8  }
0x27e: {  	v8 =	vld [tilespmem:s17+$0xFFFFFE70];
	[tilespmem:s17+$0xFFFFFEE0] =	vst v1;
	v1 =	vmul.f32 v7, v9  }
0x27f: {  	v13 =	vld [tilespmem:s24+$0xFFFFFEF0];
	[tilespmem:s17+$0xFFFFFF60] =	vst v5;
	v5 =	vmul.f32 v4, v10  }
0x280: {  	v7 =	vld [tilespmem:s24+$0xFFFFFF70];
	[tilespmem:s17+$0xFFFFFFE0] =	vst v1;
	v1 =	vmul.f32 v6, v11  }
0x281: {  	v4 =	vld [tilespmem:s24+$0xFFFFFFF0];
	[tilespmem:s17+$0x60] =	vst v5;
	v2 =	vmul.f32 v2, v3  }
0x282: {  	v5 =	vld [tilespmem:s24+$0x70];
	[tilespmem:s17+$0xE0] =	vst v1  }
0x283: {  	v1 =	vmul.f32 v12, v8;
	v6 =	vld [tilespmem:s24+$0xF0];
	[tilespmem:s17+$0x160] =	vst v2  }
0x284: {  	v3 =	vld [tilespmem:s24+$0x170]  }
0x285: {  	[tilespmem:s17+$0xFFFFFE70] =	vst v1;
	v2 =	vld [tilespmem:s17+$0xFFFFFEF0]  }
.Ltmp2:
0x286: {  	v10 =	vld [tilespmem:s17+$0xFFFFFF70];
	(pc) =	sbr.rel @p1 .LBB2_6-.Ltmp2, $4  }
0x287: {  	v9 =	vld [tilespmem:s17+$0xFFFFFFF0]  }
0x288: {  	v8 =	vld [tilespmem:s17+$0x70]  }
0x289: {  	v1 =	vld [tilespmem:s17+$0xF0]  }
0x28a: {  	s17 =	sadd.s32 $0x400, s17;
	v11 =	vmul.f32 v13, v2;
	v2 =	vld [tilespmem:s23+$0x170]  }
0x28b: {  	v7 =	vmul.f32 v7, v10  }
0x28c: {  	[tilespmem:s23+$0xFFFFFEF0] =	vst v11;
	v4 =	vmul.f32 v4, v9  }
0x28d: {  	[tilespmem:s23+$0xFFFFFF70] =	vst v7;
	v5 =	vmul.f32 v5, v8  }
0x28e: {  	[tilespmem:s23+$0xFFFFFFF0] =	vst v4;
	v1 =	vmul.f32 v6, v1  }
0x28f: {  	[tilespmem:s23+$0x70] =	vst v5;
	v2 =	vmul.f32 v3, v2  }
0x290: {  	[tilespmem:s23+$0xF0] =	vst v1  }
0x291: {  	s9 =	simm.s32 $0x1080;
	[tilespmem:s23+$0x170] =	vst v2;
	s23 =	simm.s32 $0x1  }
0x292: {  	[spmem:s3] =	stream.indirect.scatter.add.f32 [tilespmem:s12], [sflag:$0x6], $0x80, s9, s10, $0xb8;
	[tilespmem:$0x1F880] =	vst v63  }
.LBB2_8:
0x293: {  	_ =	swait.ge [sflag:s31], $0x2800  }
0x294: {  	s9 =	sshllo.u32 s23, $0x1;
	[sflag:s31] =	ssyncset.done $0x0  }
0x295: {  	s24 =	sshll.u32 s9, $0x7;
	s9 =	smul.u32 $0x50, s9;
	[sflag:s31] =	ssyncadd.s32 $0xFFFFD800  }
0x296: {  	[tilespmem:s12], [sflag:$0x2] =	stream.indirect.gather [hbm4b:s1+s10], $0x80, s24, s10, $0xb8;
	[tilespmem:$0x1F880] =	vst v63  }
0x297: {  	s9 =	sadd.s32 s6, s9  }
0x298: {  	s9 =	sshll.u32 s9, $0x4  }
0x299: {  	s9 =	sadd.s32 s15, s9  }
0x29a: {  	[tilespmem:s13], [sflag:$0x4] =	stream.linear.gather [hbm4b:s9+s5], $0x2800, $0x38;
	[tilespmem:$0x1F880] =	vst v63  }
0x29b: {  	_ =	swait.ge [sflag:s14], $0x2800  }
0x29c: {  	[sflag:s14] =	ssyncset.done $0x0  }
0x29d: {  	[sflag:s14] =	ssyncadd.s32 $0xFFFFD800  }
0x29e: {  	_ =	swait.ge [sflag:s18], $0x2800  }
0x29f: {  	[sflag:s18] =	ssyncset.done $0x0  }
0x2a0: {  	s25 =	simm.s32 $0x2200;
	[sflag:s18] =	ssyncadd.s32 $0xFFFFD800  }
0x2a1: {  	s26 =	simm.s32 $0x7200;
	v1 =	vld [tilespmem:s25+$0x180]  }
0x2a2: {  	v2 =	vld [tilespmem:s26+$0x180]  }
0x2a3: {  	v3 =	vld [tilespmem:s26+$0xFFFFFE00]  }
0x2a4: {  	v4 =	vld [tilespmem:s25+$0xFFFFFE80]  }
0x2a5: {  	v5 =	vld [tilespmem:s26+$0xFFFFFE80]  }
0x2a6: {  	v6 =	vld [tilespmem:s25+$0xFFFFFF00]  }
0x2a7: {  	v7 =	vld [tilespmem:s26+$0xFFFFFF00]  }
0x2a8: {  	v8 =	vld [tilespmem:s26+$0xFFFFFF80]  }
0x2a9: {  	v10 =	vld [tilespmem:s25+$0x0]  }
0x2aa: {  	v11 =	vld [tilespmem:s26+$0x0]  }
0x2ab: {  	v12 =	vld [tilespmem:s25+$0x80]  }
0x2ac: {  	v13 =	vld [tilespmem:s26+$0x80]  }
0x2ad: {  	v14 =	vld [tilespmem:s25+$0x100]  }
0x2ae: {  	v42 =	vld [tilespmem:s25+$0xFFFFFF10]  }
0x2af: {  	v43 =	vld [tilespmem:s25+$0xFFFFFF90]  }
0x2b0: {  	v44 =	vld [tilespmem:s25+$0x10]  }
0x2b1: {  	v45 =	vld [tilespmem:s25+$0xFFFFFF20]  }
0x2b2: {  	v46 =	vld [tilespmem:s25+$0xFFFFFFA0]  }
0x2b3: {  	v47 =	vld [tilespmem:s25+$0x20]  }
0x2b4: {  	v15 =	vld [tilespmem:s25+$0xA0]  }
0x2b5: {  	v48 =	vld [tilespmem:s25+$0xFFFFFF30]  }
0x2b6: {  	v49 =	vld [tilespmem:s25+$0xFFFFFFB0]  }
0x2b7: {  	v50 =	vld [tilespmem:s25+$0x30]  }
0x2b8: {  	v52 =	vld [tilespmem:s25+$0xFFFFFFC0];
	v1 =	vmul.f32 v2, v1  }
0x2b9: {  	v53 =	vld [tilespmem:s25+$0x40]  }
0x2ba: {  	[tilespmem:s25+$0x180] =	vst v1;
	v1 =	vld [tilespmem:s25+$0x190]  }
0x2bb: {  	v2 =	vld [tilespmem:s26+$0x190]  }
0x2bc: {  	v54 =	vld [tilespmem:s25+$0xC0]  }
0x2bd: {  	v55 =	vld [tilespmem:s25+$0xFFFFFF50]  }
0x2be: {  	v56 =	vld [tilespmem:s25+$0xFFFFFFD0]  }
0x2bf: {  	v57 =	vld [tilespmem:s25+$0xD0]  }
0x2c0: {  	v58 =	vld [tilespmem:s25+$0xFFFFFE60];
	v1 =	vmul.f32 v2, v1  }
0x2c1: {  	v59 =	vld [tilespmem:s25+$0xFFFFFFE0]  }
0x2c2: {  	[tilespmem:s25+$0x190] =	vst v1;
	v1 =	vld [tilespmem:s25+$0x1A0]  }
0x2c3: {  	v9 =	vld [tilespmem:s26+$0x1A0]  }
0x2c4: {  	v4 =	vmul.f32 v5, v4;
	v5 =	vld [tilespmem:s25+$0xFFFFFE00]  }
0x2c5: {  	v60 =	vld [tilespmem:s25+$0x60]  }
0x2c6: {  	v2 =	vld [tilespmem:s25+$0xFFFFFF80]  }
0x2c7: {  	v61 =	vld [tilespmem:s25+$0xE0]  }
0x2c8: {  	v1 =	vmul.f32 v9, v1;
	v9 =	vld [tilespmem:s26+$0x100]  }
0x2c9: {  	v62 =	vld [tilespmem:s25+$0xFFFFFE70];
	[tilespmem:s25+$0xFFFFFE80] =	vst v4;
	v3 =	vmul.f32 v3, v5  }
0x2ca: {  	[tilespmem:s25+$0x1A0] =	vst v1;
	v1 =	vmul.f32 v7, v6;
	v6 =	vld [tilespmem:s25+$0x1B0]  }
0x2cb: {  	[tilespmem:s25+$0xFFFFFE00] =	vst v3;
	v2 =	vmul.f32 v8, v2;
	v4 =	vld [tilespmem:s26+$0x1B0]  }
0x2cc: {  	v7 =	vld [tilespmem:s26+$0xFFFFFE90];
	[tilespmem:s25+$0xFFFFFF00] =	vst v1;
	v1 =	vmul.f32 v11, v10  }
0x2cd: {  	[tilespmem:s25+$0xFFFFFF80] =	vst v2;
	v10 =	vld [tilespmem:s25+$0xFFFFFE10];
	v5 =	vmul.f32 v9, v14  }
0x2ce: {  	v2 =	vmul.f32 v13, v12;
	[tilespmem:s25+$0x0] =	vst v1;
	v1 =	vld [tilespmem:s26+$0xFFFFFF90]  }
0x2cf: {  	[tilespmem:s25+$0x100] =	vst v5;
	v5 =	vld [tilespmem:s26+$0xFFFFFE10]  }
0x2d0: {  	[tilespmem:s25+$0x80] =	vst v2;
	v2 =	vld [tilespmem:s26+$0x10];
	v4 =	vmul.f32 v4, v6  }
0x2d1: {  	v6 =	vld [tilespmem:s26+$0x110]  }
0x2d2: {  	[tilespmem:s25+$0x1B0] =	vst v4;
	v4 =	vld [tilespmem:s25+$0x1C0]  }
0x2d3: {  	v9 =	vld [tilespmem:s26+$0x1C0]  }
0x2d4: {  	v5 =	vmul.f32 v5, v10;
	v10 =	vld [tilespmem:s25+$0x110]  }
0x2d5: {  	v3 =	vld [tilespmem:s26+$0x90]  }
0x2d6: {  	v11 =	vld [tilespmem:s25+$0xFFFFFE90];
	v1 =	vmul.f32 v1, v43  }
0x2d7: {  	v8 =	vld [tilespmem:s26+$0xFFFFFF10];
	v2 =	vmul.f32 v2, v44  }
0x2d8: {  	[tilespmem:s25+$0xFFFFFF90] =	vst v1;
	v4 =	vmul.f32 v9, v4;
	v9 =	vld [tilespmem:s25+$0x90]  }
0x2d9: {  	[tilespmem:s25+$0x10] =	vst v2;
	v2 =	vmul.f32 v6, v10;
	v6 =	vld [tilespmem:s26+$0xFFFFFFA0]  }
0x2da: {  	v10 =	vld [tilespmem:s25+$0xFFFFFE20]  }
0x2db: {  	[tilespmem:s25+$0x1C0] =	vst v4;
	v4 =	vmul.f32 v7, v11;
	v7 =	vld [tilespmem:s25+$0x1D0]  }
0x2dc: {  	v11 =	vld [tilespmem:s25+$0xFFFFFEA0]  }
0x2dd: {  	[tilespmem:s25+$0xFFFFFE10] =	vst v5;
	v5 =	vmul.f32 v8, v42;
	v8 =	vld [tilespmem:s26+$0x1D0]  }
0x2de: {  	[tilespmem:s25+$0xFFFFFE90] =	vst v4;
	v4 =	vld [tilespmem:s26+$0xFFFFFE20]  }
0x2df: {  	[tilespmem:s25+$0xFFFFFF10] =	vst v5;
	v5 =	vld [tilespmem:s26+$0xFFFFFEA0];
	v1 =	vmul.f32 v3, v9  }
0x2e0: {  	v3 =	vld [tilespmem:s26+$0xFFFFFF20]  }
0x2e1: {  	v9 =	vld [tilespmem:s26+$0x20];
	[tilespmem:s25+$0x90] =	vst v1  }
0x2e2: {  	[tilespmem:s25+$0x110] =	vst v2;
	v1 =	vmul.f32 v8, v7;
	v7 =	vld [tilespmem:s26+$0xA0]  }
0x2e3: {  	v8 =	vld [tilespmem:s26+$0x120]  }
0x2e4: {  	[tilespmem:s25+$0x1D0] =	vst v1;
	v1 =	vld [tilespmem:s25+$0x1E0];
	v5 =	vmul.f32 v5, v11  }
0x2e5: {  	v3 =	vmul.f32 v3, v45;
	v2 =	vld [tilespmem:s26+$0x1E0]  }
0x2e6: {  	v11 =	vld [tilespmem:s25+$0xFFFFFEB0];
	[tilespmem:s25+$0xFFFFFEA0] =	vst v5;
	v5 =	vmul.f32 v6, v46  }
0x2e7: {  	[tilespmem:s25+$0xFFFFFF20] =	vst v3;
	v3 =	vmul.f32 v9, v47;
	v9 =	vld [tilespmem:s26+$0xFFFFFEB0]  }
0x2e8: {  	[tilespmem:s25+$0xFFFFFFA0] =	vst v5;
	v5 =	vmul.f32 v7, v15;
	v7 =	vld [tilespmem:s26+$0xFFFFFF30]  }
0x2e9: {  	[tilespmem:s25+$0x20] =	vst v3;
	v3 =	vld [tilespmem:s26+$0xFFFFFFB0]  }
0x2ea: {  	v1 =	vmul.f32 v2, v1;
	v2 =	vmul.f32 v4, v10;
	v4 =	vld [tilespmem:s25+$0x120]  }
0x2eb: {  	[tilespmem:s25+$0xA0] =	vst v5;
	v5 =	vld [tilespmem:s26+$0x30]  }
0x2ec: {  	[tilespmem:s25+$0x1E0] =	vst v1;
	v1 =	vld [tilespmem:s25+$0x1F0]  }
0x2ed: {  	v9 =	vmul.f32 v9, v11;
	v11 =	vld [tilespmem:s25+$0x130]  }
0x2ee: {  	[tilespmem:s25+$0xFFFFFE20] =	vst v2;
	v2 =	vld [tilespmem:s26+$0x1F0]  }
0x2ef: {  	v6 =	vld [tilespmem:s26+$0xFFFFFE30];
	v4 =	vmul.f32 v8, v4  }
0x2f0: {  	v8 =	vld [tilespmem:s26+$0xB0]  }
0x2f1: {  	v7 =	vmul.f32 v7, v48;
	[tilespmem:s25+$0x120] =	vst v4;
	v4 =	vld [tilespmem:s25+$0xFFFFFE30]  }
0x2f2: {  	[tilespmem:s25+$0xFFFFFEB0] =	vst v9;
	v10 =	vld [tilespmem:s26+$0x130]  }
0x2f3: {  	v9 =	vld [tilespmem:s26+$0xFFFFFEC0];
	[tilespmem:s25+$0xFFFFFF30] =	vst v7  }
0x2f4: {  	v7 =	vld [tilespmem:s26+$0xFFFFFF40]  }
0x2f5: {  	v5 =	vmul.f32 v5, v50;
	v1 =	vmul.f32 v2, v1;
	v2 =	vld [tilespmem:s25+$0x70]  }
0x2f6: {  	v4 =	vmul.f32 v6, v4;
	v6 =	vld [tilespmem:s25+$0xB0]  }
0x2f7: {  	[tilespmem:s25+$0x30] =	vst v5;
	v5 =	vmul.f32 v10, v11;
	v11 =	vld [tilespmem:s25+$0xFFFFFF40]  }
0x2f8: {  	[tilespmem:s25+$0xFFFFFE30] =	vst v4;
	v4 =	vld [tilespmem:s25+$0xFFFFFE40]  }
0x2f9: {  	v51 =	vld [tilespmem:s26+$0xFFFFFE40]  }
0x2fa: {  	v3 =	vmul.f32 v3, v49;
	v10 =	vld [tilespmem:s25+$0xFFFFFEC0];
	[tilespmem:s25+$0x130] =	vst v5  }
0x2fb: {  	v5 =	vld [tilespmem:s26+$0x140]  }
0x2fc: {  	[tilespmem:s25+$0xFFFFFFB0] =	vst v3;
	v3 =	vmul.f32 v8, v6;
	v8 =	vld [tilespmem:s26+$0x40]  }
0x2fd: {  	v6 =	vld [tilespmem:s26+$0xFFFFFFC0];
	v7 =	vmul.f32 v7, v11  }
0x2fe: {  	v11 =	vld [tilespmem:s25+$0xFFFFFE50];
	[tilespmem:s25+$0xB0] =	vst v3;
	v4 =	vmul.f32 v51, v4  }
0x2ff: {  	v3 =	vld [tilespmem:s26+$0xC0];
	[tilespmem:s25+$0xFFFFFF40] =	vst v7  }
0x300: {  	[tilespmem:s25+$0xFFFFFE40] =	vst v4;
	v4 =	vmul.f32 v9, v10;
	v9 =	vld [tilespmem:s25+$0x140]  }
0x301: {  	v7 =	vmul.f32 v8, v53;
	v8 =	vld [tilespmem:s26+$0xFFFFFF50]  }
0x302: {  	v10 =	vld [tilespmem:s26+$0xFFFFFE50];
	[tilespmem:s25+$0xFFFFFEC0] =	vst v4  }
0x303: {  	v4 =	vmul.f32 v6, v52;
	[tilespmem:s25+$0x40] =	vst v7;
	v6 =	vld [tilespmem:s26+$0xFFFFFED0]  }
0x304: {  	v3 =	vmul.f32 v3, v54;
	v7 =	vld [tilespmem:s26+$0x50]  }
0x305: {  	[tilespmem:s25+$0xFFFFFFC0] =	vst v4;
	v5 =	vmul.f32 v5, v9;
	v9 =	vld [tilespmem:s25+$0xFFFFFED0]  }
0x306: {  	v4 =	vld [tilespmem:s26+$0xFFFFFFD0];
	[tilespmem:s25+$0xC0] =	vst v3  }
0x307: {  	v3 =	vld [tilespmem:s26+$0xD0]  }
0x308: {  	v8 =	vmul.f32 v8, v55;
	v10 =	vmul.f32 v10, v11;
	v11 =	vld [tilespmem:s25+$0x50];
	[tilespmem:s25+$0x140] =	vst v5  }
0x309: {  	v5 =	vld [tilespmem:s26+$0x150]  }
0x30a: {  	[tilespmem:s25+$0xFFFFFF50] =	vst v8;
	v6 =	vmul.f32 v6, v9;
	v9 =	vld [tilespmem:s25+$0x150]  }
0x30b: {  	[tilespmem:s25+$0xFFFFFE50] =	vst v10;
	v8 =	vld [tilespmem:s26+$0xFFFFFF60]  }
0x30c: {  	v10 =	vld [tilespmem:s26+$0xFFFFFE60]  }
0x30d: {  	v4 =	vmul.f32 v4, v56;
	v7 =	vmul.f32 v7, v11;
	v11 =	vld [tilespmem:s25+$0xFFFFFF60];
	[tilespmem:s25+$0xFFFFFED0] =	vst v6  }
0x30e: {  	v6 =	vld [tilespmem:s26+$0xFFFFFEE0]  }
0x30f: {  	v3 =	vmul.f32 v3, v57;
	[tilespmem:s25+$0xFFFFFFD0] =	vst v4;
	v5 =	vmul.f32 v5, v9;
	v9 =	vld [tilespmem:s25+$0xFFFFFEE0]  }
0x310: {  	v4 =	vld [tilespmem:s26+$0xFFFFFFE0];
	[tilespmem:s25+$0x50] =	vst v7  }
0x311: {  	[tilespmem:s25+$0xD0] =	vst v3;
	v7 =	vld [tilespmem:s26+$0x60]  }
0x312: {  	v3 =	vld [tilespmem:s26+$0xE0];
	[tilespmem:s25+$0x150] =	vst v5  }
0x313: {  	v5 =	vld [tilespmem:s26+$0x160]  }
0x314: {  	v10 =	vmul.f32 v10, v58;
	v6 =	vmul.f32 v6, v9;
	v9 =	vld [tilespmem:s25+$0x160]  }
0x315: {  	[tilespmem:s25+$0x1F0] =	vst v1;
	v1 =	vld [tilespmem:s25+$0xF0];
	v4 =	vmul.f32 v4, v59  }
0x316: {  	[tilespmem:s25+$0xFFFFFE60] =	vst v10;
	v8 =	vmul.f32 v8, v11;
	v10 =	vld [tilespmem:s25+$0xFFFFFF70]  }
0x317: {  	v11 =	vld [tilespmem:s26+$0xFFFFFE70];
	[tilespmem:s25+$0xFFFFFFE0] =	vst v4  }
0x318: {  	[tilespmem:s25+$0xFFFFFF60] =	vst v8;
	v3 =	vmul.f32 v3, v61;
	v4 =	vld [tilespmem:s26+$0xFFFFFFF0]  }
0x319: {  	[tilespmem:s25+$0xFFFFFEE0] =	vst v6;
	v6 =	vmul.f32 v7, v60;
	v7 =	vld [tilespmem:s26+$0xFFFFFF70];
	v8 =	vmul.f32 v5, v9  }
0x31a: {  	[tilespmem:s25+$0xE0] =	vst v3;
	v63 =	vld [tilespmem:s26+$0xFFFFFEF0]  }
0x31b: {  	[tilespmem:s25+$0x160] =	vst v8;
	v8 =	vld [tilespmem:s25+$0xFFFFFEF0]  }
0x31c: {  	[tilespmem:s25+$0x60] =	vst v6;
	v6 =	vld [tilespmem:s26+$0xF0]  }
0x31d: {  	v9 =	vld [tilespmem:s25+$0xFFFFFFF0]  }
0x31e: {  	v11 =	vmul.f32 v11, v62;
	v5 =	vld [tilespmem:s26+$0x70]  }
0x31f: {  	v3 =	vld [tilespmem:s26+$0x170]  }
0x320: {  	s22 =	sshll.u32 s23, $0x1;
	s28 =	simm.s32 $0x0;
	s17 =	simm.s32 $0x2600;
	[tilespmem:s25+$0xFFFFFE70] =	vst v11;
	v11 =	vmul.f32 v63, v8;
	v8 =	vld [tilespmem:s25+$0x170]  }
.LBB2_9:
0x321: {  	v12 =	vld [tilespmem:s17+$0x180];
	v7 =	vmul.f32 v7, v10;
	s26 =	sadd.s32 $0x400, s26  }
0x322: {  	s28 =	sadd.s32 $0x8, s28;
	v10 =	vld [tilespmem:s26+$0x180];
	[tilespmem:s25+$0xFFFFFEF0] =	vst v11;
	v4 =	vmul.f32 v4, v9  }
0x323: {  	p1 =	slt.u32 s28, $0x48;
	v9 =	vld [tilespmem:s26+$0xFFFFFE00];
	[tilespmem:s25+$0xFFFFFF70] =	vst v7;
	v2 =	vmul.f32 v5, v2  }
0x324: {  	v5 =	vld [tilespmem:s17+$0xFFFFFE80];
	[tilespmem:s25+$0xFFFFFFF0] =	vst v4;
	v1 =	vmul.f32 v6, v1  }
0x325: {  	v4 =	vld [tilespmem:s26+$0xFFFFFE80];
	[tilespmem:s25+$0x70] =	vst v2;
	v2 =	vmul.f32 v3, v8  }
0x326: {  	v3 =	vld [tilespmem:s17+$0xFFFFFF00];
	[tilespmem:s25+$0xF0] =	vst v1  }
0x327: {  	v1 =	vld [tilespmem:s26+$0xFFFFFF00];
	v6 =	vmul.f32 v10, v12;
	[tilespmem:s25+$0x170] =	vst v2;
	s25 =	smov.u32 s17  }
0x328: {  	v2 =	vld [tilespmem:s17+$0xFFFFFF80]  }
0x329: {  	[tilespmem:s17+$0x180] =	vst v6;
	v6 =	vld [tilespmem:s17+$0x190]  }
0x32a: {  	v4 =	vmul.f32 v4, v5;
	v5 =	vld [tilespmem:s26+$0x190]  }
0x32b: {  	v7 =	vld [tilespmem:s26+$0xFFFFFF80]  }
0x32c: {  	[tilespmem:s17+$0xFFFFFE80] =	vst v4;
	v1 =	vmul.f32 v1, v3;
	v3 =	vld [tilespmem:s17+$0x0]  }
0x32d: {  	v4 =	vld [tilespmem:s26+$0x0]  }
0x32e: {  	[tilespmem:s17+$0xFFFFFF00] =	vst v1;
	v1 =	vld [tilespmem:s17+$0x80]  }
0x32f: {  	v8 =	vld [tilespmem:s26+$0x80];
	v5 =	vmul.f32 v5, v6  }
0x330: {  	v2 =	vmul.f32 v7, v2;
	v6 =	vld [tilespmem:s17+$0x100]  }
0x331: {  	[tilespmem:s17+$0x190] =	vst v5;
	v5 =	vld [tilespmem:s17+$0x1A0]  }
0x332: {  	[tilespmem:s17+$0xFFFFFF80] =	vst v2;
	v2 =	vmul.f32 v4, v3;
	v3 =	vld [tilespmem:s26+$0x1A0]  }
0x333: {  	v4 =	vld [tilespmem:s26+$0x100]  }
0x334: {  	v7 =	vld [tilespmem:s17+$0xFFFFFE00];
	[tilespmem:s17+$0x0] =	vst v2;
	v1 =	vmul.f32 v8, v1  }
0x335: {  	v2 =	vld [tilespmem:s26+$0xFFFFFE90]  }
0x336: {  	v8 =	vld [tilespmem:s26+$0xFFFFFF10];
	[tilespmem:s17+$0x80] =	vst v1  }
0x337: {  	v1 =	vld [tilespmem:s26+$0xFFFFFF90];
	v3 =	vmul.f32 v3, v5  }
0x338: {  	v5 =	vld [tilespmem:s26+$0x10];
	v4 =	vmul.f32 v4, v6  }
0x339: {  	v6 =	vmul.f32 v9, v7;
	[tilespmem:s17+$0x1A0] =	vst v3;
	v3 =	vld [tilespmem:s17+$0x1B0]  }
0x33a: {  	[tilespmem:s17+$0x100] =	vst v4;
	v4 =	vld [tilespmem:s26+$0x1B0]  }
0x33b: {  	[tilespmem:s17+$0xFFFFFE00] =	vst v6;
	v6 =	vld [tilespmem:s26+$0x90]  }
0x33c: {  	v7 =	vld [tilespmem:s26+$0xFFFFFE10]  }
0x33d: {  	v9 =	vld [tilespmem:s26+$0x110]  }
0x33e: {  	v10 =	vld [tilespmem:s17+$0xFFFFFE10]  }
0x33f: {  	v11 =	vld [tilespmem:s17+$0xFFFFFE90];
	v3 =	vmul.f32 v4, v3  }
0x340: {  	v4 =	vld [tilespmem:s17+$0xFFFFFF10]  }
0x341: {  	[tilespmem:s17+$0x1B0] =	vst v3;
	v3 =	vld [tilespmem:s17+$0x1C0]  }
0x342: {  	v12 =	vld [tilespmem:s26+$0x1C0]  }
0x343: {  	v7 =	vmul.f32 v7, v10;
	v10 =	vld [tilespmem:s17+$0xFFFFFF90]  }
0x344: {  	v2 =	vmul.f32 v2, v11;
	v11 =	vld [tilespmem:s17+$0x10]  }
0x345: {  	[tilespmem:s17+$0xFFFFFE10] =	vst v7;
	v4 =	vmul.f32 v8, v4;
	v7 =	vld [tilespmem:s17+$0x90]  }
0x346: {  	[tilespmem:s17+$0xFFFFFE90] =	vst v2;
	v2 =	vld [tilespmem:s17+$0x110]  }
0x347: {  	v8 =	vld [tilespmem:s26+$0xFFFFFE20];
	[tilespmem:s17+$0xFFFFFF10] =	vst v4;
	v3 =	vmul.f32 v12, v3  }
0x348: {  	v4 =	vld [tilespmem:s26+$0xFFFFFEA0];
	v1 =	vmul.f32 v1, v10  }
0x349: {  	v5 =	vmul.f32 v5, v11;
	[tilespmem:s17+$0x1C0] =	vst v3;
	v3 =	vld [tilespmem:s17+$0x1D0]  }
0x34a: {  	[tilespmem:s17+$0xFFFFFF90] =	vst v1;
	v1 =	vmul.f32 v6, v7;
	v6 =	vld [tilespmem:s26+$0x1D0]  }
0x34b: {  	v7 =	vld [tilespmem:s26+$0xFFFFFF20];
	[tilespmem:s17+$0x10] =	vst v5;
	v2 =	vmul.f32 v9, v2  }
0x34c: {  	v5 =	vld [tilespmem:s26+$0xFFFFFFA0];
	[tilespmem:s17+$0x90] =	vst v1  }
0x34d: {  	v1 =	vld [tilespmem:s26+$0x20];
	[tilespmem:s17+$0x110] =	vst v2  }
0x34e: {  	v2 =	vld [tilespmem:s26+$0xA0]  }
0x34f: {  	v9 =	vld [tilespmem:s26+$0x120];
	v3 =	vmul.f32 v6, v3  }
0x350: {  	v6 =	vld [tilespmem:s17+$0xFFFFFE20]  }
0x351: {  	[tilespmem:s17+$0x1D0] =	vst v3;
	v3 =	vld [tilespmem:s17+$0x1E0]  }
0x352: {  	v10 =	vld [tilespmem:s26+$0x1E0]  }
0x353: {  	v11 =	vld [tilespmem:s17+$0xFFFFFEA0]  }
0x354: {  	v12 =	vld [tilespmem:s17+$0xFFFFFF20]  }
0x355: {  	v6 =	vmul.f32 v8, v6;
	v8 =	vld [tilespmem:s17+$0xFFFFFFA0]  }
0x356: {  	v13 =	vld [tilespmem:s17+$0x20]  }
0x357: {  	[tilespmem:s17+$0xFFFFFE20] =	vst v6;
	v6 =	vld [tilespmem:s17+$0xA0];
	v3 =	vmul.f32 v10, v3  }
0x358: {  	v4 =	vmul.f32 v4, v11;
	v10 =	vld [tilespmem:s17+$0x120]  }
0x359: {  	v7 =	vmul.f32 v7, v12;
	[tilespmem:s17+$0x1E0] =	vst v3;
	v3 =	vld [tilespmem:s17+$0x1F0]  }
0x35a: {  	[tilespmem:s17+$0xFFFFFEA0] =	vst v4;
	v4 =	vmul.f32 v5, v8;
	v5 =	vld [tilespmem:s26+$0x1F0]  }
0x35b: {  	v8 =	vld [tilespmem:s26+$0xFFFFFE30];
	[tilespmem:s17+$0xFFFFFF20] =	vst v7;
	v1 =	vmul.f32 v1, v13  }
0x35c: {  	v7 =	vld [tilespmem:s26+$0xFFFFFEB0];
	[tilespmem:s17+$0xFFFFFFA0] =	vst v4;
	v2 =	vmul.f32 v2, v6  }
0x35d: {  	v4 =	vld [tilespmem:s26+$0xFFFFFF30];
	[tilespmem:s17+$0x20] =	vst v1;
	v1 =	vmul.f32 v9, v10  }
0x35e: {  	v6 =	vld [tilespmem:s26+$0xFFFFFFB0];
	[tilespmem:s17+$0xA0] =	vst v2  }
0x35f: {  	v2 =	vld [tilespmem:s26+$0x30];
	[tilespmem:s17+$0x120] =	vst v1;
	v1 =	vmul.f32 v5, v3  }
0x360: {  	v3 =	vld [tilespmem:s26+$0xB0]  }
0x361: {  	v5 =	vld [tilespmem:s26+$0x130];
	[tilespmem:s17+$0x1F0] =	vst v1  }
0x362: {  	v1 =	vld [tilespmem:s17+$0xFFFFFE30]  }
0x363: {  	v9 =	vld [tilespmem:s17+$0xFFFFFEB0]  }
0x364: {  	v10 =	vld [tilespmem:s17+$0xFFFFFF30]  }
0x365: {  	v11 =	vld [tilespmem:s17+$0xFFFFFFB0]  }
0x366: {  	v12 =	vld [tilespmem:s17+$0x30]  }
0x367: {  	v1 =	vmul.f32 v8, v1;
	v8 =	vld [tilespmem:s17+$0xB0]  }
0x368: {  	v7 =	vmul.f32 v7, v9;
	v9 =	vld [tilespmem:s17+$0x130]  }
0x369: {  	[tilespmem:s17+$0xFFFFFE30] =	vst v1;
	v1 =	vld [tilespmem:s17+$0xFFFFFE40];
	v4 =	vmul.f32 v4, v10  }
0x36a: {  	v10 =	vld [tilespmem:s26+$0xFFFFFE40];
	[tilespmem:s17+$0xFFFFFEB0] =	vst v7;
	v6 =	vmul.f32 v6, v11  }
0x36b: {  	v7 =	vld [tilespmem:s26+$0xFFFFFEC0];
	[tilespmem:s17+$0xFFFFFF30] =	vst v4;
	v2 =	vmul.f32 v2, v12  }
0x36c: {  	v4 =	vld [tilespmem:s26+$0xFFFFFF40];
	[tilespmem:s17+$0xFFFFFFB0] =	vst v6;
	v3 =	vmul.f32 v3, v8  }
0x36d: {  	v6 =	vld [tilespmem:s26+$0xFFFFFFC0];
	[tilespmem:s17+$0x30] =	vst v2;
	v2 =	vmul.f32 v5, v9  }
0x36e: {  	v5 =	vld [tilespmem:s26+$0x40];
	[tilespmem:s17+$0xB0] =	vst v3  }
0x36f: {  	v1 =	vmul.f32 v10, v1;
	v3 =	vld [tilespmem:s26+$0xC0];
	[tilespmem:s17+$0x130] =	vst v2  }
0x370: {  	v2 =	vld [tilespmem:s26+$0x140]  }
0x371: {  	[tilespmem:s17+$0xFFFFFE40] =	vst v1;
	v1 =	vld [tilespmem:s17+$0xFFFFFEC0]  }
0x372: {  	v8 =	vld [tilespmem:s17+$0xFFFFFF40]  }
0x373: {  	v9 =	vld [tilespmem:s17+$0xFFFFFFC0]  }
0x374: {  	v10 =	vld [tilespmem:s17+$0x40]  }
0x375: {  	v11 =	vld [tilespmem:s17+$0xC0]  }
0x376: {  	v1 =	vmul.f32 v7, v1;
	v7 =	vld [tilespmem:s17+$0x140]  }
0x377: {  	v12 =	vld [tilespmem:s26+$0xFFFFFE50];
	v4 =	vmul.f32 v4, v8  }
0x378: {  	v8 =	vld [tilespmem:s17+$0xFFFFFE50];
	[tilespmem:s17+$0xFFFFFEC0] =	vst v1;
	v1 =	vmul.f32 v6, v9  }
0x379: {  	v6 =	vld [tilespmem:s26+$0xFFFFFED0];
	[tilespmem:s17+$0xFFFFFF40] =	vst v4;
	v4 =	vmul.f32 v5, v10  }
0x37a: {  	v5 =	vld [tilespmem:s26+$0xFFFFFF50];
	[tilespmem:s17+$0xFFFFFFC0] =	vst v1;
	v1 =	vmul.f32 v3, v11  }
0x37b: {  	v3 =	vld [tilespmem:s26+$0xFFFFFFD0];
	[tilespmem:s17+$0x40] =	vst v4;
	v2 =	vmul.f32 v2, v7  }
0x37c: {  	v4 =	vld [tilespmem:s26+$0x50];
	[tilespmem:s17+$0xC0] =	vst v1  }
0x37d: {  	v1 =	vmul.f32 v12, v8;
	v7 =	vld [tilespmem:s26+$0xD0];
	[tilespmem:s17+$0x140] =	vst v2  }
0x37e: {  	v2 =	vld [tilespmem:s26+$0x150]  }
0x37f: {  	[tilespmem:s17+$0xFFFFFE50] =	vst v1;
	v1 =	vld [tilespmem:s17+$0xFFFFFED0]  }
0x380: {  	v8 =	vld [tilespmem:s17+$0xFFFFFF50]  }
0x381: {  	v9 =	vld [tilespmem:s17+$0xFFFFFFD0]  }
0x382: {  	v10 =	vld [tilespmem:s17+$0x50]  }
0x383: {  	v11 =	vld [tilespmem:s17+$0xD0]  }
0x384: {  	v1 =	vmul.f32 v6, v1;
	v6 =	vld [tilespmem:s17+$0x150]  }
0x385: {  	v12 =	vld [tilespmem:s26+$0xFFFFFE60];
	v5 =	vmul.f32 v5, v8  }
0x386: {  	v8 =	vld [tilespmem:s17+$0xFFFFFE60];
	[tilespmem:s17+$0xFFFFFED0] =	vst v1;
	v1 =	vmul.f32 v3, v9  }
0x387: {  	v3 =	vld [tilespmem:s26+$0xFFFFFEE0];
	[tilespmem:s17+$0xFFFFFF50] =	vst v5;
	v4 =	vmul.f32 v4, v10  }
0x388: {  	v5 =	vld [tilespmem:s26+$0xFFFFFF60];
	[tilespmem:s17+$0xFFFFFFD0] =	vst v1;
	v1 =	vmul.f32 v7, v11  }
0x389: {  	v7 =	vld [tilespmem:s26+$0xFFFFFFE0];
	[tilespmem:s17+$0x50] =	vst v4;
	v2 =	vmul.f32 v2, v6  }
0x38a: {  	v4 =	vld [tilespmem:s26+$0x60];
	[tilespmem:s17+$0xD0] =	vst v1  }
0x38b: {  	v1 =	vmul.f32 v12, v8;
	v6 =	vld [tilespmem:s26+$0xE0];
	[tilespmem:s17+$0x150] =	vst v2  }
0x38c: {  	v2 =	vld [tilespmem:s26+$0x160]  }
0x38d: {  	[tilespmem:s17+$0xFFFFFE60] =	vst v1;
	v1 =	vld [tilespmem:s17+$0xFFFFFEE0]  }
0x38e: {  	v8 =	vld [tilespmem:s17+$0xFFFFFF60]  }
0x38f: {  	v9 =	vld [tilespmem:s17+$0xFFFFFFE0]  }
0x390: {  	v10 =	vld [tilespmem:s17+$0x60]  }
0x391: {  	v11 =	vld [tilespmem:s17+$0xE0]  }
0x392: {  	v1 =	vmul.f32 v3, v1;
	v3 =	vld [tilespmem:s17+$0x160]  }
0x393: {  	v12 =	vld [tilespmem:s26+$0xFFFFFE70];
	v5 =	vmul.f32 v5, v8  }
0x394: {  	v8 =	vld [tilespmem:s17+$0xFFFFFE70];
	[tilespmem:s17+$0xFFFFFEE0] =	vst v1;
	v1 =	vmul.f32 v7, v9  }
0x395: {  	v13 =	vld [tilespmem:s26+$0xFFFFFEF0];
	[tilespmem:s17+$0xFFFFFF60] =	vst v5;
	v5 =	vmul.f32 v4, v10  }
0x396: {  	v7 =	vld [tilespmem:s26+$0xFFFFFF70];
	[tilespmem:s17+$0xFFFFFFE0] =	vst v1;
	v1 =	vmul.f32 v6, v11  }
0x397: {  	v4 =	vld [tilespmem:s26+$0xFFFFFFF0];
	[tilespmem:s17+$0x60] =	vst v5;
	v2 =	vmul.f32 v2, v3  }
0x398: {  	v5 =	vld [tilespmem:s26+$0x70];
	[tilespmem:s17+$0xE0] =	vst v1  }
0x399: {  	v1 =	vmul.f32 v12, v8;
	v6 =	vld [tilespmem:s26+$0xF0];
	[tilespmem:s17+$0x160] =	vst v2  }
0x39a: {  	v3 =	vld [tilespmem:s26+$0x170]  }
0x39b: {  	[tilespmem:s17+$0xFFFFFE70] =	vst v1;
	v8 =	vld [tilespmem:s17+$0xFFFFFEF0]  }
.Ltmp3:
0x39c: {  	v10 =	vld [tilespmem:s17+$0xFFFFFF70];
	(pc) =	sbr.rel @p1 .LBB2_9-.Ltmp3, $4  }
0x39d: {  	v9 =	vld [tilespmem:s17+$0xFFFFFFF0]  }
0x39e: {  	v2 =	vld [tilespmem:s17+$0x70]  }
0x39f: {  	v1 =	vld [tilespmem:s17+$0xF0]  }
0x3a0: {  	s17 =	sadd.s32 $0x400, s17;
	v11 =	vmul.f32 v13, v8;
	v8 =	vld [tilespmem:s25+$0x170]  }
0x3a1: {  	v7 =	vmul.f32 v7, v10  }
0x3a2: {  	[tilespmem:s25+$0xFFFFFEF0] =	vst v11;
	v4 =	vmul.f32 v4, v9  }
0x3a3: {  	[tilespmem:s25+$0xFFFFFF70] =	vst v7;
	v2 =	vmul.f32 v5, v2  }
0x3a4: {  	[tilespmem:s25+$0xFFFFFFF0] =	vst v4;
	v1 =	vmul.f32 v6, v1  }
0x3a5: {  	s9 =	sshll.u32 s23, $0x8;
	[tilespmem:s25+$0x70] =	vst v2;
	v2 =	vmul.f32 v3, v8  }
0x3a6: {  	s9 =	sand.u32 $0x3FFFFF00, s9;
	[tilespmem:s25+$0xF0] =	vst v1  }
0x3a7: {  	s30 =	sadd.s32 $0x2, s22;
	s9 =	sadd.s32 $0x1000, s9;
	[tilespmem:s25+$0x170] =	vst v2  }
0x3a8: {  	[spmem:s3] =	stream.indirect.scatter.add.f32 [tilespmem:s7], [sflag:$0x5], $0x80, s9, s10, $0xb8;
	[tilespmem:$0x1F880] =	vst v63  }
0x3a9: {  	s9 =	smul.u32 $0x50, s30  }
0x3aa: {  	_ =	swait.ge [sflag:s19], $0x2800  }
0x3ab: {  	s17 =	sshll.u32 s30, $0x7;
	[sflag:s19] =	ssyncset.done $0x0;
	s9 =	sadd.s32 s6, s9  }
0x3ac: {  	s17 =	sand.u32 $0x3FFFFF80, s17;
	[sflag:s19] =	ssyncadd.s32 $0xFFFFD800;
	s9 =	sshll.u32 s9, $0x4  }
0x3ad: {  	[tilespmem:s7], [sflag:$0x1] =	stream.indirect.gather [hbm4b:s1+s10], $0x80, s17, s10, $0xb8;
	[tilespmem:$0x1F880] =	vst v63  }
0x3ae: {  	s9 =	sadd.s32 s15, s9  }
0x3af: {  	[tilespmem:s11], [sflag:$0x3] =	stream.linear.gather [hbm4b:s9+s5], $0x2800, $0x38;
	[tilespmem:$0x1F880] =	vst v63  }
0x3b0: {  	_ =	swait.ge [sflag:s20], $0x2800  }
0x3b1: {  	[sflag:s20] =	ssyncset.done $0x0  }
0x3b2: {  	[sflag:s20] =	ssyncadd.s32 $0xFFFFD800  }
0x3b3: {  	_ =	swait.ge [sflag:s21], $0x2800  }
0x3b4: {  	[sflag:s21] =	ssyncset.done $0x0  }
0x3b5: {  	s25 =	simm.s32 $0x4A00;
	[sflag:s21] =	ssyncadd.s32 $0xFFFFD800  }
0x3b6: {  	s26 =	simm.s32 $0x9A00;
	v1 =	vld [tilespmem:s25+$0x180]  }
0x3b7: {  	v2 =	vld [tilespmem:s26+$0x180]  }
0x3b8: {  	v3 =	vld [tilespmem:s26+$0xFFFFFE00]  }
0x3b9: {  	v4 =	vld [tilespmem:s25+$0xFFFFFE80]  }
0x3ba: {  	v5 =	vld [tilespmem:s26+$0xFFFFFE80]  }
0x3bb: {  	v6 =	vld [tilespmem:s25+$0xFFFFFF00]  }
0x3bc: {  	v7 =	vld [tilespmem:s26+$0xFFFFFF00]  }
0x3bd: {  	v8 =	vld [tilespmem:s26+$0xFFFFFF80]  }
0x3be: {  	v10 =	vld [tilespmem:s25+$0x0]  }
0x3bf: {  	v11 =	vld [tilespmem:s26+$0x0]  }
0x3c0: {  	v12 =	vld [tilespmem:s25+$0x80]  }
0x3c1: {  	v13 =	vld [tilespmem:s26+$0x80]  }
0x3c2: {  	v14 =	vld [tilespmem:s25+$0x100]  }
0x3c3: {  	v41 =	vld [tilespmem:s25+$0xFFFFFF10]  }
0x3c4: {  	v42 =	vld [tilespmem:s25+$0xFFFFFF90]  }
0x3c5: {  	v43 =	vld [tilespmem:s25+$0x10]  }
0x3c6: {  	v44 =	vld [tilespmem:s25+$0xFFFFFF20]  }
0x3c7: {  	v45 =	vld [tilespmem:s25+$0xFFFFFFA0]  }
0x3c8: {  	v46 =	vld [tilespmem:s25+$0x20]  }
0x3c9: {  	v15 =	vld [tilespmem:s25+$0xA0]  }
0x3ca: {  	v47 =	vld [tilespmem:s25+$0xFFFFFF30]  }
0x3cb: {  	v48 =	vld [tilespmem:s25+$0xFFFFFFB0]  }
0x3cc: {  	v49 =	vld [tilespmem:s25+$0x30]  }
0x3cd: {  	v51 =	vld [tilespmem:s25+$0xFFFFFFC0]  }
0x3ce: {  	v52 =	vld [tilespmem:s25+$0x40];
	v1 =	vmul.f32 v2, v1  }
0x3cf: {  	v53 =	vld [tilespmem:s25+$0xC0]  }
0x3d0: {  	[tilespmem:s25+$0x180] =	vst v1;
	v1 =	vld [tilespmem:s25+$0x190]  }
0x3d1: {  	v2 =	vld [tilespmem:s26+$0x190]  }
0x3d2: {  	v54 =	vld [tilespmem:s25+$0xFFFFFF50]  }
0x3d3: {  	v55 =	vld [tilespmem:s25+$0xFFFFFFD0]  }
0x3d4: {  	v56 =	vld [tilespmem:s25+$0xD0]  }
0x3d5: {  	v57 =	vld [tilespmem:s25+$0xFFFFFE60]  }
0x3d6: {  	v58 =	vld [tilespmem:s25+$0xFFFFFFE0];
	v1 =	vmul.f32 v2, v1  }
0x3d7: {  	v59 =	vld [tilespmem:s25+$0x60]  }
0x3d8: {  	[tilespmem:s25+$0x190] =	vst v1;
	v1 =	vld [tilespmem:s25+$0x1A0]  }
0x3d9: {  	v9 =	vld [tilespmem:s26+$0x1A0]  }
0x3da: {  	v4 =	vmul.f32 v5, v4;
	v5 =	vld [tilespmem:s25+$0xFFFFFE00]  }
0x3db: {  	v60 =	vld [tilespmem:s25+$0xE0]  }
0x3dc: {  	v2 =	vld [tilespmem:s25+$0xFFFFFF80]  }
0x3dd: {  	v61 =	vld [tilespmem:s25+$0xFFFFFE70]  }
0x3de: {  	v1 =	vmul.f32 v9, v1;
	v9 =	vld [tilespmem:s26+$0x100]  }
0x3df: {  	v63 =	vld [tilespmem:s25+$0xFFFFFEF0];
	[tilespmem:s25+$0xFFFFFE80] =	vst v4;
	v3 =	vmul.f32 v3, v5  }
0x3e0: {  	[tilespmem:s25+$0x1A0] =	vst v1;
	v1 =	vmul.f32 v7, v6;
	v6 =	vld [tilespmem:s25+$0x1B0]  }
0x3e1: {  	[tilespmem:s25+$0xFFFFFE00] =	vst v3;
	v2 =	vmul.f32 v8, v2;
	v4 =	vld [tilespmem:s26+$0x1B0]  }
0x3e2: {  	v7 =	vld [tilespmem:s26+$0xFFFFFE90];
	[tilespmem:s25+$0xFFFFFF00] =	vst v1;
	v1 =	vmul.f32 v11, v10  }
0x3e3: {  	[tilespmem:s25+$0xFFFFFF80] =	vst v2;
	v10 =	vld [tilespmem:s25+$0xFFFFFE10];
	v5 =	vmul.f32 v9, v14  }
0x3e4: {  	v2 =	vmul.f32 v13, v12;
	[tilespmem:s25+$0x0] =	vst v1;
	v1 =	vld [tilespmem:s26+$0xFFFFFF90]  }
0x3e5: {  	[tilespmem:s25+$0x100] =	vst v5;
	v5 =	vld [tilespmem:s26+$0xFFFFFE10]  }
0x3e6: {  	[tilespmem:s25+$0x80] =	vst v2;
	v2 =	vld [tilespmem:s26+$0x10];
	v4 =	vmul.f32 v4, v6  }
0x3e7: {  	v6 =	vld [tilespmem:s26+$0x110]  }
0x3e8: {  	[tilespmem:s25+$0x1B0] =	vst v4;
	v4 =	vld [tilespmem:s25+$0x1C0]  }
0x3e9: {  	v9 =	vld [tilespmem:s26+$0x1C0]  }
0x3ea: {  	v5 =	vmul.f32 v5, v10;
	v10 =	vld [tilespmem:s25+$0x110]  }
0x3eb: {  	v3 =	vld [tilespmem:s26+$0x90]  }
0x3ec: {  	v11 =	vld [tilespmem:s25+$0xFFFFFE90];
	v1 =	vmul.f32 v1, v42  }
0x3ed: {  	v8 =	vld [tilespmem:s26+$0xFFFFFF10];
	v2 =	vmul.f32 v2, v43  }
0x3ee: {  	[tilespmem:s25+$0xFFFFFF90] =	vst v1;
	v4 =	vmul.f32 v9, v4;
	v9 =	vld [tilespmem:s25+$0x90]  }
0x3ef: {  	[tilespmem:s25+$0x10] =	vst v2;
	v2 =	vmul.f32 v6, v10;
	v6 =	vld [tilespmem:s26+$0xFFFFFFA0]  }
0x3f0: {  	v10 =	vld [tilespmem:s25+$0xFFFFFE20]  }
0x3f1: {  	[tilespmem:s25+$0x1C0] =	vst v4;
	v4 =	vmul.f32 v7, v11;
	v7 =	vld [tilespmem:s25+$0x1D0]  }
0x3f2: {  	v11 =	vld [tilespmem:s25+$0xFFFFFEA0]  }
0x3f3: {  	[tilespmem:s25+$0xFFFFFE10] =	vst v5;
	v5 =	vmul.f32 v8, v41;
	v8 =	vld [tilespmem:s26+$0x1D0]  }
0x3f4: {  	[tilespmem:s25+$0xFFFFFE90] =	vst v4;
	v4 =	vld [tilespmem:s26+$0xFFFFFE20]  }
0x3f5: {  	[tilespmem:s25+$0xFFFFFF10] =	vst v5;
	v5 =	vld [tilespmem:s26+$0xFFFFFEA0];
	v1 =	vmul.f32 v3, v9  }
0x3f6: {  	v3 =	vld [tilespmem:s26+$0xFFFFFF20]  }
0x3f7: {  	v9 =	vld [tilespmem:s26+$0x20];
	[tilespmem:s25+$0x90] =	vst v1  }
0x3f8: {  	[tilespmem:s25+$0x110] =	vst v2;
	v1 =	vmul.f32 v8, v7;
	v7 =	vld [tilespmem:s26+$0xA0]  }
0x3f9: {  	v8 =	vld [tilespmem:s26+$0x120]  }
0x3fa: {  	[tilespmem:s25+$0x1D0] =	vst v1;
	v1 =	vld [tilespmem:s25+$0x1E0];
	v5 =	vmul.f32 v5, v11  }
0x3fb: {  	v3 =	vmul.f32 v3, v44;
	v2 =	vld [tilespmem:s26+$0x1E0]  }
0x3fc: {  	v11 =	vld [tilespmem:s25+$0xFFFFFEB0];
	[tilespmem:s25+$0xFFFFFEA0] =	vst v5;
	v5 =	vmul.f32 v6, v45  }
0x3fd: {  	[tilespmem:s25+$0xFFFFFF20] =	vst v3;
	v3 =	vmul.f32 v9, v46;
	v9 =	vld [tilespmem:s26+$0xFFFFFEB0]  }
0x3fe: {  	[tilespmem:s25+$0xFFFFFFA0] =	vst v5;
	v5 =	vmul.f32 v7, v15;
	v7 =	vld [tilespmem:s26+$0xFFFFFF30]  }
0x3ff: {  	[tilespmem:s25+$0x20] =	vst v3;
	v3 =	vld [tilespmem:s26+$0xFFFFFFB0]  }
0x400: {  	v1 =	vmul.f32 v2, v1;
	v2 =	vmul.f32 v4, v10;
	v4 =	vld [tilespmem:s25+$0x120]  }
0x401: {  	[tilespmem:s25+$0xA0] =	vst v5;
	v5 =	vld [tilespmem:s26+$0x30]  }
0x402: {  	[tilespmem:s25+$0x1E0] =	vst v1;
	v1 =	vld [tilespmem:s25+$0x1F0]  }
0x403: {  	v9 =	vmul.f32 v9, v11;
	v11 =	vld [tilespmem:s25+$0x130]  }
0x404: {  	[tilespmem:s25+$0xFFFFFE20] =	vst v2;
	v2 =	vld [tilespmem:s26+$0x1F0]  }
0x405: {  	v6 =	vld [tilespmem:s26+$0xFFFFFE30];
	v4 =	vmul.f32 v8, v4  }
0x406: {  	v8 =	vld [tilespmem:s26+$0xB0]  }
0x407: {  	v7 =	vmul.f32 v7, v47;
	[tilespmem:s25+$0x120] =	vst v4;
	v4 =	vld [tilespmem:s25+$0xFFFFFE30]  }
0x408: {  	[tilespmem:s25+$0xFFFFFEB0] =	vst v9;
	v10 =	vld [tilespmem:s26+$0x130]  }
0x409: {  	v9 =	vld [tilespmem:s26+$0xFFFFFEC0];
	[tilespmem:s25+$0xFFFFFF30] =	vst v7;
	v1 =	vmul.f32 v2, v1  }
0x40a: {  	v7 =	vld [tilespmem:s26+$0xFFFFFF40]  }
0x40b: {  	v5 =	vmul.f32 v5, v49;
	[tilespmem:s25+$0x1F0] =	vst v1;
	v1 =	vld [tilespmem:s25+$0xF0]  }
0x40c: {  	v4 =	vmul.f32 v6, v4;
	v6 =	vld [tilespmem:s25+$0xB0]  }
0x40d: {  	[tilespmem:s25+$0x30] =	vst v5;
	v5 =	vmul.f32 v10, v11;
	v11 =	vld [tilespmem:s25+$0xFFFFFF40]  }
0x40e: {  	[tilespmem:s25+$0xFFFFFE30] =	vst v4;
	v4 =	vld [tilespmem:s25+$0xFFFFFE40]  }
0x40f: {  	v50 =	vld [tilespmem:s26+$0xFFFFFE40]  }
0x410: {  	v3 =	vmul.f32 v3, v48;
	v10 =	vld [tilespmem:s25+$0xFFFFFEC0];
	[tilespmem:s25+$0x130] =	vst v5  }
0x411: {  	v5 =	vld [tilespmem:s26+$0x140]  }
0x412: {  	[tilespmem:s25+$0xFFFFFFB0] =	vst v3;
	v3 =	vmul.f32 v8, v6;
	v8 =	vld [tilespmem:s26+$0x40]  }
0x413: {  	v6 =	vld [tilespmem:s26+$0xFFFFFFC0];
	v7 =	vmul.f32 v7, v11  }
0x414: {  	v11 =	vld [tilespmem:s25+$0xFFFFFE50];
	[tilespmem:s25+$0xB0] =	vst v3;
	v4 =	vmul.f32 v50, v4  }
0x415: {  	v3 =	vld [tilespmem:s26+$0xC0];
	[tilespmem:s25+$0xFFFFFF40] =	vst v7  }
0x416: {  	[tilespmem:s25+$0xFFFFFE40] =	vst v4;
	v4 =	vmul.f32 v9, v10;
	v9 =	vld [tilespmem:s25+$0x140]  }
0x417: {  	v7 =	vmul.f32 v8, v52;
	v8 =	vld [tilespmem:s26+$0xFFFFFF50]  }
0x418: {  	v10 =	vld [tilespmem:s26+$0xFFFFFE50];
	[tilespmem:s25+$0xFFFFFEC0] =	vst v4;
	v4 =	vmul.f32 v6, v51  }
0x419: {  	[tilespmem:s25+$0x40] =	vst v7;
	v6 =	vld [tilespmem:s26+$0xFFFFFED0]  }
0x41a: {  	v3 =	vmul.f32 v3, v53;
	v7 =	vld [tilespmem:s26+$0x50];
	[tilespmem:s25+$0xFFFFFFC0] =	vst v4  }
0x41b: {  	v4 =	vld [tilespmem:s26+$0xFFFFFFD0]  }
0x41c: {  	v5 =	vmul.f32 v5, v9;
	[tilespmem:s25+$0xC0] =	vst v3;
	v9 =	vld [tilespmem:s25+$0xFFFFFED0]  }
0x41d: {  	v8 =	vmul.f32 v8, v54;
	v3 =	vld [tilespmem:s26+$0xD0]  }
0x41e: {  	v10 =	vmul.f32 v10, v11;
	v11 =	vld [tilespmem:s25+$0x50];
	[tilespmem:s25+$0x140] =	vst v5  }
0x41f: {  	[tilespmem:s25+$0xFFFFFF50] =	vst v8;
	v5 =	vld [tilespmem:s26+$0x150]  }
0x420: {  	[tilespmem:s25+$0xFFFFFE50] =	vst v10;
	v8 =	vld [tilespmem:s26+$0xFFFFFF60]  }
0x421: {  	v10 =	vld [tilespmem:s26+$0xFFFFFE60];
	v6 =	vmul.f32 v6, v9  }
0x422: {  	v9 =	vld [tilespmem:s25+$0x150];
	v4 =	vmul.f32 v4, v55  }
0x423: {  	v7 =	vmul.f32 v7, v11;
	v11 =	vld [tilespmem:s25+$0xFFFFFF60];
	[tilespmem:s25+$0xFFFFFED0] =	vst v6  }
0x424: {  	[tilespmem:s25+$0xFFFFFFD0] =	vst v4;
	v6 =	vld [tilespmem:s26+$0xFFFFFEE0]  }
0x425: {  	v3 =	vmul.f32 v3, v56;
	v4 =	vld [tilespmem:s26+$0xFFFFFFE0];
	[tilespmem:s25+$0x50] =	vst v7  }
0x426: {  	v7 =	vld [tilespmem:s26+$0x60]  }
0x427: {  	[tilespmem:s25+$0xD0] =	vst v3;
	v10 =	vmul.f32 v10, v57;
	v5 =	vmul.f32 v5, v9;
	v9 =	vld [tilespmem:s25+$0xFFFFFEE0]  }
0x428: {  	v3 =	vld [tilespmem:s26+$0xE0]  }
0x429: {  	[tilespmem:s25+$0xFFFFFE60] =	vst v10;
	v10 =	vld [tilespmem:s25+$0xFFFFFF70]  }
0x42a: {  	v8 =	vmul.f32 v8, v11;
	[tilespmem:s25+$0x150] =	vst v5;
	v11 =	vld [tilespmem:s26+$0xFFFFFE70];
	v4 =	vmul.f32 v4, v58  }
0x42b: {  	v5 =	vld [tilespmem:s26+$0x160]  }
0x42c: {  	v6 =	vmul.f32 v6, v9;
	v9 =	vld [tilespmem:s25+$0x160];
	[tilespmem:s25+$0xFFFFFFE0] =	vst v4  }
0x42d: {  	[tilespmem:s25+$0xFFFFFF60] =	vst v8;
	v3 =	vmul.f32 v3, v60;
	v4 =	vld [tilespmem:s26+$0xFFFFFFF0]  }
0x42e: {  	[tilespmem:s25+$0xFFFFFEE0] =	vst v6;
	v6 =	vmul.f32 v7, v59;
	v7 =	vld [tilespmem:s26+$0xFFFFFF70]  }
0x42f: {  	[tilespmem:s25+$0xE0] =	vst v3;
	v62 =	vld [tilespmem:s26+$0xFFFFFEF0]  }
0x430: {  	[tilespmem:s25+$0x60] =	vst v6;
	v6 =	vld [tilespmem:s26+$0xF0]  }
0x431: {  	v8 =	vmul.f32 v5, v9;
	v5 =	vld [tilespmem:s26+$0x70]  }
0x432: {  	v2 =	vmul.f32 v11, v61;
	v9 =	vld [tilespmem:s25+$0xFFFFFFF0]  }
0x433: {  	[tilespmem:s25+$0x160] =	vst v8;
	v8 =	vld [tilespmem:s25+$0x70]  }
0x434: {  	[tilespmem:s25+$0xFFFFFE70] =	vst v2;
	v2 =	vld [tilespmem:s25+$0x170]  }
0x435: {  	s22 =	simm.s32 $0x0;
	s17 =	simm.s32 $0x4E00;
	v3 =	vld [tilespmem:s26+$0x170];
	v11 =	vmul.f32 v62, v63  }
.LBB2_11:
0x436: {  	v12 =	vld [tilespmem:s17+$0x180];
	v7 =	vmul.f32 v7, v10;
	s26 =	sadd.s32 $0x400, s26  }
0x437: {  	s22 =	sadd.s32 $0x8, s22;
	v10 =	vld [tilespmem:s26+$0x180];
	[tilespmem:s25+$0xFFFFFEF0] =	vst v11;
	v4 =	vmul.f32 v4, v9  }
0x438: {  	p1 =	slt.u32 s22, $0x48;
	v9 =	vld [tilespmem:s26+$0xFFFFFE00];
	[tilespmem:s25+$0xFFFFFF70] =	vst v7;
	v5 =	vmul.f32 v5, v8  }
0x439: {  	v7 =	vld [tilespmem:s17+$0xFFFFFE80];
	[tilespmem:s25+$0xFFFFFFF0] =	vst v4;
	v1 =	vmul.f32 v6, v1  }
0x43a: {  	v4 =	vld [tilespmem:s26+$0xFFFFFE80];
	[tilespmem:s25+$0x70] =	vst v5;
	v2 =	vmul.f32 v3, v2  }
0x43b: {  	v3 =	vld [tilespmem:s17+$0xFFFFFF00];
	[tilespmem:s25+$0xF0] =	vst v1  }
0x43c: {  	v1 =	vld [tilespmem:s26+$0xFFFFFF00];
	v5 =	vmul.f32 v10, v12;
	[tilespmem:s25+$0x170] =	vst v2;
	s25 =	smov.u32 s17  }
0x43d: {  	v2 =	vld [tilespmem:s17+$0xFFFFFF80]  }
0x43e: {  	[tilespmem:s17+$0x180] =	vst v5;
	v5 =	vld [tilespmem:s17+$0x190]  }
0x43f: {  	v4 =	vmul.f32 v4, v7;
	v6 =	vld [tilespmem:s26+$0x190]  }
0x440: {  	v7 =	vld [tilespmem:s26+$0xFFFFFF80]  }
0x441: {  	[tilespmem:s17+$0xFFFFFE80] =	vst v4;
	v1 =	vmul.f32 v1, v3;
	v3 =	vld [tilespmem:s17+$0x0]  }
0x442: {  	v4 =	vld [tilespmem:s26+$0x0]  }
0x443: {  	[tilespmem:s17+$0xFFFFFF00] =	vst v1;
	v1 =	vld [tilespmem:s17+$0x80]  }
0x444: {  	v8 =	vld [tilespmem:s26+$0x80];
	v5 =	vmul.f32 v6, v5  }
0x445: {  	v2 =	vmul.f32 v7, v2;
	v6 =	vld [tilespmem:s17+$0x100]  }
0x446: {  	[tilespmem:s17+$0x190] =	vst v5;
	v5 =	vld [tilespmem:s17+$0x1A0]  }
0x447: {  	[tilespmem:s17+$0xFFFFFF80] =	vst v2;
	v2 =	vmul.f32 v4, v3;
	v3 =	vld [tilespmem:s26+$0x1A0]  }
0x448: {  	v4 =	vld [tilespmem:s26+$0x100]  }
0x449: {  	v7 =	vld [tilespmem:s17+$0xFFFFFE00];
	[tilespmem:s17+$0x0] =	vst v2;
	v1 =	vmul.f32 v8, v1  }
0x44a: {  	v2 =	vld [tilespmem:s26+$0xFFFFFE90]  }
0x44b: {  	v8 =	vld [tilespmem:s26+$0xFFFFFF10];
	[tilespmem:s17+$0x80] =	vst v1  }
0x44c: {  	v1 =	vld [tilespmem:s26+$0xFFFFFF90];
	v3 =	vmul.f32 v3, v5  }
0x44d: {  	v5 =	vld [tilespmem:s26+$0x10];
	v4 =	vmul.f32 v4, v6  }
0x44e: {  	v6 =	vmul.f32 v9, v7;
	[tilespmem:s17+$0x1A0] =	vst v3;
	v3 =	vld [tilespmem:s17+$0x1B0]  }
0x44f: {  	[tilespmem:s17+$0x100] =	vst v4;
	v4 =	vld [tilespmem:s26+$0x1B0]  }
0x450: {  	[tilespmem:s17+$0xFFFFFE00] =	vst v6;
	v6 =	vld [tilespmem:s26+$0x90]  }
0x451: {  	v7 =	vld [tilespmem:s26+$0xFFFFFE10]  }
0x452: {  	v9 =	vld [tilespmem:s26+$0x110]  }
0x453: {  	v10 =	vld [tilespmem:s17+$0xFFFFFE10]  }
0x454: {  	v11 =	vld [tilespmem:s17+$0xFFFFFE90];
	v3 =	vmul.f32 v4, v3  }
0x455: {  	v4 =	vld [tilespmem:s17+$0xFFFFFF10]  }
0x456: {  	[tilespmem:s17+$0x1B0] =	vst v3;
	v3 =	vld [tilespmem:s17+$0x1C0]  }
0x457: {  	v12 =	vld [tilespmem:s26+$0x1C0]  }
0x458: {  	v7 =	vmul.f32 v7, v10;
	v10 =	vld [tilespmem:s17+$0xFFFFFF90]  }
0x459: {  	v2 =	vmul.f32 v2, v11;
	v11 =	vld [tilespmem:s17+$0x10]  }
0x45a: {  	[tilespmem:s17+$0xFFFFFE10] =	vst v7;
	v4 =	vmul.f32 v8, v4;
	v7 =	vld [tilespmem:s17+$0x90]  }
0x45b: {  	[tilespmem:s17+$0xFFFFFE90] =	vst v2;
	v2 =	vld [tilespmem:s17+$0x110]  }
0x45c: {  	v8 =	vld [tilespmem:s26+$0xFFFFFE20];
	[tilespmem:s17+$0xFFFFFF10] =	vst v4;
	v3 =	vmul.f32 v12, v3  }
0x45d: {  	v4 =	vld [tilespmem:s26+$0xFFFFFEA0];
	v1 =	vmul.f32 v1, v10  }
0x45e: {  	v5 =	vmul.f32 v5, v11;
	[tilespmem:s17+$0x1C0] =	vst v3;
	v3 =	vld [tilespmem:s17+$0x1D0]  }
0x45f: {  	[tilespmem:s17+$0xFFFFFF90] =	vst v1;
	v1 =	vmul.f32 v6, v7;
	v6 =	vld [tilespmem:s26+$0x1D0]  }
0x460: {  	v7 =	vld [tilespmem:s26+$0xFFFFFF20];
	[tilespmem:s17+$0x10] =	vst v5;
	v2 =	vmul.f32 v9, v2  }
0x461: {  	v5 =	vld [tilespmem:s26+$0xFFFFFFA0];
	[tilespmem:s17+$0x90] =	vst v1  }
0x462: {  	v1 =	vld [tilespmem:s26+$0x20];
	[tilespmem:s17+$0x110] =	vst v2  }
0x463: {  	v2 =	vld [tilespmem:s26+$0xA0]  }
0x464: {  	v9 =	vld [tilespmem:s26+$0x120];
	v3 =	vmul.f32 v6, v3  }
0x465: {  	v6 =	vld [tilespmem:s17+$0xFFFFFE20]  }
0x466: {  	[tilespmem:s17+$0x1D0] =	vst v3;
	v3 =	vld [tilespmem:s17+$0x1E0]  }
0x467: {  	v10 =	vld [tilespmem:s26+$0x1E0]  }
0x468: {  	v11 =	vld [tilespmem:s17+$0xFFFFFEA0]  }
0x469: {  	v12 =	vld [tilespmem:s17+$0xFFFFFF20]  }
0x46a: {  	v6 =	vmul.f32 v8, v6;
	v8 =	vld [tilespmem:s17+$0xFFFFFFA0]  }
0x46b: {  	v13 =	vld [tilespmem:s17+$0x20]  }
0x46c: {  	[tilespmem:s17+$0xFFFFFE20] =	vst v6;
	v6 =	vld [tilespmem:s17+$0xA0];
	v3 =	vmul.f32 v10, v3  }
0x46d: {  	v4 =	vmul.f32 v4, v11;
	v10 =	vld [tilespmem:s17+$0x120]  }
0x46e: {  	v7 =	vmul.f32 v7, v12;
	[tilespmem:s17+$0x1E0] =	vst v3;
	v3 =	vld [tilespmem:s17+$0x1F0]  }
0x46f: {  	[tilespmem:s17+$0xFFFFFEA0] =	vst v4;
	v4 =	vmul.f32 v5, v8;
	v5 =	vld [tilespmem:s26+$0x1F0]  }
0x470: {  	v8 =	vld [tilespmem:s26+$0xFFFFFE30];
	[tilespmem:s17+$0xFFFFFF20] =	vst v7;
	v1 =	vmul.f32 v1, v13  }
0x471: {  	v7 =	vld [tilespmem:s26+$0xFFFFFEB0];
	[tilespmem:s17+$0xFFFFFFA0] =	vst v4;
	v2 =	vmul.f32 v2, v6  }
0x472: {  	v4 =	vld [tilespmem:s26+$0xFFFFFF30];
	[tilespmem:s17+$0x20] =	vst v1;
	v1 =	vmul.f32 v9, v10  }
0x473: {  	v6 =	vld [tilespmem:s26+$0xFFFFFFB0];
	[tilespmem:s17+$0xA0] =	vst v2  }
0x474: {  	v2 =	vld [tilespmem:s26+$0x30];
	[tilespmem:s17+$0x120] =	vst v1;
	v1 =	vmul.f32 v5, v3  }
0x475: {  	v3 =	vld [tilespmem:s26+$0xB0]  }
0x476: {  	v5 =	vld [tilespmem:s26+$0x130];
	[tilespmem:s17+$0x1F0] =	vst v1  }
0x477: {  	v1 =	vld [tilespmem:s17+$0xFFFFFE30]  }
0x478: {  	v9 =	vld [tilespmem:s17+$0xFFFFFEB0]  }
0x479: {  	v10 =	vld [tilespmem:s17+$0xFFFFFF30]  }
0x47a: {  	v11 =	vld [tilespmem:s17+$0xFFFFFFB0]  }
0x47b: {  	v12 =	vld [tilespmem:s17+$0x30]  }
0x47c: {  	v1 =	vmul.f32 v8, v1;
	v8 =	vld [tilespmem:s17+$0xB0]  }
0x47d: {  	v7 =	vmul.f32 v7, v9;
	v9 =	vld [tilespmem:s17+$0x130]  }
0x47e: {  	[tilespmem:s17+$0xFFFFFE30] =	vst v1;
	v1 =	vld [tilespmem:s17+$0xFFFFFE40];
	v4 =	vmul.f32 v4, v10  }
0x47f: {  	v10 =	vld [tilespmem:s26+$0xFFFFFE40];
	[tilespmem:s17+$0xFFFFFEB0] =	vst v7;
	v6 =	vmul.f32 v6, v11  }
0x480: {  	v7 =	vld [tilespmem:s26+$0xFFFFFEC0];
	[tilespmem:s17+$0xFFFFFF30] =	vst v4;
	v2 =	vmul.f32 v2, v12  }
0x481: {  	v4 =	vld [tilespmem:s26+$0xFFFFFF40];
	[tilespmem:s17+$0xFFFFFFB0] =	vst v6;
	v3 =	vmul.f32 v3, v8  }
0x482: {  	v6 =	vld [tilespmem:s26+$0xFFFFFFC0];
	[tilespmem:s17+$0x30] =	vst v2;
	v2 =	vmul.f32 v5, v9  }
0x483: {  	v5 =	vld [tilespmem:s26+$0x40];
	[tilespmem:s17+$0xB0] =	vst v3  }
0x484: {  	v1 =	vmul.f32 v10, v1;
	v3 =	vld [tilespmem:s26+$0xC0];
	[tilespmem:s17+$0x130] =	vst v2  }
0x485: {  	v2 =	vld [tilespmem:s26+$0x140]  }
0x486: {  	[tilespmem:s17+$0xFFFFFE40] =	vst v1;
	v1 =	vld [tilespmem:s17+$0xFFFFFEC0]  }
0x487: {  	v8 =	vld [tilespmem:s17+$0xFFFFFF40]  }
0x488: {  	v9 =	vld [tilespmem:s17+$0xFFFFFFC0]  }
0x489: {  	v10 =	vld [tilespmem:s17+$0x40]  }
0x48a: {  	v11 =	vld [tilespmem:s17+$0xC0]  }
0x48b: {  	v1 =	vmul.f32 v7, v1;
	v7 =	vld [tilespmem:s17+$0x140]  }
0x48c: {  	v12 =	vld [tilespmem:s26+$0xFFFFFE50];
	v4 =	vmul.f32 v4, v8  }
0x48d: {  	v8 =	vld [tilespmem:s17+$0xFFFFFE50];
	[tilespmem:s17+$0xFFFFFEC0] =	vst v1;
	v1 =	vmul.f32 v6, v9  }
0x48e: {  	v6 =	vld [tilespmem:s26+$0xFFFFFED0];
	[tilespmem:s17+$0xFFFFFF40] =	vst v4;
	v4 =	vmul.f32 v5, v10  }
0x48f: {  	v5 =	vld [tilespmem:s26+$0xFFFFFF50];
	[tilespmem:s17+$0xFFFFFFC0] =	vst v1;
	v1 =	vmul.f32 v3, v11  }
0x490: {  	v3 =	vld [tilespmem:s26+$0xFFFFFFD0];
	[tilespmem:s17+$0x40] =	vst v4;
	v2 =	vmul.f32 v2, v7  }
0x491: {  	v4 =	vld [tilespmem:s26+$0x50];
	[tilespmem:s17+$0xC0] =	vst v1  }
0x492: {  	v1 =	vmul.f32 v12, v8;
	v7 =	vld [tilespmem:s26+$0xD0];
	[tilespmem:s17+$0x140] =	vst v2  }
0x493: {  	v2 =	vld [tilespmem:s26+$0x150]  }
0x494: {  	[tilespmem:s17+$0xFFFFFE50] =	vst v1;
	v1 =	vld [tilespmem:s17+$0xFFFFFED0]  }
0x495: {  	v8 =	vld [tilespmem:s17+$0xFFFFFF50]  }
0x496: {  	v9 =	vld [tilespmem:s17+$0xFFFFFFD0]  }
0x497: {  	v10 =	vld [tilespmem:s17+$0x50]  }
0x498: {  	v11 =	vld [tilespmem:s17+$0xD0]  }
0x499: {  	v1 =	vmul.f32 v6, v1;
	v6 =	vld [tilespmem:s17+$0x150]  }
0x49a: {  	v12 =	vld [tilespmem:s26+$0xFFFFFE60];
	v5 =	vmul.f32 v5, v8  }
0x49b: {  	v8 =	vld [tilespmem:s17+$0xFFFFFE60];
	[tilespmem:s17+$0xFFFFFED0] =	vst v1;
	v1 =	vmul.f32 v3, v9  }
0x49c: {  	v3 =	vld [tilespmem:s26+$0xFFFFFEE0];
	[tilespmem:s17+$0xFFFFFF50] =	vst v5;
	v4 =	vmul.f32 v4, v10  }
0x49d: {  	v5 =	vld [tilespmem:s26+$0xFFFFFF60];
	[tilespmem:s17+$0xFFFFFFD0] =	vst v1;
	v1 =	vmul.f32 v7, v11  }
0x49e: {  	v7 =	vld [tilespmem:s26+$0xFFFFFFE0];
	[tilespmem:s17+$0x50] =	vst v4;
	v2 =	vmul.f32 v2, v6  }
0x49f: {  	v4 =	vld [tilespmem:s26+$0x60];
	[tilespmem:s17+$0xD0] =	vst v1  }
0x4a0: {  	v1 =	vmul.f32 v12, v8;
	v6 =	vld [tilespmem:s26+$0xE0];
	[tilespmem:s17+$0x150] =	vst v2  }
0x4a1: {  	v2 =	vld [tilespmem:s26+$0x160]  }
0x4a2: {  	[tilespmem:s17+$0xFFFFFE60] =	vst v1;
	v1 =	vld [tilespmem:s17+$0xFFFFFEE0]  }
0x4a3: {  	v8 =	vld [tilespmem:s17+$0xFFFFFF60]  }
0x4a4: {  	v9 =	vld [tilespmem:s17+$0xFFFFFFE0]  }
0x4a5: {  	v10 =	vld [tilespmem:s17+$0x60]  }
0x4a6: {  	v11 =	vld [tilespmem:s17+$0xE0]  }
0x4a7: {  	v1 =	vmul.f32 v3, v1;
	v3 =	vld [tilespmem:s17+$0x160]  }
0x4a8: {  	v12 =	vld [tilespmem:s26+$0xFFFFFE70];
	v5 =	vmul.f32 v5, v8  }
0x4a9: {  	v8 =	vld [tilespmem:s17+$0xFFFFFE70];
	[tilespmem:s17+$0xFFFFFEE0] =	vst v1;
	v1 =	vmul.f32 v7, v9  }
0x4aa: {  	v13 =	vld [tilespmem:s26+$0xFFFFFEF0];
	[tilespmem:s17+$0xFFFFFF60] =	vst v5;
	v5 =	vmul.f32 v4, v10  }
0x4ab: {  	v7 =	vld [tilespmem:s26+$0xFFFFFF70];
	[tilespmem:s17+$0xFFFFFFE0] =	vst v1;
	v1 =	vmul.f32 v6, v11  }
0x4ac: {  	v4 =	vld [tilespmem:s26+$0xFFFFFFF0];
	[tilespmem:s17+$0x60] =	vst v5;
	v2 =	vmul.f32 v2, v3  }
0x4ad: {  	v5 =	vld [tilespmem:s26+$0x70];
	[tilespmem:s17+$0xE0] =	vst v1  }
0x4ae: {  	v1 =	vmul.f32 v12, v8;
	v6 =	vld [tilespmem:s26+$0xF0];
	[tilespmem:s17+$0x160] =	vst v2  }
0x4af: {  	v3 =	vld [tilespmem:s26+$0x170]  }
0x4b0: {  	[tilespmem:s17+$0xFFFFFE70] =	vst v1;
	v2 =	vld [tilespmem:s17+$0xFFFFFEF0]  }
.Ltmp4:
0x4b1: {  	v10 =	vld [tilespmem:s17+$0xFFFFFF70];
	(pc) =	sbr.rel @p1 .LBB2_11-.Ltmp4, $4  }
0x4b2: {  	v9 =	vld [tilespmem:s17+$0xFFFFFFF0]  }
0x4b3: {  	v8 =	vld [tilespmem:s17+$0x70]  }
0x4b4: {  	v1 =	vld [tilespmem:s17+$0xF0]  }
0x4b5: {  	s17 =	sadd.s32 $0x400, s17;
	v11 =	vmul.f32 v13, v2;
	v2 =	vld [tilespmem:s25+$0x170]  }
0x4b6: {  	v7 =	vmul.f32 v7, v10  }
0x4b7: {  	s23 =	sadd.s32 $0x1, s23;
	[tilespmem:s25+$0xFFFFFEF0] =	vst v11;
	v4 =	vmul.f32 v4, v9  }
0x4b8: {  	p1 =	sne.s32 s23, $0xC;
	[tilespmem:s25+$0xFFFFFF70] =	vst v7;
	v5 =	vmul.f32 v5, v8  }
.Ltmp5:
0x4b9: {  	[tilespmem:s25+$0xFFFFFFF0] =	vst v4;
	v1 =	vmul.f32 v6, v1;
	(pc) =	sbr.rel @p1 .LBB2_8-.Ltmp5, $4  }
0x4ba: {  	[tilespmem:s25+$0x70] =	vst v5;
	v2 =	vmul.f32 v3, v2  }
0x4bb: {  	[tilespmem:s25+$0xF0] =	vst v1  }
0x4bc: {  	s9 =	sadd.s32 $0x1000, s24;
	[tilespmem:s25+$0x170] =	vst v2  }
0x4bd: {  	[spmem:s3] =	stream.indirect.scatter.add.f32 [tilespmem:s12], [sflag:$0x6], $0x80, s9, s10, $0xb8;
	[tilespmem:$0x1F880] =	vst v63  }
0x4be: {  	_ =	swait.ge [sflag:s14], $0x2800  }
0x4bf: {  	[sflag:s14] =	ssyncset.done $0x0  }
0x4c0: {  	[sflag:s14] =	ssyncadd.s32 $0xFFFFD800  }
0x4c1: {  	_ =	swait.ge [sflag:s18], $0x2800  }
0x4c2: {  	[sflag:s18] =	ssyncset.done $0x0  }
0x4c3: {  	s23 =	simm.s32 $0x2200;
	[sflag:s18] =	ssyncadd.s32 $0xFFFFD800  }
0x4c4: {  	s24 =	simm.s32 $0x7200;
	v1 =	vld [tilespmem:s23+$0x180]  }
0x4c5: {  	v2 =	vld [tilespmem:s24+$0x180]  }
0x4c6: {  	v3 =	vld [tilespmem:s24+$0xFFFFFE00]  }
0x4c7: {  	v4 =	vld [tilespmem:s23+$0xFFFFFE80]  }
0x4c8: {  	v5 =	vld [tilespmem:s24+$0xFFFFFE80]  }
0x4c9: {  	v6 =	vld [tilespmem:s23+$0xFFFFFF00]  }
0x4ca: {  	v7 =	vld [tilespmem:s24+$0xFFFFFF00]  }
0x4cb: {  	v8 =	vld [tilespmem:s24+$0xFFFFFF80]  }
0x4cc: {  	v10 =	vld [tilespmem:s23+$0x0]  }
0x4cd: {  	v11 =	vld [tilespmem:s24+$0x0]  }
0x4ce: {  	v12 =	vld [tilespmem:s23+$0x80]  }
0x4cf: {  	v13 =	vld [tilespmem:s24+$0x80]  }
0x4d0: {  	v14 =	vld [tilespmem:s23+$0x100]  }
0x4d1: {  	v41 =	vld [tilespmem:s23+$0xFFFFFF10]  }
0x4d2: {  	v42 =	vld [tilespmem:s23+$0xFFFFFF90]  }
0x4d3: {  	v43 =	vld [tilespmem:s23+$0x10]  }
0x4d4: {  	v44 =	vld [tilespmem:s23+$0xFFFFFF20]  }
0x4d5: {  	v45 =	vld [tilespmem:s23+$0xFFFFFFA0]  }
0x4d6: {  	v46 =	vld [tilespmem:s23+$0x20]  }
0x4d7: {  	v15 =	vld [tilespmem:s23+$0xA0]  }
0x4d8: {  	v47 =	vld [tilespmem:s23+$0xFFFFFF30]  }
0x4d9: {  	v48 =	vld [tilespmem:s23+$0xFFFFFFB0]  }
0x4da: {  	v49 =	vld [tilespmem:s23+$0x30]  }
0x4db: {  	v51 =	vld [tilespmem:s23+$0xFFFFFFC0]  }
0x4dc: {  	v52 =	vld [tilespmem:s23+$0x40];
	v1 =	vmul.f32 v2, v1  }
0x4dd: {  	v53 =	vld [tilespmem:s23+$0xC0]  }
0x4de: {  	[tilespmem:s23+$0x180] =	vst v1;
	v1 =	vld [tilespmem:s23+$0x190]  }
0x4df: {  	v2 =	vld [tilespmem:s24+$0x190]  }
0x4e0: {  	v54 =	vld [tilespmem:s23+$0xFFFFFF50]  }
0x4e1: {  	v55 =	vld [tilespmem:s23+$0xFFFFFFD0]  }
0x4e2: {  	v56 =	vld [tilespmem:s23+$0xD0]  }
0x4e3: {  	v57 =	vld [tilespmem:s23+$0xFFFFFE60]  }
0x4e4: {  	v58 =	vld [tilespmem:s23+$0xFFFFFFE0];
	v1 =	vmul.f32 v2, v1  }
0x4e5: {  	v59 =	vld [tilespmem:s23+$0x60]  }
0x4e6: {  	[tilespmem:s23+$0x190] =	vst v1;
	v1 =	vld [tilespmem:s23+$0x1A0]  }
0x4e7: {  	v9 =	vld [tilespmem:s24+$0x1A0]  }
0x4e8: {  	v4 =	vmul.f32 v5, v4;
	v5 =	vld [tilespmem:s23+$0xFFFFFE00]  }
0x4e9: {  	v60 =	vld [tilespmem:s23+$0xE0]  }
0x4ea: {  	v2 =	vld [tilespmem:s23+$0xFFFFFF80]  }
0x4eb: {  	v61 =	vld [tilespmem:s23+$0xFFFFFE70]  }
0x4ec: {  	v1 =	vmul.f32 v9, v1;
	v9 =	vld [tilespmem:s24+$0x100]  }
0x4ed: {  	v63 =	vld [tilespmem:s23+$0xFFFFFEF0];
	[tilespmem:s23+$0xFFFFFE80] =	vst v4;
	v3 =	vmul.f32 v3, v5  }
0x4ee: {  	[tilespmem:s23+$0x1A0] =	vst v1;
	v1 =	vmul.f32 v7, v6;
	v6 =	vld [tilespmem:s23+$0x1B0]  }
0x4ef: {  	[tilespmem:s23+$0xFFFFFE00] =	vst v3;
	v2 =	vmul.f32 v8, v2;
	v4 =	vld [tilespmem:s24+$0x1B0]  }
0x4f0: {  	v7 =	vld [tilespmem:s24+$0xFFFFFE90];
	[tilespmem:s23+$0xFFFFFF00] =	vst v1;
	v1 =	vmul.f32 v11, v10  }
0x4f1: {  	[tilespmem:s23+$0xFFFFFF80] =	vst v2;
	v10 =	vld [tilespmem:s23+$0xFFFFFE10];
	v5 =	vmul.f32 v9, v14  }
0x4f2: {  	v2 =	vmul.f32 v13, v12;
	[tilespmem:s23+$0x0] =	vst v1;
	v1 =	vld [tilespmem:s24+$0xFFFFFF90]  }
0x4f3: {  	[tilespmem:s23+$0x100] =	vst v5;
	v5 =	vld [tilespmem:s24+$0xFFFFFE10]  }
0x4f4: {  	[tilespmem:s23+$0x80] =	vst v2;
	v2 =	vld [tilespmem:s24+$0x10];
	v4 =	vmul.f32 v4, v6  }
0x4f5: {  	v6 =	vld [tilespmem:s24+$0x110]  }
0x4f6: {  	[tilespmem:s23+$0x1B0] =	vst v4;
	v4 =	vld [tilespmem:s23+$0x1C0]  }
0x4f7: {  	v9 =	vld [tilespmem:s24+$0x1C0]  }
0x4f8: {  	v5 =	vmul.f32 v5, v10;
	v10 =	vld [tilespmem:s23+$0x110]  }
0x4f9: {  	v3 =	vld [tilespmem:s24+$0x90]  }
0x4fa: {  	v11 =	vld [tilespmem:s23+$0xFFFFFE90];
	v1 =	vmul.f32 v1, v42  }
0x4fb: {  	v8 =	vld [tilespmem:s24+$0xFFFFFF10];
	v2 =	vmul.f32 v2, v43  }
0x4fc: {  	[tilespmem:s23+$0xFFFFFF90] =	vst v1;
	v4 =	vmul.f32 v9, v4;
	v9 =	vld [tilespmem:s23+$0x90]  }
0x4fd: {  	[tilespmem:s23+$0x10] =	vst v2;
	v2 =	vmul.f32 v6, v10;
	v6 =	vld [tilespmem:s24+$0xFFFFFFA0]  }
0x4fe: {  	v10 =	vld [tilespmem:s23+$0xFFFFFE20]  }
0x4ff: {  	[tilespmem:s23+$0x1C0] =	vst v4;
	v4 =	vmul.f32 v7, v11;
	v7 =	vld [tilespmem:s23+$0x1D0]  }
0x500: {  	v11 =	vld [tilespmem:s23+$0xFFFFFEA0]  }
0x501: {  	[tilespmem:s23+$0xFFFFFE10] =	vst v5;
	v5 =	vmul.f32 v8, v41;
	v8 =	vld [tilespmem:s24+$0x1D0]  }
0x502: {  	[tilespmem:s23+$0xFFFFFE90] =	vst v4;
	v4 =	vld [tilespmem:s24+$0xFFFFFE20]  }
0x503: {  	[tilespmem:s23+$0xFFFFFF10] =	vst v5;
	v5 =	vld [tilespmem:s24+$0xFFFFFEA0];
	v1 =	vmul.f32 v3, v9  }
0x504: {  	v3 =	vld [tilespmem:s24+$0xFFFFFF20]  }
0x505: {  	v9 =	vld [tilespmem:s24+$0x20];
	[tilespmem:s23+$0x90] =	vst v1  }
0x506: {  	[tilespmem:s23+$0x110] =	vst v2;
	v1 =	vmul.f32 v8, v7;
	v7 =	vld [tilespmem:s24+$0xA0]  }
0x507: {  	v8 =	vld [tilespmem:s24+$0x120]  }
0x508: {  	[tilespmem:s23+$0x1D0] =	vst v1;
	v1 =	vld [tilespmem:s23+$0x1E0];
	v5 =	vmul.f32 v5, v11  }
0x509: {  	v3 =	vmul.f32 v3, v44;
	v2 =	vld [tilespmem:s24+$0x1E0]  }
0x50a: {  	v11 =	vld [tilespmem:s23+$0xFFFFFEB0];
	[tilespmem:s23+$0xFFFFFEA0] =	vst v5;
	v5 =	vmul.f32 v6, v45  }
0x50b: {  	[tilespmem:s23+$0xFFFFFF20] =	vst v3;
	v3 =	vmul.f32 v9, v46;
	v9 =	vld [tilespmem:s24+$0xFFFFFEB0]  }
0x50c: {  	[tilespmem:s23+$0xFFFFFFA0] =	vst v5;
	v5 =	vmul.f32 v7, v15;
	v7 =	vld [tilespmem:s24+$0xFFFFFF30]  }
0x50d: {  	[tilespmem:s23+$0x20] =	vst v3;
	v3 =	vld [tilespmem:s24+$0xFFFFFFB0]  }
0x50e: {  	v1 =	vmul.f32 v2, v1;
	v2 =	vmul.f32 v4, v10;
	v4 =	vld [tilespmem:s23+$0x120]  }
0x50f: {  	[tilespmem:s23+$0xA0] =	vst v5;
	v5 =	vld [tilespmem:s24+$0x30]  }
0x510: {  	[tilespmem:s23+$0x1E0] =	vst v1;
	v1 =	vld [tilespmem:s23+$0x1F0]  }
0x511: {  	v9 =	vmul.f32 v9, v11;
	v11 =	vld [tilespmem:s23+$0x130]  }
0x512: {  	[tilespmem:s23+$0xFFFFFE20] =	vst v2;
	v2 =	vld [tilespmem:s24+$0x1F0]  }
0x513: {  	v6 =	vld [tilespmem:s24+$0xFFFFFE30];
	v4 =	vmul.f32 v8, v4  }
0x514: {  	v8 =	vld [tilespmem:s24+$0xB0]  }
0x515: {  	v7 =	vmul.f32 v7, v47;
	[tilespmem:s23+$0x120] =	vst v4;
	v4 =	vld [tilespmem:s23+$0xFFFFFE30]  }
0x516: {  	[tilespmem:s23+$0xFFFFFEB0] =	vst v9;
	v10 =	vld [tilespmem:s24+$0x130]  }
0x517: {  	v9 =	vld [tilespmem:s24+$0xFFFFFEC0];
	[tilespmem:s23+$0xFFFFFF30] =	vst v7;
	v1 =	vmul.f32 v2, v1  }
0x518: {  	v7 =	vld [tilespmem:s24+$0xFFFFFF40]  }
0x519: {  	v5 =	vmul.f32 v5, v49;
	[tilespmem:s23+$0x1F0] =	vst v1;
	v1 =	vld [tilespmem:s23+$0xF0]  }
0x51a: {  	v4 =	vmul.f32 v6, v4;
	v6 =	vld [tilespmem:s23+$0xB0]  }
0x51b: {  	[tilespmem:s23+$0x30] =	vst v5;
	v5 =	vmul.f32 v10, v11;
	v11 =	vld [tilespmem:s23+$0xFFFFFF40]  }
0x51c: {  	[tilespmem:s23+$0xFFFFFE30] =	vst v4;
	v4 =	vld [tilespmem:s23+$0xFFFFFE40]  }
0x51d: {  	v50 =	vld [tilespmem:s24+$0xFFFFFE40]  }
0x51e: {  	v3 =	vmul.f32 v3, v48;
	v10 =	vld [tilespmem:s23+$0xFFFFFEC0];
	[tilespmem:s23+$0x130] =	vst v5  }
0x51f: {  	v5 =	vld [tilespmem:s24+$0x140]  }
0x520: {  	[tilespmem:s23+$0xFFFFFFB0] =	vst v3;
	v3 =	vmul.f32 v8, v6;
	v8 =	vld [tilespmem:s24+$0x40]  }
0x521: {  	v6 =	vld [tilespmem:s24+$0xFFFFFFC0];
	v7 =	vmul.f32 v7, v11  }
0x522: {  	v11 =	vld [tilespmem:s23+$0xFFFFFE50];
	[tilespmem:s23+$0xB0] =	vst v3;
	v4 =	vmul.f32 v50, v4  }
0x523: {  	v3 =	vld [tilespmem:s24+$0xC0];
	[tilespmem:s23+$0xFFFFFF40] =	vst v7  }
0x524: {  	[tilespmem:s23+$0xFFFFFE40] =	vst v4;
	v4 =	vmul.f32 v9, v10;
	v9 =	vld [tilespmem:s23+$0x140]  }
0x525: {  	v7 =	vmul.f32 v8, v52;
	v8 =	vld [tilespmem:s24+$0xFFFFFF50]  }
0x526: {  	v10 =	vld [tilespmem:s24+$0xFFFFFE50];
	[tilespmem:s23+$0xFFFFFEC0] =	vst v4;
	v4 =	vmul.f32 v6, v51  }
0x527: {  	[tilespmem:s23+$0x40] =	vst v7;
	v6 =	vld [tilespmem:s24+$0xFFFFFED0]  }
0x528: {  	v3 =	vmul.f32 v3, v53;
	v7 =	vld [tilespmem:s24+$0x50];
	[tilespmem:s23+$0xFFFFFFC0] =	vst v4  }
0x529: {  	v4 =	vld [tilespmem:s24+$0xFFFFFFD0]  }
0x52a: {  	v5 =	vmul.f32 v5, v9;
	[tilespmem:s23+$0xC0] =	vst v3;
	v9 =	vld [tilespmem:s23+$0xFFFFFED0]  }
0x52b: {  	v8 =	vmul.f32 v8, v54;
	v3 =	vld [tilespmem:s24+$0xD0]  }
0x52c: {  	v10 =	vmul.f32 v10, v11;
	v11 =	vld [tilespmem:s23+$0x50];
	[tilespmem:s23+$0x140] =	vst v5  }
0x52d: {  	[tilespmem:s23+$0xFFFFFF50] =	vst v8;
	v5 =	vld [tilespmem:s24+$0x150]  }
0x52e: {  	[tilespmem:s23+$0xFFFFFE50] =	vst v10;
	v8 =	vld [tilespmem:s24+$0xFFFFFF60]  }
0x52f: {  	v10 =	vld [tilespmem:s24+$0xFFFFFE60];
	v6 =	vmul.f32 v6, v9  }
0x530: {  	v9 =	vld [tilespmem:s23+$0x150];
	v4 =	vmul.f32 v4, v55  }
0x531: {  	v7 =	vmul.f32 v7, v11;
	v11 =	vld [tilespmem:s23+$0xFFFFFF60];
	[tilespmem:s23+$0xFFFFFED0] =	vst v6  }
0x532: {  	[tilespmem:s23+$0xFFFFFFD0] =	vst v4;
	v6 =	vld [tilespmem:s24+$0xFFFFFEE0]  }
0x533: {  	v3 =	vmul.f32 v3, v56;
	v4 =	vld [tilespmem:s24+$0xFFFFFFE0];
	[tilespmem:s23+$0x50] =	vst v7  }
0x534: {  	v7 =	vld [tilespmem:s24+$0x60]  }
0x535: {  	[tilespmem:s23+$0xD0] =	vst v3;
	v10 =	vmul.f32 v10, v57;
	v5 =	vmul.f32 v5, v9;
	v9 =	vld [tilespmem:s23+$0xFFFFFEE0]  }
0x536: {  	v3 =	vld [tilespmem:s24+$0xE0]  }
0x537: {  	[tilespmem:s23+$0xFFFFFE60] =	vst v10;
	v10 =	vld [tilespmem:s23+$0xFFFFFF70]  }
0x538: {  	v8 =	vmul.f32 v8, v11;
	[tilespmem:s23+$0x150] =	vst v5;
	v11 =	vld [tilespmem:s24+$0xFFFFFE70];
	v4 =	vmul.f32 v4, v58  }
0x539: {  	v5 =	vld [tilespmem:s24+$0x160]  }
0x53a: {  	v6 =	vmul.f32 v6, v9;
	v9 =	vld [tilespmem:s23+$0x160];
	[tilespmem:s23+$0xFFFFFFE0] =	vst v4  }
0x53b: {  	[tilespmem:s23+$0xFFFFFF60] =	vst v8;
	v3 =	vmul.f32 v3, v60;
	v4 =	vld [tilespmem:s24+$0xFFFFFFF0]  }
0x53c: {  	[tilespmem:s23+$0xFFFFFEE0] =	vst v6;
	v6 =	vmul.f32 v7, v59;
	v7 =	vld [tilespmem:s24+$0xFFFFFF70]  }
0x53d: {  	[tilespmem:s23+$0xE0] =	vst v3;
	v62 =	vld [tilespmem:s24+$0xFFFFFEF0]  }
0x53e: {  	[tilespmem:s23+$0x60] =	vst v6;
	v6 =	vld [tilespmem:s24+$0xF0]  }
0x53f: {  	v8 =	vmul.f32 v5, v9;
	v5 =	vld [tilespmem:s24+$0x70]  }
0x540: {  	v2 =	vmul.f32 v11, v61;
	v9 =	vld [tilespmem:s23+$0xFFFFFFF0]  }
0x541: {  	[tilespmem:s23+$0x160] =	vst v8;
	v8 =	vld [tilespmem:s23+$0x70]  }
0x542: {  	[tilespmem:s23+$0xFFFFFE70] =	vst v2;
	v2 =	vld [tilespmem:s23+$0x170]  }
0x543: {  	s22 =	simm.s32 $0x0;
	s17 =	simm.s32 $0x2600;
	v3 =	vld [tilespmem:s24+$0x170];
	v11 =	vmul.f32 v62, v63  }
.LBB2_14:
0x544: {  	v12 =	vld [tilespmem:s17+$0x180];
	v7 =	vmul.f32 v7, v10;
	s24 =	sadd.s32 $0x400, s24  }
0x545: {  	s22 =	sadd.s32 $0x8, s22;
	v10 =	vld [tilespmem:s24+$0x180];
	[tilespmem:s23+$0xFFFFFEF0] =	vst v11;
	v4 =	vmul.f32 v4, v9  }
0x546: {  	p1 =	slt.u32 s22, $0x48;
	v9 =	vld [tilespmem:s24+$0xFFFFFE00];
	[tilespmem:s23+$0xFFFFFF70] =	vst v7;
	v5 =	vmul.f32 v5, v8  }
0x547: {  	v7 =	vld [tilespmem:s17+$0xFFFFFE80];
	[tilespmem:s23+$0xFFFFFFF0] =	vst v4;
	v1 =	vmul.f32 v6, v1  }
0x548: {  	v4 =	vld [tilespmem:s24+$0xFFFFFE80];
	[tilespmem:s23+$0x70] =	vst v5;
	v2 =	vmul.f32 v3, v2  }
0x549: {  	v3 =	vld [tilespmem:s17+$0xFFFFFF00];
	[tilespmem:s23+$0xF0] =	vst v1  }
0x54a: {  	v1 =	vld [tilespmem:s24+$0xFFFFFF00];
	v5 =	vmul.f32 v10, v12;
	[tilespmem:s23+$0x170] =	vst v2;
	s23 =	smov.u32 s17  }
0x54b: {  	v2 =	vld [tilespmem:s17+$0xFFFFFF80]  }
0x54c: {  	[tilespmem:s17+$0x180] =	vst v5;
	v5 =	vld [tilespmem:s17+$0x190]  }
0x54d: {  	v4 =	vmul.f32 v4, v7;
	v6 =	vld [tilespmem:s24+$0x190]  }
0x54e: {  	v7 =	vld [tilespmem:s24+$0xFFFFFF80]  }
0x54f: {  	[tilespmem:s17+$0xFFFFFE80] =	vst v4;
	v1 =	vmul.f32 v1, v3;
	v3 =	vld [tilespmem:s17+$0x0]  }
0x550: {  	v4 =	vld [tilespmem:s24+$0x0]  }
0x551: {  	[tilespmem:s17+$0xFFFFFF00] =	vst v1;
	v1 =	vld [tilespmem:s17+$0x80]  }
0x552: {  	v8 =	vld [tilespmem:s24+$0x80];
	v5 =	vmul.f32 v6, v5  }
0x553: {  	v2 =	vmul.f32 v7, v2;
	v6 =	vld [tilespmem:s17+$0x100]  }
0x554: {  	[tilespmem:s17+$0x190] =	vst v5;
	v5 =	vld [tilespmem:s17+$0x1A0]  }
0x555: {  	[tilespmem:s17+$0xFFFFFF80] =	vst v2;
	v2 =	vmul.f32 v4, v3;
	v3 =	vld [tilespmem:s24+$0x1A0]  }
0x556: {  	v4 =	vld [tilespmem:s24+$0x100]  }
0x557: {  	v7 =	vld [tilespmem:s17+$0xFFFFFE00];
	[tilespmem:s17+$0x0] =	vst v2;
	v1 =	vmul.f32 v8, v1  }
0x558: {  	v2 =	vld [tilespmem:s24+$0xFFFFFE90]  }
0x559: {  	v8 =	vld [tilespmem:s24+$0xFFFFFF10];
	[tilespmem:s17+$0x80] =	vst v1  }
0x55a: {  	v1 =	vld [tilespmem:s24+$0xFFFFFF90];
	v3 =	vmul.f32 v3, v5  }
0x55b: {  	v5 =	vld [tilespmem:s24+$0x10];
	v4 =	vmul.f32 v4, v6  }
0x55c: {  	v6 =	vmul.f32 v9, v7;
	[tilespmem:s17+$0x1A0] =	vst v3;
	v3 =	vld [tilespmem:s17+$0x1B0]  }
0x55d: {  	[tilespmem:s17+$0x100] =	vst v4;
	v4 =	vld [tilespmem:s24+$0x1B0]  }
0x55e: {  	[tilespmem:s17+$0xFFFFFE00] =	vst v6;
	v6 =	vld [tilespmem:s24+$0x90]  }
0x55f: {  	v7 =	vld [tilespmem:s24+$0xFFFFFE10]  }
0x560: {  	v9 =	vld [tilespmem:s24+$0x110]  }
0x561: {  	v10 =	vld [tilespmem:s17+$0xFFFFFE10]  }
0x562: {  	v11 =	vld [tilespmem:s17+$0xFFFFFE90];
	v3 =	vmul.f32 v4, v3  }
0x563: {  	v4 =	vld [tilespmem:s17+$0xFFFFFF10]  }
0x564: {  	[tilespmem:s17+$0x1B0] =	vst v3;
	v3 =	vld [tilespmem:s17+$0x1C0]  }
0x565: {  	v12 =	vld [tilespmem:s24+$0x1C0]  }
0x566: {  	v7 =	vmul.f32 v7, v10;
	v10 =	vld [tilespmem:s17+$0xFFFFFF90]  }
0x567: {  	v2 =	vmul.f32 v2, v11;
	v11 =	vld [tilespmem:s17+$0x10]  }
0x568: {  	[tilespmem:s17+$0xFFFFFE10] =	vst v7;
	v4 =	vmul.f32 v8, v4;
	v7 =	vld [tilespmem:s17+$0x90]  }
0x569: {  	[tilespmem:s17+$0xFFFFFE90] =	vst v2;
	v2 =	vld [tilespmem:s17+$0x110]  }
0x56a: {  	v8 =	vld [tilespmem:s24+$0xFFFFFE20];
	[tilespmem:s17+$0xFFFFFF10] =	vst v4;
	v3 =	vmul.f32 v12, v3  }
0x56b: {  	v4 =	vld [tilespmem:s24+$0xFFFFFEA0];
	v1 =	vmul.f32 v1, v10  }
0x56c: {  	v5 =	vmul.f32 v5, v11;
	[tilespmem:s17+$0x1C0] =	vst v3;
	v3 =	vld [tilespmem:s17+$0x1D0]  }
0x56d: {  	[tilespmem:s17+$0xFFFFFF90] =	vst v1;
	v1 =	vmul.f32 v6, v7;
	v6 =	vld [tilespmem:s24+$0x1D0]  }
0x56e: {  	v7 =	vld [tilespmem:s24+$0xFFFFFF20];
	[tilespmem:s17+$0x10] =	vst v5;
	v2 =	vmul.f32 v9, v2  }
0x56f: {  	v5 =	vld [tilespmem:s24+$0xFFFFFFA0];
	[tilespmem:s17+$0x90] =	vst v1  }
0x570: {  	v1 =	vld [tilespmem:s24+$0x20];
	[tilespmem:s17+$0x110] =	vst v2  }
0x571: {  	v2 =	vld [tilespmem:s24+$0xA0]  }
0x572: {  	v9 =	vld [tilespmem:s24+$0x120];
	v3 =	vmul.f32 v6, v3  }
0x573: {  	v6 =	vld [tilespmem:s17+$0xFFFFFE20]  }
0x574: {  	[tilespmem:s17+$0x1D0] =	vst v3;
	v3 =	vld [tilespmem:s17+$0x1E0]  }
0x575: {  	v10 =	vld [tilespmem:s24+$0x1E0]  }
0x576: {  	v11 =	vld [tilespmem:s17+$0xFFFFFEA0]  }
0x577: {  	v12 =	vld [tilespmem:s17+$0xFFFFFF20]  }
0x578: {  	v6 =	vmul.f32 v8, v6;
	v8 =	vld [tilespmem:s17+$0xFFFFFFA0]  }
0x579: {  	v13 =	vld [tilespmem:s17+$0x20]  }
0x57a: {  	[tilespmem:s17+$0xFFFFFE20] =	vst v6;
	v6 =	vld [tilespmem:s17+$0xA0];
	v3 =	vmul.f32 v10, v3  }
0x57b: {  	v4 =	vmul.f32 v4, v11;
	v10 =	vld [tilespmem:s17+$0x120]  }
0x57c: {  	v7 =	vmul.f32 v7, v12;
	[tilespmem:s17+$0x1E0] =	vst v3;
	v3 =	vld [tilespmem:s17+$0x1F0]  }
0x57d: {  	[tilespmem:s17+$0xFFFFFEA0] =	vst v4;
	v4 =	vmul.f32 v5, v8;
	v5 =	vld [tilespmem:s24+$0x1F0]  }
0x57e: {  	v8 =	vld [tilespmem:s24+$0xFFFFFE30];
	[tilespmem:s17+$0xFFFFFF20] =	vst v7;
	v1 =	vmul.f32 v1, v13  }
0x57f: {  	v7 =	vld [tilespmem:s24+$0xFFFFFEB0];
	[tilespmem:s17+$0xFFFFFFA0] =	vst v4;
	v2 =	vmul.f32 v2, v6  }
0x580: {  	v4 =	vld [tilespmem:s24+$0xFFFFFF30];
	[tilespmem:s17+$0x20] =	vst v1;
	v1 =	vmul.f32 v9, v10  }
0x581: {  	v6 =	vld [tilespmem:s24+$0xFFFFFFB0];
	[tilespmem:s17+$0xA0] =	vst v2  }
0x582: {  	v2 =	vld [tilespmem:s24+$0x30];
	[tilespmem:s17+$0x120] =	vst v1;
	v1 =	vmul.f32 v5, v3  }
0x583: {  	v3 =	vld [tilespmem:s24+$0xB0]  }
0x584: {  	v5 =	vld [tilespmem:s24+$0x130];
	[tilespmem:s17+$0x1F0] =	vst v1  }
0x585: {  	v1 =	vld [tilespmem:s17+$0xFFFFFE30]  }
0x586: {  	v9 =	vld [tilespmem:s17+$0xFFFFFEB0]  }
0x587: {  	v10 =	vld [tilespmem:s17+$0xFFFFFF30]  }
0x588: {  	v11 =	vld [tilespmem:s17+$0xFFFFFFB0]  }
0x589: {  	v12 =	vld [tilespmem:s17+$0x30]  }
0x58a: {  	v1 =	vmul.f32 v8, v1;
	v8 =	vld [tilespmem:s17+$0xB0]  }
0x58b: {  	v7 =	vmul.f32 v7, v9;
	v9 =	vld [tilespmem:s17+$0x130]  }
0x58c: {  	[tilespmem:s17+$0xFFFFFE30] =	vst v1;
	v1 =	vld [tilespmem:s17+$0xFFFFFE40];
	v4 =	vmul.f32 v4, v10  }
0x58d: {  	v10 =	vld [tilespmem:s24+$0xFFFFFE40];
	[tilespmem:s17+$0xFFFFFEB0] =	vst v7;
	v6 =	vmul.f32 v6, v11  }
0x58e: {  	v7 =	vld [tilespmem:s24+$0xFFFFFEC0];
	[tilespmem:s17+$0xFFFFFF30] =	vst v4;
	v2 =	vmul.f32 v2, v12  }
0x58f: {  	v4 =	vld [tilespmem:s24+$0xFFFFFF40];
	[tilespmem:s17+$0xFFFFFFB0] =	vst v6;
	v3 =	vmul.f32 v3, v8  }
0x590: {  	v6 =	vld [tilespmem:s24+$0xFFFFFFC0];
	[tilespmem:s17+$0x30] =	vst v2;
	v2 =	vmul.f32 v5, v9  }
0x591: {  	v5 =	vld [tilespmem:s24+$0x40];
	[tilespmem:s17+$0xB0] =	vst v3  }
0x592: {  	v1 =	vmul.f32 v10, v1;
	v3 =	vld [tilespmem:s24+$0xC0];
	[tilespmem:s17+$0x130] =	vst v2  }
0x593: {  	v2 =	vld [tilespmem:s24+$0x140]  }
0x594: {  	[tilespmem:s17+$0xFFFFFE40] =	vst v1;
	v1 =	vld [tilespmem:s17+$0xFFFFFEC0]  }
0x595: {  	v8 =	vld [tilespmem:s17+$0xFFFFFF40]  }
0x596: {  	v9 =	vld [tilespmem:s17+$0xFFFFFFC0]  }
0x597: {  	v10 =	vld [tilespmem:s17+$0x40]  }
0x598: {  	v11 =	vld [tilespmem:s17+$0xC0]  }
0x599: {  	v1 =	vmul.f32 v7, v1;
	v7 =	vld [tilespmem:s17+$0x140]  }
0x59a: {  	v12 =	vld [tilespmem:s24+$0xFFFFFE50];
	v4 =	vmul.f32 v4, v8  }
0x59b: {  	v8 =	vld [tilespmem:s17+$0xFFFFFE50];
	[tilespmem:s17+$0xFFFFFEC0] =	vst v1;
	v1 =	vmul.f32 v6, v9  }
0x59c: {  	v6 =	vld [tilespmem:s24+$0xFFFFFED0];
	[tilespmem:s17+$0xFFFFFF40] =	vst v4;
	v4 =	vmul.f32 v5, v10  }
0x59d: {  	v5 =	vld [tilespmem:s24+$0xFFFFFF50];
	[tilespmem:s17+$0xFFFFFFC0] =	vst v1;
	v1 =	vmul.f32 v3, v11  }
0x59e: {  	v3 =	vld [tilespmem:s24+$0xFFFFFFD0];
	[tilespmem:s17+$0x40] =	vst v4;
	v2 =	vmul.f32 v2, v7  }
0x59f: {  	v4 =	vld [tilespmem:s24+$0x50];
	[tilespmem:s17+$0xC0] =	vst v1  }
0x5a0: {  	v1 =	vmul.f32 v12, v8;
	v7 =	vld [tilespmem:s24+$0xD0];
	[tilespmem:s17+$0x140] =	vst v2  }
0x5a1: {  	v2 =	vld [tilespmem:s24+$0x150]  }
0x5a2: {  	[tilespmem:s17+$0xFFFFFE50] =	vst v1;
	v1 =	vld [tilespmem:s17+$0xFFFFFED0]  }
0x5a3: {  	v8 =	vld [tilespmem:s17+$0xFFFFFF50]  }
0x5a4: {  	v9 =	vld [tilespmem:s17+$0xFFFFFFD0]  }
0x5a5: {  	v10 =	vld [tilespmem:s17+$0x50]  }
0x5a6: {  	v11 =	vld [tilespmem:s17+$0xD0]  }
0x5a7: {  	v1 =	vmul.f32 v6, v1;
	v6 =	vld [tilespmem:s17+$0x150]  }
0x5a8: {  	v12 =	vld [tilespmem:s24+$0xFFFFFE60];
	v5 =	vmul.f32 v5, v8  }
0x5a9: {  	v8 =	vld [tilespmem:s17+$0xFFFFFE60];
	[tilespmem:s17+$0xFFFFFED0] =	vst v1;
	v1 =	vmul.f32 v3, v9  }
0x5aa: {  	v3 =	vld [tilespmem:s24+$0xFFFFFEE0];
	[tilespmem:s17+$0xFFFFFF50] =	vst v5;
	v4 =	vmul.f32 v4, v10  }
0x5ab: {  	v5 =	vld [tilespmem:s24+$0xFFFFFF60];
	[tilespmem:s17+$0xFFFFFFD0] =	vst v1;
	v1 =	vmul.f32 v7, v11  }
0x5ac: {  	v7 =	vld [tilespmem:s24+$0xFFFFFFE0];
	[tilespmem:s17+$0x50] =	vst v4;
	v2 =	vmul.f32 v2, v6  }
0x5ad: {  	v4 =	vld [tilespmem:s24+$0x60];
	[tilespmem:s17+$0xD0] =	vst v1  }
0x5ae: {  	v1 =	vmul.f32 v12, v8;
	v6 =	vld [tilespmem:s24+$0xE0];
	[tilespmem:s17+$0x150] =	vst v2  }
0x5af: {  	v2 =	vld [tilespmem:s24+$0x160]  }
0x5b0: {  	[tilespmem:s17+$0xFFFFFE60] =	vst v1;
	v1 =	vld [tilespmem:s17+$0xFFFFFEE0]  }
0x5b1: {  	v8 =	vld [tilespmem:s17+$0xFFFFFF60]  }
0x5b2: {  	v9 =	vld [tilespmem:s17+$0xFFFFFFE0]  }
0x5b3: {  	v10 =	vld [tilespmem:s17+$0x60]  }
0x5b4: {  	v11 =	vld [tilespmem:s17+$0xE0]  }
0x5b5: {  	v1 =	vmul.f32 v3, v1;
	v3 =	vld [tilespmem:s17+$0x160]  }
0x5b6: {  	v12 =	vld [tilespmem:s24+$0xFFFFFE70];
	v5 =	vmul.f32 v5, v8  }
0x5b7: {  	v8 =	vld [tilespmem:s17+$0xFFFFFE70];
	[tilespmem:s17+$0xFFFFFEE0] =	vst v1;
	v1 =	vmul.f32 v7, v9  }
0x5b8: {  	v13 =	vld [tilespmem:s24+$0xFFFFFEF0];
	[tilespmem:s17+$0xFFFFFF60] =	vst v5;
	v5 =	vmul.f32 v4, v10  }
0x5b9: {  	v7 =	vld [tilespmem:s24+$0xFFFFFF70];
	[tilespmem:s17+$0xFFFFFFE0] =	vst v1;
	v1 =	vmul.f32 v6, v11  }
0x5ba: {  	v4 =	vld [tilespmem:s24+$0xFFFFFFF0];
	[tilespmem:s17+$0x60] =	vst v5;
	v2 =	vmul.f32 v2, v3  }
0x5bb: {  	v5 =	vld [tilespmem:s24+$0x70];
	[tilespmem:s17+$0xE0] =	vst v1  }
0x5bc: {  	v1 =	vmul.f32 v12, v8;
	v6 =	vld [tilespmem:s24+$0xF0];
	[tilespmem:s17+$0x160] =	vst v2  }
0x5bd: {  	v3 =	vld [tilespmem:s24+$0x170]  }
0x5be: {  	[tilespmem:s17+$0xFFFFFE70] =	vst v1;
	v2 =	vld [tilespmem:s17+$0xFFFFFEF0]  }
.Ltmp6:
0x5bf: {  	v10 =	vld [tilespmem:s17+$0xFFFFFF70];
	(pc) =	sbr.rel @p1 .LBB2_14-.Ltmp6, $4  }
0x5c0: {  	v9 =	vld [tilespmem:s17+$0xFFFFFFF0]  }
0x5c1: {  	v8 =	vld [tilespmem:s17+$0x70]  }
0x5c2: {  	v1 =	vld [tilespmem:s17+$0xF0]  }
0x5c3: {  	s17 =	sadd.s32 $0x400, s17;
	v11 =	vmul.f32 v13, v2;
	v2 =	vld [tilespmem:s23+$0x170]  }
0x5c4: {  	v7 =	vmul.f32 v7, v10  }
0x5c5: {  	[tilespmem:s23+$0xFFFFFEF0] =	vst v11;
	v4 =	vmul.f32 v4, v9  }
0x5c6: {  	[tilespmem:s23+$0xFFFFFF70] =	vst v7;
	v5 =	vmul.f32 v5, v8  }
0x5c7: {  	[tilespmem:s23+$0xFFFFFFF0] =	vst v4;
	v1 =	vmul.f32 v6, v1  }
0x5c8: {  	[tilespmem:s23+$0x70] =	vst v5;
	v2 =	vmul.f32 v3, v2  }
0x5c9: {  	[tilespmem:s23+$0xF0] =	vst v1  }
0x5ca: {  	s9 =	simm.s32 $0x1C00;
	[tilespmem:s23+$0x170] =	vst v2;
	s23 =	simm.s32 $0x1  }
0x5cb: {  	[spmem:s3] =	stream.indirect.scatter.add.f32 [tilespmem:s7], [sflag:$0x5], $0x80, s9, s10, $0xb8;
	[tilespmem:$0x1F880] =	vst v63  }
.LBB2_16:
0x5cc: {  	s9 =	sshll.u32 s23, $0xC  }
0x5cd: {  	s9 =	sadd.s32 s4, s9  }
0x5ce: {  	s9 =	sshrl.u32 s9, $0x3  }
0x5cf: {  	s9 =	sadd.s32 s16, s9  }
0x5d0: {  	s24 =	simm.s32 $0x0;
	s17 =	sadd.s32 $0x14000, s9  }
0x5d1: {  	[tilespmem:s24], [sflag:$0x7] =	stream.linear.gather [hbm4b:s17+s24], $0xC80, $0x38;
	[tilespmem:$0x1F880] =	vst v63  }
0x5d2: {  	_ =	swait.ge [sflag:s8], $0xC80  }
0x5d3: {  	[sflag:s8] =	ssyncset.done $0x0  }
0x5d4: {  	s29 =	simm.s32 $0x1000;
	[sflag:s8] =	ssyncadd.s32 $0xFFFFF380  }
0x5d5: {  	[tilespmem:s29], [sflag:$0x7] =	stream.linear.gather [hbm4b:s9+s24], $0xC80, $0x38;
	[tilespmem:$0x1F880] =	vst v63  }
0x5d6: {  	_ =	swait.ge [sflag:s8], $0xC80  }
0x5d7: {  	[sflag:s8] =	ssyncset.done $0x0  }
0x5d8: {  	s30 =	smul.u32 $0x7D0, s23;
	[sflag:s8] =	ssyncadd.s32 $0xFFFFF380  }
0x5d9: {  	_ =	swait.ge [sflag:s19], $0x2800  }
0x5da: {  	s9 =	sadd.s32 s6, s30;
	[sflag:s19] =	ssyncset.done $0x0  }
0x5db: {  	s9 =	sshll.u32 s9, $0x4;
	[sflag:s19] =	ssyncadd.s32 $0xFFFFD800  }
0x5dc: {  	[tilespmem:s7], [sflag:$0x1] =	stream.indirect.gather [hbm4b:s1+s10], $0x80, s24, s10, $0xb8;
	[tilespmem:$0x1F880] =	vst v63  }
0x5dd: {  	s25 =	smul.u32 $0x19, s23;
	s9 =	sadd.s32 s15, s9  }
0x5de: {  	[tilespmem:s11], [sflag:$0x3] =	stream.linear.gather [hbm4b:s9+s24], $0x2800, $0x38;
	[tilespmem:$0x1F880] =	vst v63  }
.LBB2_17:
0x5df: {  	s9 =	sshll.u32 s24, $0x1;
	_ =	swait.ge [sflag:s31], $0x2800  }
0x5e0: {  	s29 =	sshll.u32 s24, $0x8;
	s9 =	sadd.s32 s25, s9;
	[sflag:s31] =	ssyncset.done $0x0  }
0x5e1: {  	s26 =	sor.u32 $0x80, s29;
	[sflag:s31] =	ssyncadd.s32 $0xFFFFD800;
	s28 =	smul.u32 $0x50, s9  }
0x5e2: {  	[tilespmem:s12], [sflag:$0x2] =	stream.indirect.gather [hbm4b:s1+s10], $0x80, s26, s10, $0xb8;
	[tilespmem:$0x1F880] =	vst v63  }
0x5e3: {  	s9 =	sadd.s32 s28, s2  }
0x5e4: {  	s9 =	sshll.u32 s9, $0x4  }
0x5e5: {  	s9 =	sadd.s32 s15, s9  }
0x5e6: {  	[tilespmem:s13], [sflag:$0x4] =	stream.linear.gather [hbm4b:s9+s5], $0x2800, $0x38;
	[tilespmem:$0x1F880] =	vst v63  }
0x5e7: {  	_ =	swait.ge [sflag:s14], $0x2800  }
0x5e8: {  	[sflag:s14] =	ssyncset.done $0x0  }
0x5e9: {  	[sflag:s14] =	ssyncadd.s32 $0xFFFFD800  }
0x5ea: {  	_ =	swait.ge [sflag:s18], $0x2800  }
0x5eb: {  	[sflag:s18] =	ssyncset.done $0x0  }
0x5ec: {  	s30 =	simm.s32 $0x2200;
	[sflag:s18] =	ssyncadd.s32 $0xFFFFD800  }
0x5ed: {  	s22 =	simm.s32 $0x7200;
	v1 =	vld [tilespmem:s30+$0x180]  }
0x5ee: {  	v2 =	vld [tilespmem:s22+$0x180]  }
0x5ef: {  	v3 =	vld [tilespmem:s22+$0xFFFFFE00]  }
0x5f0: {  	v4 =	vld [tilespmem:s30+$0xFFFFFE80]  }
0x5f1: {  	v5 =	vld [tilespmem:s22+$0xFFFFFE80]  }
0x5f2: {  	v6 =	vld [tilespmem:s30+$0xFFFFFF00]  }
0x5f3: {  	v7 =	vld [tilespmem:s22+$0xFFFFFF00]  }
0x5f4: {  	v8 =	vld [tilespmem:s22+$0xFFFFFF80]  }
0x5f5: {  	v10 =	vld [tilespmem:s30+$0x0]  }
0x5f6: {  	v11 =	vld [tilespmem:s22+$0x0]  }
0x5f7: {  	v12 =	vld [tilespmem:s30+$0x80]  }
0x5f8: {  	v13 =	vld [tilespmem:s22+$0x80]  }
0x5f9: {  	v14 =	vld [tilespmem:s30+$0x100]  }
0x5fa: {  	v41 =	vld [tilespmem:s30+$0xFFFFFF10]  }
0x5fb: {  	v42 =	vld [tilespmem:s30+$0xFFFFFF90]  }
0x5fc: {  	v43 =	vld [tilespmem:s30+$0x10]  }
0x5fd: {  	v44 =	vld [tilespmem:s30+$0xFFFFFF20]  }
0x5fe: {  	v45 =	vld [tilespmem:s30+$0xFFFFFFA0]  }
0x5ff: {  	v46 =	vld [tilespmem:s30+$0x20]  }
0x600: {  	v15 =	vld [tilespmem:s30+$0xA0]  }
0x601: {  	v47 =	vld [tilespmem:s30+$0xFFFFFF30]  }
0x602: {  	v48 =	vld [tilespmem:s30+$0xFFFFFFB0]  }
0x603: {  	v49 =	vld [tilespmem:s30+$0x30]  }
0x604: {  	v51 =	vld [tilespmem:s30+$0xFFFFFFC0]  }
0x605: {  	v52 =	vld [tilespmem:s30+$0x40];
	v1 =	vmul.f32 v2, v1  }
0x606: {  	v53 =	vld [tilespmem:s30+$0xC0]  }
0x607: {  	[tilespmem:s30+$0x180] =	vst v1;
	v1 =	vld [tilespmem:s30+$0x190]  }
0x608: {  	v2 =	vld [tilespmem:s22+$0x190]  }
0x609: {  	v54 =	vld [tilespmem:s30+$0xFFFFFF50]  }
0x60a: {  	v55 =	vld [tilespmem:s30+$0xFFFFFFD0]  }
0x60b: {  	v56 =	vld [tilespmem:s30+$0xD0]  }
0x60c: {  	v57 =	vld [tilespmem:s30+$0xFFFFFE60]  }
0x60d: {  	v58 =	vld [tilespmem:s30+$0xFFFFFFE0];
	v1 =	vmul.f32 v2, v1  }
0x60e: {  	v59 =	vld [tilespmem:s30+$0x60]  }
0x60f: {  	[tilespmem:s30+$0x190] =	vst v1;
	v1 =	vld [tilespmem:s30+$0x1A0]  }
0x610: {  	v9 =	vld [tilespmem:s22+$0x1A0]  }
0x611: {  	v4 =	vmul.f32 v5, v4;
	v5 =	vld [tilespmem:s30+$0xFFFFFE00]  }
0x612: {  	v60 =	vld [tilespmem:s30+$0xE0]  }
0x613: {  	v2 =	vld [tilespmem:s30+$0xFFFFFF80]  }
0x614: {  	v61 =	vld [tilespmem:s30+$0xFFFFFE70]  }
0x615: {  	v1 =	vmul.f32 v9, v1;
	v9 =	vld [tilespmem:s22+$0x100]  }
0x616: {  	v63 =	vld [tilespmem:s30+$0xFFFFFEF0];
	[tilespmem:s30+$0xFFFFFE80] =	vst v4;
	v3 =	vmul.f32 v3, v5  }
0x617: {  	[tilespmem:s30+$0x1A0] =	vst v1;
	v1 =	vmul.f32 v7, v6;
	v6 =	vld [tilespmem:s30+$0x1B0]  }
0x618: {  	[tilespmem:s30+$0xFFFFFE00] =	vst v3;
	v2 =	vmul.f32 v8, v2;
	v4 =	vld [tilespmem:s22+$0x1B0]  }
0x619: {  	v7 =	vld [tilespmem:s22+$0xFFFFFE90];
	[tilespmem:s30+$0xFFFFFF00] =	vst v1;
	v1 =	vmul.f32 v11, v10  }
0x61a: {  	[tilespmem:s30+$0xFFFFFF80] =	vst v2;
	v10 =	vld [tilespmem:s30+$0xFFFFFE10];
	v5 =	vmul.f32 v9, v14  }
0x61b: {  	v2 =	vmul.f32 v13, v12;
	[tilespmem:s30+$0x0] =	vst v1;
	v1 =	vld [tilespmem:s22+$0xFFFFFF90]  }
0x61c: {  	[tilespmem:s30+$0x100] =	vst v5;
	v5 =	vld [tilespmem:s22+$0xFFFFFE10]  }
0x61d: {  	[tilespmem:s30+$0x80] =	vst v2;
	v2 =	vld [tilespmem:s22+$0x10];
	v4 =	vmul.f32 v4, v6  }
0x61e: {  	v6 =	vld [tilespmem:s22+$0x110]  }
0x61f: {  	[tilespmem:s30+$0x1B0] =	vst v4;
	v4 =	vld [tilespmem:s30+$0x1C0]  }
0x620: {  	v9 =	vld [tilespmem:s22+$0x1C0]  }
0x621: {  	v5 =	vmul.f32 v5, v10;
	v10 =	vld [tilespmem:s30+$0x110]  }
0x622: {  	v3 =	vld [tilespmem:s22+$0x90]  }
0x623: {  	v11 =	vld [tilespmem:s30+$0xFFFFFE90];
	v1 =	vmul.f32 v1, v42  }
0x624: {  	v8 =	vld [tilespmem:s22+$0xFFFFFF10];
	v2 =	vmul.f32 v2, v43  }
0x625: {  	[tilespmem:s30+$0xFFFFFF90] =	vst v1;
	v4 =	vmul.f32 v9, v4;
	v9 =	vld [tilespmem:s30+$0x90]  }
0x626: {  	[tilespmem:s30+$0x10] =	vst v2;
	v2 =	vmul.f32 v6, v10;
	v6 =	vld [tilespmem:s22+$0xFFFFFFA0]  }
0x627: {  	v10 =	vld [tilespmem:s30+$0xFFFFFE20]  }
0x628: {  	[tilespmem:s30+$0x1C0] =	vst v4;
	v4 =	vmul.f32 v7, v11;
	v7 =	vld [tilespmem:s30+$0x1D0]  }
0x629: {  	v11 =	vld [tilespmem:s30+$0xFFFFFEA0]  }
0x62a: {  	[tilespmem:s30+$0xFFFFFE10] =	vst v5;
	v5 =	vmul.f32 v8, v41;
	v8 =	vld [tilespmem:s22+$0x1D0]  }
0x62b: {  	[tilespmem:s30+$0xFFFFFE90] =	vst v4;
	v4 =	vld [tilespmem:s22+$0xFFFFFE20]  }
0x62c: {  	[tilespmem:s30+$0xFFFFFF10] =	vst v5;
	v5 =	vld [tilespmem:s22+$0xFFFFFEA0];
	v1 =	vmul.f32 v3, v9  }
0x62d: {  	v3 =	vld [tilespmem:s22+$0xFFFFFF20]  }
0x62e: {  	v9 =	vld [tilespmem:s22+$0x20];
	[tilespmem:s30+$0x90] =	vst v1  }
0x62f: {  	[tilespmem:s30+$0x110] =	vst v2;
	v1 =	vmul.f32 v8, v7;
	v7 =	vld [tilespmem:s22+$0xA0]  }
0x630: {  	v8 =	vld [tilespmem:s22+$0x120]  }
0x631: {  	[tilespmem:s30+$0x1D0] =	vst v1;
	v1 =	vld [tilespmem:s30+$0x1E0];
	v5 =	vmul.f32 v5, v11  }
0x632: {  	v3 =	vmul.f32 v3, v44;
	v2 =	vld [tilespmem:s22+$0x1E0]  }
0x633: {  	v11 =	vld [tilespmem:s30+$0xFFFFFEB0];
	[tilespmem:s30+$0xFFFFFEA0] =	vst v5;
	v5 =	vmul.f32 v6, v45  }
0x634: {  	[tilespmem:s30+$0xFFFFFF20] =	vst v3;
	v3 =	vmul.f32 v9, v46;
	v9 =	vld [tilespmem:s22+$0xFFFFFEB0]  }
0x635: {  	[tilespmem:s30+$0xFFFFFFA0] =	vst v5;
	v5 =	vmul.f32 v7, v15;
	v7 =	vld [tilespmem:s22+$0xFFFFFF30]  }
0x636: {  	[tilespmem:s30+$0x20] =	vst v3;
	v3 =	vld [tilespmem:s22+$0xFFFFFFB0]  }
0x637: {  	v1 =	vmul.f32 v2, v1;
	v2 =	vmul.f32 v4, v10;
	v4 =	vld [tilespmem:s30+$0x120]  }
0x638: {  	[tilespmem:s30+$0xA0] =	vst v5;
	v5 =	vld [tilespmem:s22+$0x30]  }
0x639: {  	[tilespmem:s30+$0x1E0] =	vst v1;
	v1 =	vld [tilespmem:s30+$0x1F0]  }
0x63a: {  	v9 =	vmul.f32 v9, v11;
	v11 =	vld [tilespmem:s30+$0x130]  }
0x63b: {  	[tilespmem:s30+$0xFFFFFE20] =	vst v2;
	v2 =	vld [tilespmem:s22+$0x1F0]  }
0x63c: {  	v6 =	vld [tilespmem:s22+$0xFFFFFE30];
	v4 =	vmul.f32 v8, v4  }
0x63d: {  	v8 =	vld [tilespmem:s22+$0xB0]  }
0x63e: {  	v7 =	vmul.f32 v7, v47;
	[tilespmem:s30+$0x120] =	vst v4;
	v4 =	vld [tilespmem:s30+$0xFFFFFE30]  }
0x63f: {  	[tilespmem:s30+$0xFFFFFEB0] =	vst v9;
	v10 =	vld [tilespmem:s22+$0x130]  }
0x640: {  	v9 =	vld [tilespmem:s22+$0xFFFFFEC0];
	[tilespmem:s30+$0xFFFFFF30] =	vst v7;
	v1 =	vmul.f32 v2, v1  }
0x641: {  	v7 =	vld [tilespmem:s22+$0xFFFFFF40]  }
0x642: {  	v5 =	vmul.f32 v5, v49;
	[tilespmem:s30+$0x1F0] =	vst v1;
	v1 =	vld [tilespmem:s30+$0xF0]  }
0x643: {  	v4 =	vmul.f32 v6, v4;
	v6 =	vld [tilespmem:s30+$0xB0]  }
0x644: {  	[tilespmem:s30+$0x30] =	vst v5;
	v5 =	vmul.f32 v10, v11;
	v11 =	vld [tilespmem:s30+$0xFFFFFF40]  }
0x645: {  	[tilespmem:s30+$0xFFFFFE30] =	vst v4;
	v4 =	vld [tilespmem:s30+$0xFFFFFE40]  }
0x646: {  	v50 =	vld [tilespmem:s22+$0xFFFFFE40]  }
0x647: {  	v3 =	vmul.f32 v3, v48;
	v10 =	vld [tilespmem:s30+$0xFFFFFEC0];
	[tilespmem:s30+$0x130] =	vst v5  }
0x648: {  	v5 =	vld [tilespmem:s22+$0x140]  }
0x649: {  	[tilespmem:s30+$0xFFFFFFB0] =	vst v3;
	v3 =	vmul.f32 v8, v6;
	v8 =	vld [tilespmem:s22+$0x40]  }
0x64a: {  	v6 =	vld [tilespmem:s22+$0xFFFFFFC0];
	v7 =	vmul.f32 v7, v11  }
0x64b: {  	v11 =	vld [tilespmem:s30+$0xFFFFFE50];
	[tilespmem:s30+$0xB0] =	vst v3;
	v4 =	vmul.f32 v50, v4  }
0x64c: {  	v3 =	vld [tilespmem:s22+$0xC0];
	[tilespmem:s30+$0xFFFFFF40] =	vst v7  }
0x64d: {  	[tilespmem:s30+$0xFFFFFE40] =	vst v4;
	v4 =	vmul.f32 v9, v10;
	v9 =	vld [tilespmem:s30+$0x140]  }
0x64e: {  	v7 =	vmul.f32 v8, v52;
	v8 =	vld [tilespmem:s22+$0xFFFFFF50]  }
0x64f: {  	v10 =	vld [tilespmem:s22+$0xFFFFFE50];
	[tilespmem:s30+$0xFFFFFEC0] =	vst v4;
	v4 =	vmul.f32 v6, v51  }
0x650: {  	[tilespmem:s30+$0x40] =	vst v7;
	v6 =	vld [tilespmem:s22+$0xFFFFFED0]  }
0x651: {  	v3 =	vmul.f32 v3, v53;
	v7 =	vld [tilespmem:s22+$0x50];
	[tilespmem:s30+$0xFFFFFFC0] =	vst v4  }
0x652: {  	v4 =	vld [tilespmem:s22+$0xFFFFFFD0]  }
0x653: {  	v5 =	vmul.f32 v5, v9;
	[tilespmem:s30+$0xC0] =	vst v3;
	v9 =	vld [tilespmem:s30+$0xFFFFFED0]  }
0x654: {  	v8 =	vmul.f32 v8, v54;
	v3 =	vld [tilespmem:s22+$0xD0]  }
0x655: {  	v10 =	vmul.f32 v10, v11;
	v11 =	vld [tilespmem:s30+$0x50];
	[tilespmem:s30+$0x140] =	vst v5  }
0x656: {  	[tilespmem:s30+$0xFFFFFF50] =	vst v8;
	v5 =	vld [tilespmem:s22+$0x150]  }
0x657: {  	[tilespmem:s30+$0xFFFFFE50] =	vst v10;
	v8 =	vld [tilespmem:s22+$0xFFFFFF60]  }
0x658: {  	v10 =	vld [tilespmem:s22+$0xFFFFFE60];
	v6 =	vmul.f32 v6, v9  }
0x659: {  	v9 =	vld [tilespmem:s30+$0x150];
	v4 =	vmul.f32 v4, v55  }
0x65a: {  	v7 =	vmul.f32 v7, v11;
	v11 =	vld [tilespmem:s30+$0xFFFFFF60];
	[tilespmem:s30+$0xFFFFFED0] =	vst v6  }
0x65b: {  	[tilespmem:s30+$0xFFFFFFD0] =	vst v4;
	v6 =	vld [tilespmem:s22+$0xFFFFFEE0]  }
0x65c: {  	v3 =	vmul.f32 v3, v56;
	v4 =	vld [tilespmem:s22+$0xFFFFFFE0];
	[tilespmem:s30+$0x50] =	vst v7  }
0x65d: {  	v7 =	vld [tilespmem:s22+$0x60]  }
0x65e: {  	[tilespmem:s30+$0xD0] =	vst v3;
	v10 =	vmul.f32 v10, v57;
	v5 =	vmul.f32 v5, v9;
	v9 =	vld [tilespmem:s30+$0xFFFFFEE0]  }
0x65f: {  	v3 =	vld [tilespmem:s22+$0xE0]  }
0x660: {  	[tilespmem:s30+$0xFFFFFE60] =	vst v10;
	v10 =	vld [tilespmem:s30+$0xFFFFFF70]  }
0x661: {  	v8 =	vmul.f32 v8, v11;
	[tilespmem:s30+$0x150] =	vst v5;
	v11 =	vld [tilespmem:s22+$0xFFFFFE70];
	v4 =	vmul.f32 v4, v58  }
0x662: {  	v5 =	vld [tilespmem:s22+$0x160]  }
0x663: {  	v6 =	vmul.f32 v6, v9;
	v9 =	vld [tilespmem:s30+$0x160];
	[tilespmem:s30+$0xFFFFFFE0] =	vst v4  }
0x664: {  	[tilespmem:s30+$0xFFFFFF60] =	vst v8;
	v3 =	vmul.f32 v3, v60;
	v4 =	vld [tilespmem:s22+$0xFFFFFFF0]  }
0x665: {  	[tilespmem:s30+$0xFFFFFEE0] =	vst v6;
	v6 =	vmul.f32 v7, v59;
	v7 =	vld [tilespmem:s22+$0xFFFFFF70]  }
0x666: {  	[tilespmem:s30+$0xE0] =	vst v3;
	v62 =	vld [tilespmem:s22+$0xFFFFFEF0]  }
0x667: {  	[tilespmem:s30+$0x60] =	vst v6;
	v6 =	vld [tilespmem:s22+$0xF0]  }
0x668: {  	v8 =	vmul.f32 v5, v9;
	v5 =	vld [tilespmem:s22+$0x70]  }
0x669: {  	v2 =	vmul.f32 v11, v61;
	v9 =	vld [tilespmem:s30+$0xFFFFFFF0]  }
0x66a: {  	[tilespmem:s30+$0x160] =	vst v8;
	v8 =	vld [tilespmem:s30+$0x70]  }
0x66b: {  	[tilespmem:s30+$0xFFFFFE70] =	vst v2;
	v2 =	vld [tilespmem:s30+$0x170]  }
0x66c: {  	s17 =	simm.s32 $0x0;
	s9 =	simm.s32 $0x2600;
	v3 =	vld [tilespmem:s22+$0x170];
	v11 =	vmul.f32 v62, v63  }
.LBB2_18:
0x66d: {  	v12 =	vld [tilespmem:s9+$0x180];
	v7 =	vmul.f32 v7, v10;
	s22 =	sadd.s32 $0x400, s22  }
0x66e: {  	s17 =	sadd.s32 $0x8, s17;
	v10 =	vld [tilespmem:s22+$0x180];
	[tilespmem:s30+$0xFFFFFEF0] =	vst v11;
	v4 =	vmul.f32 v4, v9  }
0x66f: {  	p1 =	slt.u32 s17, $0x48;
	v9 =	vld [tilespmem:s22+$0xFFFFFE00];
	[tilespmem:s30+$0xFFFFFF70] =	vst v7;
	v5 =	vmul.f32 v5, v8  }
0x670: {  	v7 =	vld [tilespmem:s9+$0xFFFFFE80];
	[tilespmem:s30+$0xFFFFFFF0] =	vst v4;
	v1 =	vmul.f32 v6, v1  }
0x671: {  	v4 =	vld [tilespmem:s22+$0xFFFFFE80];
	[tilespmem:s30+$0x70] =	vst v5;
	v2 =	vmul.f32 v3, v2  }
0x672: {  	v3 =	vld [tilespmem:s9+$0xFFFFFF00];
	[tilespmem:s30+$0xF0] =	vst v1  }
0x673: {  	v1 =	vld [tilespmem:s22+$0xFFFFFF00];
	v5 =	vmul.f32 v10, v12;
	[tilespmem:s30+$0x170] =	vst v2;
	s30 =	smov.u32 s9  }
0x674: {  	v2 =	vld [tilespmem:s9+$0xFFFFFF80]  }
0x675: {  	[tilespmem:s9+$0x180] =	vst v5;
	v5 =	vld [tilespmem:s9+$0x190]  }
0x676: {  	v4 =	vmul.f32 v4, v7;
	v6 =	vld [tilespmem:s22+$0x190]  }
0x677: {  	v7 =	vld [tilespmem:s22+$0xFFFFFF80]  }
0x678: {  	[tilespmem:s9+$0xFFFFFE80] =	vst v4;
	v1 =	vmul.f32 v1, v3;
	v3 =	vld [tilespmem:s9+$0x0]  }
0x679: {  	v4 =	vld [tilespmem:s22+$0x0]  }
0x67a: {  	[tilespmem:s9+$0xFFFFFF00] =	vst v1;
	v1 =	vld [tilespmem:s9+$0x80]  }
0x67b: {  	v8 =	vld [tilespmem:s22+$0x80];
	v5 =	vmul.f32 v6, v5  }
0x67c: {  	v2 =	vmul.f32 v7, v2;
	v6 =	vld [tilespmem:s9+$0x100]  }
0x67d: {  	[tilespmem:s9+$0x190] =	vst v5;
	v5 =	vld [tilespmem:s9+$0x1A0]  }
0x67e: {  	[tilespmem:s9+$0xFFFFFF80] =	vst v2;
	v2 =	vmul.f32 v4, v3;
	v3 =	vld [tilespmem:s22+$0x1A0]  }
0x67f: {  	v4 =	vld [tilespmem:s22+$0x100]  }
0x680: {  	v7 =	vld [tilespmem:s9+$0xFFFFFE00];
	[tilespmem:s9+$0x0] =	vst v2;
	v1 =	vmul.f32 v8, v1  }
0x681: {  	v2 =	vld [tilespmem:s22+$0xFFFFFE90]  }
0x682: {  	v8 =	vld [tilespmem:s22+$0xFFFFFF10];
	[tilespmem:s9+$0x80] =	vst v1  }
0x683: {  	v1 =	vld [tilespmem:s22+$0xFFFFFF90];
	v3 =	vmul.f32 v3, v5  }
0x684: {  	v5 =	vld [tilespmem:s22+$0x10];
	v4 =	vmul.f32 v4, v6  }
0x685: {  	v6 =	vmul.f32 v9, v7;
	[tilespmem:s9+$0x1A0] =	vst v3;
	v3 =	vld [tilespmem:s9+$0x1B0]  }
0x686: {  	[tilespmem:s9+$0x100] =	vst v4;
	v4 =	vld [tilespmem:s22+$0x1B0]  }
0x687: {  	[tilespmem:s9+$0xFFFFFE00] =	vst v6;
	v6 =	vld [tilespmem:s22+$0x90]  }
0x688: {  	v7 =	vld [tilespmem:s22+$0xFFFFFE10]  }
0x689: {  	v9 =	vld [tilespmem:s22+$0x110]  }
0x68a: {  	v10 =	vld [tilespmem:s9+$0xFFFFFE10]  }
0x68b: {  	v11 =	vld [tilespmem:s9+$0xFFFFFE90];
	v3 =	vmul.f32 v4, v3  }
0x68c: {  	v4 =	vld [tilespmem:s9+$0xFFFFFF10]  }
0x68d: {  	[tilespmem:s9+$0x1B0] =	vst v3;
	v3 =	vld [tilespmem:s9+$0x1C0]  }
0x68e: {  	v12 =	vld [tilespmem:s22+$0x1C0]  }
0x68f: {  	v7 =	vmul.f32 v7, v10;
	v10 =	vld [tilespmem:s9+$0xFFFFFF90]  }
0x690: {  	v2 =	vmul.f32 v2, v11;
	v11 =	vld [tilespmem:s9+$0x10]  }
0x691: {  	[tilespmem:s9+$0xFFFFFE10] =	vst v7;
	v4 =	vmul.f32 v8, v4;
	v7 =	vld [tilespmem:s9+$0x90]  }
0x692: {  	[tilespmem:s9+$0xFFFFFE90] =	vst v2;
	v2 =	vld [tilespmem:s9+$0x110]  }
0x693: {  	v8 =	vld [tilespmem:s22+$0xFFFFFE20];
	[tilespmem:s9+$0xFFFFFF10] =	vst v4;
	v3 =	vmul.f32 v12, v3  }
0x694: {  	v4 =	vld [tilespmem:s22+$0xFFFFFEA0];
	v1 =	vmul.f32 v1, v10  }
0x695: {  	v5 =	vmul.f32 v5, v11;
	[tilespmem:s9+$0x1C0] =	vst v3;
	v3 =	vld [tilespmem:s9+$0x1D0]  }
0x696: {  	[tilespmem:s9+$0xFFFFFF90] =	vst v1;
	v1 =	vmul.f32 v6, v7;
	v6 =	vld [tilespmem:s22+$0x1D0]  }
0x697: {  	v7 =	vld [tilespmem:s22+$0xFFFFFF20];
	[tilespmem:s9+$0x10] =	vst v5;
	v2 =	vmul.f32 v9, v2  }
0x698: {  	v5 =	vld [tilespmem:s22+$0xFFFFFFA0];
	[tilespmem:s9+$0x90] =	vst v1  }
0x699: {  	v1 =	vld [tilespmem:s22+$0x20];
	[tilespmem:s9+$0x110] =	vst v2  }
0x69a: {  	v2 =	vld [tilespmem:s22+$0xA0]  }
0x69b: {  	v9 =	vld [tilespmem:s22+$0x120];
	v3 =	vmul.f32 v6, v3  }
0x69c: {  	v6 =	vld [tilespmem:s9+$0xFFFFFE20]  }
0x69d: {  	[tilespmem:s9+$0x1D0] =	vst v3;
	v3 =	vld [tilespmem:s9+$0x1E0]  }
0x69e: {  	v10 =	vld [tilespmem:s22+$0x1E0]  }
0x69f: {  	v11 =	vld [tilespmem:s9+$0xFFFFFEA0]  }
0x6a0: {  	v12 =	vld [tilespmem:s9+$0xFFFFFF20]  }
0x6a1: {  	v6 =	vmul.f32 v8, v6;
	v8 =	vld [tilespmem:s9+$0xFFFFFFA0]  }
0x6a2: {  	v13 =	vld [tilespmem:s9+$0x20]  }
0x6a3: {  	[tilespmem:s9+$0xFFFFFE20] =	vst v6;
	v6 =	vld [tilespmem:s9+$0xA0];
	v3 =	vmul.f32 v10, v3  }
0x6a4: {  	v4 =	vmul.f32 v4, v11;
	v10 =	vld [tilespmem:s9+$0x120]  }
0x6a5: {  	v7 =	vmul.f32 v7, v12;
	[tilespmem:s9+$0x1E0] =	vst v3;
	v3 =	vld [tilespmem:s9+$0x1F0]  }
0x6a6: {  	[tilespmem:s9+$0xFFFFFEA0] =	vst v4;
	v4 =	vmul.f32 v5, v8;
	v5 =	vld [tilespmem:s22+$0x1F0]  }
0x6a7: {  	v8 =	vld [tilespmem:s22+$0xFFFFFE30];
	[tilespmem:s9+$0xFFFFFF20] =	vst v7;
	v1 =	vmul.f32 v1, v13  }
0x6a8: {  	v7 =	vld [tilespmem:s22+$0xFFFFFEB0];
	[tilespmem:s9+$0xFFFFFFA0] =	vst v4;
	v2 =	vmul.f32 v2, v6  }
0x6a9: {  	v4 =	vld [tilespmem:s22+$0xFFFFFF30];
	[tilespmem:s9+$0x20] =	vst v1;
	v1 =	vmul.f32 v9, v10  }
0x6aa: {  	v6 =	vld [tilespmem:s22+$0xFFFFFFB0];
	[tilespmem:s9+$0xA0] =	vst v2  }
0x6ab: {  	v2 =	vld [tilespmem:s22+$0x30];
	[tilespmem:s9+$0x120] =	vst v1;
	v1 =	vmul.f32 v5, v3  }
0x6ac: {  	v3 =	vld [tilespmem:s22+$0xB0]  }
0x6ad: {  	v5 =	vld [tilespmem:s22+$0x130];
	[tilespmem:s9+$0x1F0] =	vst v1  }
0x6ae: {  	v1 =	vld [tilespmem:s9+$0xFFFFFE30]  }
0x6af: {  	v9 =	vld [tilespmem:s9+$0xFFFFFEB0]  }
0x6b0: {  	v10 =	vld [tilespmem:s9+$0xFFFFFF30]  }
0x6b1: {  	v11 =	vld [tilespmem:s9+$0xFFFFFFB0]  }
0x6b2: {  	v12 =	vld [tilespmem:s9+$0x30]  }
0x6b3: {  	v1 =	vmul.f32 v8, v1;
	v8 =	vld [tilespmem:s9+$0xB0]  }
0x6b4: {  	v7 =	vmul.f32 v7, v9;
	v9 =	vld [tilespmem:s9+$0x130]  }
0x6b5: {  	[tilespmem:s9+$0xFFFFFE30] =	vst v1;
	v1 =	vld [tilespmem:s9+$0xFFFFFE40];
	v4 =	vmul.f32 v4, v10  }
0x6b6: {  	v10 =	vld [tilespmem:s22+$0xFFFFFE40];
	[tilespmem:s9+$0xFFFFFEB0] =	vst v7;
	v6 =	vmul.f32 v6, v11  }
0x6b7: {  	v7 =	vld [tilespmem:s22+$0xFFFFFEC0];
	[tilespmem:s9+$0xFFFFFF30] =	vst v4;
	v2 =	vmul.f32 v2, v12  }
0x6b8: {  	v4 =	vld [tilespmem:s22+$0xFFFFFF40];
	[tilespmem:s9+$0xFFFFFFB0] =	vst v6;
	v3 =	vmul.f32 v3, v8  }
0x6b9: {  	v6 =	vld [tilespmem:s22+$0xFFFFFFC0];
	[tilespmem:s9+$0x30] =	vst v2;
	v2 =	vmul.f32 v5, v9  }
0x6ba: {  	v5 =	vld [tilespmem:s22+$0x40];
	[tilespmem:s9+$0xB0] =	vst v3  }
0x6bb: {  	v1 =	vmul.f32 v10, v1;
	v3 =	vld [tilespmem:s22+$0xC0];
	[tilespmem:s9+$0x130] =	vst v2  }
0x6bc: {  	v2 =	vld [tilespmem:s22+$0x140]  }
0x6bd: {  	[tilespmem:s9+$0xFFFFFE40] =	vst v1;
	v1 =	vld [tilespmem:s9+$0xFFFFFEC0]  }
0x6be: {  	v8 =	vld [tilespmem:s9+$0xFFFFFF40]  }
0x6bf: {  	v9 =	vld [tilespmem:s9+$0xFFFFFFC0]  }
0x6c0: {  	v10 =	vld [tilespmem:s9+$0x40]  }
0x6c1: {  	v11 =	vld [tilespmem:s9+$0xC0]  }
0x6c2: {  	v1 =	vmul.f32 v7, v1;
	v7 =	vld [tilespmem:s9+$0x140]  }
0x6c3: {  	v12 =	vld [tilespmem:s22+$0xFFFFFE50];
	v4 =	vmul.f32 v4, v8  }
0x6c4: {  	v8 =	vld [tilespmem:s9+$0xFFFFFE50];
	[tilespmem:s9+$0xFFFFFEC0] =	vst v1;
	v1 =	vmul.f32 v6, v9  }
0x6c5: {  	v6 =	vld [tilespmem:s22+$0xFFFFFED0];
	[tilespmem:s9+$0xFFFFFF40] =	vst v4;
	v4 =	vmul.f32 v5, v10  }
0x6c6: {  	v5 =	vld [tilespmem:s22+$0xFFFFFF50];
	[tilespmem:s9+$0xFFFFFFC0] =	vst v1;
	v1 =	vmul.f32 v3, v11  }
0x6c7: {  	v3 =	vld [tilespmem:s22+$0xFFFFFFD0];
	[tilespmem:s9+$0x40] =	vst v4;
	v2 =	vmul.f32 v2, v7  }
0x6c8: {  	v4 =	vld [tilespmem:s22+$0x50];
	[tilespmem:s9+$0xC0] =	vst v1  }
0x6c9: {  	v1 =	vmul.f32 v12, v8;
	v7 =	vld [tilespmem:s22+$0xD0];
	[tilespmem:s9+$0x140] =	vst v2  }
0x6ca: {  	v2 =	vld [tilespmem:s22+$0x150]  }
0x6cb: {  	[tilespmem:s9+$0xFFFFFE50] =	vst v1;
	v1 =	vld [tilespmem:s9+$0xFFFFFED0]  }
0x6cc: {  	v8 =	vld [tilespmem:s9+$0xFFFFFF50]  }
0x6cd: {  	v9 =	vld [tilespmem:s9+$0xFFFFFFD0]  }
0x6ce: {  	v10 =	vld [tilespmem:s9+$0x50]  }
0x6cf: {  	v11 =	vld [tilespmem:s9+$0xD0]  }
0x6d0: {  	v1 =	vmul.f32 v6, v1;
	v6 =	vld [tilespmem:s9+$0x150]  }
0x6d1: {  	v12 =	vld [tilespmem:s22+$0xFFFFFE60];
	v5 =	vmul.f32 v5, v8  }
0x6d2: {  	v8 =	vld [tilespmem:s9+$0xFFFFFE60];
	[tilespmem:s9+$0xFFFFFED0] =	vst v1;
	v1 =	vmul.f32 v3, v9  }
0x6d3: {  	v3 =	vld [tilespmem:s22+$0xFFFFFEE0];
	[tilespmem:s9+$0xFFFFFF50] =	vst v5;
	v4 =	vmul.f32 v4, v10  }
0x6d4: {  	v5 =	vld [tilespmem:s22+$0xFFFFFF60];
	[tilespmem:s9+$0xFFFFFFD0] =	vst v1;
	v1 =	vmul.f32 v7, v11  }
0x6d5: {  	v7 =	vld [tilespmem:s22+$0xFFFFFFE0];
	[tilespmem:s9+$0x50] =	vst v4;
	v2 =	vmul.f32 v2, v6  }
0x6d6: {  	v4 =	vld [tilespmem:s22+$0x60];
	[tilespmem:s9+$0xD0] =	vst v1  }
0x6d7: {  	v1 =	vmul.f32 v12, v8;
	v6 =	vld [tilespmem:s22+$0xE0];
	[tilespmem:s9+$0x150] =	vst v2  }
0x6d8: {  	v2 =	vld [tilespmem:s22+$0x160]  }
0x6d9: {  	[tilespmem:s9+$0xFFFFFE60] =	vst v1;
	v1 =	vld [tilespmem:s9+$0xFFFFFEE0]  }
0x6da: {  	v8 =	vld [tilespmem:s9+$0xFFFFFF60]  }
0x6db: {  	v9 =	vld [tilespmem:s9+$0xFFFFFFE0]  }
0x6dc: {  	v10 =	vld [tilespmem:s9+$0x60]  }
0x6dd: {  	v11 =	vld [tilespmem:s9+$0xE0]  }
0x6de: {  	v1 =	vmul.f32 v3, v1;
	v3 =	vld [tilespmem:s9+$0x160]  }
0x6df: {  	v12 =	vld [tilespmem:s22+$0xFFFFFE70];
	v5 =	vmul.f32 v5, v8  }
0x6e0: {  	v8 =	vld [tilespmem:s9+$0xFFFFFE70];
	[tilespmem:s9+$0xFFFFFEE0] =	vst v1;
	v1 =	vmul.f32 v7, v9  }
0x6e1: {  	v13 =	vld [tilespmem:s22+$0xFFFFFEF0];
	[tilespmem:s9+$0xFFFFFF60] =	vst v5;
	v5 =	vmul.f32 v4, v10  }
0x6e2: {  	v7 =	vld [tilespmem:s22+$0xFFFFFF70];
	[tilespmem:s9+$0xFFFFFFE0] =	vst v1;
	v1 =	vmul.f32 v6, v11  }
0x6e3: {  	v4 =	vld [tilespmem:s22+$0xFFFFFFF0];
	[tilespmem:s9+$0x60] =	vst v5;
	v2 =	vmul.f32 v2, v3  }
0x6e4: {  	v5 =	vld [tilespmem:s22+$0x70];
	[tilespmem:s9+$0xE0] =	vst v1  }
0x6e5: {  	v1 =	vmul.f32 v12, v8;
	v6 =	vld [tilespmem:s22+$0xF0];
	[tilespmem:s9+$0x160] =	vst v2  }
0x6e6: {  	v3 =	vld [tilespmem:s22+$0x170]  }
0x6e7: {  	[tilespmem:s9+$0xFFFFFE70] =	vst v1;
	v2 =	vld [tilespmem:s9+$0xFFFFFEF0]  }
.Ltmp7:
0x6e8: {  	v10 =	vld [tilespmem:s9+$0xFFFFFF70];
	(pc) =	sbr.rel @p1 .LBB2_18-.Ltmp7, $4  }
0x6e9: {  	v9 =	vld [tilespmem:s9+$0xFFFFFFF0]  }
0x6ea: {  	v8 =	vld [tilespmem:s9+$0x70]  }
0x6eb: {  	v1 =	vld [tilespmem:s9+$0xF0]  }
0x6ec: {  	s9 =	sadd.s32 $0x400, s9;
	v11 =	vmul.f32 v13, v2;
	v2 =	vld [tilespmem:s30+$0x170]  }
0x6ed: {  	v7 =	vmul.f32 v7, v10  }
0x6ee: {  	[tilespmem:s30+$0xFFFFFEF0] =	vst v11;
	v4 =	vmul.f32 v4, v9  }
0x6ef: {  	[tilespmem:s30+$0xFFFFFF70] =	vst v7;
	v5 =	vmul.f32 v5, v8  }
0x6f0: {  	[tilespmem:s30+$0xFFFFFFF0] =	vst v4;
	v1 =	vmul.f32 v6, v1  }
0x6f1: {  	[tilespmem:s30+$0x70] =	vst v5;
	v2 =	vmul.f32 v3, v2  }
0x6f2: {  	s9 =	sand.u32 $0x3FFFFF00, s29;
	[tilespmem:s30+$0xF0] =	vst v1  }
0x6f3: {  	s17 =	sadd.s32 $0x1000, s9;
	[tilespmem:s30+$0x170] =	vst v2  }
0x6f4: {  	[spmem:s3] =	stream.indirect.scatter.add.f32 [tilespmem:s7], [sflag:$0x5], $0x80, s17, s10, $0xb8;
	[tilespmem:$0x1F880] =	vst v63  }
0x6f5: {  	_ =	swait.ge [sflag:s19], $0x2800  }
0x6f6: {  	[sflag:s19] =	ssyncset.done $0x0  }
0x6f7: {  	s9 =	sadd.s32 $0x100, s9;
	s30 =	sadd.s32 s28, s0;
	[sflag:s19] =	ssyncadd.s32 $0xFFFFD800  }
0x6f8: {  	[tilespmem:s7], [sflag:$0x1] =	stream.indirect.gather [hbm4b:s1+s10], $0x80, s9, s10, $0xb8;
	[tilespmem:$0x1F880] =	vst v63  }
0x6f9: {  	s9 =	sshll.u32 s30, $0x4  }
0x6fa: {  	s9 =	sadd.s32 s15, s9  }
0x6fb: {  	[tilespmem:s11], [sflag:$0x3] =	stream.linear.gather [hbm4b:s9+s5], $0x2800, $0x38;
	[tilespmem:$0x1F880] =	vst v63  }
0x6fc: {  	_ =	swait.ge [sflag:s20], $0x2800  }
0x6fd: {  	[sflag:s20] =	ssyncset.done $0x0  }
0x6fe: {  	[sflag:s20] =	ssyncadd.s32 $0xFFFFD800  }
0x6ff: {  	_ =	swait.ge [sflag:s21], $0x2800  }
0x700: {  	[sflag:s21] =	ssyncset.done $0x0  }
0x701: {  	s28 =	simm.s32 $0x4A00;
	[sflag:s21] =	ssyncadd.s32 $0xFFFFD800  }
0x702: {  	s22 =	simm.s32 $0x9A00;
	v1 =	vld [tilespmem:s28+$0x180]  }
0x703: {  	v2 =	vld [tilespmem:s22+$0x180]  }
0x704: {  	v3 =	vld [tilespmem:s22+$0xFFFFFE00]  }
0x705: {  	v4 =	vld [tilespmem:s28+$0xFFFFFE80]  }
0x706: {  	v5 =	vld [tilespmem:s22+$0xFFFFFE80]  }
0x707: {  	v6 =	vld [tilespmem:s28+$0xFFFFFF00]  }
0x708: {  	v7 =	vld [tilespmem:s22+$0xFFFFFF00]  }
0x709: {  	v8 =	vld [tilespmem:s22+$0xFFFFFF80]  }
0x70a: {  	v10 =	vld [tilespmem:s28+$0x0]  }
0x70b: {  	v11 =	vld [tilespmem:s22+$0x0]  }
0x70c: {  	v12 =	vld [tilespmem:s28+$0x80]  }
0x70d: {  	v13 =	vld [tilespmem:s22+$0x80]  }
0x70e: {  	v14 =	vld [tilespmem:s28+$0x100]  }
0x70f: {  	v41 =	vld [tilespmem:s28+$0xFFFFFF10]  }
0x710: {  	v42 =	vld [tilespmem:s28+$0xFFFFFF90]  }
0x711: {  	v43 =	vld [tilespmem:s28+$0x10]  }
0x712: {  	v44 =	vld [tilespmem:s28+$0xFFFFFF20]  }
0x713: {  	v45 =	vld [tilespmem:s28+$0xFFFFFFA0]  }
0x714: {  	v46 =	vld [tilespmem:s28+$0x20]  }
0x715: {  	v15 =	vld [tilespmem:s28+$0xA0]  }
0x716: {  	v47 =	vld [tilespmem:s28+$0xFFFFFF30]  }
0x717: {  	v48 =	vld [tilespmem:s28+$0xFFFFFFB0]  }
0x718: {  	v49 =	vld [tilespmem:s28+$0x30]  }
0x719: {  	v51 =	vld [tilespmem:s28+$0xFFFFFFC0]  }
0x71a: {  	v52 =	vld [tilespmem:s28+$0x40];
	v1 =	vmul.f32 v2, v1  }
0x71b: {  	v53 =	vld [tilespmem:s28+$0xC0]  }
0x71c: {  	[tilespmem:s28+$0x180] =	vst v1;
	v1 =	vld [tilespmem:s28+$0x190]  }
0x71d: {  	v2 =	vld [tilespmem:s22+$0x190]  }
0x71e: {  	v54 =	vld [tilespmem:s28+$0xFFFFFF50]  }
0x71f: {  	v55 =	vld [tilespmem:s28+$0xFFFFFFD0]  }
0x720: {  	v56 =	vld [tilespmem:s28+$0xD0]  }
0x721: {  	v57 =	vld [tilespmem:s28+$0xFFFFFE60]  }
0x722: {  	v58 =	vld [tilespmem:s28+$0xFFFFFFE0];
	v1 =	vmul.f32 v2, v1  }
0x723: {  	v59 =	vld [tilespmem:s28+$0x60]  }
0x724: {  	[tilespmem:s28+$0x190] =	vst v1;
	v1 =	vld [tilespmem:s28+$0x1A0]  }
0x725: {  	v9 =	vld [tilespmem:s22+$0x1A0]  }
0x726: {  	v4 =	vmul.f32 v5, v4;
	v5 =	vld [tilespmem:s28+$0xFFFFFE00]  }
0x727: {  	v60 =	vld [tilespmem:s28+$0xE0]  }
0x728: {  	v2 =	vld [tilespmem:s28+$0xFFFFFF80]  }
0x729: {  	v61 =	vld [tilespmem:s28+$0xFFFFFE70]  }
0x72a: {  	v1 =	vmul.f32 v9, v1;
	v9 =	vld [tilespmem:s22+$0x100]  }
0x72b: {  	v63 =	vld [tilespmem:s28+$0xFFFFFEF0];
	[tilespmem:s28+$0xFFFFFE80] =	vst v4;
	v3 =	vmul.f32 v3, v5  }
0x72c: {  	[tilespmem:s28+$0x1A0] =	vst v1;
	v1 =	vmul.f32 v7, v6;
	v6 =	vld [tilespmem:s28+$0x1B0]  }
0x72d: {  	[tilespmem:s28+$0xFFFFFE00] =	vst v3;
	v2 =	vmul.f32 v8, v2;
	v4 =	vld [tilespmem:s22+$0x1B0]  }
0x72e: {  	v7 =	vld [tilespmem:s22+$0xFFFFFE90];
	[tilespmem:s28+$0xFFFFFF00] =	vst v1;
	v1 =	vmul.f32 v11, v10  }
0x72f: {  	[tilespmem:s28+$0xFFFFFF80] =	vst v2;
	v10 =	vld [tilespmem:s28+$0xFFFFFE10];
	v5 =	vmul.f32 v9, v14  }
0x730: {  	v2 =	vmul.f32 v13, v12;
	[tilespmem:s28+$0x0] =	vst v1;
	v1 =	vld [tilespmem:s22+$0xFFFFFF90]  }
0x731: {  	[tilespmem:s28+$0x100] =	vst v5;
	v5 =	vld [tilespmem:s22+$0xFFFFFE10]  }
0x732: {  	[tilespmem:s28+$0x80] =	vst v2;
	v2 =	vld [tilespmem:s22+$0x10];
	v4 =	vmul.f32 v4, v6  }
0x733: {  	v6 =	vld [tilespmem:s22+$0x110]  }
0x734: {  	[tilespmem:s28+$0x1B0] =	vst v4;
	v4 =	vld [tilespmem:s28+$0x1C0]  }
0x735: {  	v9 =	vld [tilespmem:s22+$0x1C0]  }
0x736: {  	v5 =	vmul.f32 v5, v10;
	v10 =	vld [tilespmem:s28+$0x110]  }
0x737: {  	v3 =	vld [tilespmem:s22+$0x90]  }
0x738: {  	v11 =	vld [tilespmem:s28+$0xFFFFFE90];
	v1 =	vmul.f32 v1, v42  }
0x739: {  	v8 =	vld [tilespmem:s22+$0xFFFFFF10];
	v2 =	vmul.f32 v2, v43  }
0x73a: {  	[tilespmem:s28+$0xFFFFFF90] =	vst v1;
	v4 =	vmul.f32 v9, v4;
	v9 =	vld [tilespmem:s28+$0x90]  }
0x73b: {  	[tilespmem:s28+$0x10] =	vst v2;
	v2 =	vmul.f32 v6, v10;
	v6 =	vld [tilespmem:s22+$0xFFFFFFA0]  }
0x73c: {  	v10 =	vld [tilespmem:s28+$0xFFFFFE20]  }
0x73d: {  	[tilespmem:s28+$0x1C0] =	vst v4;
	v4 =	vmul.f32 v7, v11;
	v7 =	vld [tilespmem:s28+$0x1D0]  }
0x73e: {  	v11 =	vld [tilespmem:s28+$0xFFFFFEA0]  }
0x73f: {  	[tilespmem:s28+$0xFFFFFE10] =	vst v5;
	v5 =	vmul.f32 v8, v41;
	v8 =	vld [tilespmem:s22+$0x1D0]  }
0x740: {  	[tilespmem:s28+$0xFFFFFE90] =	vst v4;
	v4 =	vld [tilespmem:s22+$0xFFFFFE20]  }
0x741: {  	[tilespmem:s28+$0xFFFFFF10] =	vst v5;
	v5 =	vld [tilespmem:s22+$0xFFFFFEA0];
	v1 =	vmul.f32 v3, v9  }
0x742: {  	v3 =	vld [tilespmem:s22+$0xFFFFFF20]  }
0x743: {  	v9 =	vld [tilespmem:s22+$0x20];
	[tilespmem:s28+$0x90] =	vst v1  }
0x744: {  	[tilespmem:s28+$0x110] =	vst v2;
	v1 =	vmul.f32 v8, v7;
	v7 =	vld [tilespmem:s22+$0xA0]  }
0x745: {  	v8 =	vld [tilespmem:s22+$0x120]  }
0x746: {  	[tilespmem:s28+$0x1D0] =	vst v1;
	v1 =	vld [tilespmem:s28+$0x1E0];
	v5 =	vmul.f32 v5, v11  }
0x747: {  	v3 =	vmul.f32 v3, v44;
	v2 =	vld [tilespmem:s22+$0x1E0]  }
0x748: {  	v11 =	vld [tilespmem:s28+$0xFFFFFEB0];
	[tilespmem:s28+$0xFFFFFEA0] =	vst v5;
	v5 =	vmul.f32 v6, v45  }
0x749: {  	[tilespmem:s28+$0xFFFFFF20] =	vst v3;
	v3 =	vmul.f32 v9, v46;
	v9 =	vld [tilespmem:s22+$0xFFFFFEB0]  }
0x74a: {  	[tilespmem:s28+$0xFFFFFFA0] =	vst v5;
	v5 =	vmul.f32 v7, v15;
	v7 =	vld [tilespmem:s22+$0xFFFFFF30]  }
0x74b: {  	[tilespmem:s28+$0x20] =	vst v3;
	v3 =	vld [tilespmem:s22+$0xFFFFFFB0]  }
0x74c: {  	v1 =	vmul.f32 v2, v1;
	v2 =	vmul.f32 v4, v10;
	v4 =	vld [tilespmem:s28+$0x120]  }
0x74d: {  	[tilespmem:s28+$0xA0] =	vst v5;
	v5 =	vld [tilespmem:s22+$0x30]  }
0x74e: {  	[tilespmem:s28+$0x1E0] =	vst v1;
	v1 =	vld [tilespmem:s28+$0x1F0]  }
0x74f: {  	v9 =	vmul.f32 v9, v11;
	v11 =	vld [tilespmem:s28+$0x130]  }
0x750: {  	[tilespmem:s28+$0xFFFFFE20] =	vst v2;
	v2 =	vld [tilespmem:s22+$0x1F0]  }
0x751: {  	v6 =	vld [tilespmem:s22+$0xFFFFFE30];
	v4 =	vmul.f32 v8, v4  }
0x752: {  	v8 =	vld [tilespmem:s22+$0xB0]  }
0x753: {  	v7 =	vmul.f32 v7, v47;
	[tilespmem:s28+$0x120] =	vst v4;
	v4 =	vld [tilespmem:s28+$0xFFFFFE30]  }
0x754: {  	[tilespmem:s28+$0xFFFFFEB0] =	vst v9;
	v10 =	vld [tilespmem:s22+$0x130]  }
0x755: {  	v9 =	vld [tilespmem:s22+$0xFFFFFEC0];
	[tilespmem:s28+$0xFFFFFF30] =	vst v7;
	v1 =	vmul.f32 v2, v1  }
0x756: {  	v7 =	vld [tilespmem:s22+$0xFFFFFF40]  }
0x757: {  	v5 =	vmul.f32 v5, v49;
	[tilespmem:s28+$0x1F0] =	vst v1;
	v1 =	vld [tilespmem:s28+$0xF0]  }
0x758: {  	v4 =	vmul.f32 v6, v4;
	v6 =	vld [tilespmem:s28+$0xB0]  }
0x759: {  	[tilespmem:s28+$0x30] =	vst v5;
	v5 =	vmul.f32 v10, v11;
	v11 =	vld [tilespmem:s28+$0xFFFFFF40]  }
0x75a: {  	[tilespmem:s28+$0xFFFFFE30] =	vst v4;
	v4 =	vld [tilespmem:s28+$0xFFFFFE40]  }
0x75b: {  	v50 =	vld [tilespmem:s22+$0xFFFFFE40]  }
0x75c: {  	v3 =	vmul.f32 v3, v48;
	v10 =	vld [tilespmem:s28+$0xFFFFFEC0];
	[tilespmem:s28+$0x130] =	vst v5  }
0x75d: {  	v5 =	vld [tilespmem:s22+$0x140]  }
0x75e: {  	[tilespmem:s28+$0xFFFFFFB0] =	vst v3;
	v3 =	vmul.f32 v8, v6;
	v8 =	vld [tilespmem:s22+$0x40]  }
0x75f: {  	v6 =	vld [tilespmem:s22+$0xFFFFFFC0];
	v7 =	vmul.f32 v7, v11  }
0x760: {  	v11 =	vld [tilespmem:s28+$0xFFFFFE50];
	[tilespmem:s28+$0xB0] =	vst v3;
	v4 =	vmul.f32 v50, v4  }
0x761: {  	v3 =	vld [tilespmem:s22+$0xC0];
	[tilespmem:s28+$0xFFFFFF40] =	vst v7  }
0x762: {  	[tilespmem:s28+$0xFFFFFE40] =	vst v4;
	v4 =	vmul.f32 v9, v10;
	v9 =	vld [tilespmem:s28+$0x140]  }
0x763: {  	v7 =	vmul.f32 v8, v52;
	v8 =	vld [tilespmem:s22+$0xFFFFFF50]  }
0x764: {  	v10 =	vld [tilespmem:s22+$0xFFFFFE50];
	[tilespmem:s28+$0xFFFFFEC0] =	vst v4;
	v4 =	vmul.f32 v6, v51  }
0x765: {  	[tilespmem:s28+$0x40] =	vst v7;
	v6 =	vld [tilespmem:s22+$0xFFFFFED0]  }
0x766: {  	v3 =	vmul.f32 v3, v53;
	v7 =	vld [tilespmem:s22+$0x50];
	[tilespmem:s28+$0xFFFFFFC0] =	vst v4  }
0x767: {  	v4 =	vld [tilespmem:s22+$0xFFFFFFD0]  }
0x768: {  	v5 =	vmul.f32 v5, v9;
	[tilespmem:s28+$0xC0] =	vst v3;
	v9 =	vld [tilespmem:s28+$0xFFFFFED0]  }
0x769: {  	v8 =	vmul.f32 v8, v54;
	v3 =	vld [tilespmem:s22+$0xD0]  }
0x76a: {  	v10 =	vmul.f32 v10, v11;
	v11 =	vld [tilespmem:s28+$0x50];
	[tilespmem:s28+$0x140] =	vst v5  }
0x76b: {  	[tilespmem:s28+$0xFFFFFF50] =	vst v8;
	v5 =	vld [tilespmem:s22+$0x150]  }
0x76c: {  	[tilespmem:s28+$0xFFFFFE50] =	vst v10;
	v8 =	vld [tilespmem:s22+$0xFFFFFF60]  }
0x76d: {  	v10 =	vld [tilespmem:s22+$0xFFFFFE60];
	v6 =	vmul.f32 v6, v9  }
0x76e: {  	v9 =	vld [tilespmem:s28+$0x150];
	v4 =	vmul.f32 v4, v55  }
0x76f: {  	v7 =	vmul.f32 v7, v11;
	v11 =	vld [tilespmem:s28+$0xFFFFFF60];
	[tilespmem:s28+$0xFFFFFED0] =	vst v6  }
0x770: {  	[tilespmem:s28+$0xFFFFFFD0] =	vst v4;
	v6 =	vld [tilespmem:s22+$0xFFFFFEE0]  }
0x771: {  	v3 =	vmul.f32 v3, v56;
	v4 =	vld [tilespmem:s22+$0xFFFFFFE0];
	[tilespmem:s28+$0x50] =	vst v7  }
0x772: {  	v7 =	vld [tilespmem:s22+$0x60]  }
0x773: {  	[tilespmem:s28+$0xD0] =	vst v3;
	v10 =	vmul.f32 v10, v57;
	v5 =	vmul.f32 v5, v9;
	v9 =	vld [tilespmem:s28+$0xFFFFFEE0]  }
0x774: {  	v3 =	vld [tilespmem:s22+$0xE0]  }
0x775: {  	[tilespmem:s28+$0xFFFFFE60] =	vst v10;
	v10 =	vld [tilespmem:s28+$0xFFFFFF70]  }
0x776: {  	v8 =	vmul.f32 v8, v11;
	[tilespmem:s28+$0x150] =	vst v5;
	v11 =	vld [tilespmem:s22+$0xFFFFFE70];
	v4 =	vmul.f32 v4, v58  }
0x777: {  	v5 =	vld [tilespmem:s22+$0x160]  }
0x778: {  	v6 =	vmul.f32 v6, v9;
	v9 =	vld [tilespmem:s28+$0x160];
	[tilespmem:s28+$0xFFFFFFE0] =	vst v4  }
0x779: {  	[tilespmem:s28+$0xFFFFFF60] =	vst v8;
	v3 =	vmul.f32 v3, v60;
	v4 =	vld [tilespmem:s22+$0xFFFFFFF0]  }
0x77a: {  	[tilespmem:s28+$0xFFFFFEE0] =	vst v6;
	v6 =	vmul.f32 v7, v59;
	v7 =	vld [tilespmem:s22+$0xFFFFFF70]  }
0x77b: {  	[tilespmem:s28+$0xE0] =	vst v3;
	v62 =	vld [tilespmem:s22+$0xFFFFFEF0]  }
0x77c: {  	[tilespmem:s28+$0x60] =	vst v6;
	v6 =	vld [tilespmem:s22+$0xF0]  }
0x77d: {  	v8 =	vmul.f32 v5, v9;
	v5 =	vld [tilespmem:s22+$0x70]  }
0x77e: {  	v2 =	vmul.f32 v11, v61;
	v9 =	vld [tilespmem:s28+$0xFFFFFFF0]  }
0x77f: {  	[tilespmem:s28+$0x160] =	vst v8;
	v8 =	vld [tilespmem:s28+$0x70]  }
0x780: {  	[tilespmem:s28+$0xFFFFFE70] =	vst v2;
	v2 =	vld [tilespmem:s28+$0x170]  }
0x781: {  	s17 =	simm.s32 $0x0;
	s9 =	simm.s32 $0x4E00;
	v3 =	vld [tilespmem:s22+$0x170];
	v11 =	vmul.f32 v62, v63  }
.LBB2_20:
0x782: {  	v12 =	vld [tilespmem:s9+$0x180];
	v7 =	vmul.f32 v7, v10;
	s22 =	sadd.s32 $0x400, s22  }
0x783: {  	s17 =	sadd.s32 $0x8, s17;
	v10 =	vld [tilespmem:s22+$0x180];
	[tilespmem:s28+$0xFFFFFEF0] =	vst v11;
	v4 =	vmul.f32 v4, v9  }
0x784: {  	p1 =	slt.u32 s17, $0x48;
	v9 =	vld [tilespmem:s22+$0xFFFFFE00];
	[tilespmem:s28+$0xFFFFFF70] =	vst v7;
	v5 =	vmul.f32 v5, v8  }
0x785: {  	v7 =	vld [tilespmem:s9+$0xFFFFFE80];
	[tilespmem:s28+$0xFFFFFFF0] =	vst v4;
	v1 =	vmul.f32 v6, v1  }
0x786: {  	v4 =	vld [tilespmem:s22+$0xFFFFFE80];
	[tilespmem:s28+$0x70] =	vst v5;
	v2 =	vmul.f32 v3, v2  }
0x787: {  	v3 =	vld [tilespmem:s9+$0xFFFFFF00];
	[tilespmem:s28+$0xF0] =	vst v1  }
0x788: {  	v1 =	vld [tilespmem:s22+$0xFFFFFF00];
	v5 =	vmul.f32 v10, v12;
	[tilespmem:s28+$0x170] =	vst v2;
	s28 =	smov.u32 s9  }
0x789: {  	v2 =	vld [tilespmem:s9+$0xFFFFFF80]  }
0x78a: {  	[tilespmem:s9+$0x180] =	vst v5;
	v5 =	vld [tilespmem:s9+$0x190]  }
0x78b: {  	v4 =	vmul.f32 v4, v7;
	v6 =	vld [tilespmem:s22+$0x190]  }
0x78c: {  	v7 =	vld [tilespmem:s22+$0xFFFFFF80]  }
0x78d: {  	[tilespmem:s9+$0xFFFFFE80] =	vst v4;
	v1 =	vmul.f32 v1, v3;
	v3 =	vld [tilespmem:s9+$0x0]  }
0x78e: {  	v4 =	vld [tilespmem:s22+$0x0]  }
0x78f: {  	[tilespmem:s9+$0xFFFFFF00] =	vst v1;
	v1 =	vld [tilespmem:s9+$0x80]  }
0x790: {  	v8 =	vld [tilespmem:s22+$0x80];
	v5 =	vmul.f32 v6, v5  }
0x791: {  	v2 =	vmul.f32 v7, v2;
	v6 =	vld [tilespmem:s9+$0x100]  }
0x792: {  	[tilespmem:s9+$0x190] =	vst v5;
	v5 =	vld [tilespmem:s9+$0x1A0]  }
0x793: {  	[tilespmem:s9+$0xFFFFFF80] =	vst v2;
	v2 =	vmul.f32 v4, v3;
	v3 =	vld [tilespmem:s22+$0x1A0]  }
0x794: {  	v4 =	vld [tilespmem:s22+$0x100]  }
0x795: {  	v7 =	vld [tilespmem:s9+$0xFFFFFE00];
	[tilespmem:s9+$0x0] =	vst v2;
	v1 =	vmul.f32 v8, v1  }
0x796: {  	v2 =	vld [tilespmem:s22+$0xFFFFFE90]  }
0x797: {  	v8 =	vld [tilespmem:s22+$0xFFFFFF10];
	[tilespmem:s9+$0x80] =	vst v1  }
0x798: {  	v1 =	vld [tilespmem:s22+$0xFFFFFF90];
	v3 =	vmul.f32 v3, v5  }
0x799: {  	v5 =	vld [tilespmem:s22+$0x10];
	v4 =	vmul.f32 v4, v6  }
0x79a: {  	v6 =	vmul.f32 v9, v7;
	[tilespmem:s9+$0x1A0] =	vst v3;
	v3 =	vld [tilespmem:s9+$0x1B0]  }
0x79b: {  	[tilespmem:s9+$0x100] =	vst v4;
	v4 =	vld [tilespmem:s22+$0x1B0]  }
0x79c: {  	[tilespmem:s9+$0xFFFFFE00] =	vst v6;
	v6 =	vld [tilespmem:s22+$0x90]  }
0x79d: {  	v7 =	vld [tilespmem:s22+$0xFFFFFE10]  }
0x79e: {  	v9 =	vld [tilespmem:s22+$0x110]  }
0x79f: {  	v10 =	vld [tilespmem:s9+$0xFFFFFE10]  }
0x7a0: {  	v11 =	vld [tilespmem:s9+$0xFFFFFE90];
	v3 =	vmul.f32 v4, v3  }
0x7a1: {  	v4 =	vld [tilespmem:s9+$0xFFFFFF10]  }
0x7a2: {  	[tilespmem:s9+$0x1B0] =	vst v3;
	v3 =	vld [tilespmem:s9+$0x1C0]  }
0x7a3: {  	v12 =	vld [tilespmem:s22+$0x1C0]  }
0x7a4: {  	v7 =	vmul.f32 v7, v10;
	v10 =	vld [tilespmem:s9+$0xFFFFFF90]  }
0x7a5: {  	v2 =	vmul.f32 v2, v11;
	v11 =	vld [tilespmem:s9+$0x10]  }
0x7a6: {  	[tilespmem:s9+$0xFFFFFE10] =	vst v7;
	v4 =	vmul.f32 v8, v4;
	v7 =	vld [tilespmem:s9+$0x90]  }
0x7a7: {  	[tilespmem:s9+$0xFFFFFE90] =	vst v2;
	v2 =	vld [tilespmem:s9+$0x110]  }
0x7a8: {  	v8 =	vld [tilespmem:s22+$0xFFFFFE20];
	[tilespmem:s9+$0xFFFFFF10] =	vst v4;
	v3 =	vmul.f32 v12, v3  }
0x7a9: {  	v4 =	vld [tilespmem:s22+$0xFFFFFEA0];
	v1 =	vmul.f32 v1, v10  }
0x7aa: {  	v5 =	vmul.f32 v5, v11;
	[tilespmem:s9+$0x1C0] =	vst v3;
	v3 =	vld [tilespmem:s9+$0x1D0]  }
0x7ab: {  	[tilespmem:s9+$0xFFFFFF90] =	vst v1;
	v1 =	vmul.f32 v6, v7;
	v6 =	vld [tilespmem:s22+$0x1D0]  }
0x7ac: {  	v7 =	vld [tilespmem:s22+$0xFFFFFF20];
	[tilespmem:s9+$0x10] =	vst v5;
	v2 =	vmul.f32 v9, v2  }
0x7ad: {  	v5 =	vld [tilespmem:s22+$0xFFFFFFA0];
	[tilespmem:s9+$0x90] =	vst v1  }
0x7ae: {  	v1 =	vld [tilespmem:s22+$0x20];
	[tilespmem:s9+$0x110] =	vst v2  }
0x7af: {  	v2 =	vld [tilespmem:s22+$0xA0]  }
0x7b0: {  	v9 =	vld [tilespmem:s22+$0x120];
	v3 =	vmul.f32 v6, v3  }
0x7b1: {  	v6 =	vld [tilespmem:s9+$0xFFFFFE20]  }
0x7b2: {  	[tilespmem:s9+$0x1D0] =	vst v3;
	v3 =	vld [tilespmem:s9+$0x1E0]  }
0x7b3: {  	v10 =	vld [tilespmem:s22+$0x1E0]  }
0x7b4: {  	v11 =	vld [tilespmem:s9+$0xFFFFFEA0]  }
0x7b5: {  	v12 =	vld [tilespmem:s9+$0xFFFFFF20]  }
0x7b6: {  	v6 =	vmul.f32 v8, v6;
	v8 =	vld [tilespmem:s9+$0xFFFFFFA0]  }
0x7b7: {  	v13 =	vld [tilespmem:s9+$0x20]  }
0x7b8: {  	[tilespmem:s9+$0xFFFFFE20] =	vst v6;
	v6 =	vld [tilespmem:s9+$0xA0];
	v3 =	vmul.f32 v10, v3  }
0x7b9: {  	v4 =	vmul.f32 v4, v11;
	v10 =	vld [tilespmem:s9+$0x120]  }
0x7ba: {  	v7 =	vmul.f32 v7, v12;
	[tilespmem:s9+$0x1E0] =	vst v3;
	v3 =	vld [tilespmem:s9+$0x1F0]  }
0x7bb: {  	[tilespmem:s9+$0xFFFFFEA0] =	vst v4;
	v4 =	vmul.f32 v5, v8;
	v5 =	vld [tilespmem:s22+$0x1F0]  }
0x7bc: {  	v8 =	vld [tilespmem:s22+$0xFFFFFE30];
	[tilespmem:s9+$0xFFFFFF20] =	vst v7;
	v1 =	vmul.f32 v1, v13  }
0x7bd: {  	v7 =	vld [tilespmem:s22+$0xFFFFFEB0];
	[tilespmem:s9+$0xFFFFFFA0] =	vst v4;
	v2 =	vmul.f32 v2, v6  }
0x7be: {  	v4 =	vld [tilespmem:s22+$0xFFFFFF30];
	[tilespmem:s9+$0x20] =	vst v1;
	v1 =	vmul.f32 v9, v10  }
0x7bf: {  	v6 =	vld [tilespmem:s22+$0xFFFFFFB0];
	[tilespmem:s9+$0xA0] =	vst v2  }
0x7c0: {  	v2 =	vld [tilespmem:s22+$0x30];
	[tilespmem:s9+$0x120] =	vst v1;
	v1 =	vmul.f32 v5, v3  }
0x7c1: {  	v3 =	vld [tilespmem:s22+$0xB0]  }
0x7c2: {  	v5 =	vld [tilespmem:s22+$0x130];
	[tilespmem:s9+$0x1F0] =	vst v1  }
0x7c3: {  	v1 =	vld [tilespmem:s9+$0xFFFFFE30]  }
0x7c4: {  	v9 =	vld [tilespmem:s9+$0xFFFFFEB0]  }
0x7c5: {  	v10 =	vld [tilespmem:s9+$0xFFFFFF30]  }
0x7c6: {  	v11 =	vld [tilespmem:s9+$0xFFFFFFB0]  }
0x7c7: {  	v12 =	vld [tilespmem:s9+$0x30]  }
0x7c8: {  	v1 =	vmul.f32 v8, v1;
	v8 =	vld [tilespmem:s9+$0xB0]  }
0x7c9: {  	v7 =	vmul.f32 v7, v9;
	v9 =	vld [tilespmem:s9+$0x130]  }
0x7ca: {  	[tilespmem:s9+$0xFFFFFE30] =	vst v1;
	v1 =	vld [tilespmem:s9+$0xFFFFFE40];
	v4 =	vmul.f32 v4, v10  }
0x7cb: {  	v10 =	vld [tilespmem:s22+$0xFFFFFE40];
	[tilespmem:s9+$0xFFFFFEB0] =	vst v7;
	v6 =	vmul.f32 v6, v11  }
0x7cc: {  	v7 =	vld [tilespmem:s22+$0xFFFFFEC0];
	[tilespmem:s9+$0xFFFFFF30] =	vst v4;
	v2 =	vmul.f32 v2, v12  }
0x7cd: {  	v4 =	vld [tilespmem:s22+$0xFFFFFF40];
	[tilespmem:s9+$0xFFFFFFB0] =	vst v6;
	v3 =	vmul.f32 v3, v8  }
0x7ce: {  	v6 =	vld [tilespmem:s22+$0xFFFFFFC0];
	[tilespmem:s9+$0x30] =	vst v2;
	v2 =	vmul.f32 v5, v9  }
0x7cf: {  	v5 =	vld [tilespmem:s22+$0x40];
	[tilespmem:s9+$0xB0] =	vst v3  }
0x7d0: {  	v1 =	vmul.f32 v10, v1;
	v3 =	vld [tilespmem:s22+$0xC0];
	[tilespmem:s9+$0x130] =	vst v2  }
0x7d1: {  	v2 =	vld [tilespmem:s22+$0x140]  }
0x7d2: {  	[tilespmem:s9+$0xFFFFFE40] =	vst v1;
	v1 =	vld [tilespmem:s9+$0xFFFFFEC0]  }
0x7d3: {  	v8 =	vld [tilespmem:s9+$0xFFFFFF40]  }
0x7d4: {  	v9 =	vld [tilespmem:s9+$0xFFFFFFC0]  }
0x7d5: {  	v10 =	vld [tilespmem:s9+$0x40]  }
0x7d6: {  	v11 =	vld [tilespmem:s9+$0xC0]  }
0x7d7: {  	v1 =	vmul.f32 v7, v1;
	v7 =	vld [tilespmem:s9+$0x140]  }
0x7d8: {  	v12 =	vld [tilespmem:s22+$0xFFFFFE50];
	v4 =	vmul.f32 v4, v8  }
0x7d9: {  	v8 =	vld [tilespmem:s9+$0xFFFFFE50];
	[tilespmem:s9+$0xFFFFFEC0] =	vst v1;
	v1 =	vmul.f32 v6, v9  }
0x7da: {  	v6 =	vld [tilespmem:s22+$0xFFFFFED0];
	[tilespmem:s9+$0xFFFFFF40] =	vst v4;
	v4 =	vmul.f32 v5, v10  }
0x7db: {  	v5 =	vld [tilespmem:s22+$0xFFFFFF50];
	[tilespmem:s9+$0xFFFFFFC0] =	vst v1;
	v1 =	vmul.f32 v3, v11  }
0x7dc: {  	v3 =	vld [tilespmem:s22+$0xFFFFFFD0];
	[tilespmem:s9+$0x40] =	vst v4;
	v2 =	vmul.f32 v2, v7  }
0x7dd: {  	v4 =	vld [tilespmem:s22+$0x50];
	[tilespmem:s9+$0xC0] =	vst v1  }
0x7de: {  	v1 =	vmul.f32 v12, v8;
	v7 =	vld [tilespmem:s22+$0xD0];
	[tilespmem:s9+$0x140] =	vst v2  }
0x7df: {  	v2 =	vld [tilespmem:s22+$0x150]  }
0x7e0: {  	[tilespmem:s9+$0xFFFFFE50] =	vst v1;
	v1 =	vld [tilespmem:s9+$0xFFFFFED0]  }
0x7e1: {  	v8 =	vld [tilespmem:s9+$0xFFFFFF50]  }
0x7e2: {  	v9 =	vld [tilespmem:s9+$0xFFFFFFD0]  }
0x7e3: {  	v10 =	vld [tilespmem:s9+$0x50]  }
0x7e4: {  	v11 =	vld [tilespmem:s9+$0xD0]  }
0x7e5: {  	v1 =	vmul.f32 v6, v1;
	v6 =	vld [tilespmem:s9+$0x150]  }
0x7e6: {  	v12 =	vld [tilespmem:s22+$0xFFFFFE60];
	v5 =	vmul.f32 v5, v8  }
0x7e7: {  	v8 =	vld [tilespmem:s9+$0xFFFFFE60];
	[tilespmem:s9+$0xFFFFFED0] =	vst v1;
	v1 =	vmul.f32 v3, v9  }
0x7e8: {  	v3 =	vld [tilespmem:s22+$0xFFFFFEE0];
	[tilespmem:s9+$0xFFFFFF50] =	vst v5;
	v4 =	vmul.f32 v4, v10  }
0x7e9: {  	v5 =	vld [tilespmem:s22+$0xFFFFFF60];
	[tilespmem:s9+$0xFFFFFFD0] =	vst v1;
	v1 =	vmul.f32 v7, v11  }
0x7ea: {  	v7 =	vld [tilespmem:s22+$0xFFFFFFE0];
	[tilespmem:s9+$0x50] =	vst v4;
	v2 =	vmul.f32 v2, v6  }
0x7eb: {  	v4 =	vld [tilespmem:s22+$0x60];
	[tilespmem:s9+$0xD0] =	vst v1  }
0x7ec: {  	v1 =	vmul.f32 v12, v8;
	v6 =	vld [tilespmem:s22+$0xE0];
	[tilespmem:s9+$0x150] =	vst v2  }
0x7ed: {  	v2 =	vld [tilespmem:s22+$0x160]  }
0x7ee: {  	[tilespmem:s9+$0xFFFFFE60] =	vst v1;
	v1 =	vld [tilespmem:s9+$0xFFFFFEE0]  }
0x7ef: {  	v8 =	vld [tilespmem:s9+$0xFFFFFF60]  }
0x7f0: {  	v9 =	vld [tilespmem:s9+$0xFFFFFFE0]  }
0x7f1: {  	v10 =	vld [tilespmem:s9+$0x60]  }
0x7f2: {  	v11 =	vld [tilespmem:s9+$0xE0]  }
0x7f3: {  	v1 =	vmul.f32 v3, v1;
	v3 =	vld [tilespmem:s9+$0x160]  }
0x7f4: {  	v12 =	vld [tilespmem:s22+$0xFFFFFE70];
	v5 =	vmul.f32 v5, v8  }
0x7f5: {  	v8 =	vld [tilespmem:s9+$0xFFFFFE70];
	[tilespmem:s9+$0xFFFFFEE0] =	vst v1;
	v1 =	vmul.f32 v7, v9  }
0x7f6: {  	v13 =	vld [tilespmem:s22+$0xFFFFFEF0];
	[tilespmem:s9+$0xFFFFFF60] =	vst v5;
	v5 =	vmul.f32 v4, v10  }
0x7f7: {  	v7 =	vld [tilespmem:s22+$0xFFFFFF70];
	[tilespmem:s9+$0xFFFFFFE0] =	vst v1;
	v1 =	vmul.f32 v6, v11  }
0x7f8: {  	v4 =	vld [tilespmem:s22+$0xFFFFFFF0];
	[tilespmem:s9+$0x60] =	vst v5;
	v2 =	vmul.f32 v2, v3  }
0x7f9: {  	v5 =	vld [tilespmem:s22+$0x70];
	[tilespmem:s9+$0xE0] =	vst v1  }
0x7fa: {  	v1 =	vmul.f32 v12, v8;
	v6 =	vld [tilespmem:s22+$0xF0];
	[tilespmem:s9+$0x160] =	vst v2  }
0x7fb: {  	v3 =	vld [tilespmem:s22+$0x170]  }
0x7fc: {  	[tilespmem:s9+$0xFFFFFE70] =	vst v1;
	v2 =	vld [tilespmem:s9+$0xFFFFFEF0]  }
.Ltmp8:
0x7fd: {  	v10 =	vld [tilespmem:s9+$0xFFFFFF70];
	(pc) =	sbr.rel @p1 .LBB2_20-.Ltmp8, $4  }
0x7fe: {  	v9 =	vld [tilespmem:s9+$0xFFFFFFF0]  }
0x7ff: {  	v8 =	vld [tilespmem:s9+$0x70]  }
0x800: {  	v1 =	vld [tilespmem:s9+$0xF0]  }
0x801: {  	s9 =	sadd.s32 $0x400, s9;
	v11 =	vmul.f32 v13, v2;
	v2 =	vld [tilespmem:s28+$0x170]  }
0x802: {  	v7 =	vmul.f32 v7, v10  }
0x803: {  	s24 =	sadd.s32 $0x1, s24;
	[tilespmem:s28+$0xFFFFFEF0] =	vst v11;
	v4 =	vmul.f32 v4, v9  }
0x804: {  	p1 =	sne.s32 s24, $0xC;
	[tilespmem:s28+$0xFFFFFF70] =	vst v7;
	v5 =	vmul.f32 v5, v8  }
.Ltmp9:
0x805: {  	[tilespmem:s28+$0xFFFFFFF0] =	vst v4;
	v1 =	vmul.f32 v6, v1;
	(pc) =	sbr.rel @p1 .LBB2_17-.Ltmp9, $4  }
0x806: {  	[tilespmem:s28+$0x70] =	vst v5;
	v2 =	vmul.f32 v3, v2  }
0x807: {  	[tilespmem:s28+$0xF0] =	vst v1  }
0x808: {  	s9 =	sadd.s32 $0x1000, s26;
	[tilespmem:s28+$0x170] =	vst v2  }
0x809: {  	[spmem:s3] =	stream.indirect.scatter.add.f32 [tilespmem:s12], [sflag:$0x6], $0x80, s9, s10, $0xb8;
	[tilespmem:$0x1F880] =	vst v63  }
0x80a: {  	_ =	swait.ge [sflag:s14], $0x2800  }
0x80b: {  	[sflag:s14] =	ssyncset.done $0x0  }
0x80c: {  	[sflag:s14] =	ssyncadd.s32 $0xFFFFD800  }
0x80d: {  	_ =	swait.ge [sflag:s18], $0x2800  }
0x80e: {  	[sflag:s18] =	ssyncset.done $0x0  }
0x80f: {  	s24 =	simm.s32 $0x2200;
	[sflag:s18] =	ssyncadd.s32 $0xFFFFD800  }
0x810: {  	s22 =	simm.s32 $0x7200;
	v1 =	vld [tilespmem:s24+$0x180]  }
0x811: {  	v2 =	vld [tilespmem:s22+$0x180]  }
0x812: {  	v3 =	vld [tilespmem:s22+$0xFFFFFE00]  }
0x813: {  	v4 =	vld [tilespmem:s24+$0xFFFFFE80]  }
0x814: {  	v5 =	vld [tilespmem:s22+$0xFFFFFE80]  }
0x815: {  	v6 =	vld [tilespmem:s24+$0xFFFFFF00]  }
0x816: {  	v7 =	vld [tilespmem:s22+$0xFFFFFF00]  }
0x817: {  	v8 =	vld [tilespmem:s22+$0xFFFFFF80]  }
0x818: {  	v10 =	vld [tilespmem:s24+$0x0]  }
0x819: {  	v11 =	vld [tilespmem:s22+$0x0]  }
0x81a: {  	v12 =	vld [tilespmem:s24+$0x80]  }
0x81b: {  	v13 =	vld [tilespmem:s22+$0x80]  }
0x81c: {  	v14 =	vld [tilespmem:s24+$0x100]  }
0x81d: {  	v41 =	vld [tilespmem:s24+$0xFFFFFF10]  }
0x81e: {  	v42 =	vld [tilespmem:s24+$0xFFFFFF90]  }
0x81f: {  	v43 =	vld [tilespmem:s24+$0x10]  }
0x820: {  	v44 =	vld [tilespmem:s24+$0xFFFFFF20]  }
0x821: {  	v45 =	vld [tilespmem:s24+$0xFFFFFFA0]  }
0x822: {  	v46 =	vld [tilespmem:s24+$0x20]  }
0x823: {  	v15 =	vld [tilespmem:s24+$0xA0]  }
0x824: {  	v47 =	vld [tilespmem:s24+$0xFFFFFF30]  }
0x825: {  	v48 =	vld [tilespmem:s24+$0xFFFFFFB0]  }
0x826: {  	v49 =	vld [tilespmem:s24+$0x30]  }
0x827: {  	v51 =	vld [tilespmem:s24+$0xFFFFFFC0]  }
0x828: {  	v52 =	vld [tilespmem:s24+$0x40];
	v1 =	vmul.f32 v2, v1  }
0x829: {  	v53 =	vld [tilespmem:s24+$0xC0]  }
0x82a: {  	[tilespmem:s24+$0x180] =	vst v1;
	v1 =	vld [tilespmem:s24+$0x190]  }
0x82b: {  	v2 =	vld [tilespmem:s22+$0x190]  }
0x82c: {  	v54 =	vld [tilespmem:s24+$0xFFFFFF50]  }
0x82d: {  	v55 =	vld [tilespmem:s24+$0xFFFFFFD0]  }
0x82e: {  	v56 =	vld [tilespmem:s24+$0xD0]  }
0x82f: {  	v57 =	vld [tilespmem:s24+$0xFFFFFE60]  }
0x830: {  	v58 =	vld [tilespmem:s24+$0xFFFFFFE0];
	v1 =	vmul.f32 v2, v1  }
0x831: {  	v59 =	vld [tilespmem:s24+$0x60]  }
0x832: {  	[tilespmem:s24+$0x190] =	vst v1;
	v1 =	vld [tilespmem:s24+$0x1A0]  }
0x833: {  	v9 =	vld [tilespmem:s22+$0x1A0]  }
0x834: {  	v4 =	vmul.f32 v5, v4;
	v5 =	vld [tilespmem:s24+$0xFFFFFE00]  }
0x835: {  	v60 =	vld [tilespmem:s24+$0xE0]  }
0x836: {  	v2 =	vld [tilespmem:s24+$0xFFFFFF80]  }
0x837: {  	v61 =	vld [tilespmem:s24+$0xFFFFFE70]  }
0x838: {  	v1 =	vmul.f32 v9, v1;
	v9 =	vld [tilespmem:s22+$0x100]  }
0x839: {  	v63 =	vld [tilespmem:s24+$0xFFFFFEF0];
	[tilespmem:s24+$0xFFFFFE80] =	vst v4;
	v3 =	vmul.f32 v3, v5  }
0x83a: {  	[tilespmem:s24+$0x1A0] =	vst v1;
	v1 =	vmul.f32 v7, v6;
	v6 =	vld [tilespmem:s24+$0x1B0]  }
0x83b: {  	[tilespmem:s24+$0xFFFFFE00] =	vst v3;
	v2 =	vmul.f32 v8, v2;
	v4 =	vld [tilespmem:s22+$0x1B0]  }
0x83c: {  	v7 =	vld [tilespmem:s22+$0xFFFFFE90];
	[tilespmem:s24+$0xFFFFFF00] =	vst v1;
	v1 =	vmul.f32 v11, v10  }
0x83d: {  	[tilespmem:s24+$0xFFFFFF80] =	vst v2;
	v10 =	vld [tilespmem:s24+$0xFFFFFE10];
	v5 =	vmul.f32 v9, v14  }
0x83e: {  	v2 =	vmul.f32 v13, v12;
	[tilespmem:s24+$0x0] =	vst v1;
	v1 =	vld [tilespmem:s22+$0xFFFFFF90]  }
0x83f: {  	[tilespmem:s24+$0x100] =	vst v5;
	v5 =	vld [tilespmem:s22+$0xFFFFFE10]  }
0x840: {  	[tilespmem:s24+$0x80] =	vst v2;
	v2 =	vld [tilespmem:s22+$0x10];
	v4 =	vmul.f32 v4, v6  }
0x841: {  	v6 =	vld [tilespmem:s22+$0x110]  }
0x842: {  	[tilespmem:s24+$0x1B0] =	vst v4;
	v4 =	vld [tilespmem:s24+$0x1C0]  }
0x843: {  	v9 =	vld [tilespmem:s22+$0x1C0]  }
0x844: {  	v5 =	vmul.f32 v5, v10;
	v10 =	vld [tilespmem:s24+$0x110]  }
0x845: {  	v3 =	vld [tilespmem:s22+$0x90]  }
0x846: {  	v11 =	vld [tilespmem:s24+$0xFFFFFE90];
	v1 =	vmul.f32 v1, v42  }
0x847: {  	v8 =	vld [tilespmem:s22+$0xFFFFFF10];
	v2 =	vmul.f32 v2, v43  }
0x848: {  	[tilespmem:s24+$0xFFFFFF90] =	vst v1;
	v4 =	vmul.f32 v9, v4;
	v9 =	vld [tilespmem:s24+$0x90]  }
0x849: {  	[tilespmem:s24+$0x10] =	vst v2;
	v2 =	vmul.f32 v6, v10;
	v6 =	vld [tilespmem:s22+$0xFFFFFFA0]  }
0x84a: {  	v10 =	vld [tilespmem:s24+$0xFFFFFE20]  }
0x84b: {  	[tilespmem:s24+$0x1C0] =	vst v4;
	v4 =	vmul.f32 v7, v11;
	v7 =	vld [tilespmem:s24+$0x1D0]  }
0x84c: {  	v11 =	vld [tilespmem:s24+$0xFFFFFEA0]  }
0x84d: {  	[tilespmem:s24+$0xFFFFFE10] =	vst v5;
	v5 =	vmul.f32 v8, v41;
	v8 =	vld [tilespmem:s22+$0x1D0]  }
0x84e: {  	[tilespmem:s24+$0xFFFFFE90] =	vst v4;
	v4 =	vld [tilespmem:s22+$0xFFFFFE20]  }
0x84f: {  	[tilespmem:s24+$0xFFFFFF10] =	vst v5;
	v5 =	vld [tilespmem:s22+$0xFFFFFEA0];
	v1 =	vmul.f32 v3, v9  }
0x850: {  	v3 =	vld [tilespmem:s22+$0xFFFFFF20]  }
0x851: {  	v9 =	vld [tilespmem:s22+$0x20];
	[tilespmem:s24+$0x90] =	vst v1  }
0x852: {  	[tilespmem:s24+$0x110] =	vst v2;
	v1 =	vmul.f32 v8, v7;
	v7 =	vld [tilespmem:s22+$0xA0]  }
0x853: {  	v8 =	vld [tilespmem:s22+$0x120]  }
0x854: {  	[tilespmem:s24+$0x1D0] =	vst v1;
	v1 =	vld [tilespmem:s24+$0x1E0];
	v5 =	vmul.f32 v5, v11  }
0x855: {  	v3 =	vmul.f32 v3, v44;
	v2 =	vld [tilespmem:s22+$0x1E0]  }
0x856: {  	v11 =	vld [tilespmem:s24+$0xFFFFFEB0];
	[tilespmem:s24+$0xFFFFFEA0] =	vst v5;
	v5 =	vmul.f32 v6, v45  }
0x857: {  	[tilespmem:s24+$0xFFFFFF20] =	vst v3;
	v3 =	vmul.f32 v9, v46;
	v9 =	vld [tilespmem:s22+$0xFFFFFEB0]  }
0x858: {  	[tilespmem:s24+$0xFFFFFFA0] =	vst v5;
	v5 =	vmul.f32 v7, v15;
	v7 =	vld [tilespmem:s22+$0xFFFFFF30]  }
0x859: {  	[tilespmem:s24+$0x20] =	vst v3;
	v3 =	vld [tilespmem:s22+$0xFFFFFFB0]  }
0x85a: {  	v1 =	vmul.f32 v2, v1;
	v2 =	vmul.f32 v4, v10;
	v4 =	vld [tilespmem:s24+$0x120]  }
0x85b: {  	[tilespmem:s24+$0xA0] =	vst v5;
	v5 =	vld [tilespmem:s22+$0x30]  }
0x85c: {  	[tilespmem:s24+$0x1E0] =	vst v1;
	v1 =	vld [tilespmem:s24+$0x1F0]  }
0x85d: {  	v9 =	vmul.f32 v9, v11;
	v11 =	vld [tilespmem:s24+$0x130]  }
0x85e: {  	[tilespmem:s24+$0xFFFFFE20] =	vst v2;
	v2 =	vld [tilespmem:s22+$0x1F0]  }
0x85f: {  	v6 =	vld [tilespmem:s22+$0xFFFFFE30];
	v4 =	vmul.f32 v8, v4  }
0x860: {  	v8 =	vld [tilespmem:s22+$0xB0]  }
0x861: {  	v7 =	vmul.f32 v7, v47;
	[tilespmem:s24+$0x120] =	vst v4;
	v4 =	vld [tilespmem:s24+$0xFFFFFE30]  }
0x862: {  	[tilespmem:s24+$0xFFFFFEB0] =	vst v9;
	v10 =	vld [tilespmem:s22+$0x130]  }
0x863: {  	v9 =	vld [tilespmem:s22+$0xFFFFFEC0];
	[tilespmem:s24+$0xFFFFFF30] =	vst v7;
	v1 =	vmul.f32 v2, v1  }
0x864: {  	v7 =	vld [tilespmem:s22+$0xFFFFFF40]  }
0x865: {  	v5 =	vmul.f32 v5, v49;
	[tilespmem:s24+$0x1F0] =	vst v1;
	v1 =	vld [tilespmem:s24+$0xF0]  }
0x866: {  	v4 =	vmul.f32 v6, v4;
	v6 =	vld [tilespmem:s24+$0xB0]  }
0x867: {  	[tilespmem:s24+$0x30] =	vst v5;
	v5 =	vmul.f32 v10, v11;
	v11 =	vld [tilespmem:s24+$0xFFFFFF40]  }
0x868: {  	[tilespmem:s24+$0xFFFFFE30] =	vst v4;
	v4 =	vld [tilespmem:s24+$0xFFFFFE40]  }
0x869: {  	v50 =	vld [tilespmem:s22+$0xFFFFFE40]  }
0x86a: {  	v3 =	vmul.f32 v3, v48;
	v10 =	vld [tilespmem:s24+$0xFFFFFEC0];
	[tilespmem:s24+$0x130] =	vst v5  }
0x86b: {  	v5 =	vld [tilespmem:s22+$0x140]  }
0x86c: {  	[tilespmem:s24+$0xFFFFFFB0] =	vst v3;
	v3 =	vmul.f32 v8, v6;
	v8 =	vld [tilespmem:s22+$0x40]  }
0x86d: {  	v6 =	vld [tilespmem:s22+$0xFFFFFFC0];
	v7 =	vmul.f32 v7, v11  }
0x86e: {  	v11 =	vld [tilespmem:s24+$0xFFFFFE50];
	[tilespmem:s24+$0xB0] =	vst v3;
	v4 =	vmul.f32 v50, v4  }
0x86f: {  	v3 =	vld [tilespmem:s22+$0xC0];
	[tilespmem:s24+$0xFFFFFF40] =	vst v7  }
0x870: {  	[tilespmem:s24+$0xFFFFFE40] =	vst v4;
	v4 =	vmul.f32 v9, v10;
	v9 =	vld [tilespmem:s24+$0x140]  }
0x871: {  	v7 =	vmul.f32 v8, v52;
	v8 =	vld [tilespmem:s22+$0xFFFFFF50]  }
0x872: {  	v10 =	vld [tilespmem:s22+$0xFFFFFE50];
	[tilespmem:s24+$0xFFFFFEC0] =	vst v4;
	v4 =	vmul.f32 v6, v51  }
0x873: {  	[tilespmem:s24+$0x40] =	vst v7;
	v6 =	vld [tilespmem:s22+$0xFFFFFED0]  }
0x874: {  	v3 =	vmul.f32 v3, v53;
	v7 =	vld [tilespmem:s22+$0x50];
	[tilespmem:s24+$0xFFFFFFC0] =	vst v4  }
0x875: {  	v4 =	vld [tilespmem:s22+$0xFFFFFFD0]  }
0x876: {  	v5 =	vmul.f32 v5, v9;
	[tilespmem:s24+$0xC0] =	vst v3;
	v9 =	vld [tilespmem:s24+$0xFFFFFED0]  }
0x877: {  	v8 =	vmul.f32 v8, v54;
	v3 =	vld [tilespmem:s22+$0xD0]  }
0x878: {  	v10 =	vmul.f32 v10, v11;
	v11 =	vld [tilespmem:s24+$0x50];
	[tilespmem:s24+$0x140] =	vst v5  }
0x879: {  	[tilespmem:s24+$0xFFFFFF50] =	vst v8;
	v5 =	vld [tilespmem:s22+$0x150]  }
0x87a: {  	[tilespmem:s24+$0xFFFFFE50] =	vst v10;
	v8 =	vld [tilespmem:s22+$0xFFFFFF60]  }
0x87b: {  	v10 =	vld [tilespmem:s22+$0xFFFFFE60];
	v6 =	vmul.f32 v6, v9  }
0x87c: {  	v9 =	vld [tilespmem:s24+$0x150];
	v4 =	vmul.f32 v4, v55  }
0x87d: {  	v7 =	vmul.f32 v7, v11;
	v11 =	vld [tilespmem:s24+$0xFFFFFF60];
	[tilespmem:s24+$0xFFFFFED0] =	vst v6  }
0x87e: {  	[tilespmem:s24+$0xFFFFFFD0] =	vst v4;
	v6 =	vld [tilespmem:s22+$0xFFFFFEE0]  }
0x87f: {  	v3 =	vmul.f32 v3, v56;
	v4 =	vld [tilespmem:s22+$0xFFFFFFE0];
	[tilespmem:s24+$0x50] =	vst v7  }
0x880: {  	v7 =	vld [tilespmem:s22+$0x60]  }
0x881: {  	[tilespmem:s24+$0xD0] =	vst v3;
	v10 =	vmul.f32 v10, v57;
	v5 =	vmul.f32 v5, v9;
	v9 =	vld [tilespmem:s24+$0xFFFFFEE0]  }
0x882: {  	v3 =	vld [tilespmem:s22+$0xE0]  }
0x883: {  	[tilespmem:s24+$0xFFFFFE60] =	vst v10;
	v10 =	vld [tilespmem:s24+$0xFFFFFF70]  }
0x884: {  	v8 =	vmul.f32 v8, v11;
	[tilespmem:s24+$0x150] =	vst v5;
	v11 =	vld [tilespmem:s22+$0xFFFFFE70];
	v4 =	vmul.f32 v4, v58  }
0x885: {  	v5 =	vld [tilespmem:s22+$0x160]  }
0x886: {  	v6 =	vmul.f32 v6, v9;
	v9 =	vld [tilespmem:s24+$0x160];
	[tilespmem:s24+$0xFFFFFFE0] =	vst v4  }
0x887: {  	[tilespmem:s24+$0xFFFFFF60] =	vst v8;
	v3 =	vmul.f32 v3, v60;
	v4 =	vld [tilespmem:s22+$0xFFFFFFF0]  }
0x888: {  	[tilespmem:s24+$0xFFFFFEE0] =	vst v6;
	v6 =	vmul.f32 v7, v59;
	v7 =	vld [tilespmem:s22+$0xFFFFFF70]  }
0x889: {  	[tilespmem:s24+$0xE0] =	vst v3;
	v62 =	vld [tilespmem:s22+$0xFFFFFEF0]  }
0x88a: {  	[tilespmem:s24+$0x60] =	vst v6;
	v6 =	vld [tilespmem:s22+$0xF0]  }
0x88b: {  	v8 =	vmul.f32 v5, v9;
	v5 =	vld [tilespmem:s22+$0x70]  }
0x88c: {  	v2 =	vmul.f32 v11, v61;
	v9 =	vld [tilespmem:s24+$0xFFFFFFF0]  }
0x88d: {  	[tilespmem:s24+$0x160] =	vst v8;
	v8 =	vld [tilespmem:s24+$0x70]  }
0x88e: {  	[tilespmem:s24+$0xFFFFFE70] =	vst v2;
	v2 =	vld [tilespmem:s24+$0x170]  }
0x88f: {  	s17 =	simm.s32 $0x0;
	s9 =	simm.s32 $0x2600;
	v3 =	vld [tilespmem:s22+$0x170];
	v11 =	vmul.f32 v62, v63  }
.LBB2_23:
0x890: {  	v12 =	vld [tilespmem:s9+$0x180];
	v7 =	vmul.f32 v7, v10;
	s22 =	sadd.s32 $0x400, s22  }
0x891: {  	s17 =	sadd.s32 $0x8, s17;
	v10 =	vld [tilespmem:s22+$0x180];
	[tilespmem:s24+$0xFFFFFEF0] =	vst v11;
	v4 =	vmul.f32 v4, v9  }
0x892: {  	p1 =	slt.u32 s17, $0x48;
	v9 =	vld [tilespmem:s22+$0xFFFFFE00];
	[tilespmem:s24+$0xFFFFFF70] =	vst v7;
	v5 =	vmul.f32 v5, v8  }
0x893: {  	v7 =	vld [tilespmem:s9+$0xFFFFFE80];
	[tilespmem:s24+$0xFFFFFFF0] =	vst v4;
	v1 =	vmul.f32 v6, v1  }
0x894: {  	v4 =	vld [tilespmem:s22+$0xFFFFFE80];
	[tilespmem:s24+$0x70] =	vst v5;
	v2 =	vmul.f32 v3, v2  }
0x895: {  	v3 =	vld [tilespmem:s9+$0xFFFFFF00];
	[tilespmem:s24+$0xF0] =	vst v1  }
0x896: {  	v1 =	vld [tilespmem:s22+$0xFFFFFF00];
	v5 =	vmul.f32 v10, v12;
	[tilespmem:s24+$0x170] =	vst v2;
	s24 =	smov.u32 s9  }
0x897: {  	v2 =	vld [tilespmem:s9+$0xFFFFFF80]  }
0x898: {  	[tilespmem:s9+$0x180] =	vst v5;
	v5 =	vld [tilespmem:s9+$0x190]  }
0x899: {  	v4 =	vmul.f32 v4, v7;
	v6 =	vld [tilespmem:s22+$0x190]  }
0x89a: {  	v7 =	vld [tilespmem:s22+$0xFFFFFF80]  }
0x89b: {  	[tilespmem:s9+$0xFFFFFE80] =	vst v4;
	v1 =	vmul.f32 v1, v3;
	v3 =	vld [tilespmem:s9+$0x0]  }
0x89c: {  	v4 =	vld [tilespmem:s22+$0x0]  }
0x89d: {  	[tilespmem:s9+$0xFFFFFF00] =	vst v1;
	v1 =	vld [tilespmem:s9+$0x80]  }
0x89e: {  	v8 =	vld [tilespmem:s22+$0x80];
	v5 =	vmul.f32 v6, v5  }
0x89f: {  	v2 =	vmul.f32 v7, v2;
	v6 =	vld [tilespmem:s9+$0x100]  }
0x8a0: {  	[tilespmem:s9+$0x190] =	vst v5;
	v5 =	vld [tilespmem:s9+$0x1A0]  }
0x8a1: {  	[tilespmem:s9+$0xFFFFFF80] =	vst v2;
	v2 =	vmul.f32 v4, v3;
	v3 =	vld [tilespmem:s22+$0x1A0]  }
0x8a2: {  	v4 =	vld [tilespmem:s22+$0x100]  }
0x8a3: {  	v7 =	vld [tilespmem:s9+$0xFFFFFE00];
	[tilespmem:s9+$0x0] =	vst v2;
	v1 =	vmul.f32 v8, v1  }
0x8a4: {  	v2 =	vld [tilespmem:s22+$0xFFFFFE90]  }
0x8a5: {  	v8 =	vld [tilespmem:s22+$0xFFFFFF10];
	[tilespmem:s9+$0x80] =	vst v1  }
0x8a6: {  	v1 =	vld [tilespmem:s22+$0xFFFFFF90];
	v3 =	vmul.f32 v3, v5  }
0x8a7: {  	v5 =	vld [tilespmem:s22+$0x10];
	v4 =	vmul.f32 v4, v6  }
0x8a8: {  	v6 =	vmul.f32 v9, v7;
	[tilespmem:s9+$0x1A0] =	vst v3;
	v3 =	vld [tilespmem:s9+$0x1B0]  }
0x8a9: {  	[tilespmem:s9+$0x100] =	vst v4;
	v4 =	vld [tilespmem:s22+$0x1B0]  }
0x8aa: {  	[tilespmem:s9+$0xFFFFFE00] =	vst v6;
	v6 =	vld [tilespmem:s22+$0x90]  }
0x8ab: {  	v7 =	vld [tilespmem:s22+$0xFFFFFE10]  }
0x8ac: {  	v9 =	vld [tilespmem:s22+$0x110]  }
0x8ad: {  	v10 =	vld [tilespmem:s9+$0xFFFFFE10]  }
0x8ae: {  	v11 =	vld [tilespmem:s9+$0xFFFFFE90];
	v3 =	vmul.f32 v4, v3  }
0x8af: {  	v4 =	vld [tilespmem:s9+$0xFFFFFF10]  }
0x8b0: {  	[tilespmem:s9+$0x1B0] =	vst v3;
	v3 =	vld [tilespmem:s9+$0x1C0]  }
0x8b1: {  	v12 =	vld [tilespmem:s22+$0x1C0]  }
0x8b2: {  	v7 =	vmul.f32 v7, v10;
	v10 =	vld [tilespmem:s9+$0xFFFFFF90]  }
0x8b3: {  	v2 =	vmul.f32 v2, v11;
	v11 =	vld [tilespmem:s9+$0x10]  }
0x8b4: {  	[tilespmem:s9+$0xFFFFFE10] =	vst v7;
	v4 =	vmul.f32 v8, v4;
	v7 =	vld [tilespmem:s9+$0x90]  }
0x8b5: {  	[tilespmem:s9+$0xFFFFFE90] =	vst v2;
	v2 =	vld [tilespmem:s9+$0x110]  }
0x8b6: {  	v8 =	vld [tilespmem:s22+$0xFFFFFE20];
	[tilespmem:s9+$0xFFFFFF10] =	vst v4;
	v3 =	vmul.f32 v12, v3  }
0x8b7: {  	v4 =	vld [tilespmem:s22+$0xFFFFFEA0];
	v1 =	vmul.f32 v1, v10  }
0x8b8: {  	v5 =	vmul.f32 v5, v11;
	[tilespmem:s9+$0x1C0] =	vst v3;
	v3 =	vld [tilespmem:s9+$0x1D0]  }
0x8b9: {  	[tilespmem:s9+$0xFFFFFF90] =	vst v1;
	v1 =	vmul.f32 v6, v7;
	v6 =	vld [tilespmem:s22+$0x1D0]  }
0x8ba: {  	v7 =	vld [tilespmem:s22+$0xFFFFFF20];
	[tilespmem:s9+$0x10] =	vst v5;
	v2 =	vmul.f32 v9, v2  }
0x8bb: {  	v5 =	vld [tilespmem:s22+$0xFFFFFFA0];
	[tilespmem:s9+$0x90] =	vst v1  }
0x8bc: {  	v1 =	vld [tilespmem:s22+$0x20];
	[tilespmem:s9+$0x110] =	vst v2  }
0x8bd: {  	v2 =	vld [tilespmem:s22+$0xA0]  }
0x8be: {  	v9 =	vld [tilespmem:s22+$0x120];
	v3 =	vmul.f32 v6, v3  }
0x8bf: {  	v6 =	vld [tilespmem:s9+$0xFFFFFE20]  }
0x8c0: {  	[tilespmem:s9+$0x1D0] =	vst v3;
	v3 =	vld [tilespmem:s9+$0x1E0]  }
0x8c1: {  	v10 =	vld [tilespmem:s22+$0x1E0]  }
0x8c2: {  	v11 =	vld [tilespmem:s9+$0xFFFFFEA0]  }
0x8c3: {  	v12 =	vld [tilespmem:s9+$0xFFFFFF20]  }
0x8c4: {  	v6 =	vmul.f32 v8, v6;
	v8 =	vld [tilespmem:s9+$0xFFFFFFA0]  }
0x8c5: {  	v13 =	vld [tilespmem:s9+$0x20]  }
0x8c6: {  	[tilespmem:s9+$0xFFFFFE20] =	vst v6;
	v6 =	vld [tilespmem:s9+$0xA0];
	v3 =	vmul.f32 v10, v3  }
0x8c7: {  	v4 =	vmul.f32 v4, v11;
	v10 =	vld [tilespmem:s9+$0x120]  }
0x8c8: {  	v7 =	vmul.f32 v7, v12;
	[tilespmem:s9+$0x1E0] =	vst v3;
	v3 =	vld [tilespmem:s9+$0x1F0]  }
0x8c9: {  	[tilespmem:s9+$0xFFFFFEA0] =	vst v4;
	v4 =	vmul.f32 v5, v8;
	v5 =	vld [tilespmem:s22+$0x1F0]  }
0x8ca: {  	v8 =	vld [tilespmem:s22+$0xFFFFFE30];
	[tilespmem:s9+$0xFFFFFF20] =	vst v7;
	v1 =	vmul.f32 v1, v13  }
0x8cb: {  	v7 =	vld [tilespmem:s22+$0xFFFFFEB0];
	[tilespmem:s9+$0xFFFFFFA0] =	vst v4;
	v2 =	vmul.f32 v2, v6  }
0x8cc: {  	v4 =	vld [tilespmem:s22+$0xFFFFFF30];
	[tilespmem:s9+$0x20] =	vst v1;
	v1 =	vmul.f32 v9, v10  }
0x8cd: {  	v6 =	vld [tilespmem:s22+$0xFFFFFFB0];
	[tilespmem:s9+$0xA0] =	vst v2  }
0x8ce: {  	v2 =	vld [tilespmem:s22+$0x30];
	[tilespmem:s9+$0x120] =	vst v1;
	v1 =	vmul.f32 v5, v3  }
0x8cf: {  	v3 =	vld [tilespmem:s22+$0xB0]  }
0x8d0: {  	v5 =	vld [tilespmem:s22+$0x130];
	[tilespmem:s9+$0x1F0] =	vst v1  }
0x8d1: {  	v1 =	vld [tilespmem:s9+$0xFFFFFE30]  }
0x8d2: {  	v9 =	vld [tilespmem:s9+$0xFFFFFEB0]  }
0x8d3: {  	v10 =	vld [tilespmem:s9+$0xFFFFFF30]  }
0x8d4: {  	v11 =	vld [tilespmem:s9+$0xFFFFFFB0]  }
0x8d5: {  	v12 =	vld [tilespmem:s9+$0x30]  }
0x8d6: {  	v1 =	vmul.f32 v8, v1;
	v8 =	vld [tilespmem:s9+$0xB0]  }
0x8d7: {  	v7 =	vmul.f32 v7, v9;
	v9 =	vld [tilespmem:s9+$0x130]  }
0x8d8: {  	[tilespmem:s9+$0xFFFFFE30] =	vst v1;
	v1 =	vld [tilespmem:s9+$0xFFFFFE40];
	v4 =	vmul.f32 v4, v10  }
0x8d9: {  	v10 =	vld [tilespmem:s22+$0xFFFFFE40];
	[tilespmem:s9+$0xFFFFFEB0] =	vst v7;
	v6 =	vmul.f32 v6, v11  }
0x8da: {  	v7 =	vld [tilespmem:s22+$0xFFFFFEC0];
	[tilespmem:s9+$0xFFFFFF30] =	vst v4;
	v2 =	vmul.f32 v2, v12  }
0x8db: {  	v4 =	vld [tilespmem:s22+$0xFFFFFF40];
	[tilespmem:s9+$0xFFFFFFB0] =	vst v6;
	v3 =	vmul.f32 v3, v8  }
0x8dc: {  	v6 =	vld [tilespmem:s22+$0xFFFFFFC0];
	[tilespmem:s9+$0x30] =	vst v2;
	v2 =	vmul.f32 v5, v9  }
0x8dd: {  	v5 =	vld [tilespmem:s22+$0x40];
	[tilespmem:s9+$0xB0] =	vst v3  }
0x8de: {  	v1 =	vmul.f32 v10, v1;
	v3 =	vld [tilespmem:s22+$0xC0];
	[tilespmem:s9+$0x130] =	vst v2  }
0x8df: {  	v2 =	vld [tilespmem:s22+$0x140]  }
0x8e0: {  	[tilespmem:s9+$0xFFFFFE40] =	vst v1;
	v1 =	vld [tilespmem:s9+$0xFFFFFEC0]  }
0x8e1: {  	v8 =	vld [tilespmem:s9+$0xFFFFFF40]  }
0x8e2: {  	v9 =	vld [tilespmem:s9+$0xFFFFFFC0]  }
0x8e3: {  	v10 =	vld [tilespmem:s9+$0x40]  }
0x8e4: {  	v11 =	vld [tilespmem:s9+$0xC0]  }
0x8e5: {  	v1 =	vmul.f32 v7, v1;
	v7 =	vld [tilespmem:s9+$0x140]  }
0x8e6: {  	v12 =	vld [tilespmem:s22+$0xFFFFFE50];
	v4 =	vmul.f32 v4, v8  }
0x8e7: {  	v8 =	vld [tilespmem:s9+$0xFFFFFE50];
	[tilespmem:s9+$0xFFFFFEC0] =	vst v1;
	v1 =	vmul.f32 v6, v9  }
0x8e8: {  	v6 =	vld [tilespmem:s22+$0xFFFFFED0];
	[tilespmem:s9+$0xFFFFFF40] =	vst v4;
	v4 =	vmul.f32 v5, v10  }
0x8e9: {  	v5 =	vld [tilespmem:s22+$0xFFFFFF50];
	[tilespmem:s9+$0xFFFFFFC0] =	vst v1;
	v1 =	vmul.f32 v3, v11  }
0x8ea: {  	v3 =	vld [tilespmem:s22+$0xFFFFFFD0];
	[tilespmem:s9+$0x40] =	vst v4;
	v2 =	vmul.f32 v2, v7  }
0x8eb: {  	v4 =	vld [tilespmem:s22+$0x50];
	[tilespmem:s9+$0xC0] =	vst v1  }
0x8ec: {  	v1 =	vmul.f32 v12, v8;
	v7 =	vld [tilespmem:s22+$0xD0];
	[tilespmem:s9+$0x140] =	vst v2  }
0x8ed: {  	v2 =	vld [tilespmem:s22+$0x150]  }
0x8ee: {  	[tilespmem:s9+$0xFFFFFE50] =	vst v1;
	v1 =	vld [tilespmem:s9+$0xFFFFFED0]  }
0x8ef: {  	v8 =	vld [tilespmem:s9+$0xFFFFFF50]  }
0x8f0: {  	v9 =	vld [tilespmem:s9+$0xFFFFFFD0]  }
0x8f1: {  	v10 =	vld [tilespmem:s9+$0x50]  }
0x8f2: {  	v11 =	vld [tilespmem:s9+$0xD0]  }
0x8f3: {  	v1 =	vmul.f32 v6, v1;
	v6 =	vld [tilespmem:s9+$0x150]  }
0x8f4: {  	v12 =	vld [tilespmem:s22+$0xFFFFFE60];
	v5 =	vmul.f32 v5, v8  }
0x8f5: {  	v8 =	vld [tilespmem:s9+$0xFFFFFE60];
	[tilespmem:s9+$0xFFFFFED0] =	vst v1;
	v1 =	vmul.f32 v3, v9  }
0x8f6: {  	v3 =	vld [tilespmem:s22+$0xFFFFFEE0];
	[tilespmem:s9+$0xFFFFFF50] =	vst v5;
	v4 =	vmul.f32 v4, v10  }
0x8f7: {  	v5 =	vld [tilespmem:s22+$0xFFFFFF60];
	[tilespmem:s9+$0xFFFFFFD0] =	vst v1;
	v1 =	vmul.f32 v7, v11  }
0x8f8: {  	v7 =	vld [tilespmem:s22+$0xFFFFFFE0];
	[tilespmem:s9+$0x50] =	vst v4;
	v2 =	vmul.f32 v2, v6  }
0x8f9: {  	v4 =	vld [tilespmem:s22+$0x60];
	[tilespmem:s9+$0xD0] =	vst v1  }
0x8fa: {  	v1 =	vmul.f32 v12, v8;
	v6 =	vld [tilespmem:s22+$0xE0];
	[tilespmem:s9+$0x150] =	vst v2  }
0x8fb: {  	v2 =	vld [tilespmem:s22+$0x160]  }
0x8fc: {  	[tilespmem:s9+$0xFFFFFE60] =	vst v1;
	v1 =	vld [tilespmem:s9+$0xFFFFFEE0]  }
0x8fd: {  	v8 =	vld [tilespmem:s9+$0xFFFFFF60]  }
0x8fe: {  	v9 =	vld [tilespmem:s9+$0xFFFFFFE0]  }
0x8ff: {  	v10 =	vld [tilespmem:s9+$0x60]  }
0x900: {  	v11 =	vld [tilespmem:s9+$0xE0]  }
0x901: {  	v1 =	vmul.f32 v3, v1;
	v3 =	vld [tilespmem:s9+$0x160]  }
0x902: {  	v12 =	vld [tilespmem:s22+$0xFFFFFE70];
	v5 =	vmul.f32 v5, v8  }
0x903: {  	v8 =	vld [tilespmem:s9+$0xFFFFFE70];
	[tilespmem:s9+$0xFFFFFEE0] =	vst v1;
	v1 =	vmul.f32 v7, v9  }
0x904: {  	v13 =	vld [tilespmem:s22+$0xFFFFFEF0];
	[tilespmem:s9+$0xFFFFFF60] =	vst v5;
	v5 =	vmul.f32 v4, v10  }
0x905: {  	v7 =	vld [tilespmem:s22+$0xFFFFFF70];
	[tilespmem:s9+$0xFFFFFFE0] =	vst v1;
	v1 =	vmul.f32 v6, v11  }
0x906: {  	v4 =	vld [tilespmem:s22+$0xFFFFFFF0];
	[tilespmem:s9+$0x60] =	vst v5;
	v2 =	vmul.f32 v2, v3  }
0x907: {  	v5 =	vld [tilespmem:s22+$0x70];
	[tilespmem:s9+$0xE0] =	vst v1  }
0x908: {  	v1 =	vmul.f32 v12, v8;
	v6 =	vld [tilespmem:s22+$0xF0];
	[tilespmem:s9+$0x160] =	vst v2  }
0x909: {  	v3 =	vld [tilespmem:s22+$0x170]  }
0x90a: {  	[tilespmem:s9+$0xFFFFFE70] =	vst v1;
	v2 =	vld [tilespmem:s9+$0xFFFFFEF0]  }
.Ltmp10:
0x90b: {  	v10 =	vld [tilespmem:s9+$0xFFFFFF70];
	(pc) =	sbr.rel @p1 .LBB2_23-.Ltmp10, $4  }
0x90c: {  	v9 =	vld [tilespmem:s9+$0xFFFFFFF0]  }
0x90d: {  	v8 =	vld [tilespmem:s9+$0x70]  }
0x90e: {  	v1 =	vld [tilespmem:s9+$0xF0]  }
0x90f: {  	s9 =	sadd.s32 $0x400, s9;
	v11 =	vmul.f32 v13, v2;
	v2 =	vld [tilespmem:s24+$0x170]  }
0x910: {  	v7 =	vmul.f32 v7, v10  }
0x911: {  	s23 =	sadd.s32 $0x1, s23;
	[tilespmem:s24+$0xFFFFFEF0] =	vst v11;
	v4 =	vmul.f32 v4, v9  }
0x912: {  	p1 =	sne.s32 s23, $0x5;
	[tilespmem:s24+$0xFFFFFF70] =	vst v7;
	v5 =	vmul.f32 v5, v8  }
.Ltmp11:
0x913: {  	[tilespmem:s24+$0xFFFFFFF0] =	vst v4;
	v1 =	vmul.f32 v6, v1;
	(pc) =	sbr.rel @p1 .LBB2_16-.Ltmp11, $4  }
0x914: {  	[tilespmem:s24+$0x70] =	vst v5;
	v2 =	vmul.f32 v3, v2  }
0x915: {  	[tilespmem:s24+$0xF0] =	vst v1  }
0x916: {  	s9 =	simm.s32 $0x1C00;
	[tilespmem:s24+$0x170] =	vst v2  }
0x917: {  	[spmem:s3] =	stream.indirect.scatter.add.f32 [tilespmem:s7], [sflag:$0x5], $0x80, s9, s10, $0xb8;
	[tilespmem:$0x1F880] =	vst v63  }
0x918: {  	_ =	swait.ge [sflag:s19], $0x2800  }
0x919: {  	[sflag:s19] =	ssyncset.done $0x0  }
0x91a: {  	[sflag:s19] =	ssyncadd.s32 $0xFFFFD800  }
0x91b: {  	_ =	swait.ge [sflag:s31], $0x2800  }
0x91c: {  	[sflag:s31] =	ssyncset.done $0x0  }
0x91d: {  	[sflag:s31] =	ssyncadd.s32 $0xFFFFD800  }
0x91e: {  	s9 =	stileid.u32;
	[bflag:$0x0] =	sbarrier.arrive $0xFFFF  }
0x91f: {  	s9 =	sshll.u32 s9, $0x6;
	s23 =	rddreg [dreg:$0x11]  }
0x920: {  	s9 =	sor.u32 $0x1C07, s9;
	s22 =	rddreg [dreg:$0x4];
	s17 =	sshrl.u32 s23, $0x3  }
0x921: {  	[hbm:s22], [sflag:s9] =	dma.local [spmem:s17], $0x500  }
0x922: {  	_ =	swait.ge [sflag:s8], $0x500  }
0x923: {  	[sflag:s8] =	ssyncset.done $0x0;
	s24 =	rddreg [dreg:$0x12]  }
0x924: {  	s26 =	rddreg [dreg:$0x5];
	[sflag:s8] =	ssyncadd.s32 $0xFFFFFB00;
	s25 =	sshrl.u32 s24, $0x3  }
0x925: {  	[hbm:s26], [sflag:s9] =	dma.local [spmem:s25], $0x500  }
0x926: {  	_ =	swait.ge [sflag:s8], $0x500  }
0x927: {  	[sflag:s8] =	ssyncset.done $0x0;
	s25 =	rddreg [dreg:$0x13]  }
0x928: {  	s26 =	rddreg [dreg:$0x6];
	[sflag:s8] =	ssyncadd.s32 $0xFFFFFB00;
	s22 =	sshrl.u32 s25, $0x3  }
0x929: {  	[hbm:s26], [sflag:s9] =	dma.local [spmem:s22], $0x500  }
0x92a: {  	_ =	swait.ge [sflag:s8], $0x500  }
0x92b: {  	[sflag:s8] =	ssyncset.done $0x0;
	s26 =	rddreg [dreg:$0x14]  }
0x92c: {  	s22 =	rddreg [dreg:$0x7];
	[sflag:s8] =	ssyncadd.s32 $0xFFFFFB00;
	s17 =	sshrl.u32 s26, $0x3  }
0x92d: {  	[hbm:s22], [sflag:s9] =	dma.local [spmem:s17], $0x500  }
0x92e: {  	_ =	swait.ge [sflag:s8], $0x500  }
0x92f: {  	[sflag:s8] =	ssyncset.done $0x0;
	s28 =	rddreg [dreg:$0x15]  }
0x930: {  	s22 =	rddreg [dreg:$0x8];
	[sflag:s8] =	ssyncadd.s32 $0xFFFFFB00;
	s17 =	sshrl.u32 s28, $0x3  }
0x931: {  	[hbm:s22], [sflag:s9] =	dma.local [spmem:s17], $0x500  }
0x932: {  	_ =	swait.ge [sflag:s8], $0x500  }
0x933: {  	[sflag:s8] =	ssyncset.done $0x0;
	s29 =	rddreg [dreg:$0x16]  }
0x934: {  	s22 =	rddreg [dreg:$0x9];
	[sflag:s8] =	ssyncadd.s32 $0xFFFFFB00;
	s17 =	sshrl.u32 s29, $0x3  }
0x935: {  	[hbm:s22], [sflag:s9] =	dma.local [spmem:s17], $0x500  }
0x936: {  	_ =	swait.ge [sflag:s8], $0x500  }
0x937: {  	[sflag:s8] =	ssyncset.done $0x0;
	s30 =	rddreg [dreg:$0x17]  }
0x938: {  	s22 =	rddreg [dreg:$0xa];
	[sflag:s8] =	ssyncadd.s32 $0xFFFFFB00;
	s17 =	sshrl.u32 s30, $0x3  }
0x939: {  	[hbm:s22], [sflag:s9] =	dma.local [spmem:s17], $0x500  }
0x93a: {  	_ =	swait.ge [sflag:s8], $0x500  }
0x93b: {  	[sflag:s8] =	ssyncset.done $0x0;
	s17 =	rddreg [dreg:$0x18]  }
0x93c: {  	s22 =	rddreg [dreg:$0xb];
	[sflag:s8] =	ssyncadd.s32 $0xFFFFFB00;
	s17 =	sshrl.u32 @!p0 s17, $0x3  }
0x93d: {  	[hbm:s22], [sflag:s9] =	dma.local @!p0 [spmem:s17], $0x500  }
0x93e: {  	s9 =	simm.s32 @!p0 $0x7  }
0x93f: {  	_ =	swait.ge @!p0 [sflag:s9], $0x500  }
0x940: {  	s17 =	rddreg [dreg:$0x1a]  }
0x941: {  	s22 =	sadd.s32 $0x1, s17;
	s17 =	rddreg [dreg:$0x10]  }
0x942: {  	p1 =	sne.s32 s22, s17  }
.Ltmp12:
0x943: {  	_ = 	snop;
	(pc) =	sbr.rel @p1 .LBB2_1-.Ltmp12, $3  }
0x944: {  	_ =	sdelay $0x1  }
0x945: {  	[sflag:s9] =	ssyncset.done @!p0 $0x0  }
0x946: {  	[sflag:s9] =	ssyncadd.s32 @!p0 $0xFFFFFB00  }
0x947: {  	_ =	sfence.sel $0x180000  }
0x948: {  	[bflag:$0x0] =	sbarrier.arrive $0xFFFF  }
0x949: {  	_ =	strace $0x90000047  }
0x94a: {  	s0 =	stileid.u32;
	[bflag:$0x2] =	sbarrier.arrive $0xFFFF  }
0x94b: {  	p0 =	sne.s32 s0, $0x0;
	s0 =	rddreg [dreg:$0x3]  }
0x94c: {  	s0 =	sadd.s32 @!p0 $0x100000, s0  }
0x94d: {  	[sflag:s0] =	ssyncadd.tile.s32 @!p0 $0x1;
	_ =	shalt  }
.Lfunc_end2:
_tile_overlayer_lowered:
.L_overlay_start_2:
0x94e: {  	(tag) =	ssettag $0x2  }
0x94f: {  	s0 =	rddreg [dreg:$0x0];
	s2 =	stileid.u32  }
0x950: {  	s1 =	rddreg [dreg:$0x1];
	p0 =	sne.s32 s2, $0x0  }
0x951: {  	s3 =	rddreg [dreg:$0x2];
	[bflag:$0x3] =	sbarrier.arrive $0xFFFF;
	s2 =	simm.s32 @!p0 $0x1C07  }
0x952: {  	[timem:s3], [sflag:s2] =	dma.local @!p0 [hbm:s0], s1  }
0x953: {  	s0 =	simm.s32 @!p0 $0x7  }
0x954: {  	_ =	swait.ge @!p0 [sflag:s0], s1  }
0x955: {  	s1 =	ssub.s32 @!p0 $0x0, s1;
	[sflag:s0] =	ssyncset.done @!p0 $0x0  }
0x956: {  	[sflag:s0] =	ssyncadd.s32 @!p0 s1  }
0x957: {  	[bflag:$0x3] =	sbarrier.arrive $0xFFFF  }
0x958: {  	_ =	shalt  }

</sc_bundles>
